<compile_context>
chip_gen: v7x
topology: tpu7x:2x2x1
jax: 0.10.2.dev20260603
libtpu: 0.0.44.dev20260713+nightly
codegen_flags: <defaults>
</compile_context>

<pallas_src>
import functools

import jax
import jax.numpy as jnp
from jax import lax
from jax.experimental import pallas as pl
from jax.experimental.pallas import tpu as pltpu
from jax.experimental.pallas import tpu_sc as plsc

_N_BINS = 15
_LANES = 16
_NUM_SUBCORES = 16
_ROWS_PER_BLOCK = 16384



def _row_stats_body(x_ref, lab_ref, out_ref):
    xt = x_ref[...].T
    c = xt.shape[0]
    m = jnp.max(xt, axis=0, keepdims=True)
    s = jnp.sum(jnp.exp(xt - m), axis=0)
    conf = 1.0 / s
    row = lax.broadcasted_iota(jnp.int32, xt.shape, 0)
    pred = jnp.min(jnp.where(xt == m, row, c), axis=0)
    out_ref[...] = jnp.where(pred == lab_ref[...], -conf, conf)


def _row_stats(logits, labels, half_idx, n_halves):
    n, c = logits.shape
    r = _ROWS_PER_BLOCK
    h = n // n_halves
    assert h % r == 0
    off = half_idx * (h // r)
    return pl.pallas_call(
        _row_stats_body,
        grid=(h // r,),
        compiler_params=pltpu.CompilerParams(
            dimension_semantics=("parallel",)),
        in_specs=[
            pl.BlockSpec((r, c), lambda i: (i + off, 0)),
            pl.BlockSpec((r,), lambda i: (i + off,)),
        ],
        out_specs=[pl.BlockSpec((r,), lambda i: (i,))],
        out_shape=[jax.ShapeDtypeStruct((h,), jnp.float32)],
    )(logits, labels)



_NUM_SC_CORES = 2
_UNROLL = 4

def _make_ece_bin_kernel(m):
    tiles = _NUM_SC_CORES * _NUM_SUBCORES
    chunk = m // tiles
    steps = chunk // (_LANES * _UNROLL)
    tbl = _LANES * _LANES
    mesh = plsc.VectorSubcoreMesh(
        core_axis_name="c", subcore_axis_name="s",
        num_cores=_NUM_SC_CORES, num_subcores=_NUM_SUBCORES)

    @functools.partial(
        pl.kernel,
        mesh=mesh,
        compiler_params=pltpu.CompilerParams(needs_layout_passes=False),
        out_type=jax.ShapeDtypeStruct((_NUM_SC_CORES * 3 * _LANES,), jnp.float32),
        scratch_types=[
            pltpu.VMEM((chunk,), jnp.float32),
            pltpu.VMEM((_UNROLL * tbl,), jnp.float32),
            pltpu.VMEM((_UNROLL * tbl,), jnp.float32),
            pltpu.VMEM((_UNROLL * tbl,), jnp.float32),
            pltpu.VMEM((3 * _LANES,), jnp.float32),
            pltpu.VMEM((_NUM_SUBCORES * 3 * _LANES,), jnp.float32),
            pltpu.VMEM_SHARED((_NUM_SUBCORES * 3 * _LANES,), jnp.float32),
        ],
    )
    def ece_bin_kernel(pk_hbm, out_hbm,
                       pk_v, cnt_v, sacc_v, sconf_v,
                       part_v, all_v, shared):
        cid = lax.axis_index("c")
        sid = lax.axis_index("s")
        base = (cid * _NUM_SUBCORES + sid) * chunk
        pltpu.sync_copy(pk_hbm.at[pl.ds(base, chunk)], pk_v)

        zeros = jnp.zeros((_LANES,), jnp.float32)
        for r in range(_UNROLL * _LANES):
            cnt_v[pl.ds(r * _LANES, _LANES)] = zeros
            sacc_v[pl.ds(r * _LANES, _LANES)] = zeros
            sconf_v[pl.ds(r * _LANES, _LANES)] = zeros

        lane = lax.broadcasted_iota(jnp.int32, (_LANES,), 0)
        lane_base = lane * _LANES
        ones = jnp.ones((_LANES,), jnp.float32)
        nbins_f = jnp.float32(_N_BINS)

        def body(i, carry):
            for u in range(_UNROLL):
                pk = pk_v[pl.ds((i * _UNROLL + u) * _LANES, _LANES)]
                cf = jnp.abs(pk)
                ac = jnp.where(pk < 0.0, 1.0, 0.0).astype(jnp.float32)
                y = cf * nbins_f
                t = y.astype(jnp.int32)
                b = t - jnp.where(t.astype(jnp.float32) == y, 1, 0)
                b = jnp.clip(b, 0, _N_BINS - 1)
                idx = lane_base + b + (u * tbl)
                plsc.addupdate_scatter(cnt_v, [idx], ones)
                plsc.addupdate_scatter(sacc_v, [idx], ac)
                plsc.addupdate_scatter(sconf_v, [idx], cf)
            return carry

        lax.fori_loop(0, steps, body, 0)

        cnt_t = cnt_v[pl.ds(0, _LANES)]
        acc_t = sacc_v[pl.ds(0, _LANES)]
        conf_t = sconf_v[pl.ds(0, _LANES)]
        for r in range(1, _UNROLL * _LANES):
            cnt_t = cnt_t + cnt_v[pl.ds(r * _LANES, _LANES)]
            acc_t = acc_t + sacc_v[pl.ds(r * _LANES, _LANES)]
            conf_t = conf_t + sconf_v[pl.ds(r * _LANES, _LANES)]
        part_v[pl.ds(0, _LANES)] = cnt_t
        part_v[pl.ds(_LANES, _LANES)] = acc_t
        part_v[pl.ds(2 * _LANES, _LANES)] = conf_t

        slot = 3 * _LANES
        pltpu.sync_copy(part_v, shared.at[pl.ds(sid * slot, slot)])
        plsc.subcore_barrier()

        @pl.when(sid == 0)
        def _():
            pltpu.sync_copy(shared, all_v)
            cnt = all_v[pl.ds(0, _LANES)]
            acc = all_v[pl.ds(_LANES, _LANES)]
            csum = all_v[pl.ds(2 * _LANES, _LANES)]
            for w in range(1, _NUM_SUBCORES):
                cnt = cnt + all_v[pl.ds(w * slot, _LANES)]
                acc = acc + all_v[pl.ds(w * slot + _LANES, _LANES)]
                csum = csum + all_v[pl.ds(w * slot + 2 * _LANES, _LANES)]
            part_v[pl.ds(0, _LANES)] = cnt
            part_v[pl.ds(_LANES, _LANES)] = acc
            part_v[pl.ds(2 * _LANES, _LANES)] = csum
            pltpu.sync_copy(part_v, out_hbm.at[pl.ds(cid * slot, slot)])

    return ece_bin_kernel



def _make_finalize(n):
    def _finalize_body(p1_ref, p2_ref, out_ref):
        p = p1_ref[...] + p2_ref[...]
        slot = 3 * _LANES
        cnt = p[0:_LANES] + p[slot:slot + _LANES]
        acc = p[_LANES:2 * _LANES] + p[slot + _LANES:slot + 2 * _LANES]
        csum = p[2 * _LANES:slot] + p[slot + 2 * _LANES:2 * slot]
        prop = cnt * jnp.float32(1.0 / n)
        safe = jnp.maximum(cnt, 1.0)
        bece = jnp.where(cnt > 0.0,
                         jnp.abs(csum / safe - acc / safe) * prop, 0.0)
        ece = jnp.sum(bece)
        out_ref[...] = jnp.concatenate(
            [bece, jnp.full((_LANES,), ece, jnp.float32)])

    return pl.pallas_call(
        _finalize_body,
        out_shape=jax.ShapeDtypeStruct((2 * _LANES,), jnp.float32),
    )


def kernel(logits, labels):
    n, _ = logits.shape
    h = n // 2
    sc = _make_ece_bin_kernel(h)
    pk1, = _row_stats(logits, labels, 0, 2)
    part1 = sc(pk1)
    pk2, = _row_stats(logits, labels, 1, 2)
    part2 = sc(pk2)
    out = _make_finalize(n)(part1, part2)
    ece = out[_LANES]
    bin_ece = out[:_N_BINS]
    return ece, bin_ece

# --- scband reference (transcript-rebuilt; emitter-appended) ---
"""Pipeline reference for scband-reliability-eceloss-32195074850954 (READ-ONLY COPY).

The authoritative reference and input builder live on the scoring server;
editing this copy changes nothing except your own understanding.
"""

import jax, jax.numpy as jnp
import numpy as np

N_BINS = 15
N = 262144
C = 128


def setup_inputs(seed: int = 0) -> dict:
    key = jax.random.key(seed)
    k1, k2 = jax.random.split(key)
    logits = jax.random.normal(k1, (N, C), dtype=jnp.float32) * 3.0
    labels = jax.random.randint(k2, (N,), 0, C, dtype=jnp.int32)
    return {"logits": logits, "labels": labels}


def reference(logits, labels):
    # bin boundaries: linspace(0, 1, n_bins+1); bins are (lower, upper]
    softmaxes = jax.nn.softmax(logits, axis=1)
    confidences = jnp.max(softmaxes, axis=1)
    predictions = jnp.argmax(softmaxes, axis=1).astype(jnp.int32)
    accuracies = (predictions == labels).astype(jnp.float32)

    n = confidences.shape[0]
    # For uniform boundaries, membership in (l, u] bin equals
    # ceil(conf * n_bins) - 1 (clipped). conf in (0, 1] since softmax > 0.
    bin_idx = jnp.clip(
        jnp.ceil(confidences * N_BINS).astype(jnp.int32) - 1, 0, N_BINS - 1
    )

    count = jax.ops.segment_sum(
        jnp.ones_like(confidences), bin_idx, num_segments=N_BINS
    )
    sum_acc = jax.ops.segment_sum(accuracies, bin_idx, num_segments=N_BINS)
    sum_conf = jax.ops.segment_sum(confidences, bin_idx, num_segments=N_BINS)

    prop_in_bin = count / n
    safe_count = jnp.maximum(count, 1.0)
    accuracy_in_bin = sum_acc / safe_count
    avg_confidence_in_bin = sum_conf / safe_count

    bin_ece = jnp.where(
        count > 0.0,
        jnp.abs(avg_confidence_in_bin - accuracy_in_bin) * prop_in_bin,
        0.0,
    )
    ece = jnp.sum(bin_ece)
    return ece, bin_ece

if __name__ == "__main__":
    import jax
    _d = setup_inputs()
    print(jax.jit(kernel)(*tuple(_d.values())))

</pallas_src>

<mosaic_0001>
#map = affine_map<(d0, d1) -> (0)>
module attributes {stable_mosaic.version = 14 : i64} {
  func.func @ece_bin_kernel(%arg0: i32, %arg1: i32, %arg2: memref<131072xf32, #tpu.memory_space<hbm>>, %arg3: memref<96xf32, #tpu.memory_space<hbm>>, %arg4: memref<4096xf32, #tpu.memory_space<vmem>>, %arg5: memref<1024xf32, #tpu.memory_space<vmem>>, %arg6: memref<1024xf32, #tpu.memory_space<vmem>>, %arg7: memref<1024xf32, #tpu.memory_space<vmem>>, %arg8: memref<48xf32, #tpu.memory_space<vmem>>, %arg9: memref<768xf32, #tpu.memory_space<vmem>>, %arg10: memref<768xf32, #tpu.memory_space<vmem_shared>>) attributes {dimension_semantics = [#tpu.dimension_semantics<core_parallel>, #tpu.dimension_semantics<subcore_parallel>], iteration_bounds = array<i64: 2, 16>, scalar_prefetch = 0 : i64, scratch_operands = 7 : i64, tpu.core_type = #tpu.core_type<sc_vector_subcore>, window_params = [{transform_indices = #map}, {transform_indices = #map}]} {
    %mul3A = arith.constant 16 : i32
    %mul3A_0 = arith.muli %arg0, %mul3A : i32
    %add3A = arith.addi %mul3A_0, %arg1 : i32
    %mul3A_1 = arith.constant 4096 : i32
    %mul3A_2 = arith.muli %add3A, %mul3A_1 : i32
    "tpu.region"() ({
      %run_scoped3A = tpu.sem_alloc : memref<!tpu.dma_semaphore, #tpu.memory_space<semaphore_mem>>
      %dma_start3A = tpu.memref_slice %arg2[%mul3A_2] : memref<131072xf32, #tpu.memory_space<hbm>> -> memref<4096xf32, #tpu.memory_space<hbm>>
      %dma_start3A_980 = tpu.memref_slice %arg2[%mul3A_2] : memref<131072xf32, #tpu.memory_space<hbm>> -> memref<4096xf32, #tpu.memory_space<hbm>>
      tpu.enqueue_dma source(%dma_start3A_980 : memref<4096xf32, #tpu.memory_space<hbm>>) target(%arg4 : memref<4096xf32, #tpu.memory_space<vmem>>) target_semaphore(%run_scoped3A : memref<!tpu.dma_semaphore, #tpu.memory_space<semaphore_mem>>)
      %dma_wait3A = tpu.memref_slice %arg2[%mul3A_2] : memref<131072xf32, #tpu.memory_space<hbm>> -> memref<4096xf32, #tpu.memory_space<hbm>>
      %dma_wait3A_981 = tpu.memref_slice %arg2[%mul3A_2] : memref<131072xf32, #tpu.memory_space<hbm>> -> memref<4096xf32, #tpu.memory_space<hbm>>
      tpu.wait_dma2 semaphore(%run_scoped3A : memref<!tpu.dma_semaphore, #tpu.memory_space<semaphore_mem>>) src(%dma_wait3A_981 : memref<4096xf32, #tpu.memory_space<hbm>>) dst(%arg4 : memref<4096xf32, #tpu.memory_space<vmem>>)
      tpu.yield
    }) : () -> ()
    %broadcast_in_dim3A = arith.constant 0.000000e+00 : f32
    %broadcast_in_dim3A_3 = vector.broadcast %broadcast_in_dim3A : f32 to vector<16xf32>
    %swap3A = arith.constant 0 : index
    %swap3A_4 = tpu.vector_load %arg5[%swap3A] {strides = array<i32>} : memref<1024xf32, #tpu.memory_space<vmem>>, vector<16xf32>,
    tpu.vector_store %arg5[%swap3A], %broadcast_in_dim3A_3 {strides = array<i32>} : memref<1024xf32, #tpu.memory_space<vmem>>, vector<16xf32>,
    %swap3A_5 = arith.constant 0 : index
    %swap3A_6 = tpu.vector_load %arg6[%swap3A_5] {strides = array<i32>} : memref<1024xf32, #tpu.memory_space<vmem>>, vector<16xf32>,
    tpu.vector_store %arg6[%swap3A_5], %broadcast_in_dim3A_3 {strides = array<i32>} : memref<1024xf32, #tpu.memory_space<vmem>>, vector<16xf32>,
    %swap3A_7 = arith.constant 0 : index
    %swap3A_8 = tpu.vector_load %arg7[%swap3A_7] {strides = array<i32>} : memref<1024xf32, #tpu.memory_space<vmem>>, vector<16xf32>,
    tpu.vector_store %arg7[%swap3A_7], %broadcast_in_dim3A_3 {strides = array<i32>} : memref<1024xf32, #tpu.memory_space<vmem>>, vector<16xf32>,
    %swap3A_9 = arith.constant 16 : index
    %swap3A_10 = tpu.vector_load %arg5[%swap3A_9] {strides = array<i32>} : memref<1024xf32, #tpu.memory_space<vmem>>, vector<16xf32>,
    tpu.vector_store %arg5[%swap3A_9], %broadcast_in_dim3A_3 {strides = array<i32>} : memref<1024xf32, #tpu.memory_space<vmem>>, vector<16xf32>,
    %swap3A_11 = arith.constant 16 : index
    %swap3A_12 = tpu.vector_load %arg6[%swap3A_11] {strides = array<i32>} : memref<1024xf32, #tpu.memory_space<vmem>>, vector<16xf32>,
    tpu.vector_store %arg6[%swap3A_11], %broadcast_in_dim3A_3 {strides = array<i32>} : memref<1024xf32, #tpu.memory_space<vmem>>, vector<16xf32>,
    %swap3A_13 = arith.constant 16 : index
    %swap3A_14 = tpu.vector_load %arg7[%swap3A_13] {strides = array<i32>} : memref<1024xf32, #tpu.memory_space<vmem>>, vector<16xf32>,
    tpu.vector_store %arg7[%swap3A_13], %broadcast_in_dim3A_3 {strides = array<i32>} : memref<1024xf32, #tpu.memory_space<vmem>>, vector<16xf32>,
    %swap3A_15 = arith.constant 32 : index
    %swap3A_16 = tpu.vector_load %arg5[%swap3A_15] {strides = array<i32>} : memref<1024xf32, #tpu.memory_space<vmem>>, vector<16xf32>,
    tpu.vector_store %arg5[%swap3A_15], %broadcast_in_dim3A_3 {strides = array<i32>} : memref<1024xf32, #tpu.memory_space<vmem>>, vector<16xf32>,
    %swap3A_17 = arith.constant 32 : index
    %swap3A_18 = tpu.vector_load %arg6[%swap3A_17] {strides = array<i32>} : memref<1024xf32, #tpu.memory_space<vmem>>, vector<16xf32>,
    tpu.vector_store %arg6[%swap3A_17], %broadcast_in_dim3A_3 {strides = array<i32>} : memref<1024xf32, #tpu.memory_space<vmem>>, vector<16xf32>,
    %swap3A_19 = arith.constant 32 : index
    %swap3A_20 = tpu.vector_load %arg7[%swap3A_19] {strides = array<i32>} : memref<1024xf32, #tpu.memory_space<vmem>>, vector<16xf32>,
    tpu.vector_store %arg7[%swap3A_19], %broadcast_in_dim3A_3 {strides = array<i32>} : memref<1024xf32, #tpu.memory_space<vmem>>, vector<16xf32>,
    %swap3A_21 = arith.constant 48 : index
    %swap3A_22 = tpu.vector_load %arg5[%swap3A_21] {strides = array<i32>} : memref<1024xf32, #tpu.memory_space<vmem>>, vector<16xf32>,
    tpu.vector_store %arg5[%swap3A_21], %broadcast_in_dim3A_3 {strides = array<i32>} : memref<1024xf32, #tpu.memory_space<vmem>>, vector<16xf32>,
    %swap3A_23 = arith.constant 48 : index
    %swap3A_24 = tpu.vector_load %arg6[%swap3A_23] {strides = array<i32>} : memref<1024xf32, #tpu.memory_space<vmem>>, vector<16xf32>,
    tpu.vector_store %arg6[%swap3A_23], %broadcast_in_dim3A_3 {strides = array<i32>} : memref<1024xf32, #tpu.memory_space<vmem>>, vector<16xf32>,
    %swap3A_25 = arith.constant 48 : index
    %swap3A_26 = tpu.vector_load %arg7[%swap3A_25] {strides = array<i32>} : memref<1024xf32, #tpu.memory_space<vmem>>, vector<16xf32>,
    tpu.vector_store %arg7[%swap3A_25], %broadcast_in_dim3A_3 {strides = array<i32>} : memref<1024xf32, #tpu.memory_space<vmem>>, vector<16xf32>,
    %swap3A_27 = arith.constant 64 : index
    %swap3A_28 = tpu.vector_load %arg5[%swap3A_27] {strides = array<i32>} : memref<1024xf32, #tpu.memory_space<vmem>>, vector<16xf32>,
    tpu.vector_store %arg5[%swap3A_27], %broadcast_in_dim3A_3 {strides = array<i32>} : memref<1024xf32, #tpu.memory_space<vmem>>, vector<16xf32>,
    %swap3A_29 = arith.constant 64 : index
    %swap3A_30 = tpu.vector_load %arg6[%swap3A_29] {strides = array<i32>} : memref<1024xf32, #tpu.memory_space<vmem>>, vector<16xf32>,
    tpu.vector_store %arg6[%swap3A_29], %broadcast_in_dim3A_3 {strides = array<i32>} : memref<1024xf32, #tpu.memory_space<vmem>>, vector<16xf32>,
    %swap3A_31 = arith.constant 64 : index
    %swap3A_32 = tpu.vector_load %arg7[%swap3A_31] {strides = array<i32>} : memref<1024xf32, #tpu.memory_space<vmem>>, vector<16xf32>,
    tpu.vector_store %arg7[%swap3A_31], %broadcast_in_dim3A_3 {strides = array<i32>} : memref<1024xf32, #tpu.memory_space<vmem>>, vector<16xf32>,
    %swap3A_33 = arith.constant 80 : index
    %swap3A_34 = tpu.vector_load %arg5[%swap3A_33] {strides = array<i32>} : memref<1024xf32, #tpu.memory_space<vmem>>, vector<16xf32>,
    tpu.vector_store %arg5[%swap3A_33], %broadcast_in_dim3A_3 {strides = array<i32>} : memref<1024xf32, #tpu.memory_space<vmem>>, vector<16xf32>,
    %swap3A_35 = arith.constant 80 : index
    %swap3A_36 = tpu.vector_load %arg6[%swap3A_35] {strides = array<i32>} : memref<1024xf32, #tpu.memory_space<vmem>>, vector<16xf32>,
    tpu.vector_store %arg6[%swap3A_35], %broadcast_in_dim3A_3 {strides = array<i32>} : memref<1024xf32, #tpu.memory_space<vmem>>, vector<16xf32>,
    %swap3A_37 = arith.constant 80 : index
    %swap3A_38 = tpu.vector_load %arg7[%swap3A_37] {strides = array<i32>} : memref<1024xf32, #tpu.memory_space<vmem>>, vector<16xf32>,
    tpu.vector_store %arg7[%swap3A_37], %broadcast_in_dim3A_3 {strides = array<i32>} : memref<1024xf32, #tpu.memory_space<vmem>>, vector<16xf32>,
    %swap3A_39 = arith.constant 96 : index
    %swap3A_40 = tpu.vector_load %arg5[%swap3A_39] {strides = array<i32>} : memref<1024xf32, #tpu.memory_space<vmem>>, vector<16xf32>,
    tpu.vector_store %arg5[%swap3A_39], %broadcast_in_dim3A_3 {strides = array<i32>} : memref<1024xf32, #tpu.memory_space<vmem>>, vector<16xf32>,
    %swap3A_41 = arith.constant 96 : index
    %swap3A_42 = tpu.vector_load %arg6[%swap3A_41] {strides = array<i32>} : memref<1024xf32, #tpu.memory_space<vmem>>, vector<16xf32>,
    tpu.vector_store %arg6[%swap3A_41], %broadcast_in_dim3A_3 {strides = array<i32>} : memref<1024xf32, #tpu.memory_space<vmem>>, vector<16xf32>,
    %swap3A_43 = arith.constant 96 : index
    %swap3A_44 = tpu.vector_load %arg7[%swap3A_43] {strides = array<i32>} : memref<1024xf32, #tpu.memory_space<vmem>>, vector<16xf32>,
    tpu.vector_store %arg7[%swap3A_43], %broadcast_in_dim3A_3 {strides = array<i32>} : memref<1024xf32, #tpu.memory_space<vmem>>, vector<16xf32>,
    %swap3A_45 = arith.constant 112 : index
    %swap3A_46 = tpu.vector_load %arg5[%swap3A_45] {strides = array<i32>} : memref<1024xf32, #tpu.memory_space<vmem>>, vector<16xf32>,
    tpu.vector_store %arg5[%swap3A_45], %broadcast_in_dim3A_3 {strides = array<i32>} : memref<1024xf32, #tpu.memory_space<vmem>>, vector<16xf32>,
    %swap3A_47 = arith.constant 112 : index
    %swap3A_48 = tpu.vector_load %arg6[%swap3A_47] {strides = array<i32>} : memref<1024xf32, #tpu.memory_space<vmem>>, vector<16xf32>,
    tpu.vector_store %arg6[%swap3A_47], %broadcast_in_dim3A_3 {strides = array<i32>} : memref<1024xf32, #tpu.memory_space<vmem>>, vector<16xf32>,
    %swap3A_49 = arith.constant 112 : index
    %swap3A_50 = tpu.vector_load %arg7[%swap3A_49] {strides = array<i32>} : memref<1024xf32, #tpu.memory_space<vmem>>, vector<16xf32>,
    tpu.vector_store %arg7[%swap3A_49], %broadcast_in_dim3A_3 {strides = array<i32>} : memref<1024xf32, #tpu.memory_space<vmem>>, vector<16xf32>,
    %swap3A_51 = arith.constant 128 : index
    %swap3A_52 = tpu.vector_load %arg5[%swap3A_51] {strides = array<i32>} : memref<1024xf32, #tpu.memory_space<vmem>>, vector<16xf32>,
    tpu.vector_store %arg5[%swap3A_51], %broadcast_in_dim3A_3 {strides = array<i32>} : memref<1024xf32, #tpu.memory_space<vmem>>, vector<16xf32>,
    %swap3A_53 = arith.constant 128 : index
    %swap3A_54 = tpu.vector_load %arg6[%swap3A_53] {strides = array<i32>} : memref<1024xf32, #tpu.memory_space<vmem>>, vector<16xf32>,
    tpu.vector_store %arg6[%swap3A_53], %broadcast_in_dim3A_3 {strides = array<i32>} : memref<1024xf32, #tpu.memory_space<vmem>>, vector<16xf32>,
    %swap3A_55 = arith.constant 128 : index
    %swap3A_56 = tpu.vector_load %arg7[%swap3A_55] {strides = array<i32>} : memref<1024xf32, #tpu.memory_space<vmem>>, vector<16xf32>,
    tpu.vector_store %arg7[%swap3A_55], %broadcast_in_dim3A_3 {strides = array<i32>} : memref<1024xf32, #tpu.memory_space<vmem>>, vector<16xf32>,
    %swap3A_57 = arith.constant 144 : index
    %swap3A_58 = tpu.vector_load %arg5[%swap3A_57] {strides = array<i32>} : memref<1024xf32, #tpu.memory_space<vmem>>, vector<16xf32>,
    tpu.vector_store %arg5[%swap3A_57], %broadcast_in_dim3A_3 {strides = array<i32>} : memref<1024xf32, #tpu.memory_space<vmem>>, vector<16xf32>,
    %swap3A_59 = arith.constant 144 : index
    %swap3A_60 = tpu.vector_load %arg6[%swap3A_59] {strides = array<i32>} : memref<1024xf32, #tpu.memory_space<vmem>>, vector<16xf32>,
    tpu.vector_store %arg6[%swap3A_59], %broadcast_in_dim3A_3 {strides = array<i32>} : memref<1024xf32, #tpu.memory_space<vmem>>, vector<16xf32>,
    %swap3A_61 = arith.constant 144 : index
    %swap3A_62 = tpu.vector_load %arg7[%swap3A_61] {strides = array<i32>} : memref<1024xf32, #tpu.memory_space<vmem>>, vector<16xf32>,
    tpu.vector_store %arg7[%swap3A_61], %broadcast_in_dim3A_3 {strides = array<i32>} : memref<1024xf32, #tpu.memory_space<vmem>>, vector<16xf32>,
    %swap3A_63 = arith.constant 160 : index
    %swap3A_64 = tpu.vector_load %arg5[%swap3A_63] {strides = array<i32>} : memref<1024xf32, #tpu.memory_space<vmem>>, vector<16xf32>,
    tpu.vector_store %arg5[%swap3A_63], %broadcast_in_dim3A_3 {strides = array<i32>} : memref<1024xf32, #tpu.memory_space<vmem>>, vector<16xf32>,
    %swap3A_65 = arith.constant 160 : index
    %swap3A_66 = tpu.vector_load %arg6[%swap3A_65] {strides = array<i32>} : memref<1024xf32, #tpu.memory_space<vmem>>, vector<16xf32>,
    tpu.vector_store %arg6[%swap3A_65], %broadcast_in_dim3A_3 {strides = array<i32>} : memref<1024xf32, #tpu.memory_space<vmem>>, vector<16xf32>,
    %swap3A_67 = arith.constant 160 : index
    %swap3A_68 = tpu.vector_load %arg7[%swap3A_67] {strides = array<i32>} : memref<1024xf32, #tpu.memory_space<vmem>>, vector<16xf32>,
    tpu.vector_store %arg7[%swap3A_67], %broadcast_in_dim3A_3 {strides = array<i32>} : memref<1024xf32, #tpu.memory_space<vmem>>, vector<16xf32>,
    %swap3A_69 = arith.constant 176 : index
    %swap3A_70 = tpu.vector_load %arg5[%swap3A_69] {strides = array<i32>} : memref<1024xf32, #tpu.memory_space<vmem>>, vector<16xf32>,
    tpu.vector_store %arg5[%swap3A_69], %broadcast_in_dim3A_3 {strides = array<i32>} : memref<1024xf32, #tpu.memory_space<vmem>>, vector<16xf32>,
    %swap3A_71 = arith.constant 176 : index
    %swap3A_72 = tpu.vector_load %arg6[%swap3A_71] {strides = array<i32>} : memref<1024xf32, #tpu.memory_space<vmem>>, vector<16xf32>,
    tpu.vector_store %arg6[%swap3A_71], %broadcast_in_dim3A_3 {strides = array<i32>} : memref<1024xf32, #tpu.memory_space<vmem>>, vector<16xf32>,
    %swap3A_73 = arith.constant 176 : index
    %swap3A_74 = tpu.vector_load %arg7[%swap3A_73] {strides = array<i32>} : memref<1024xf32, #tpu.memory_space<vmem>>, vector<16xf32>,
    tpu.vector_store %arg7[%swap3A_73], %broadcast_in_dim3A_3 {strides = array<i32>} : memref<1024xf32, #tpu.memory_space<vmem>>, vector<16xf32>,
    %swap3A_75 = arith.constant 192 : index
    %swap3A_76 = tpu.vector_load %arg5[%swap3A_75] {strides = array<i32>} : memref<1024xf32, #tpu.memory_space<vmem>>, vector<16xf32>,
    tpu.vector_store %arg5[%swap3A_75], %broadcast_in_dim3A_3 {strides = array<i32>} : memref<1024xf32, #tpu.memory_space<vmem>>, vector<16xf32>,
    %swap3A_77 = arith.constant 192 : index
    %swap3A_78 = tpu.vector_load %arg6[%swap3A_77] {strides = array<i32>} : memref<1024xf32, #tpu.memory_space<vmem>>, vector<16xf32>,
    tpu.vector_store %arg6[%swap3A_77], %broadcast_in_dim3A_3 {strides = array<i32>} : memref<1024xf32, #tpu.memory_space<vmem>>, vector<16xf32>,
    %swap3A_79 = arith.constant 192 : index
    %swap3A_80 = tpu.vector_load %arg7[%swap3A_79] {strides = array<i32>} : memref<1024xf32, #tpu.memory_space<vmem>>, vector<16xf32>,
    tpu.vector_store %arg7[%swap3A_79], %broadcast_in_dim3A_3 {strides = array<i32>} : memref<1024xf32, #tpu.memory_space<vmem>>, vector<16xf32>,
    %swap3A_81 = arith.constant 208 : index
    %swap3A_82 = tpu.vector_load %arg5[%swap3A_81] {strides = array<i32>} : memref<1024xf32, #tpu.memory_space<vmem>>, vector<16xf32>,
    tpu.vector_store %arg5[%swap3A_81], %broadcast_in_dim3A_3 {strides = array<i32>} : memref<1024xf32, #tpu.memory_space<vmem>>, vector<16xf32>,
    %swap3A_83 = arith.constant 208 : index
    %swap3A_84 = tpu.vector_load %arg6[%swap3A_83] {strides = array<i32>} : memref<1024xf32, #tpu.memory_space<vmem>>, vector<16xf32>,
    tpu.vector_store %arg6[%swap3A_83], %broadcast_in_dim3A_3 {strides = array<i32>} : memref<1024xf32, #tpu.memory_space<vmem>>, vector<16xf32>,
    %swap3A_85 = arith.constant 208 : index
    %swap3A_86 = tpu.vector_load %arg7[%swap3A_85] {strides = array<i32>} : memref<1024xf32, #tpu.memory_space<vmem>>, vector<16xf32>,
    tpu.vector_store %arg7[%swap3A_85], %broadcast_in_dim3A_3 {strides = array<i32>} : memref<1024xf32, #tpu.memory_space<vmem>>, vector<16xf32>,
    %swap3A_87 = arith.constant 224 : index
    %swap3A_88 = tpu.vector_load %arg5[%swap3A_87] {strides = array<i32>} : memref<1024xf32, #tpu.memory_space<vmem>>, vector<16xf32>,
    tpu.vector_store %arg5[%swap3A_87], %broadcast_in_dim3A_3 {strides = array<i32>} : memref<1024xf32, #tpu.memory_space<vmem>>, vector<16xf32>,
    %swap3A_89 = arith.constant 224 : index
    %swap3A_90 = tpu.vector_load %arg6[%swap3A_89] {strides = array<i32>} : memref<1024xf32, #tpu.memory_space<vmem>>, vector<16xf32>,
    tpu.vector_store %arg6[%swap3A_89], %broadcast_in_dim3A_3 {strides = array<i32>} : memref<1024xf32, #tpu.memory_space<vmem>>, vector<16xf32>,
    %swap3A_91 = arith.constant 224 : index
    %swap3A_92 = tpu.vector_load %arg7[%swap3A_91] {strides = array<i32>} : memref<1024xf32, #tpu.memory_space<vmem>>, vector<16xf32>,
    tpu.vector_store %arg7[%swap3A_91], %broadcast_in_dim3A_3 {strides = array<i32>} : memref<1024xf32, #tpu.memory_space<vmem>>, vector<16xf32>,
    %swap3A_93 = arith.constant 240 : index
    %swap3A_94 = tpu.vector_load %arg5[%swap3A_93] {strides = array<i32>} : memref<1024xf32, #tpu.memory_space<vmem>>, vector<16xf32>,
    tpu.vector_store %arg5[%swap3A_93], %broadcast_in_dim3A_3 {strides = array<i32>} : memref<1024xf32, #tpu.memory_space<vmem>>, vector<16xf32>,
    %swap3A_95 = arith.constant 240 : index
    %swap3A_96 = tpu.vector_load %arg6[%swap3A_95] {strides = array<i32>} : memref<1024xf32, #tpu.memory_space<vmem>>, vector<16xf32>,
    tpu.vector_store %arg6[%swap3A_95], %broadcast_in_dim3A_3 {strides = array<i32>} : memref<1024xf32, #tpu.memory_space<vmem>>, vector<16xf32>,
    %swap3A_97 = arith.constant 240 : index
    %swap3A_98 = tpu.vector_load %arg7[%swap3A_97] {strides = array<i32>} : memref<1024xf32, #tpu.memory_space<vmem>>, vector<16xf32>,
    tpu.vector_store %arg7[%swap3A_97], %broadcast_in_dim3A_3 {strides = array<i32>} : memref<1024xf32, #tpu.memory_space<vmem>>, vector<16xf32>,
    %swap3A_99 = arith.constant 256 : index
    %swap3A_100 = tpu.vector_load %arg5[%swap3A_99] {strides = array<i32>} : memref<1024xf32, #tpu.memory_space<vmem>>, vector<16xf32>,
    tpu.vector_store %arg5[%swap3A_99], %broadcast_in_dim3A_3 {strides = array<i32>} : memref<1024xf32, #tpu.memory_space<vmem>>, vector<16xf32>,
    %swap3A_101 = arith.constant 256 : index
    %swap3A_102 = tpu.vector_load %arg6[%swap3A_101] {strides = array<i32>} : memref<1024xf32, #tpu.memory_space<vmem>>, vector<16xf32>,
    tpu.vector_store %arg6[%swap3A_101], %broadcast_in_dim3A_3 {strides = array<i32>} : memref<1024xf32, #tpu.memory_space<vmem>>, vector<16xf32>,
    %swap3A_103 = arith.constant 256 : index
    %swap3A_104 = tpu.vector_load %arg7[%swap3A_103] {strides = array<i32>} : memref<1024xf32, #tpu.memory_space<vmem>>, vector<16xf32>,
    tpu.vector_store %arg7[%swap3A_103], %broadcast_in_dim3A_3 {strides = array<i32>} : memref<1024xf32, #tpu.memory_space<vmem>>, vector<16xf32>,
    %swap3A_105 = arith.constant 272 : index
    %swap3A_106 = tpu.vector_load %arg5[%swap3A_105] {strides = array<i32>} : memref<1024xf32, #tpu.memory_space<vmem>>, vector<16xf32>,
    tpu.vector_store %arg5[%swap3A_105], %broadcast_in_dim3A_3 {strides = array<i32>} : memref<1024xf32, #tpu.memory_space<vmem>>, vector<16xf32>,
    %swap3A_107 = arith.constant 272 : index
    %swap3A_108 = tpu.vector_load %arg6[%swap3A_107] {strides = array<i32>} : memref<1024xf32, #tpu.memory_space<vmem>>, vector<16xf32>,
    tpu.vector_store %arg6[%swap3A_107], %broadcast_in_dim3A_3 {strides = array<i32>} : memref<1024xf32, #tpu.memory_space<vmem>>, vector<16xf32>,
    %swap3A_109 = arith.constant 272 : index
    %swap3A_110 = tpu.vector_load %arg7[%swap3A_109] {strides = array<i32>} : memref<1024xf32, #tpu.memory_space<vmem>>, vector<16xf32>,
    tpu.vector_store %arg7[%swap3A_109], %broadcast_in_dim3A_3 {strides = array<i32>} : memref<1024xf32, #tpu.memory_space<vmem>>, vector<16xf32>,
    %swap3A_111 = arith.constant 288 : index
    %swap3A_112 = tpu.vector_load %arg5[%swap3A_111] {strides = array<i32>} : memref<1024xf32, #tpu.memory_space<vmem>>, vector<16xf32>,
    tpu.vector_store %arg5[%swap3A_111], %broadcast_in_dim3A_3 {strides = array<i32>} : memref<1024xf32, #tpu.memory_space<vmem>>, vector<16xf32>,
    %swap3A_113 = arith.constant 288 : index
    %swap3A_114 = tpu.vector_load %arg6[%swap3A_113] {strides = array<i32>} : memref<1024xf32, #tpu.memory_space<vmem>>, vector<16xf32>,
    tpu.vector_store %arg6[%swap3A_113], %broadcast_in_dim3A_3 {strides = array<i32>} : memref<1024xf32, #tpu.memory_space<vmem>>, vector<16xf32>,
    %swap3A_115 = arith.constant 288 : index
    %swap3A_116 = tpu.vector_load %arg7[%swap3A_115] {strides = array<i32>} : memref<1024xf32, #tpu.memory_space<vmem>>, vector<16xf32>,
    tpu.vector_store %arg7[%swap3A_115], %broadcast_in_dim3A_3 {strides = array<i32>} : memref<1024xf32, #tpu.memory_space<vmem>>, vector<16xf32>,
    %swap3A_117 = arith.constant 304 : index
    %swap3A_118 = tpu.vector_load %arg5[%swap3A_117] {strides = array<i32>} : memref<1024xf32, #tpu.memory_space<vmem>>, vector<16xf32>,
    tpu.vector_store %arg5[%swap3A_117], %broadcast_in_dim3A_3 {strides = array<i32>} : memref<1024xf32, #tpu.memory_space<vmem>>, vector<16xf32>,
    %swap3A_119 = arith.constant 304 : index
    %swap3A_120 = tpu.vector_load %arg6[%swap3A_119] {strides = array<i32>} : memref<1024xf32, #tpu.memory_space<vmem>>, vector<16xf32>,
    tpu.vector_store %arg6[%swap3A_119], %broadcast_in_dim3A_3 {strides = array<i32>} : memref<1024xf32, #tpu.memory_space<vmem>>, vector<16xf32>,
    %swap3A_121 = arith.constant 304 : index
    %swap3A_122 = tpu.vector_load %arg7[%swap3A_121] {strides = array<i32>} : memref<1024xf32, #tpu.memory_space<vmem>>, vector<16xf32>,
    tpu.vector_store %arg7[%swap3A_121], %broadcast_in_dim3A_3 {strides = array<i32>} : memref<1024xf32, #tpu.memory_space<vmem>>, vector<16xf32>,
    %swap3A_123 = arith.constant 320 : index
    %swap3A_124 = tpu.vector_load %arg5[%swap3A_123] {strides = array<i32>} : memref<1024xf32, #tpu.memory_space<vmem>>, vector<16xf32>,
    tpu.vector_store %arg5[%swap3A_123], %broadcast_in_dim3A_3 {strides = array<i32>} : memref<1024xf32, #tpu.memory_space<vmem>>, vector<16xf32>,
    %swap3A_125 = arith.constant 320 : index
    %swap3A_126 = tpu.vector_load %arg6[%swap3A_125] {strides = array<i32>} : memref<1024xf32, #tpu.memory_space<vmem>>, vector<16xf32>,
    tpu.vector_store %arg6[%swap3A_125], %broadcast_in_dim3A_3 {strides = array<i32>} : memref<1024xf32, #tpu.memory_space<vmem>>, vector<16xf32>,
    %swap3A_127 = arith.constant 320 : index
    %swap3A_128 = tpu.vector_load %arg7[%swap3A_127] {strides = array<i32>} : memref<1024xf32, #tpu.memory_space<vmem>>, vector<16xf32>,
    tpu.vector_store %arg7[%swap3A_127], %broadcast_in_dim3A_3 {strides = array<i32>} : memref<1024xf32, #tpu.memory_space<vmem>>, vector<16xf32>,
    %swap3A_129 = arith.constant 336 : index
    %swap3A_130 = tpu.vector_load %arg5[%swap3A_129] {strides = array<i32>} : memref<1024xf32, #tpu.memory_space<vmem>>, vector<16xf32>,
    tpu.vector_store %arg5[%swap3A_129], %broadcast_in_dim3A_3 {strides = array<i32>} : memref<1024xf32, #tpu.memory_space<vmem>>, vector<16xf32>,
    %swap3A_131 = arith.constant 336 : index
    %swap3A_132 = tpu.vector_load %arg6[%swap3A_131] {strides = array<i32>} : memref<1024xf32, #tpu.memory_space<vmem>>, vector<16xf32>,
    tpu.vector_store %arg6[%swap3A_131], %broadcast_in_dim3A_3 {strides = array<i32>} : memref<1024xf32, #tpu.memory_space<vmem>>, vector<16xf32>,
    %swap3A_133 = arith.constant 336 : index
    %swap3A_134 = tpu.vector_load %arg7[%swap3A_133] {strides = array<i32>} : memref<1024xf32, #tpu.memory_space<vmem>>, vector<16xf32>,
    tpu.vector_store %arg7[%swap3A_133], %broadcast_in_dim3A_3 {strides = array<i32>} : memref<1024xf32, #tpu.memory_space<vmem>>, vector<16xf32>,
    %swap3A_135 = arith.constant 352 : index
    %swap3A_136 = tpu.vector_load %arg5[%swap3A_135] {strides = array<i32>} : memref<1024xf32, #tpu.memory_space<vmem>>, vector<16xf32>,
    tpu.vector_store %arg5[%swap3A_135], %broadcast_in_dim3A_3 {strides = array<i32>} : memref<1024xf32, #tpu.memory_space<vmem>>, vector<16xf32>,
    %swap3A_137 = arith.constant 352 : index
    %swap3A_138 = tpu.vector_load %arg6[%swap3A_137] {strides = array<i32>} : memref<1024xf32, #tpu.memory_space<vmem>>, vector<16xf32>,
    tpu.vector_store %arg6[%swap3A_137], %broadcast_in_dim3A_3 {strides = array<i32>} : memref<1024xf32, #tpu.memory_space<vmem>>, vector<16xf32>,
    %swap3A_139 = arith.constant 352 : index
    %swap3A_140 = tpu.vector_load %arg7[%swap3A_139] {strides = array<i32>} : memref<1024xf32, #tpu.memory_space<vmem>>, vector<16xf32>,
    tpu.vector_store %arg7[%swap3A_139], %broadcast_in_dim3A_3 {strides = array<i32>} : memref<1024xf32, #tpu.memory_space<vmem>>, vector<16xf32>,
    %swap3A_141 = arith.constant 368 : index
    %swap3A_142 = tpu.vector_load %arg5[%swap3A_141] {strides = array<i32>} : memref<1024xf32, #tpu.memory_space<vmem>>, vector<16xf32>,
    tpu.vector_store %arg5[%swap3A_141], %broadcast_in_dim3A_3 {strides = array<i32>} : memref<1024xf32, #tpu.memory_space<vmem>>, vector<16xf32>,
    %swap3A_143 = arith.constant 368 : index
    %swap3A_144 = tpu.vector_load %arg6[%swap3A_143] {strides = array<i32>} : memref<1024xf32, #tpu.memory_space<vmem>>, vector<16xf32>,
    tpu.vector_store %arg6[%swap3A_143], %broadcast_in_dim3A_3 {strides = array<i32>} : memref<1024xf32, #tpu.memory_space<vmem>>, vector<16xf32>,
    %swap3A_145 = arith.constant 368 : index
    %swap3A_146 = tpu.vector_load %arg7[%swap3A_145] {strides = array<i32>} : memref<1024xf32, #tpu.memory_space<vmem>>, vector<16xf32>,
    tpu.vector_store %arg7[%swap3A_145], %broadcast_in_dim3A_3 {strides = array<i32>} : memref<1024xf32, #tpu.memory_space<vmem>>, vector<16xf32>,
    %swap3A_147 = arith.constant 384 : index
    %swap3A_148 = tpu.vector_load %arg5[%swap3A_147] {strides = array<i32>} : memref<1024xf32, #tpu.memory_space<vmem>>, vector<16xf32>,
    tpu.vector_store %arg5[%swap3A_147], %broadcast_in_dim3A_3 {strides = array<i32>} : memref<1024xf32, #tpu.memory_space<vmem>>, vector<16xf32>,
    %swap3A_149 = arith.constant 384 : index
    %swap3A_150 = tpu.vector_load %arg6[%swap3A_149] {strides = array<i32>} : memref<1024xf32, #tpu.memory_space<vmem>>, vector<16xf32>,
    tpu.vector_store %arg6[%swap3A_149], %broadcast_in_dim3A_3 {strides = array<i32>} : memref<1024xf32, #tpu.memory_space<vmem>>, vector<16xf32>,
    %swap3A_151 = arith.constant 384 : index
    %swap3A_152 = tpu.vector_load %arg7[%swap3A_151] {strides = array<i32>} : memref<1024xf32, #tpu.memory_space<vmem>>, vector<16xf32>,
    tpu.vector_store %arg7[%swap3A_151], %broadcast_in_dim3A_3 {strides = array<i32>} : memref<1024xf32, #tpu.memory_space<vmem>>, vector<16xf32>,
    %swap3A_153 = arith.constant 400 : index
    %swap3A_154 = tpu.vector_load %arg5[%swap3A_153] {strides = array<i32>} : memref<1024xf32, #tpu.memory_space<vmem>>, vector<16xf32>,
    tpu.vector_store %arg5[%swap3A_153], %broadcast_in_dim3A_3 {strides = array<i32>} : memref<1024xf32, #tpu.memory_space<vmem>>, vector<16xf32>,
    %swap3A_155 = arith.constant 400 : index
    %swap3A_156 = tpu.vector_load %arg6[%swap3A_155] {strides = array<i32>} : memref<1024xf32, #tpu.memory_space<vmem>>, vector<16xf32>,
    tpu.vector_store %arg6[%swap3A_155], %broadcast_in_dim3A_3 {strides = array<i32>} : memref<1024xf32, #tpu.memory_space<vmem>>, vector<16xf32>,
    %swap3A_157 = arith.constant 400 : index
    %swap3A_158 = tpu.vector_load %arg7[%swap3A_157] {strides = array<i32>} : memref<1024xf32, #tpu.memory_space<vmem>>, vector<16xf32>,
    tpu.vector_store %arg7[%swap3A_157], %broadcast_in_dim3A_3 {strides = array<i32>} : memref<1024xf32, #tpu.memory_space<vmem>>, vector<16xf32>,
    %swap3A_159 = arith.constant 416 : index
    %swap3A_160 = tpu.vector_load %arg5[%swap3A_159] {strides = array<i32>} : memref<1024xf32, #tpu.memory_space<vmem>>, vector<16xf32>,
    tpu.vector_store %arg5[%swap3A_159], %broadcast_in_dim3A_3 {strides = array<i32>} : memref<1024xf32, #tpu.memory_space<vmem>>, vector<16xf32>,
    %swap3A_161 = arith.constant 416 : index
    %swap3A_162 = tpu.vector_load %arg6[%swap3A_161] {strides = array<i32>} : memref<1024xf32, #tpu.memory_space<vmem>>, vector<16xf32>,
    tpu.vector_store %arg6[%swap3A_161], %broadcast_in_dim3A_3 {strides = array<i32>} : memref<1024xf32, #tpu.memory_space<vmem>>, vector<16xf32>,
    %swap3A_163 = arith.constant 416 : index
    %swap3A_164 = tpu.vector_load %arg7[%swap3A_163] {strides = array<i32>} : memref<1024xf32, #tpu.memory_space<vmem>>, vector<16xf32>,
    tpu.vector_store %arg7[%swap3A_163], %broadcast_in_dim3A_3 {strides = array<i32>} : memref<1024xf32, #tpu.memory_space<vmem>>, vector<16xf32>,
    %swap3A_165 = arith.constant 432 : index
    %swap3A_166 = tpu.vector_load %arg5[%swap3A_165] {strides = array<i32>} : memref<1024xf32, #tpu.memory_space<vmem>>, vector<16xf32>,
    tpu.vector_store %arg5[%swap3A_165], %broadcast_in_dim3A_3 {strides = array<i32>} : memref<1024xf32, #tpu.memory_space<vmem>>, vector<16xf32>,
    %swap3A_167 = arith.constant 432 : index
    %swap3A_168 = tpu.vector_load %arg6[%swap3A_167] {strides = array<i32>} : memref<1024xf32, #tpu.memory_space<vmem>>, vector<16xf32>,
    tpu.vector_store %arg6[%swap3A_167], %broadcast_in_dim3A_3 {strides = array<i32>} : memref<1024xf32, #tpu.memory_space<vmem>>, vector<16xf32>,
    %swap3A_169 = arith.constant 432 : index
    %swap3A_170 = tpu.vector_load %arg7[%swap3A_169] {strides = array<i32>} : memref<1024xf32, #tpu.memory_space<vmem>>, vector<16xf32>,
    tpu.vector_store %arg7[%swap3A_169], %broadcast_in_dim3A_3 {strides = array<i32>} : memref<1024xf32, #tpu.memory_space<vmem>>, vector<16xf32>,
    %swap3A_171 = arith.constant 448 : index
    %swap3A_172 = tpu.vector_load %arg5[%swap3A_171] {strides = array<i32>} : memref<1024xf32, #tpu.memory_space<vmem>>, vector<16xf32>,
    tpu.vector_store %arg5[%swap3A_171], %broadcast_in_dim3A_3 {strides = array<i32>} : memref<1024xf32, #tpu.memory_space<vmem>>, vector<16xf32>,
    %swap3A_173 = arith.constant 448 : index
    %swap3A_174 = tpu.vector_load %arg6[%swap3A_173] {strides = array<i32>} : memref<1024xf32, #tpu.memory_space<vmem>>, vector<16xf32>,
    tpu.vector_store %arg6[%swap3A_173], %broadcast_in_dim3A_3 {strides = array<i32>} : memref<1024xf32, #tpu.memory_space<vmem>>, vector<16xf32>,
    %swap3A_175 = arith.constant 448 : index
    %swap3A_176 = tpu.vector_load %arg7[%swap3A_175] {strides = array<i32>} : memref<1024xf32, #tpu.memory_space<vmem>>, vector<16xf32>,
    tpu.vector_store %arg7[%swap3A_175], %broadcast_in_dim3A_3 {strides = array<i32>} : memref<1024xf32, #tpu.memory_space<vmem>>, vector<16xf32>,
    %swap3A_177 = arith.constant 464 : index
    %swap3A_178 = tpu.vector_load %arg5[%swap3A_177] {strides = array<i32>} : memref<1024xf32, #tpu.memory_space<vmem>>, vector<16xf32>,
    tpu.vector_store %arg5[%swap3A_177], %broadcast_in_dim3A_3 {strides = array<i32>} : memref<1024xf32, #tpu.memory_space<vmem>>, vector<16xf32>,
    %swap3A_179 = arith.constant 464 : index
    %swap3A_180 = tpu.vector_load %arg6[%swap3A_179] {strides = array<i32>} : memref<1024xf32, #tpu.memory_space<vmem>>, vector<16xf32>,
    tpu.vector_store %arg6[%swap3A_179], %broadcast_in_dim3A_3 {strides = array<i32>} : memref<1024xf32, #tpu.memory_space<vmem>>, vector<16xf32>,
    %swap3A_181 = arith.constant 464 : index
    %swap3A_182 = tpu.vector_load %arg7[%swap3A_181] {strides = array<i32>} : memref<1024xf32, #tpu.memory_space<vmem>>, vector<16xf32>,
    tpu.vector_store %arg7[%swap3A_181], %broadcast_in_dim3A_3 {strides = array<i32>} : memref<1024xf32, #tpu.memory_space<vmem>>, vector<16xf32>,
    %swap3A_183 = arith.constant 480 : index
    %swap3A_184 = tpu.vector_load %arg5[%swap3A_183] {strides = array<i32>} : memref<1024xf32, #tpu.memory_space<vmem>>, vector<16xf32>,
    tpu.vector_store %arg5[%swap3A_183], %broadcast_in_dim3A_3 {strides = array<i32>} : memref<1024xf32, #tpu.memory_space<vmem>>, vector<16xf32>,
    %swap3A_185 = arith.constant 480 : index
    %swap3A_186 = tpu.vector_load %arg6[%swap3A_185] {strides = array<i32>} : memref<1024xf32, #tpu.memory_space<vmem>>, vector<16xf32>,
    tpu.vector_store %arg6[%swap3A_185], %broadcast_in_dim3A_3 {strides = array<i32>} : memref<1024xf32, #tpu.memory_space<vmem>>, vector<16xf32>,
    %swap3A_187 = arith.constant 480 : index
    %swap3A_188 = tpu.vector_load %arg7[%swap3A_187] {strides = array<i32>} : memref<1024xf32, #tpu.memory_space<vmem>>, vector<16xf32>,
    tpu.vector_store %arg7[%swap3A_187], %broadcast_in_dim3A_3 {strides = array<i32>} : memref<1024xf32, #tpu.memory_space<vmem>>, vector<16xf32>,
    %swap3A_189 = arith.constant 496 : index
    %swap3A_190 = tpu.vector_load %arg5[%swap3A_189] {strides = array<i32>} : memref<1024xf32, #tpu.memory_space<vmem>>, vector<16xf32>,
    tpu.vector_store %arg5[%swap3A_189], %broadcast_in_dim3A_3 {strides = array<i32>} : memref<1024xf32, #tpu.memory_space<vmem>>, vector<16xf32>,
    %swap3A_191 = arith.constant 496 : index
    %swap3A_192 = tpu.vector_load %arg6[%swap3A_191] {strides = array<i32>} : memref<1024xf32, #tpu.memory_space<vmem>>, vector<16xf32>,
    tpu.vector_store %arg6[%swap3A_191], %broadcast_in_dim3A_3 {strides = array<i32>} : memref<1024xf32, #tpu.memory_space<vmem>>, vector<16xf32>,
    %swap3A_193 = arith.constant 496 : index
    %swap3A_194 = tpu.vector_load %arg7[%swap3A_193] {strides = array<i32>} : memref<1024xf32, #tpu.memory_space<vmem>>, vector<16xf32>,
    tpu.vector_store %arg7[%swap3A_193], %broadcast_in_dim3A_3 {strides = array<i32>} : memref<1024xf32, #tpu.memory_space<vmem>>, vector<16xf32>,
    %swap3A_195 = arith.constant 512 : index
    %swap3A_196 = tpu.vector_load %arg5[%swap3A_195] {strides = array<i32>} : memref<1024xf32, #tpu.memory_space<vmem>>, vector<16xf32>,
    tpu.vector_store %arg5[%swap3A_195], %broadcast_in_dim3A_3 {strides = array<i32>} : memref<1024xf32, #tpu.memory_space<vmem>>, vector<16xf32>,
    %swap3A_197 = arith.constant 512 : index
    %swap3A_198 = tpu.vector_load %arg6[%swap3A_197] {strides = array<i32>} : memref<1024xf32, #tpu.memory_space<vmem>>, vector<16xf32>,
    tpu.vector_store %arg6[%swap3A_197], %broadcast_in_dim3A_3 {strides = array<i32>} : memref<1024xf32, #tpu.memory_space<vmem>>, vector<16xf32>,
    %swap3A_199 = arith.constant 512 : index
    %swap3A_200 = tpu.vector_load %arg7[%swap3A_199] {strides = array<i32>} : memref<1024xf32, #tpu.memory_space<vmem>>, vector<16xf32>,
    tpu.vector_store %arg7[%swap3A_199], %broadcast_in_dim3A_3 {strides = array<i32>} : memref<1024xf32, #tpu.memory_space<vmem>>, vector<16xf32>,
    %swap3A_201 = arith.constant 528 : index
    %swap3A_202 = tpu.vector_load %arg5[%swap3A_201] {strides = array<i32>} : memref<1024xf32, #tpu.memory_space<vmem>>, vector<16xf32>,
    tpu.vector_store %arg5[%swap3A_201], %broadcast_in_dim3A_3 {strides = array<i32>} : memref<1024xf32, #tpu.memory_space<vmem>>, vector<16xf32>,
    %swap3A_203 = arith.constant 528 : index
    %swap3A_204 = tpu.vector_load %arg6[%swap3A_203] {strides = array<i32>} : memref<1024xf32, #tpu.memory_space<vmem>>, vector<16xf32>,
    tpu.vector_store %arg6[%swap3A_203], %broadcast_in_dim3A_3 {strides = array<i32>} : memref<1024xf32, #tpu.memory_space<vmem>>, vector<16xf32>,
    %swap3A_205 = arith.constant 528 : index
    %swap3A_206 = tpu.vector_load %arg7[%swap3A_205] {strides = array<i32>} : memref<1024xf32, #tpu.memory_space<vmem>>, vector<16xf32>,
    tpu.vector_store %arg7[%swap3A_205], %broadcast_in_dim3A_3 {strides = array<i32>} : memref<1024xf32, #tpu.memory_space<vmem>>, vector<16xf32>,
    %swap3A_207 = arith.constant 544 : index
    %swap3A_208 = tpu.vector_load %arg5[%swap3A_207] {strides = array<i32>} : memref<1024xf32, #tpu.memory_space<vmem>>, vector<16xf32>,
    tpu.vector_store %arg5[%swap3A_207], %broadcast_in_dim3A_3 {strides = array<i32>} : memref<1024xf32, #tpu.memory_space<vmem>>, vector<16xf32>,
    %swap3A_209 = arith.constant 544 : index
    %swap3A_210 = tpu.vector_load %arg6[%swap3A_209] {strides = array<i32>} : memref<1024xf32, #tpu.memory_space<vmem>>, vector<16xf32>,
    tpu.vector_store %arg6[%swap3A_209], %broadcast_in_dim3A_3 {strides = array<i32>} : memref<1024xf32, #tpu.memory_space<vmem>>, vector<16xf32>,
    %swap3A_211 = arith.constant 544 : index
    %swap3A_212 = tpu.vector_load %arg7[%swap3A_211] {strides = array<i32>} : memref<1024xf32, #tpu.memory_space<vmem>>, vector<16xf32>,
    tpu.vector_store %arg7[%swap3A_211], %broadcast_in_dim3A_3 {strides = array<i32>} : memref<1024xf32, #tpu.memory_space<vmem>>, vector<16xf32>,
    %swap3A_213 = arith.constant 560 : index
    %swap3A_214 = tpu.vector_load %arg5[%swap3A_213] {strides = array<i32>} : memref<1024xf32, #tpu.memory_space<vmem>>, vector<16xf32>,
    tpu.vector_store %arg5[%swap3A_213], %broadcast_in_dim3A_3 {strides = array<i32>} : memref<1024xf32, #tpu.memory_space<vmem>>, vector<16xf32>,
    %swap3A_215 = arith.constant 560 : index
    %swap3A_216 = tpu.vector_load %arg6[%swap3A_215] {strides = array<i32>} : memref<1024xf32, #tpu.memory_space<vmem>>, vector<16xf32>,
    tpu.vector_store %arg6[%swap3A_215], %broadcast_in_dim3A_3 {strides = array<i32>} : memref<1024xf32, #tpu.memory_space<vmem>>, vector<16xf32>,
    %swap3A_217 = arith.constant 560 : index
    %swap3A_218 = tpu.vector_load %arg7[%swap3A_217] {strides = array<i32>} : memref<1024xf32, #tpu.memory_space<vmem>>, vector<16xf32>,
    tpu.vector_store %arg7[%swap3A_217], %broadcast_in_dim3A_3 {strides = array<i32>} : memref<1024xf32, #tpu.memory_space<vmem>>, vector<16xf32>,
    %swap3A_219 = arith.constant 576 : index
    %swap3A_220 = tpu.vector_load %arg5[%swap3A_219] {strides = array<i32>} : memref<1024xf32, #tpu.memory_space<vmem>>, vector<16xf32>,
    tpu.vector_store %arg5[%swap3A_219], %broadcast_in_dim3A_3 {strides = array<i32>} : memref<1024xf32, #tpu.memory_space<vmem>>, vector<16xf32>,
    %swap3A_221 = arith.constant 576 : index
    %swap3A_222 = tpu.vector_load %arg6[%swap3A_221] {strides = array<i32>} : memref<1024xf32, #tpu.memory_space<vmem>>, vector<16xf32>,
    tpu.vector_store %arg6[%swap3A_221], %broadcast_in_dim3A_3 {strides = array<i32>} : memref<1024xf32, #tpu.memory_space<vmem>>, vector<16xf32>,
    %swap3A_223 = arith.constant 576 : index
    %swap3A_224 = tpu.vector_load %arg7[%swap3A_223] {strides = array<i32>} : memref<1024xf32, #tpu.memory_space<vmem>>, vector<16xf32>,
    tpu.vector_store %arg7[%swap3A_223], %broadcast_in_dim3A_3 {strides = array<i32>} : memref<1024xf32, #tpu.memory_space<vmem>>, vector<16xf32>,
    %swap3A_225 = arith.constant 592 : index
    %swap3A_226 = tpu.vector_load %arg5[%swap3A_225] {strides = array<i32>} : memref<1024xf32, #tpu.memory_space<vmem>>, vector<16xf32>,
    tpu.vector_store %arg5[%swap3A_225], %broadcast_in_dim3A_3 {strides = array<i32>} : memref<1024xf32, #tpu.memory_space<vmem>>, vector<16xf32>,
    %swap3A_227 = arith.constant 592 : index
    %swap3A_228 = tpu.vector_load %arg6[%swap3A_227] {strides = array<i32>} : memref<1024xf32, #tpu.memory_space<vmem>>, vector<16xf32>,
    tpu.vector_store %arg6[%swap3A_227], %broadcast_in_dim3A_3 {strides = array<i32>} : memref<1024xf32, #tpu.memory_space<vmem>>, vector<16xf32>,
    %swap3A_229 = arith.constant 592 : index
    %swap3A_230 = tpu.vector_load %arg7[%swap3A_229] {strides = array<i32>} : memref<1024xf32, #tpu.memory_space<vmem>>, vector<16xf32>,
    tpu.vector_store %arg7[%swap3A_229], %broadcast_in_dim3A_3 {strides = array<i32>} : memref<1024xf32, #tpu.memory_space<vmem>>, vector<16xf32>,
    %swap3A_231 = arith.constant 608 : index
    %swap3A_232 = tpu.vector_load %arg5[%swap3A_231] {strides = array<i32>} : memref<1024xf32, #tpu.memory_space<vmem>>, vector<16xf32>,
    tpu.vector_store %arg5[%swap3A_231], %broadcast_in_dim3A_3 {strides = array<i32>} : memref<1024xf32, #tpu.memory_space<vmem>>, vector<16xf32>,
    %swap3A_233 = arith.constant 608 : index
    %swap3A_234 = tpu.vector_load %arg6[%swap3A_233] {strides = array<i32>} : memref<1024xf32, #tpu.memory_space<vmem>>, vector<16xf32>,
    tpu.vector_store %arg6[%swap3A_233], %broadcast_in_dim3A_3 {strides = array<i32>} : memref<1024xf32, #tpu.memory_space<vmem>>, vector<16xf32>,
    %swap3A_235 = arith.constant 608 : index
    %swap3A_236 = tpu.vector_load %arg7[%swap3A_235] {strides = array<i32>} : memref<1024xf32, #tpu.memory_space<vmem>>, vector<16xf32>,
    tpu.vector_store %arg7[%swap3A_235], %broadcast_in_dim3A_3 {strides = array<i32>} : memref<1024xf32, #tpu.memory_space<vmem>>, vector<16xf32>,
    %swap3A_237 = arith.constant 624 : index
    %swap3A_238 = tpu.vector_load %arg5[%swap3A_237] {strides = array<i32>} : memref<1024xf32, #tpu.memory_space<vmem>>, vector<16xf32>,
    tpu.vector_store %arg5[%swap3A_237], %broadcast_in_dim3A_3 {strides = array<i32>} : memref<1024xf32, #tpu.memory_space<vmem>>, vector<16xf32>,
    %swap3A_239 = arith.constant 624 : index
    %swap3A_240 = tpu.vector_load %arg6[%swap3A_239] {strides = array<i32>} : memref<1024xf32, #tpu.memory_space<vmem>>, vector<16xf32>,
    tpu.vector_store %arg6[%swap3A_239], %broadcast_in_dim3A_3 {strides = array<i32>} : memref<1024xf32, #tpu.memory_space<vmem>>, vector<16xf32>,
    %swap3A_241 = arith.constant 624 : index
    %swap3A_242 = tpu.vector_load %arg7[%swap3A_241] {strides = array<i32>} : memref<1024xf32, #tpu.memory_space<vmem>>, vector<16xf32>,
    tpu.vector_store %arg7[%swap3A_241], %broadcast_in_dim3A_3 {strides = array<i32>} : memref<1024xf32, #tpu.memory_space<vmem>>, vector<16xf32>,
    %swap3A_243 = arith.constant 640 : index
    %swap3A_244 = tpu.vector_load %arg5[%swap3A_243] {strides = array<i32>} : memref<1024xf32, #tpu.memory_space<vmem>>, vector<16xf32>,
    tpu.vector_store %arg5[%swap3A_243], %broadcast_in_dim3A_3 {strides = array<i32>} : memref<1024xf32, #tpu.memory_space<vmem>>, vector<16xf32>,
    %swap3A_245 = arith.constant 640 : index
    %swap3A_246 = tpu.vector_load %arg6[%swap3A_245] {strides = array<i32>} : memref<1024xf32, #tpu.memory_space<vmem>>, vector<16xf32>,
    tpu.vector_store %arg6[%swap3A_245], %broadcast_in_dim3A_3 {strides = array<i32>} : memref<1024xf32, #tpu.memory_space<vmem>>, vector<16xf32>,
    %swap3A_247 = arith.constant 640 : index
    %swap3A_248 = tpu.vector_load %arg7[%swap3A_247] {strides = array<i32>} : memref<1024xf32, #tpu.memory_space<vmem>>, vector<16xf32>,
    tpu.vector_store %arg7[%swap3A_247], %broadcast_in_dim3A_3 {strides = array<i32>} : memref<1024xf32, #tpu.memory_space<vmem>>, vector<16xf32>,
    %swap3A_249 = arith.constant 656 : index
    %swap3A_250 = tpu.vector_load %arg5[%swap3A_249] {strides = array<i32>} : memref<1024xf32, #tpu.memory_space<vmem>>, vector<16xf32>,
    tpu.vector_store %arg5[%swap3A_249], %broadcast_in_dim3A_3 {strides = array<i32>} : memref<1024xf32, #tpu.memory_space<vmem>>, vector<16xf32>,
    %swap3A_251 = arith.constant 656 : index
    %swap3A_252 = tpu.vector_load %arg6[%swap3A_251] {strides = array<i32>} : memref<1024xf32, #tpu.memory_space<vmem>>, vector<16xf32>,
    tpu.vector_store %arg6[%swap3A_251], %broadcast_in_dim3A_3 {strides = array<i32>} : memref<1024xf32, #tpu.memory_space<vmem>>, vector<16xf32>,
    %swap3A_253 = arith.constant 656 : index
    %swap3A_254 = tpu.vector_load %arg7[%swap3A_253] {strides = array<i32>} : memref<1024xf32, #tpu.memory_space<vmem>>, vector<16xf32>,
    tpu.vector_store %arg7[%swap3A_253], %broadcast_in_dim3A_3 {strides = array<i32>} : memref<1024xf32, #tpu.memory_space<vmem>>, vector<16xf32>,
    %swap3A_255 = arith.constant 672 : index
    %swap3A_256 = tpu.vector_load %arg5[%swap3A_255] {strides = array<i32>} : memref<1024xf32, #tpu.memory_space<vmem>>, vector<16xf32>,
    tpu.vector_store %arg5[%swap3A_255], %broadcast_in_dim3A_3 {strides = array<i32>} : memref<1024xf32, #tpu.memory_space<vmem>>, vector<16xf32>,
    %swap3A_257 = arith.constant 672 : index
    %swap3A_258 = tpu.vector_load %arg6[%swap3A_257] {strides = array<i32>} : memref<1024xf32, #tpu.memory_space<vmem>>, vector<16xf32>,
    tpu.vector_store %arg6[%swap3A_257], %broadcast_in_dim3A_3 {strides = array<i32>} : memref<1024xf32, #tpu.memory_space<vmem>>, vector<16xf32>,
    %swap3A_259 = arith.constant 672 : index
    %swap3A_260 = tpu.vector_load %arg7[%swap3A_259] {strides = array<i32>} : memref<1024xf32, #tpu.memory_space<vmem>>, vector<16xf32>,
    tpu.vector_store %arg7[%swap3A_259], %broadcast_in_dim3A_3 {strides = array<i32>} : memref<1024xf32, #tpu.memory_space<vmem>>, vector<16xf32>,
    %swap3A_261 = arith.constant 688 : index
    %swap3A_262 = tpu.vector_load %arg5[%swap3A_261] {strides = array<i32>} : memref<1024xf32, #tpu.memory_space<vmem>>, vector<16xf32>,
    tpu.vector_store %arg5[%swap3A_261], %broadcast_in_dim3A_3 {strides = array<i32>} : memref<1024xf32, #tpu.memory_space<vmem>>, vector<16xf32>,
    %swap3A_263 = arith.constant 688 : index
    %swap3A_264 = tpu.vector_load %arg6[%swap3A_263] {strides = array<i32>} : memref<1024xf32, #tpu.memory_space<vmem>>, vector<16xf32>,
    tpu.vector_store %arg6[%swap3A_263], %broadcast_in_dim3A_3 {strides = array<i32>} : memref<1024xf32, #tpu.memory_space<vmem>>, vector<16xf32>,
    %swap3A_265 = arith.constant 688 : index
    %swap3A_266 = tpu.vector_load %arg7[%swap3A_265] {strides = array<i32>} : memref<1024xf32, #tpu.memory_space<vmem>>, vector<16xf32>,
    tpu.vector_store %arg7[%swap3A_265], %broadcast_in_dim3A_3 {strides = array<i32>} : memref<1024xf32, #tpu.memory_space<vmem>>, vector<16xf32>,
    %swap3A_267 = arith.constant 704 : index
    %swap3A_268 = tpu.vector_load %arg5[%swap3A_267] {strides = array<i32>} : memref<1024xf32, #tpu.memory_space<vmem>>, vector<16xf32>,
    tpu.vector_store %arg5[%swap3A_267], %broadcast_in_dim3A_3 {strides = array<i32>} : memref<1024xf32, #tpu.memory_space<vmem>>, vector<16xf32>,
    %swap3A_269 = arith.constant 704 : index
    %swap3A_270 = tpu.vector_load %arg6[%swap3A_269] {strides = array<i32>} : memref<1024xf32, #tpu.memory_space<vmem>>, vector<16xf32>,
    tpu.vector_store %arg6[%swap3A_269], %broadcast_in_dim3A_3 {strides = array<i32>} : memref<1024xf32, #tpu.memory_space<vmem>>, vector<16xf32>,
    %swap3A_271 = arith.constant 704 : index
    %swap3A_272 = tpu.vector_load %arg7[%swap3A_271] {strides = array<i32>} : memref<1024xf32, #tpu.memory_space<vmem>>, vector<16xf32>,
    tpu.vector_store %arg7[%swap3A_271], %broadcast_in_dim3A_3 {strides = array<i32>} : memref<1024xf32, #tpu.memory_space<vmem>>, vector<16xf32>,
    %swap3A_273 = arith.constant 720 : index
    %swap3A_274 = tpu.vector_load %arg5[%swap3A_273] {strides = array<i32>} : memref<1024xf32, #tpu.memory_space<vmem>>, vector<16xf32>,
    tpu.vector_store %arg5[%swap3A_273], %broadcast_in_dim3A_3 {strides = array<i32>} : memref<1024xf32, #tpu.memory_space<vmem>>, vector<16xf32>,
    %swap3A_275 = arith.constant 720 : index
    %swap3A_276 = tpu.vector_load %arg6[%swap3A_275] {strides = array<i32>} : memref<1024xf32, #tpu.memory_space<vmem>>, vector<16xf32>,
    tpu.vector_store %arg6[%swap3A_275], %broadcast_in_dim3A_3 {strides = array<i32>} : memref<1024xf32, #tpu.memory_space<vmem>>, vector<16xf32>,
    %swap3A_277 = arith.constant 720 : index
    %swap3A_278 = tpu.vector_load %arg7[%swap3A_277] {strides = array<i32>} : memref<1024xf32, #tpu.memory_space<vmem>>, vector<16xf32>,
    tpu.vector_store %arg7[%swap3A_277], %broadcast_in_dim3A_3 {strides = array<i32>} : memref<1024xf32, #tpu.memory_space<vmem>>, vector<16xf32>,
    %swap3A_279 = arith.constant 736 : index
    %swap3A_280 = tpu.vector_load %arg5[%swap3A_279] {strides = array<i32>} : memref<1024xf32, #tpu.memory_space<vmem>>, vector<16xf32>,
    tpu.vector_store %arg5[%swap3A_279], %broadcast_in_dim3A_3 {strides = array<i32>} : memref<1024xf32, #tpu.memory_space<vmem>>, vector<16xf32>,
    %swap3A_281 = arith.constant 736 : index
    %swap3A_282 = tpu.vector_load %arg6[%swap3A_281] {strides = array<i32>} : memref<1024xf32, #tpu.memory_space<vmem>>, vector<16xf32>,
    tpu.vector_store %arg6[%swap3A_281], %broadcast_in_dim3A_3 {strides = array<i32>} : memref<1024xf32, #tpu.memory_space<vmem>>, vector<16xf32>,
    %swap3A_283 = arith.constant 736 : index
    %swap3A_284 = tpu.vector_load %arg7[%swap3A_283] {strides = array<i32>} : memref<1024xf32, #tpu.memory_space<vmem>>, vector<16xf32>,
    tpu.vector_store %arg7[%swap3A_283], %broadcast_in_dim3A_3 {strides = array<i32>} : memref<1024xf32, #tpu.memory_space<vmem>>, vector<16xf32>,
    %swap3A_285 = arith.constant 752 : index
    %swap3A_286 = tpu.vector_load %arg5[%swap3A_285] {strides = array<i32>} : memref<1024xf32, #tpu.memory_space<vmem>>, vector<16xf32>,
    tpu.vector_store %arg5[%swap3A_285], %broadcast_in_dim3A_3 {strides = array<i32>} : memref<1024xf32, #tpu.memory_space<vmem>>, vector<16xf32>,
    %swap3A_287 = arith.constant 752 : index
    %swap3A_288 = tpu.vector_load %arg6[%swap3A_287] {strides = array<i32>} : memref<1024xf32, #tpu.memory_space<vmem>>, vector<16xf32>,
    tpu.vector_store %arg6[%swap3A_287], %broadcast_in_dim3A_3 {strides = array<i32>} : memref<1024xf32, #tpu.memory_space<vmem>>, vector<16xf32>,
    %swap3A_289 = arith.constant 752 : index
    %swap3A_290 = tpu.vector_load %arg7[%swap3A_289] {strides = array<i32>} : memref<1024xf32, #tpu.memory_space<vmem>>, vector<16xf32>,
    tpu.vector_store %arg7[%swap3A_289], %broadcast_in_dim3A_3 {strides = array<i32>} : memref<1024xf32, #tpu.memory_space<vmem>>, vector<16xf32>,
    %swap3A_291 = arith.constant 768 : index
    %swap3A_292 = tpu.vector_load %arg5[%swap3A_291] {strides = array<i32>} : memref<1024xf32, #tpu.memory_space<vmem>>, vector<16xf32>,
    tpu.vector_store %arg5[%swap3A_291], %broadcast_in_dim3A_3 {strides = array<i32>} : memref<1024xf32, #tpu.memory_space<vmem>>, vector<16xf32>,
    %swap3A_293 = arith.constant 768 : index
    %swap3A_294 = tpu.vector_load %arg6[%swap3A_293] {strides = array<i32>} : memref<1024xf32, #tpu.memory_space<vmem>>, vector<16xf32>,
    tpu.vector_store %arg6[%swap3A_293], %broadcast_in_dim3A_3 {strides = array<i32>} : memref<1024xf32, #tpu.memory_space<vmem>>, vector<16xf32>,
    %swap3A_295 = arith.constant 768 : index
    %swap3A_296 = tpu.vector_load %arg7[%swap3A_295] {strides = array<i32>} : memref<1024xf32, #tpu.memory_space<vmem>>, vector<16xf32>,
    tpu.vector_store %arg7[%swap3A_295], %broadcast_in_dim3A_3 {strides = array<i32>} : memref<1024xf32, #tpu.memory_space<vmem>>, vector<16xf32>,
    %swap3A_297 = arith.constant 784 : index
    %swap3A_298 = tpu.vector_load %arg5[%swap3A_297] {strides = array<i32>} : memref<1024xf32, #tpu.memory_space<vmem>>, vector<16xf32>,
    tpu.vector_store %arg5[%swap3A_297], %broadcast_in_dim3A_3 {strides = array<i32>} : memref<1024xf32, #tpu.memory_space<vmem>>, vector<16xf32>,
    %swap3A_299 = arith.constant 784 : index
    %swap3A_300 = tpu.vector_load %arg6[%swap3A_299] {strides = array<i32>} : memref<1024xf32, #tpu.memory_space<vmem>>, vector<16xf32>,
    tpu.vector_store %arg6[%swap3A_299], %broadcast_in_dim3A_3 {strides = array<i32>} : memref<1024xf32, #tpu.memory_space<vmem>>, vector<16xf32>,
    %swap3A_301 = arith.constant 784 : index
    %swap3A_302 = tpu.vector_load %arg7[%swap3A_301] {strides = array<i32>} : memref<1024xf32, #tpu.memory_space<vmem>>, vector<16xf32>,
    tpu.vector_store %arg7[%swap3A_301], %broadcast_in_dim3A_3 {strides = array<i32>} : memref<1024xf32, #tpu.memory_space<vmem>>, vector<16xf32>,
    %swap3A_303 = arith.constant 800 : index
    %swap3A_304 = tpu.vector_load %arg5[%swap3A_303] {strides = array<i32>} : memref<1024xf32, #tpu.memory_space<vmem>>, vector<16xf32>,
    tpu.vector_store %arg5[%swap3A_303], %broadcast_in_dim3A_3 {strides = array<i32>} : memref<1024xf32, #tpu.memory_space<vmem>>, vector<16xf32>,
    %swap3A_305 = arith.constant 800 : index
    %swap3A_306 = tpu.vector_load %arg6[%swap3A_305] {strides = array<i32>} : memref<1024xf32, #tpu.memory_space<vmem>>, vector<16xf32>,
    tpu.vector_store %arg6[%swap3A_305], %broadcast_in_dim3A_3 {strides = array<i32>} : memref<1024xf32, #tpu.memory_space<vmem>>, vector<16xf32>,
    %swap3A_307 = arith.constant 800 : index
    %swap3A_308 = tpu.vector_load %arg7[%swap3A_307] {strides = array<i32>} : memref<1024xf32, #tpu.memory_space<vmem>>, vector<16xf32>,
    tpu.vector_store %arg7[%swap3A_307], %broadcast_in_dim3A_3 {strides = array<i32>} : memref<1024xf32, #tpu.memory_space<vmem>>, vector<16xf32>,
    %swap3A_309 = arith.constant 816 : index
    %swap3A_310 = tpu.vector_load %arg5[%swap3A_309] {strides = array<i32>} : memref<1024xf32, #tpu.memory_space<vmem>>, vector<16xf32>,
    tpu.vector_store %arg5[%swap3A_309], %broadcast_in_dim3A_3 {strides = array<i32>} : memref<1024xf32, #tpu.memory_space<vmem>>, vector<16xf32>,
    %swap3A_311 = arith.constant 816 : index
    %swap3A_312 = tpu.vector_load %arg6[%swap3A_311] {strides = array<i32>} : memref<1024xf32, #tpu.memory_space<vmem>>, vector<16xf32>,
    tpu.vector_store %arg6[%swap3A_311], %broadcast_in_dim3A_3 {strides = array<i32>} : memref<1024xf32, #tpu.memory_space<vmem>>, vector<16xf32>,
    %swap3A_313 = arith.constant 816 : index
    %swap3A_314 = tpu.vector_load %arg7[%swap3A_313] {strides = array<i32>} : memref<1024xf32, #tpu.memory_space<vmem>>, vector<16xf32>,
    tpu.vector_store %arg7[%swap3A_313], %broadcast_in_dim3A_3 {strides = array<i32>} : memref<1024xf32, #tpu.memory_space<vmem>>, vector<16xf32>,
    %swap3A_315 = arith.constant 832 : index
    %swap3A_316 = tpu.vector_load %arg5[%swap3A_315] {strides = array<i32>} : memref<1024xf32, #tpu.memory_space<vmem>>, vector<16xf32>,
    tpu.vector_store %arg5[%swap3A_315], %broadcast_in_dim3A_3 {strides = array<i32>} : memref<1024xf32, #tpu.memory_space<vmem>>, vector<16xf32>,
    %swap3A_317 = arith.constant 832 : index
    %swap3A_318 = tpu.vector_load %arg6[%swap3A_317] {strides = array<i32>} : memref<1024xf32, #tpu.memory_space<vmem>>, vector<16xf32>,
    tpu.vector_store %arg6[%swap3A_317], %broadcast_in_dim3A_3 {strides = array<i32>} : memref<1024xf32, #tpu.memory_space<vmem>>, vector<16xf32>,
    %swap3A_319 = arith.constant 832 : index
    %swap3A_320 = tpu.vector_load %arg7[%swap3A_319] {strides = array<i32>} : memref<1024xf32, #tpu.memory_space<vmem>>, vector<16xf32>,
    tpu.vector_store %arg7[%swap3A_319], %broadcast_in_dim3A_3 {strides = array<i32>} : memref<1024xf32, #tpu.memory_space<vmem>>, vector<16xf32>,
    %swap3A_321 = arith.constant 848 : index
    %swap3A_322 = tpu.vector_load %arg5[%swap3A_321] {strides = array<i32>} : memref<1024xf32, #tpu.memory_space<vmem>>, vector<16xf32>,
    tpu.vector_store %arg5[%swap3A_321], %broadcast_in_dim3A_3 {strides = array<i32>} : memref<1024xf32, #tpu.memory_space<vmem>>, vector<16xf32>,
    %swap3A_323 = arith.constant 848 : index
    %swap3A_324 = tpu.vector_load %arg6[%swap3A_323] {strides = array<i32>} : memref<1024xf32, #tpu.memory_space<vmem>>, vector<16xf32>,
    tpu.vector_store %arg6[%swap3A_323], %broadcast_in_dim3A_3 {strides = array<i32>} : memref<1024xf32, #tpu.memory_space<vmem>>, vector<16xf32>,
    %swap3A_325 = arith.constant 848 : index
    %swap3A_326 = tpu.vector_load %arg7[%swap3A_325] {strides = array<i32>} : memref<1024xf32, #tpu.memory_space<vmem>>, vector<16xf32>,
    tpu.vector_store %arg7[%swap3A_325], %broadcast_in_dim3A_3 {strides = array<i32>} : memref<1024xf32, #tpu.memory_space<vmem>>, vector<16xf32>,
    %swap3A_327 = arith.constant 864 : index
    %swap3A_328 = tpu.vector_load %arg5[%swap3A_327] {strides = array<i32>} : memref<1024xf32, #tpu.memory_space<vmem>>, vector<16xf32>,
    tpu.vector_store %arg5[%swap3A_327], %broadcast_in_dim3A_3 {strides = array<i32>} : memref<1024xf32, #tpu.memory_space<vmem>>, vector<16xf32>,
    %swap3A_329 = arith.constant 864 : index
    %swap3A_330 = tpu.vector_load %arg6[%swap3A_329] {strides = array<i32>} : memref<1024xf32, #tpu.memory_space<vmem>>, vector<16xf32>,
    tpu.vector_store %arg6[%swap3A_329], %broadcast_in_dim3A_3 {strides = array<i32>} : memref<1024xf32, #tpu.memory_space<vmem>>, vector<16xf32>,
    %swap3A_331 = arith.constant 864 : index
    %swap3A_332 = tpu.vector_load %arg7[%swap3A_331] {strides = array<i32>} : memref<1024xf32, #tpu.memory_space<vmem>>, vector<16xf32>,
    tpu.vector_store %arg7[%swap3A_331], %broadcast_in_dim3A_3 {strides = array<i32>} : memref<1024xf32, #tpu.memory_space<vmem>>, vector<16xf32>,
    %swap3A_333 = arith.constant 880 : index
    %swap3A_334 = tpu.vector_load %arg5[%swap3A_333] {strides = array<i32>} : memref<1024xf32, #tpu.memory_space<vmem>>, vector<16xf32>,
    tpu.vector_store %arg5[%swap3A_333], %broadcast_in_dim3A_3 {strides = array<i32>} : memref<1024xf32, #tpu.memory_space<vmem>>, vector<16xf32>,
    %swap3A_335 = arith.constant 880 : index
    %swap3A_336 = tpu.vector_load %arg6[%swap3A_335] {strides = array<i32>} : memref<1024xf32, #tpu.memory_space<vmem>>, vector<16xf32>,
    tpu.vector_store %arg6[%swap3A_335], %broadcast_in_dim3A_3 {strides = array<i32>} : memref<1024xf32, #tpu.memory_space<vmem>>, vector<16xf32>,
    %swap3A_337 = arith.constant 880 : index
    %swap3A_338 = tpu.vector_load %arg7[%swap3A_337] {strides = array<i32>} : memref<1024xf32, #tpu.memory_space<vmem>>, vector<16xf32>,
    tpu.vector_store %arg7[%swap3A_337], %broadcast_in_dim3A_3 {strides = array<i32>} : memref<1024xf32, #tpu.memory_space<vmem>>, vector<16xf32>,
    %swap3A_339 = arith.constant 896 : index
    %swap3A_340 = tpu.vector_load %arg5[%swap3A_339] {strides = array<i32>} : memref<1024xf32, #tpu.memory_space<vmem>>, vector<16xf32>,
    tpu.vector_store %arg5[%swap3A_339], %broadcast_in_dim3A_3 {strides = array<i32>} : memref<1024xf32, #tpu.memory_space<vmem>>, vector<16xf32>,
    %swap3A_341 = arith.constant 896 : index
    %swap3A_342 = tpu.vector_load %arg6[%swap3A_341] {strides = array<i32>} : memref<1024xf32, #tpu.memory_space<vmem>>, vector<16xf32>,
    tpu.vector_store %arg6[%swap3A_341], %broadcast_in_dim3A_3 {strides = array<i32>} : memref<1024xf32, #tpu.memory_space<vmem>>, vector<16xf32>,
    %swap3A_343 = arith.constant 896 : index
    %swap3A_344 = tpu.vector_load %arg7[%swap3A_343] {strides = array<i32>} : memref<1024xf32, #tpu.memory_space<vmem>>, vector<16xf32>,
    tpu.vector_store %arg7[%swap3A_343], %broadcast_in_dim3A_3 {strides = array<i32>} : memref<1024xf32, #tpu.memory_space<vmem>>, vector<16xf32>,
    %swap3A_345 = arith.constant 912 : index
    %swap3A_346 = tpu.vector_load %arg5[%swap3A_345] {strides = array<i32>} : memref<1024xf32, #tpu.memory_space<vmem>>, vector<16xf32>,
    tpu.vector_store %arg5[%swap3A_345], %broadcast_in_dim3A_3 {strides = array<i32>} : memref<1024xf32, #tpu.memory_space<vmem>>, vector<16xf32>,
    %swap3A_347 = arith.constant 912 : index
    %swap3A_348 = tpu.vector_load %arg6[%swap3A_347] {strides = array<i32>} : memref<1024xf32, #tpu.memory_space<vmem>>, vector<16xf32>,
    tpu.vector_store %arg6[%swap3A_347], %broadcast_in_dim3A_3 {strides = array<i32>} : memref<1024xf32, #tpu.memory_space<vmem>>, vector<16xf32>,
    %swap3A_349 = arith.constant 912 : index
    %swap3A_350 = tpu.vector_load %arg7[%swap3A_349] {strides = array<i32>} : memref<1024xf32, #tpu.memory_space<vmem>>, vector<16xf32>,
    tpu.vector_store %arg7[%swap3A_349], %broadcast_in_dim3A_3 {strides = array<i32>} : memref<1024xf32, #tpu.memory_space<vmem>>, vector<16xf32>,
    %swap3A_351 = arith.constant 928 : index
    %swap3A_352 = tpu.vector_load %arg5[%swap3A_351] {strides = array<i32>} : memref<1024xf32, #tpu.memory_space<vmem>>, vector<16xf32>,
    tpu.vector_store %arg5[%swap3A_351], %broadcast_in_dim3A_3 {strides = array<i32>} : memref<1024xf32, #tpu.memory_space<vmem>>, vector<16xf32>,
    %swap3A_353 = arith.constant 928 : index
    %swap3A_354 = tpu.vector_load %arg6[%swap3A_353] {strides = array<i32>} : memref<1024xf32, #tpu.memory_space<vmem>>, vector<16xf32>,
    tpu.vector_store %arg6[%swap3A_353], %broadcast_in_dim3A_3 {strides = array<i32>} : memref<1024xf32, #tpu.memory_space<vmem>>, vector<16xf32>,
    %swap3A_355 = arith.constant 928 : index
    %swap3A_356 = tpu.vector_load %arg7[%swap3A_355] {strides = array<i32>} : memref<1024xf32, #tpu.memory_space<vmem>>, vector<16xf32>,
    tpu.vector_store %arg7[%swap3A_355], %broadcast_in_dim3A_3 {strides = array<i32>} : memref<1024xf32, #tpu.memory_space<vmem>>, vector<16xf32>,
    %swap3A_357 = arith.constant 944 : index
    %swap3A_358 = tpu.vector_load %arg5[%swap3A_357] {strides = array<i32>} : memref<1024xf32, #tpu.memory_space<vmem>>, vector<16xf32>,
    tpu.vector_store %arg5[%swap3A_357], %broadcast_in_dim3A_3 {strides = array<i32>} : memref<1024xf32, #tpu.memory_space<vmem>>, vector<16xf32>,
    %swap3A_359 = arith.constant 944 : index
    %swap3A_360 = tpu.vector_load %arg6[%swap3A_359] {strides = array<i32>} : memref<1024xf32, #tpu.memory_space<vmem>>, vector<16xf32>,
    tpu.vector_store %arg6[%swap3A_359], %broadcast_in_dim3A_3 {strides = array<i32>} : memref<1024xf32, #tpu.memory_space<vmem>>, vector<16xf32>,
    %swap3A_361 = arith.constant 944 : index
    %swap3A_362 = tpu.vector_load %arg7[%swap3A_361] {strides = array<i32>} : memref<1024xf32, #tpu.memory_space<vmem>>, vector<16xf32>,
    tpu.vector_store %arg7[%swap3A_361], %broadcast_in_dim3A_3 {strides = array<i32>} : memref<1024xf32, #tpu.memory_space<vmem>>, vector<16xf32>,
    %swap3A_363 = arith.constant 960 : index
    %swap3A_364 = tpu.vector_load %arg5[%swap3A_363] {strides = array<i32>} : memref<1024xf32, #tpu.memory_space<vmem>>, vector<16xf32>,
    tpu.vector_store %arg5[%swap3A_363], %broadcast_in_dim3A_3 {strides = array<i32>} : memref<1024xf32, #tpu.memory_space<vmem>>, vector<16xf32>,
    %swap3A_365 = arith.constant 960 : index
    %swap3A_366 = tpu.vector_load %arg6[%swap3A_365] {strides = array<i32>} : memref<1024xf32, #tpu.memory_space<vmem>>, vector<16xf32>,
    tpu.vector_store %arg6[%swap3A_365], %broadcast_in_dim3A_3 {strides = array<i32>} : memref<1024xf32, #tpu.memory_space<vmem>>, vector<16xf32>,
    %swap3A_367 = arith.constant 960 : index
    %swap3A_368 = tpu.vector_load %arg7[%swap3A_367] {strides = array<i32>} : memref<1024xf32, #tpu.memory_space<vmem>>, vector<16xf32>,
    tpu.vector_store %arg7[%swap3A_367], %broadcast_in_dim3A_3 {strides = array<i32>} : memref<1024xf32, #tpu.memory_space<vmem>>, vector<16xf32>,
    %swap3A_369 = arith.constant 976 : index
    %swap3A_370 = tpu.vector_load %arg5[%swap3A_369] {strides = array<i32>} : memref<1024xf32, #tpu.memory_space<vmem>>, vector<16xf32>,
    tpu.vector_store %arg5[%swap3A_369], %broadcast_in_dim3A_3 {strides = array<i32>} : memref<1024xf32, #tpu.memory_space<vmem>>, vector<16xf32>,
    %swap3A_371 = arith.constant 976 : index
    %swap3A_372 = tpu.vector_load %arg6[%swap3A_371] {strides = array<i32>} : memref<1024xf32, #tpu.memory_space<vmem>>, vector<16xf32>,
    tpu.vector_store %arg6[%swap3A_371], %broadcast_in_dim3A_3 {strides = array<i32>} : memref<1024xf32, #tpu.memory_space<vmem>>, vector<16xf32>,
    %swap3A_373 = arith.constant 976 : index
    %swap3A_374 = tpu.vector_load %arg7[%swap3A_373] {strides = array<i32>} : memref<1024xf32, #tpu.memory_space<vmem>>, vector<16xf32>,
    tpu.vector_store %arg7[%swap3A_373], %broadcast_in_dim3A_3 {strides = array<i32>} : memref<1024xf32, #tpu.memory_space<vmem>>, vector<16xf32>,
    %swap3A_375 = arith.constant 992 : index
    %swap3A_376 = tpu.vector_load %arg5[%swap3A_375] {strides = array<i32>} : memref<1024xf32, #tpu.memory_space<vmem>>, vector<16xf32>,
    tpu.vector_store %arg5[%swap3A_375], %broadcast_in_dim3A_3 {strides = array<i32>} : memref<1024xf32, #tpu.memory_space<vmem>>, vector<16xf32>,
    %swap3A_377 = arith.constant 992 : index
    %swap3A_378 = tpu.vector_load %arg6[%swap3A_377] {strides = array<i32>} : memref<1024xf32, #tpu.memory_space<vmem>>, vector<16xf32>,
    tpu.vector_store %arg6[%swap3A_377], %broadcast_in_dim3A_3 {strides = array<i32>} : memref<1024xf32, #tpu.memory_space<vmem>>, vector<16xf32>,
    %swap3A_379 = arith.constant 992 : index
    %swap3A_380 = tpu.vector_load %arg7[%swap3A_379] {strides = array<i32>} : memref<1024xf32, #tpu.memory_space<vmem>>, vector<16xf32>,
    tpu.vector_store %arg7[%swap3A_379], %broadcast_in_dim3A_3 {strides = array<i32>} : memref<1024xf32, #tpu.memory_space<vmem>>, vector<16xf32>,
    %swap3A_381 = arith.constant 1008 : index
    %swap3A_382 = tpu.vector_load %arg5[%swap3A_381] {strides = array<i32>} : memref<1024xf32, #tpu.memory_space<vmem>>, vector<16xf32>,
    tpu.vector_store %arg5[%swap3A_381], %broadcast_in_dim3A_3 {strides = array<i32>} : memref<1024xf32, #tpu.memory_space<vmem>>, vector<16xf32>,
    %swap3A_383 = arith.constant 1008 : index
    %swap3A_384 = tpu.vector_load %arg6[%swap3A_383] {strides = array<i32>} : memref<1024xf32, #tpu.memory_space<vmem>>, vector<16xf32>,
    tpu.vector_store %arg6[%swap3A_383], %broadcast_in_dim3A_3 {strides = array<i32>} : memref<1024xf32, #tpu.memory_space<vmem>>, vector<16xf32>,
    %swap3A_385 = arith.constant 1008 : index
    %swap3A_386 = tpu.vector_load %arg7[%swap3A_385] {strides = array<i32>} : memref<1024xf32, #tpu.memory_space<vmem>>, vector<16xf32>,
    tpu.vector_store %arg7[%swap3A_385], %broadcast_in_dim3A_3 {strides = array<i32>} : memref<1024xf32, #tpu.memory_space<vmem>>, vector<16xf32>,
    %iota3A = tpu.iota {dimensions = array<i32: 0>} : vector<16xi32>
    %mul3A_387 = arith.constant 16 : i32
    %mul3A_388 = vector.broadcast %mul3A_387 : i32 to vector<16xi32>
    %mul3A_389 = arith.muli %iota3A, %mul3A_388 : vector<16xi32>
    %broadcast_in_dim3A_390 = arith.constant 1.000000e+00 : f32
    %broadcast_in_dim3A_391 = vector.broadcast %broadcast_in_dim3A_390 : f32 to vector<16xf32>
    %scan3A = arith.constant 0 : i32
    %scan3A_392 = arith.constant 1.500000e+01 : f32
    %scan3A_393 = arith.constant 0 : i32
    %scan3A_394 = arith.constant 64 : i32
    %scan3A_395 = arith.addi %scan3A_393, %scan3A_394 : i32
    %scan3A_396 = arith.constant 1 : i32
    scf.for %scan3A_980 = %scan3A_393 to %scan3A_395 step %scan3A_396  : i32 {
      %mul3A_981 = arith.constant 4 : i32
      %mul3A_982 = arith.muli %scan3A_980, %mul3A_981 : i32
      %add3A_983 = arith.constant 0 : i32
      %add3A_984 = arith.addi %mul3A_982, %add3A_983 : i32
      %mul3A_985 = arith.constant 16 : i32
      %mul3A_986 = arith.muli %add3A_984, %mul3A_985 : i32
      %get3A_987 = arith.index_cast %mul3A_986 : i32 to index
      %get3A_988 = tpu.vector_load %arg4[%get3A_987] {strides = array<i32>} : memref<4096xf32, #tpu.memory_space<vmem>>, vector<16xf32>,
      %abs3A = math.absf %get3A_988 : vector<16xf32>
      %lt3A = arith.constant 0.000000e+00 : f32
      %lt3A_989 = vector.broadcast %lt3A : f32 to vector<16xf32>
      %lt3A_990 = arith.cmpf olt, %get3A_988, %lt3A_989 : vector<16xf32>
      %jit3A = arith.constant 1.000000e+00 : f32
      %jit3A_991 = arith.constant 0.000000e+00 : f32
      %broadcast_in_dim3A_992 = vector.broadcast %jit3A : f32 to vector<16xf32>
      %broadcast_in_dim3A_993 = vector.broadcast %jit3A_991 : f32 to vector<16xf32>
      %select_n3A = arith.select %lt3A_990, %broadcast_in_dim3A_992, %broadcast_in_dim3A_993 : vector<16xi1>, vector<16xf32>
      %mul3A_994 = vector.broadcast %scan3A_392 : f32 to vector<16xf32>
      %mul3A_995 = arith.mulf %abs3A, %mul3A_994 : vector<16xf32>
      %convert_element_type3A_996 = arith.fptosi %mul3A_995 : vector<16xf32> to vector<16xi32>
      %convert_element_type3A_997 = arith.sitofp %convert_element_type3A_996 : vector<16xi32> to vector<16xf32>
      %eq3A_998 = arith.cmpf oeq, %convert_element_type3A_997, %mul3A_995 : vector<16xf32>
      %jit3A_999 = arith.constant 1 : i32
      %jit3A_1000 = arith.constant 0 : i32
      %broadcast_in_dim3A_1001 = vector.broadcast %jit3A_999 : i32 to vector<16xi32>
      %broadcast_in_dim3A_1002 = vector.broadcast %jit3A_1000 : i32 to vector<16xi32>
      %select_n3A_1003 = arith.select %eq3A_998, %broadcast_in_dim3A_1001, %broadcast_in_dim3A_1002 : vector<16xi1>, vector<16xi32>
      %sub3A = arith.subi %convert_element_type3A_996, %select_n3A_1003 : vector<16xi32>
      %jit3A_1004 = arith.constant 0 : i32
      %jit3A_1005 = arith.constant 14 : i32
      %max3A = vector.broadcast %jit3A_1004 : i32 to vector<16xi32>
      %max3A_1006 = arith.maxsi %max3A, %sub3A : vector<16xi32>
      %min3A = vector.broadcast %jit3A_1005 : i32 to vector<16xi32>
      %min3A_1007 = arith.minsi %min3A, %max3A_1006 : vector<16xi32>
      %add3A_1008 = arith.addi %mul3A_389, %min3A_1007 : vector<16xi32>
      %add3A_1009 = arith.constant 0 : i32
      %add3A_1010 = vector.broadcast %add3A_1009 : i32 to vector<16xi32>
      %add3A_1011 = arith.addi %add3A_1008, %add3A_1010 : vector<16xi32>
      tpu.vector_store_idx %arg5[%add3A_1011], %broadcast_in_dim3A_391 {add = true} : memref<1024xf32, #tpu.memory_space<vmem>>[vector<16xi32>], vector<16xf32>,
      tpu.vector_store_idx %arg6[%add3A_1011], %select_n3A {add = true} : memref<1024xf32, #tpu.memory_space<vmem>>[vector<16xi32>], vector<16xf32>,
      tpu.vector_store_idx %arg7[%add3A_1011], %abs3A {add = true} : memref<1024xf32, #tpu.memory_space<vmem>>[vector<16xi32>], vector<16xf32>,
      %mul3A_1012 = arith.constant 4 : i32
      %mul3A_1013 = arith.muli %scan3A_980, %mul3A_1012 : i32
      %add3A_1014 = arith.constant 1 : i32
      %add3A_1015 = arith.addi %mul3A_1013, %add3A_1014 : i32
      %mul3A_1016 = arith.constant 16 : i32
      %mul3A_1017 = arith.muli %add3A_1015, %mul3A_1016 : i32
      %get3A_1018 = arith.index_cast %mul3A_1017 : i32 to index
      %get3A_1019 = tpu.vector_load %arg4[%get3A_1018] {strides = array<i32>} : memref<4096xf32, #tpu.memory_space<vmem>>, vector<16xf32>,
      %abs3A_1020 = math.absf %get3A_1019 : vector<16xf32>
      %lt3A_1021 = arith.constant 0.000000e+00 : f32
      %lt3A_1022 = vector.broadcast %lt3A_1021 : f32 to vector<16xf32>
      %lt3A_1023 = arith.cmpf olt, %get3A_1019, %lt3A_1022 : vector<16xf32>
      %jit3A_1024 = arith.constant 1.000000e+00 : f32
      %jit3A_1025 = arith.constant 0.000000e+00 : f32
      %broadcast_in_dim3A_1026 = vector.broadcast %jit3A_1024 : f32 to vector<16xf32>
      %broadcast_in_dim3A_1027 = vector.broadcast %jit3A_1025 : f32 to vector<16xf32>
      %select_n3A_1028 = arith.select %lt3A_1023, %broadcast_in_dim3A_1026, %broadcast_in_dim3A_1027 : vector<16xi1>, vector<16xf32>
      %mul3A_1029 = vector.broadcast %scan3A_392 : f32 to vector<16xf32>
      %mul3A_1030 = arith.mulf %abs3A_1020, %mul3A_1029 : vector<16xf32>
      %convert_element_type3A_1031 = arith.fptosi %mul3A_1030 : vector<16xf32> to vector<16xi32>
      %convert_element_type3A_1032 = arith.sitofp %convert_element_type3A_1031 : vector<16xi32> to vector<16xf32>
      %eq3A_1033 = arith.cmpf oeq, %convert_element_type3A_1032, %mul3A_1030 : vector<16xf32>
      %jit3A_1034 = arith.constant 1 : i32
      %jit3A_1035 = arith.constant 0 : i32
      %broadcast_in_dim3A_1036 = vector.broadcast %jit3A_1034 : i32 to vector<16xi32>
      %broadcast_in_dim3A_1037 = vector.broadcast %jit3A_1035 : i32 to vector<16xi32>
      %select_n3A_1038 = arith.select %eq3A_1033, %broadcast_in_dim3A_1036, %broadcast_in_dim3A_1037 : vector<16xi1>, vector<16xi32>
      %sub3A_1039 = arith.subi %convert_element_type3A_1031, %select_n3A_1038 : vector<16xi32>
      %jit3A_1040 = arith.constant 0 : i32
      %jit3A_1041 = arith.constant 14 : i32
      %max3A_1042 = vector.broadcast %jit3A_1040 : i32 to vector<16xi32>
      %max3A_1043 = arith.maxsi %max3A_1042, %sub3A_1039 : vector<16xi32>
      %min3A_1044 = vector.broadcast %jit3A_1041 : i32 to vector<16xi32>
      %min3A_1045 = arith.minsi %min3A_1044, %max3A_1043 : vector<16xi32>
      %add3A_1046 = arith.addi %mul3A_389, %min3A_1045 : vector<16xi32>
      %add3A_1047 = arith.constant 256 : i32
      %add3A_1048 = vector.broadcast %add3A_1047 : i32 to vector<16xi32>
      %add3A_1049 = arith.addi %add3A_1046, %add3A_1048 : vector<16xi32>
      tpu.vector_store_idx %arg5[%add3A_1049], %broadcast_in_dim3A_391 {add = true} : memref<1024xf32, #tpu.memory_space<vmem>>[vector<16xi32>], vector<16xf32>,
      tpu.vector_store_idx %arg6[%add3A_1049], %select_n3A_1028 {add = true} : memref<1024xf32, #tpu.memory_space<vmem>>[vector<16xi32>], vector<16xf32>,
      tpu.vector_store_idx %arg7[%add3A_1049], %abs3A_1020 {add = true} : memref<1024xf32, #tpu.memory_space<vmem>>[vector<16xi32>], vector<16xf32>,
      %mul3A_1050 = arith.constant 4 : i32
      %mul3A_1051 = arith.muli %scan3A_980, %mul3A_1050 : i32
      %add3A_1052 = arith.constant 2 : i32
      %add3A_1053 = arith.addi %mul3A_1051, %add3A_1052 : i32
      %mul3A_1054 = arith.constant 16 : i32
      %mul3A_1055 = arith.muli %add3A_1053, %mul3A_1054 : i32
      %get3A_1056 = arith.index_cast %mul3A_1055 : i32 to index
      %get3A_1057 = tpu.vector_load %arg4[%get3A_1056] {strides = array<i32>} : memref<4096xf32, #tpu.memory_space<vmem>>, vector<16xf32>,
      %abs3A_1058 = math.absf %get3A_1057 : vector<16xf32>
      %lt3A_1059 = arith.constant 0.000000e+00 : f32
      %lt3A_1060 = vector.broadcast %lt3A_1059 : f32 to vector<16xf32>
      %lt3A_1061 = arith.cmpf olt, %get3A_1057, %lt3A_1060 : vector<16xf32>
      %jit3A_1062 = arith.constant 1.000000e+00 : f32
      %jit3A_1063 = arith.constant 0.000000e+00 : f32
      %broadcast_in_dim3A_1064 = vector.broadcast %jit3A_1062 : f32 to vector<16xf32>
      %broadcast_in_dim3A_1065 = vector.broadcast %jit3A_1063 : f32 to vector<16xf32>
      %select_n3A_1066 = arith.select %lt3A_1061, %broadcast_in_dim3A_1064, %broadcast_in_dim3A_1065 : vector<16xi1>, vector<16xf32>
      %mul3A_1067 = vector.broadcast %scan3A_392 : f32 to vector<16xf32>
      %mul3A_1068 = arith.mulf %abs3A_1058, %mul3A_1067 : vector<16xf32>
      %convert_element_type3A_1069 = arith.fptosi %mul3A_1068 : vector<16xf32> to vector<16xi32>
      %convert_element_type3A_1070 = arith.sitofp %convert_element_type3A_1069 : vector<16xi32> to vector<16xf32>
      %eq3A_1071 = arith.cmpf oeq, %convert_element_type3A_1070, %mul3A_1068 : vector<16xf32>
      %jit3A_1072 = arith.constant 1 : i32
      %jit3A_1073 = arith.constant 0 : i32
      %broadcast_in_dim3A_1074 = vector.broadcast %jit3A_1072 : i32 to vector<16xi32>
      %broadcast_in_dim3A_1075 = vector.broadcast %jit3A_1073 : i32 to vector<16xi32>
      %select_n3A_1076 = arith.select %eq3A_1071, %broadcast_in_dim3A_1074, %broadcast_in_dim3A_1075 : vector<16xi1>, vector<16xi32>
      %sub3A_1077 = arith.subi %convert_element_type3A_1069, %select_n3A_1076 : vector<16xi32>
      %jit3A_1078 = arith.constant 0 : i32
      %jit3A_1079 = arith.constant 14 : i32
      %max3A_1080 = vector.broadcast %jit3A_1078 : i32 to vector<16xi32>
      %max3A_1081 = arith.maxsi %max3A_1080, %sub3A_1077 : vector<16xi32>
      %min3A_1082 = vector.broadcast %jit3A_1079 : i32 to vector<16xi32>
      %min3A_1083 = arith.minsi %min3A_1082, %max3A_1081 : vector<16xi32>
      %add3A_1084 = arith.addi %mul3A_389, %min3A_1083 : vector<16xi32>
      %add3A_1085 = arith.constant 512 : i32
      %add3A_1086 = vector.broadcast %add3A_1085 : i32 to vector<16xi32>
      %add3A_1087 = arith.addi %add3A_1084, %add3A_1086 : vector<16xi32>
      tpu.vector_store_idx %arg5[%add3A_1087], %broadcast_in_dim3A_391 {add = true} : memref<1024xf32, #tpu.memory_space<vmem>>[vector<16xi32>], vector<16xf32>,
      tpu.vector_store_idx %arg6[%add3A_1087], %select_n3A_1066 {add = true} : memref<1024xf32, #tpu.memory_space<vmem>>[vector<16xi32>], vector<16xf32>,
      tpu.vector_store_idx %arg7[%add3A_1087], %abs3A_1058 {add = true} : memref<1024xf32, #tpu.memory_space<vmem>>[vector<16xi32>], vector<16xf32>,
      %mul3A_1088 = arith.constant 4 : i32
      %mul3A_1089 = arith.muli %scan3A_980, %mul3A_1088 : i32
      %add3A_1090 = arith.constant 3 : i32
      %add3A_1091 = arith.addi %mul3A_1089, %add3A_1090 : i32
      %mul3A_1092 = arith.constant 16 : i32
      %mul3A_1093 = arith.muli %add3A_1091, %mul3A_1092 : i32
      %get3A_1094 = arith.index_cast %mul3A_1093 : i32 to index
      %get3A_1095 = tpu.vector_load %arg4[%get3A_1094] {strides = array<i32>} : memref<4096xf32, #tpu.memory_space<vmem>>, vector<16xf32>,
      %abs3A_1096 = math.absf %get3A_1095 : vector<16xf32>
      %lt3A_1097 = arith.constant 0.000000e+00 : f32
      %lt3A_1098 = vector.broadcast %lt3A_1097 : f32 to vector<16xf32>
      %lt3A_1099 = arith.cmpf olt, %get3A_1095, %lt3A_1098 : vector<16xf32>
      %jit3A_1100 = arith.constant 1.000000e+00 : f32
      %jit3A_1101 = arith.constant 0.000000e+00 : f32
      %broadcast_in_dim3A_1102 = vector.broadcast %jit3A_1100 : f32 to vector<16xf32>
      %broadcast_in_dim3A_1103 = vector.broadcast %jit3A_1101 : f32 to vector<16xf32>
      %select_n3A_1104 = arith.select %lt3A_1099, %broadcast_in_dim3A_1102, %broadcast_in_dim3A_1103 : vector<16xi1>, vector<16xf32>
      %mul3A_1105 = vector.broadcast %scan3A_392 : f32 to vector<16xf32>
      %mul3A_1106 = arith.mulf %abs3A_1096, %mul3A_1105 : vector<16xf32>
      %convert_element_type3A_1107 = arith.fptosi %mul3A_1106 : vector<16xf32> to vector<16xi32>
      %convert_element_type3A_1108 = arith.sitofp %convert_element_type3A_1107 : vector<16xi32> to vector<16xf32>
      %eq3A_1109 = arith.cmpf oeq, %convert_element_type3A_1108, %mul3A_1106 : vector<16xf32>
      %jit3A_1110 = arith.constant 1 : i32
      %jit3A_1111 = arith.constant 0 : i32
      %broadcast_in_dim3A_1112 = vector.broadcast %jit3A_1110 : i32 to vector<16xi32>
      %broadcast_in_dim3A_1113 = vector.broadcast %jit3A_1111 : i32 to vector<16xi32>
      %select_n3A_1114 = arith.select %eq3A_1109, %broadcast_in_dim3A_1112, %broadcast_in_dim3A_1113 : vector<16xi1>, vector<16xi32>
      %sub3A_1115 = arith.subi %convert_element_type3A_1107, %select_n3A_1114 : vector<16xi32>
      %jit3A_1116 = arith.constant 0 : i32
      %jit3A_1117 = arith.constant 14 : i32
      %max3A_1118 = vector.broadcast %jit3A_1116 : i32 to vector<16xi32>
      %max3A_1119 = arith.maxsi %max3A_1118, %sub3A_1115 : vector<16xi32>
      %min3A_1120 = vector.broadcast %jit3A_1117 : i32 to vector<16xi32>
      %min3A_1121 = arith.minsi %min3A_1120, %max3A_1119 : vector<16xi32>
      %add3A_1122 = arith.addi %mul3A_389, %min3A_1121 : vector<16xi32>
      %add3A_1123 = arith.constant 768 : i32
      %add3A_1124 = vector.broadcast %add3A_1123 : i32 to vector<16xi32>
      %add3A_1125 = arith.addi %add3A_1122, %add3A_1124 : vector<16xi32>
      tpu.vector_store_idx %arg5[%add3A_1125], %broadcast_in_dim3A_391 {add = true} : memref<1024xf32, #tpu.memory_space<vmem>>[vector<16xi32>], vector<16xf32>,
      tpu.vector_store_idx %arg6[%add3A_1125], %select_n3A_1104 {add = true} : memref<1024xf32, #tpu.memory_space<vmem>>[vector<16xi32>], vector<16xf32>,
      tpu.vector_store_idx %arg7[%add3A_1125], %abs3A_1096 {add = true} : memref<1024xf32, #tpu.memory_space<vmem>>[vector<16xi32>], vector<16xf32>,
    }
    %scan3A_397 = arith.constant 64 : i32
    %get3A = arith.constant 0 : index
    %get3A_398 = tpu.vector_load %arg5[%get3A] {strides = array<i32>} : memref<1024xf32, #tpu.memory_space<vmem>>, vector<16xf32>,
    %get3A_399 = arith.constant 0 : index
    %get3A_400 = tpu.vector_load %arg6[%get3A_399] {strides = array<i32>} : memref<1024xf32, #tpu.memory_space<vmem>>, vector<16xf32>,
    %get3A_401 = arith.constant 0 : index
    %get3A_402 = tpu.vector_load %arg7[%get3A_401] {strides = array<i32>} : memref<1024xf32, #tpu.memory_space<vmem>>, vector<16xf32>,
    %get3A_403 = arith.constant 16 : index
    %get3A_404 = tpu.vector_load %arg5[%get3A_403] {strides = array<i32>} : memref<1024xf32, #tpu.memory_space<vmem>>, vector<16xf32>,
    %add3A_405 = arith.addf %get3A_398, %get3A_404 : vector<16xf32>
    %get3A_406 = arith.constant 16 : index
    %get3A_407 = tpu.vector_load %arg6[%get3A_406] {strides = array<i32>} : memref<1024xf32, #tpu.memory_space<vmem>>, vector<16xf32>,
    %add3A_408 = arith.addf %get3A_400, %get3A_407 : vector<16xf32>
    %get3A_409 = arith.constant 16 : index
    %get3A_410 = tpu.vector_load %arg7[%get3A_409] {strides = array<i32>} : memref<1024xf32, #tpu.memory_space<vmem>>, vector<16xf32>,
    %add3A_411 = arith.addf %get3A_402, %get3A_410 : vector<16xf32>
    %get3A_412 = arith.constant 32 : index
    %get3A_413 = tpu.vector_load %arg5[%get3A_412] {strides = array<i32>} : memref<1024xf32, #tpu.memory_space<vmem>>, vector<16xf32>,
    %add3A_414 = arith.addf %add3A_405, %get3A_413 : vector<16xf32>
    %get3A_415 = arith.constant 32 : index
    %get3A_416 = tpu.vector_load %arg6[%get3A_415] {strides = array<i32>} : memref<1024xf32, #tpu.memory_space<vmem>>, vector<16xf32>,
    %add3A_417 = arith.addf %add3A_408, %get3A_416 : vector<16xf32>
    %get3A_418 = arith.constant 32 : index
    %get3A_419 = tpu.vector_load %arg7[%get3A_418] {strides = array<i32>} : memref<1024xf32, #tpu.memory_space<vmem>>, vector<16xf32>,
    %add3A_420 = arith.addf %add3A_411, %get3A_419 : vector<16xf32>
    %get3A_421 = arith.constant 48 : index
    %get3A_422 = tpu.vector_load %arg5[%get3A_421] {strides = array<i32>} : memref<1024xf32, #tpu.memory_space<vmem>>, vector<16xf32>,
    %add3A_423 = arith.addf %add3A_414, %get3A_422 : vector<16xf32>
    %get3A_424 = arith.constant 48 : index
    %get3A_425 = tpu.vector_load %arg6[%get3A_424] {strides = array<i32>} : memref<1024xf32, #tpu.memory_space<vmem>>, vector<16xf32>,
    %add3A_426 = arith.addf %add3A_417, %get3A_425 : vector<16xf32>
    %get3A_427 = arith.constant 48 : index
    %get3A_428 = tpu.vector_load %arg7[%get3A_427] {strides = array<i32>} : memref<1024xf32, #tpu.memory_space<vmem>>, vector<16xf32>,
    %add3A_429 = arith.addf %add3A_420, %get3A_428 : vector<16xf32>
    %get3A_430 = arith.constant 64 : index
    %get3A_431 = tpu.vector_load %arg5[%get3A_430] {strides = array<i32>} : memref<1024xf32, #tpu.memory_space<vmem>>, vector<16xf32>,
    %add3A_432 = arith.addf %add3A_423, %get3A_431 : vector<16xf32>
    %get3A_433 = arith.constant 64 : index
    %get3A_434 = tpu.vector_load %arg6[%get3A_433] {strides = array<i32>} : memref<1024xf32, #tpu.memory_space<vmem>>, vector<16xf32>,
    %add3A_435 = arith.addf %add3A_426, %get3A_434 : vector<16xf32>
    %get3A_436 = arith.constant 64 : index
    %get3A_437 = tpu.vector_load %arg7[%get3A_436] {strides = array<i32>} : memref<1024xf32, #tpu.memory_space<vmem>>, vector<16xf32>,
    %add3A_438 = arith.addf %add3A_429, %get3A_437 : vector<16xf32>
    %get3A_439 = arith.constant 80 : index
    %get3A_440 = tpu.vector_load %arg5[%get3A_439] {strides = array<i32>} : memref<1024xf32, #tpu.memory_space<vmem>>, vector<16xf32>,
    %add3A_441 = arith.addf %add3A_432, %get3A_440 : vector<16xf32>
    %get3A_442 = arith.constant 80 : index
    %get3A_443 = tpu.vector_load %arg6[%get3A_442] {strides = array<i32>} : memref<1024xf32, #tpu.memory_space<vmem>>, vector<16xf32>,
    %add3A_444 = arith.addf %add3A_435, %get3A_443 : vector<16xf32>
    %get3A_445 = arith.constant 80 : index
    %get3A_446 = tpu.vector_load %arg7[%get3A_445] {strides = array<i32>} : memref<1024xf32, #tpu.memory_space<vmem>>, vector<16xf32>,
    %add3A_447 = arith.addf %add3A_438, %get3A_446 : vector<16xf32>
    %get3A_448 = arith.constant 96 : index
    %get3A_449 = tpu.vector_load %arg5[%get3A_448] {strides = array<i32>} : memref<1024xf32, #tpu.memory_space<vmem>>, vector<16xf32>,
    %add3A_450 = arith.addf %add3A_441, %get3A_449 : vector<16xf32>
    %get3A_451 = arith.constant 96 : index
    %get3A_452 = tpu.vector_load %arg6[%get3A_451] {strides = array<i32>} : memref<1024xf32, #tpu.memory_space<vmem>>, vector<16xf32>,
    %add3A_453 = arith.addf %add3A_444, %get3A_452 : vector<16xf32>
    %get3A_454 = arith.constant 96 : index
    %get3A_455 = tpu.vector_load %arg7[%get3A_454] {strides = array<i32>} : memref<1024xf32, #tpu.memory_space<vmem>>, vector<16xf32>,
    %add3A_456 = arith.addf %add3A_447, %get3A_455 : vector<16xf32>
    %get3A_457 = arith.constant 112 : index
    %get3A_458 = tpu.vector_load %arg5[%get3A_457] {strides = array<i32>} : memref<1024xf32, #tpu.memory_space<vmem>>, vector<16xf32>,
    %add3A_459 = arith.addf %add3A_450, %get3A_458 : vector<16xf32>
    %get3A_460 = arith.constant 112 : index
    %get3A_461 = tpu.vector_load %arg6[%get3A_460] {strides = array<i32>} : memref<1024xf32, #tpu.memory_space<vmem>>, vector<16xf32>,
    %add3A_462 = arith.addf %add3A_453, %get3A_461 : vector<16xf32>
    %get3A_463 = arith.constant 112 : index
    %get3A_464 = tpu.vector_load %arg7[%get3A_463] {strides = array<i32>} : memref<1024xf32, #tpu.memory_space<vmem>>, vector<16xf32>,
    %add3A_465 = arith.addf %add3A_456, %get3A_464 : vector<16xf32>
    %get3A_466 = arith.constant 128 : index
    %get3A_467 = tpu.vector_load %arg5[%get3A_466] {strides = array<i32>} : memref<1024xf32, #tpu.memory_space<vmem>>, vector<16xf32>,
    %add3A_468 = arith.addf %add3A_459, %get3A_467 : vector<16xf32>
    %get3A_469 = arith.constant 128 : index
    %get3A_470 = tpu.vector_load %arg6[%get3A_469] {strides = array<i32>} : memref<1024xf32, #tpu.memory_space<vmem>>, vector<16xf32>,
    %add3A_471 = arith.addf %add3A_462, %get3A_470 : vector<16xf32>
    %get3A_472 = arith.constant 128 : index
    %get3A_473 = tpu.vector_load %arg7[%get3A_472] {strides = array<i32>} : memref<1024xf32, #tpu.memory_space<vmem>>, vector<16xf32>,
    %add3A_474 = arith.addf %add3A_465, %get3A_473 : vector<16xf32>
    %get3A_475 = arith.constant 144 : index
    %get3A_476 = tpu.vector_load %arg5[%get3A_475] {strides = array<i32>} : memref<1024xf32, #tpu.memory_space<vmem>>, vector<16xf32>,
    %add3A_477 = arith.addf %add3A_468, %get3A_476 : vector<16xf32>
    %get3A_478 = arith.constant 144 : index
    %get3A_479 = tpu.vector_load %arg6[%get3A_478] {strides = array<i32>} : memref<1024xf32, #tpu.memory_space<vmem>>, vector<16xf32>,
    %add3A_480 = arith.addf %add3A_471, %get3A_479 : vector<16xf32>
    %get3A_481 = arith.constant 144 : index
    %get3A_482 = tpu.vector_load %arg7[%get3A_481] {strides = array<i32>} : memref<1024xf32, #tpu.memory_space<vmem>>, vector<16xf32>,
    %add3A_483 = arith.addf %add3A_474, %get3A_482 : vector<16xf32>
    %get3A_484 = arith.constant 160 : index
    %get3A_485 = tpu.vector_load %arg5[%get3A_484] {strides = array<i32>} : memref<1024xf32, #tpu.memory_space<vmem>>, vector<16xf32>,
    %add3A_486 = arith.addf %add3A_477, %get3A_485 : vector<16xf32>
    %get3A_487 = arith.constant 160 : index
    %get3A_488 = tpu.vector_load %arg6[%get3A_487] {strides = array<i32>} : memref<1024xf32, #tpu.memory_space<vmem>>, vector<16xf32>,
    %add3A_489 = arith.addf %add3A_480, %get3A_488 : vector<16xf32>
    %get3A_490 = arith.constant 160 : index
    %get3A_491 = tpu.vector_load %arg7[%get3A_490] {strides = array<i32>} : memref<1024xf32, #tpu.memory_space<vmem>>, vector<16xf32>,
    %add3A_492 = arith.addf %add3A_483, %get3A_491 : vector<16xf32>
    %get3A_493 = arith.constant 176 : index
    %get3A_494 = tpu.vector_load %arg5[%get3A_493] {strides = array<i32>} : memref<1024xf32, #tpu.memory_space<vmem>>, vector<16xf32>,
    %add3A_495 = arith.addf %add3A_486, %get3A_494 : vector<16xf32>
    %get3A_496 = arith.constant 176 : index
    %get3A_497 = tpu.vector_load %arg6[%get3A_496] {strides = array<i32>} : memref<1024xf32, #tpu.memory_space<vmem>>, vector<16xf32>,
    %add3A_498 = arith.addf %add3A_489, %get3A_497 : vector<16xf32>
    %get3A_499 = arith.constant 176 : index
    %get3A_500 = tpu.vector_load %arg7[%get3A_499] {strides = array<i32>} : memref<1024xf32, #tpu.memory_space<vmem>>, vector<16xf32>,
    %add3A_501 = arith.addf %add3A_492, %get3A_500 : vector<16xf32>
    %get3A_502 = arith.constant 192 : index
    %get3A_503 = tpu.vector_load %arg5[%get3A_502] {strides = array<i32>} : memref<1024xf32, #tpu.memory_space<vmem>>, vector<16xf32>,
    %add3A_504 = arith.addf %add3A_495, %get3A_503 : vector<16xf32>
    %get3A_505 = arith.constant 192 : index
    %get3A_506 = tpu.vector_load %arg6[%get3A_505] {strides = array<i32>} : memref<1024xf32, #tpu.memory_space<vmem>>, vector<16xf32>,
    %add3A_507 = arith.addf %add3A_498, %get3A_506 : vector<16xf32>
    %get3A_508 = arith.constant 192 : index
    %get3A_509 = tpu.vector_load %arg7[%get3A_508] {strides = array<i32>} : memref<1024xf32, #tpu.memory_space<vmem>>, vector<16xf32>,
    %add3A_510 = arith.addf %add3A_501, %get3A_509 : vector<16xf32>
    %get3A_511 = arith.constant 208 : index
    %get3A_512 = tpu.vector_load %arg5[%get3A_511] {strides = array<i32>} : memref<1024xf32, #tpu.memory_space<vmem>>, vector<16xf32>,
    %add3A_513 = arith.addf %add3A_504, %get3A_512 : vector<16xf32>
    %get3A_514 = arith.constant 208 : index
    %get3A_515 = tpu.vector_load %arg6[%get3A_514] {strides = array<i32>} : memref<1024xf32, #tpu.memory_space<vmem>>, vector<16xf32>,
    %add3A_516 = arith.addf %add3A_507, %get3A_515 : vector<16xf32>
    %get3A_517 = arith.constant 208 : index
    %get3A_518 = tpu.vector_load %arg7[%get3A_517] {strides = array<i32>} : memref<1024xf32, #tpu.memory_space<vmem>>, vector<16xf32>,
    %add3A_519 = arith.addf %add3A_510, %get3A_518 : vector<16xf32>
    %get3A_520 = arith.constant 224 : index
    %get3A_521 = tpu.vector_load %arg5[%get3A_520] {strides = array<i32>} : memref<1024xf32, #tpu.memory_space<vmem>>, vector<16xf32>,
    %add3A_522 = arith.addf %add3A_513, %get3A_521 : vector<16xf32>
    %get3A_523 = arith.constant 224 : index
    %get3A_524 = tpu.vector_load %arg6[%get3A_523] {strides = array<i32>} : memref<1024xf32, #tpu.memory_space<vmem>>, vector<16xf32>,
    %add3A_525 = arith.addf %add3A_516, %get3A_524 : vector<16xf32>
    %get3A_526 = arith.constant 224 : index
    %get3A_527 = tpu.vector_load %arg7[%get3A_526] {strides = array<i32>} : memref<1024xf32, #tpu.memory_space<vmem>>, vector<16xf32>,
    %add3A_528 = arith.addf %add3A_519, %get3A_527 : vector<16xf32>
    %get3A_529 = arith.constant 240 : index
    %get3A_530 = tpu.vector_load %arg5[%get3A_529] {strides = array<i32>} : memref<1024xf32, #tpu.memory_space<vmem>>, vector<16xf32>,
    %add3A_531 = arith.addf %add3A_522, %get3A_530 : vector<16xf32>
    %get3A_532 = arith.constant 240 : index
    %get3A_533 = tpu.vector_load %arg6[%get3A_532] {strides = array<i32>} : memref<1024xf32, #tpu.memory_space<vmem>>, vector<16xf32>,
    %add3A_534 = arith.addf %add3A_525, %get3A_533 : vector<16xf32>
    %get3A_535 = arith.constant 240 : index
    %get3A_536 = tpu.vector_load %arg7[%get3A_535] {strides = array<i32>} : memref<1024xf32, #tpu.memory_space<vmem>>, vector<16xf32>,
    %add3A_537 = arith.addf %add3A_528, %get3A_536 : vector<16xf32>
    %get3A_538 = arith.constant 256 : index
    %get3A_539 = tpu.vector_load %arg5[%get3A_538] {strides = array<i32>} : memref<1024xf32, #tpu.memory_space<vmem>>, vector<16xf32>,
    %add3A_540 = arith.addf %add3A_531, %get3A_539 : vector<16xf32>
    %get3A_541 = arith.constant 256 : index
    %get3A_542 = tpu.vector_load %arg6[%get3A_541] {strides = array<i32>} : memref<1024xf32, #tpu.memory_space<vmem>>, vector<16xf32>,
    %add3A_543 = arith.addf %add3A_534, %get3A_542 : vector<16xf32>
    %get3A_544 = arith.constant 256 : index
    %get3A_545 = tpu.vector_load %arg7[%get3A_544] {strides = array<i32>} : memref<1024xf32, #tpu.memory_space<vmem>>, vector<16xf32>,
    %add3A_546 = arith.addf %add3A_537, %get3A_545 : vector<16xf32>
    %get3A_547 = arith.constant 272 : index
    %get3A_548 = tpu.vector_load %arg5[%get3A_547] {strides = array<i32>} : memref<1024xf32, #tpu.memory_space<vmem>>, vector<16xf32>,
    %add3A_549 = arith.addf %add3A_540, %get3A_548 : vector<16xf32>
    %get3A_550 = arith.constant 272 : index
    %get3A_551 = tpu.vector_load %arg6[%get3A_550] {strides = array<i32>} : memref<1024xf32, #tpu.memory_space<vmem>>, vector<16xf32>,
    %add3A_552 = arith.addf %add3A_543, %get3A_551 : vector<16xf32>
    %get3A_553 = arith.constant 272 : index
    %get3A_554 = tpu.vector_load %arg7[%get3A_553] {strides = array<i32>} : memref<1024xf32, #tpu.memory_space<vmem>>, vector<16xf32>,
    %add3A_555 = arith.addf %add3A_546, %get3A_554 : vector<16xf32>
    %get3A_556 = arith.constant 288 : index
    %get3A_557 = tpu.vector_load %arg5[%get3A_556] {strides = array<i32>} : memref<1024xf32, #tpu.memory_space<vmem>>, vector<16xf32>,
    %add3A_558 = arith.addf %add3A_549, %get3A_557 : vector<16xf32>
    %get3A_559 = arith.constant 288 : index
    %get3A_560 = tpu.vector_load %arg6[%get3A_559] {strides = array<i32>} : memref<1024xf32, #tpu.memory_space<vmem>>, vector<16xf32>,
    %add3A_561 = arith.addf %add3A_552, %get3A_560 : vector<16xf32>
    %get3A_562 = arith.constant 288 : index
    %get3A_563 = tpu.vector_load %arg7[%get3A_562] {strides = array<i32>} : memref<1024xf32, #tpu.memory_space<vmem>>, vector<16xf32>,
    %add3A_564 = arith.addf %add3A_555, %get3A_563 : vector<16xf32>
    %get3A_565 = arith.constant 304 : index
    %get3A_566 = tpu.vector_load %arg5[%get3A_565] {strides = array<i32>} : memref<1024xf32, #tpu.memory_space<vmem>>, vector<16xf32>,
    %add3A_567 = arith.addf %add3A_558, %get3A_566 : vector<16xf32>
    %get3A_568 = arith.constant 304 : index
    %get3A_569 = tpu.vector_load %arg6[%get3A_568] {strides = array<i32>} : memref<1024xf32, #tpu.memory_space<vmem>>, vector<16xf32>,
    %add3A_570 = arith.addf %add3A_561, %get3A_569 : vector<16xf32>
    %get3A_571 = arith.constant 304 : index
    %get3A_572 = tpu.vector_load %arg7[%get3A_571] {strides = array<i32>} : memref<1024xf32, #tpu.memory_space<vmem>>, vector<16xf32>,
    %add3A_573 = arith.addf %add3A_564, %get3A_572 : vector<16xf32>
    %get3A_574 = arith.constant 320 : index
    %get3A_575 = tpu.vector_load %arg5[%get3A_574] {strides = array<i32>} : memref<1024xf32, #tpu.memory_space<vmem>>, vector<16xf32>,
    %add3A_576 = arith.addf %add3A_567, %get3A_575 : vector<16xf32>
    %get3A_577 = arith.constant 320 : index
    %get3A_578 = tpu.vector_load %arg6[%get3A_577] {strides = array<i32>} : memref<1024xf32, #tpu.memory_space<vmem>>, vector<16xf32>,
    %add3A_579 = arith.addf %add3A_570, %get3A_578 : vector<16xf32>
    %get3A_580 = arith.constant 320 : index
    %get3A_581 = tpu.vector_load %arg7[%get3A_580] {strides = array<i32>} : memref<1024xf32, #tpu.memory_space<vmem>>, vector<16xf32>,
    %add3A_582 = arith.addf %add3A_573, %get3A_581 : vector<16xf32>
    %get3A_583 = arith.constant 336 : index
    %get3A_584 = tpu.vector_load %arg5[%get3A_583] {strides = array<i32>} : memref<1024xf32, #tpu.memory_space<vmem>>, vector<16xf32>,
    %add3A_585 = arith.addf %add3A_576, %get3A_584 : vector<16xf32>
    %get3A_586 = arith.constant 336 : index
    %get3A_587 = tpu.vector_load %arg6[%get3A_586] {strides = array<i32>} : memref<1024xf32, #tpu.memory_space<vmem>>, vector<16xf32>,
    %add3A_588 = arith.addf %add3A_579, %get3A_587 : vector<16xf32>
    %get3A_589 = arith.constant 336 : index
    %get3A_590 = tpu.vector_load %arg7[%get3A_589] {strides = array<i32>} : memref<1024xf32, #tpu.memory_space<vmem>>, vector<16xf32>,
    %add3A_591 = arith.addf %add3A_582, %get3A_590 : vector<16xf32>
    %get3A_592 = arith.constant 352 : index
    %get3A_593 = tpu.vector_load %arg5[%get3A_592] {strides = array<i32>} : memref<1024xf32, #tpu.memory_space<vmem>>, vector<16xf32>,
    %add3A_594 = arith.addf %add3A_585, %get3A_593 : vector<16xf32>
    %get3A_595 = arith.constant 352 : index
    %get3A_596 = tpu.vector_load %arg6[%get3A_595] {strides = array<i32>} : memref<1024xf32, #tpu.memory_space<vmem>>, vector<16xf32>,
    %add3A_597 = arith.addf %add3A_588, %get3A_596 : vector<16xf32>
    %get3A_598 = arith.constant 352 : index
    %get3A_599 = tpu.vector_load %arg7[%get3A_598] {strides = array<i32>} : memref<1024xf32, #tpu.memory_space<vmem>>, vector<16xf32>,
    %add3A_600 = arith.addf %add3A_591, %get3A_599 : vector<16xf32>
    %get3A_601 = arith.constant 368 : index
    %get3A_602 = tpu.vector_load %arg5[%get3A_601] {strides = array<i32>} : memref<1024xf32, #tpu.memory_space<vmem>>, vector<16xf32>,
    %add3A_603 = arith.addf %add3A_594, %get3A_602 : vector<16xf32>
    %get3A_604 = arith.constant 368 : index
    %get3A_605 = tpu.vector_load %arg6[%get3A_604] {strides = array<i32>} : memref<1024xf32, #tpu.memory_space<vmem>>, vector<16xf32>,
    %add3A_606 = arith.addf %add3A_597, %get3A_605 : vector<16xf32>
    %get3A_607 = arith.constant 368 : index
    %get3A_608 = tpu.vector_load %arg7[%get3A_607] {strides = array<i32>} : memref<1024xf32, #tpu.memory_space<vmem>>, vector<16xf32>,
    %add3A_609 = arith.addf %add3A_600, %get3A_608 : vector<16xf32>
    %get3A_610 = arith.constant 384 : index
    %get3A_611 = tpu.vector_load %arg5[%get3A_610] {strides = array<i32>} : memref<1024xf32, #tpu.memory_space<vmem>>, vector<16xf32>,
    %add3A_612 = arith.addf %add3A_603, %get3A_611 : vector<16xf32>
    %get3A_613 = arith.constant 384 : index
    %get3A_614 = tpu.vector_load %arg6[%get3A_613] {strides = array<i32>} : memref<1024xf32, #tpu.memory_space<vmem>>, vector<16xf32>,
    %add3A_615 = arith.addf %add3A_606, %get3A_614 : vector<16xf32>
    %get3A_616 = arith.constant 384 : index
    %get3A_617 = tpu.vector_load %arg7[%get3A_616] {strides = array<i32>} : memref<1024xf32, #tpu.memory_space<vmem>>, vector<16xf32>,
    %add3A_618 = arith.addf %add3A_609, %get3A_617 : vector<16xf32>
    %get3A_619 = arith.constant 400 : index
    %get3A_620 = tpu.vector_load %arg5[%get3A_619] {strides = array<i32>} : memref<1024xf32, #tpu.memory_space<vmem>>, vector<16xf32>,
    %add3A_621 = arith.addf %add3A_612, %get3A_620 : vector<16xf32>
    %get3A_622 = arith.constant 400 : index
    %get3A_623 = tpu.vector_load %arg6[%get3A_622] {strides = array<i32>} : memref<1024xf32, #tpu.memory_space<vmem>>, vector<16xf32>,
    %add3A_624 = arith.addf %add3A_615, %get3A_623 : vector<16xf32>
    %get3A_625 = arith.constant 400 : index
    %get3A_626 = tpu.vector_load %arg7[%get3A_625] {strides = array<i32>} : memref<1024xf32, #tpu.memory_space<vmem>>, vector<16xf32>,
    %add3A_627 = arith.addf %add3A_618, %get3A_626 : vector<16xf32>
    %get3A_628 = arith.constant 416 : index
    %get3A_629 = tpu.vector_load %arg5[%get3A_628] {strides = array<i32>} : memref<1024xf32, #tpu.memory_space<vmem>>, vector<16xf32>,
    %add3A_630 = arith.addf %add3A_621, %get3A_629 : vector<16xf32>
    %get3A_631 = arith.constant 416 : index
    %get3A_632 = tpu.vector_load %arg6[%get3A_631] {strides = array<i32>} : memref<1024xf32, #tpu.memory_space<vmem>>, vector<16xf32>,
    %add3A_633 = arith.addf %add3A_624, %get3A_632 : vector<16xf32>
    %get3A_634 = arith.constant 416 : index
    %get3A_635 = tpu.vector_load %arg7[%get3A_634] {strides = array<i32>} : memref<1024xf32, #tpu.memory_space<vmem>>, vector<16xf32>,
    %add3A_636 = arith.addf %add3A_627, %get3A_635 : vector<16xf32>
    %get3A_637 = arith.constant 432 : index
    %get3A_638 = tpu.vector_load %arg5[%get3A_637] {strides = array<i32>} : memref<1024xf32, #tpu.memory_space<vmem>>, vector<16xf32>,
    %add3A_639 = arith.addf %add3A_630, %get3A_638 : vector<16xf32>
    %get3A_640 = arith.constant 432 : index
    %get3A_641 = tpu.vector_load %arg6[%get3A_640] {strides = array<i32>} : memref<1024xf32, #tpu.memory_space<vmem>>, vector<16xf32>,
    %add3A_642 = arith.addf %add3A_633, %get3A_641 : vector<16xf32>
    %get3A_643 = arith.constant 432 : index
    %get3A_644 = tpu.vector_load %arg7[%get3A_643] {strides = array<i32>} : memref<1024xf32, #tpu.memory_space<vmem>>, vector<16xf32>,
    %add3A_645 = arith.addf %add3A_636, %get3A_644 : vector<16xf32>
    %get3A_646 = arith.constant 448 : index
    %get3A_647 = tpu.vector_load %arg5[%get3A_646] {strides = array<i32>} : memref<1024xf32, #tpu.memory_space<vmem>>, vector<16xf32>,
    %add3A_648 = arith.addf %add3A_639, %get3A_647 : vector<16xf32>
    %get3A_649 = arith.constant 448 : index
    %get3A_650 = tpu.vector_load %arg6[%get3A_649] {strides = array<i32>} : memref<1024xf32, #tpu.memory_space<vmem>>, vector<16xf32>,
    %add3A_651 = arith.addf %add3A_642, %get3A_650 : vector<16xf32>
    %get3A_652 = arith.constant 448 : index
    %get3A_653 = tpu.vector_load %arg7[%get3A_652] {strides = array<i32>} : memref<1024xf32, #tpu.memory_space<vmem>>, vector<16xf32>,
    %add3A_654 = arith.addf %add3A_645, %get3A_653 : vector<16xf32>
    %get3A_655 = arith.constant 464 : index
    %get3A_656 = tpu.vector_load %arg5[%get3A_655] {strides = array<i32>} : memref<1024xf32, #tpu.memory_space<vmem>>, vector<16xf32>,
    %add3A_657 = arith.addf %add3A_648, %get3A_656 : vector<16xf32>
    %get3A_658 = arith.constant 464 : index
    %get3A_659 = tpu.vector_load %arg6[%get3A_658] {strides = array<i32>} : memref<1024xf32, #tpu.memory_space<vmem>>, vector<16xf32>,
    %add3A_660 = arith.addf %add3A_651, %get3A_659 : vector<16xf32>
    %get3A_661 = arith.constant 464 : index
    %get3A_662 = tpu.vector_load %arg7[%get3A_661] {strides = array<i32>} : memref<1024xf32, #tpu.memory_space<vmem>>, vector<16xf32>,
    %add3A_663 = arith.addf %add3A_654, %get3A_662 : vector<16xf32>
    %get3A_664 = arith.constant 480 : index
    %get3A_665 = tpu.vector_load %arg5[%get3A_664] {strides = array<i32>} : memref<1024xf32, #tpu.memory_space<vmem>>, vector<16xf32>,
    %add3A_666 = arith.addf %add3A_657, %get3A_665 : vector<16xf32>
    %get3A_667 = arith.constant 480 : index
    %get3A_668 = tpu.vector_load %arg6[%get3A_667] {strides = array<i32>} : memref<1024xf32, #tpu.memory_space<vmem>>, vector<16xf32>,
    %add3A_669 = arith.addf %add3A_660, %get3A_668 : vector<16xf32>
    %get3A_670 = arith.constant 480 : index
    %get3A_671 = tpu.vector_load %arg7[%get3A_670] {strides = array<i32>} : memref<1024xf32, #tpu.memory_space<vmem>>, vector<16xf32>,
    %add3A_672 = arith.addf %add3A_663, %get3A_671 : vector<16xf32>
    %get3A_673 = arith.constant 496 : index
    %get3A_674 = tpu.vector_load %arg5[%get3A_673] {strides = array<i32>} : memref<1024xf32, #tpu.memory_space<vmem>>, vector<16xf32>,
    %add3A_675 = arith.addf %add3A_666, %get3A_674 : vector<16xf32>
    %get3A_676 = arith.constant 496 : index
    %get3A_677 = tpu.vector_load %arg6[%get3A_676] {strides = array<i32>} : memref<1024xf32, #tpu.memory_space<vmem>>, vector<16xf32>,
    %add3A_678 = arith.addf %add3A_669, %get3A_677 : vector<16xf32>
    %get3A_679 = arith.constant 496 : index
    %get3A_680 = tpu.vector_load %arg7[%get3A_679] {strides = array<i32>} : memref<1024xf32, #tpu.memory_space<vmem>>, vector<16xf32>,
    %add3A_681 = arith.addf %add3A_672, %get3A_680 : vector<16xf32>
    %get3A_682 = arith.constant 512 : index
    %get3A_683 = tpu.vector_load %arg5[%get3A_682] {strides = array<i32>} : memref<1024xf32, #tpu.memory_space<vmem>>, vector<16xf32>,
    %add3A_684 = arith.addf %add3A_675, %get3A_683 : vector<16xf32>
    %get3A_685 = arith.constant 512 : index
    %get3A_686 = tpu.vector_load %arg6[%get3A_685] {strides = array<i32>} : memref<1024xf32, #tpu.memory_space<vmem>>, vector<16xf32>,
    %add3A_687 = arith.addf %add3A_678, %get3A_686 : vector<16xf32>
    %get3A_688 = arith.constant 512 : index
    %get3A_689 = tpu.vector_load %arg7[%get3A_688] {strides = array<i32>} : memref<1024xf32, #tpu.memory_space<vmem>>, vector<16xf32>,
    %add3A_690 = arith.addf %add3A_681, %get3A_689 : vector<16xf32>
    %get3A_691 = arith.constant 528 : index
    %get3A_692 = tpu.vector_load %arg5[%get3A_691] {strides = array<i32>} : memref<1024xf32, #tpu.memory_space<vmem>>, vector<16xf32>,
    %add3A_693 = arith.addf %add3A_684, %get3A_692 : vector<16xf32>
    %get3A_694 = arith.constant 528 : index
    %get3A_695 = tpu.vector_load %arg6[%get3A_694] {strides = array<i32>} : memref<1024xf32, #tpu.memory_space<vmem>>, vector<16xf32>,
    %add3A_696 = arith.addf %add3A_687, %get3A_695 : vector<16xf32>
    %get3A_697 = arith.constant 528 : index
    %get3A_698 = tpu.vector_load %arg7[%get3A_697] {strides = array<i32>} : memref<1024xf32, #tpu.memory_space<vmem>>, vector<16xf32>,
    %add3A_699 = arith.addf %add3A_690, %get3A_698 : vector<16xf32>
    %get3A_700 = arith.constant 544 : index
    %get3A_701 = tpu.vector_load %arg5[%get3A_700] {strides = array<i32>} : memref<1024xf32, #tpu.memory_space<vmem>>, vector<16xf32>,
    %add3A_702 = arith.addf %add3A_693, %get3A_701 : vector<16xf32>
    %get3A_703 = arith.constant 544 : index
    %get3A_704 = tpu.vector_load %arg6[%get3A_703] {strides = array<i32>} : memref<1024xf32, #tpu.memory_space<vmem>>, vector<16xf32>,
    %add3A_705 = arith.addf %add3A_696, %get3A_704 : vector<16xf32>
    %get3A_706 = arith.constant 544 : index
    %get3A_707 = tpu.vector_load %arg7[%get3A_706] {strides = array<i32>} : memref<1024xf32, #tpu.memory_space<vmem>>, vector<16xf32>,
    %add3A_708 = arith.addf %add3A_699, %get3A_707 : vector<16xf32>
    %get3A_709 = arith.constant 560 : index
    %get3A_710 = tpu.vector_load %arg5[%get3A_709] {strides = array<i32>} : memref<1024xf32, #tpu.memory_space<vmem>>, vector<16xf32>,
    %add3A_711 = arith.addf %add3A_702, %get3A_710 : vector<16xf32>
    %get3A_712 = arith.constant 560 : index
    %get3A_713 = tpu.vector_load %arg6[%get3A_712] {strides = array<i32>} : memref<1024xf32, #tpu.memory_space<vmem>>, vector<16xf32>,
    %add3A_714 = arith.addf %add3A_705, %get3A_713 : vector<16xf32>
    %get3A_715 = arith.constant 560 : index
    %get3A_716 = tpu.vector_load %arg7[%get3A_715] {strides = array<i32>} : memref<1024xf32, #tpu.memory_space<vmem>>, vector<16xf32>,
    %add3A_717 = arith.addf %add3A_708, %get3A_716 : vector<16xf32>
    %get3A_718 = arith.constant 576 : index
    %get3A_719 = tpu.vector_load %arg5[%get3A_718] {strides = array<i32>} : memref<1024xf32, #tpu.memory_space<vmem>>, vector<16xf32>,
    %add3A_720 = arith.addf %add3A_711, %get3A_719 : vector<16xf32>
    %get3A_721 = arith.constant 576 : index
    %get3A_722 = tpu.vector_load %arg6[%get3A_721] {strides = array<i32>} : memref<1024xf32, #tpu.memory_space<vmem>>, vector<16xf32>,
    %add3A_723 = arith.addf %add3A_714, %get3A_722 : vector<16xf32>
    %get3A_724 = arith.constant 576 : index
    %get3A_725 = tpu.vector_load %arg7[%get3A_724] {strides = array<i32>} : memref<1024xf32, #tpu.memory_space<vmem>>, vector<16xf32>,
    %add3A_726 = arith.addf %add3A_717, %get3A_725 : vector<16xf32>
    %get3A_727 = arith.constant 592 : index
    %get3A_728 = tpu.vector_load %arg5[%get3A_727] {strides = array<i32>} : memref<1024xf32, #tpu.memory_space<vmem>>, vector<16xf32>,
    %add3A_729 = arith.addf %add3A_720, %get3A_728 : vector<16xf32>
    %get3A_730 = arith.constant 592 : index
    %get3A_731 = tpu.vector_load %arg6[%get3A_730] {strides = array<i32>} : memref<1024xf32, #tpu.memory_space<vmem>>, vector<16xf32>,
    %add3A_732 = arith.addf %add3A_723, %get3A_731 : vector<16xf32>
    %get3A_733 = arith.constant 592 : index
    %get3A_734 = tpu.vector_load %arg7[%get3A_733] {strides = array<i32>} : memref<1024xf32, #tpu.memory_space<vmem>>, vector<16xf32>,
    %add3A_735 = arith.addf %add3A_726, %get3A_734 : vector<16xf32>
    %get3A_736 = arith.constant 608 : index
    %get3A_737 = tpu.vector_load %arg5[%get3A_736] {strides = array<i32>} : memref<1024xf32, #tpu.memory_space<vmem>>, vector<16xf32>,
    %add3A_738 = arith.addf %add3A_729, %get3A_737 : vector<16xf32>
    %get3A_739 = arith.constant 608 : index
    %get3A_740 = tpu.vector_load %arg6[%get3A_739] {strides = array<i32>} : memref<1024xf32, #tpu.memory_space<vmem>>, vector<16xf32>,
    %add3A_741 = arith.addf %add3A_732, %get3A_740 : vector<16xf32>
    %get3A_742 = arith.constant 608 : index
    %get3A_743 = tpu.vector_load %arg7[%get3A_742] {strides = array<i32>} : memref<1024xf32, #tpu.memory_space<vmem>>, vector<16xf32>,
    %add3A_744 = arith.addf %add3A_735, %get3A_743 : vector<16xf32>
    %get3A_745 = arith.constant 624 : index
    %get3A_746 = tpu.vector_load %arg5[%get3A_745] {strides = array<i32>} : memref<1024xf32, #tpu.memory_space<vmem>>, vector<16xf32>,
    %add3A_747 = arith.addf %add3A_738, %get3A_746 : vector<16xf32>
    %get3A_748 = arith.constant 624 : index
    %get3A_749 = tpu.vector_load %arg6[%get3A_748] {strides = array<i32>} : memref<1024xf32, #tpu.memory_space<vmem>>, vector<16xf32>,
    %add3A_750 = arith.addf %add3A_741, %get3A_749 : vector<16xf32>
    %get3A_751 = arith.constant 624 : index
    %get3A_752 = tpu.vector_load %arg7[%get3A_751] {strides = array<i32>} : memref<1024xf32, #tpu.memory_space<vmem>>, vector<16xf32>,
    %add3A_753 = arith.addf %add3A_744, %get3A_752 : vector<16xf32>
    %get3A_754 = arith.constant 640 : index
    %get3A_755 = tpu.vector_load %arg5[%get3A_754] {strides = array<i32>} : memref<1024xf32, #tpu.memory_space<vmem>>, vector<16xf32>,
    %add3A_756 = arith.addf %add3A_747, %get3A_755 : vector<16xf32>
    %get3A_757 = arith.constant 640 : index
    %get3A_758 = tpu.vector_load %arg6[%get3A_757] {strides = array<i32>} : memref<1024xf32, #tpu.memory_space<vmem>>, vector<16xf32>,
    %add3A_759 = arith.addf %add3A_750, %get3A_758 : vector<16xf32>
    %get3A_760 = arith.constant 640 : index
    %get3A_761 = tpu.vector_load %arg7[%get3A_760] {strides = array<i32>} : memref<1024xf32, #tpu.memory_space<vmem>>, vector<16xf32>,
    %add3A_762 = arith.addf %add3A_753, %get3A_761 : vector<16xf32>
    %get3A_763 = arith.constant 656 : index
    %get3A_764 = tpu.vector_load %arg5[%get3A_763] {strides = array<i32>} : memref<1024xf32, #tpu.memory_space<vmem>>, vector<16xf32>,
    %add3A_765 = arith.addf %add3A_756, %get3A_764 : vector<16xf32>
    %get3A_766 = arith.constant 656 : index
    %get3A_767 = tpu.vector_load %arg6[%get3A_766] {strides = array<i32>} : memref<1024xf32, #tpu.memory_space<vmem>>, vector<16xf32>,
    %add3A_768 = arith.addf %add3A_759, %get3A_767 : vector<16xf32>
    %get3A_769 = arith.constant 656 : index
    %get3A_770 = tpu.vector_load %arg7[%get3A_769] {strides = array<i32>} : memref<1024xf32, #tpu.memory_space<vmem>>, vector<16xf32>,
    %add3A_771 = arith.addf %add3A_762, %get3A_770 : vector<16xf32>
    %get3A_772 = arith.constant 672 : index
    %get3A_773 = tpu.vector_load %arg5[%get3A_772] {strides = array<i32>} : memref<1024xf32, #tpu.memory_space<vmem>>, vector<16xf32>,
    %add3A_774 = arith.addf %add3A_765, %get3A_773 : vector<16xf32>
    %get3A_775 = arith.constant 672 : index
    %get3A_776 = tpu.vector_load %arg6[%get3A_775] {strides = array<i32>} : memref<1024xf32, #tpu.memory_space<vmem>>, vector<16xf32>,
    %add3A_777 = arith.addf %add3A_768, %get3A_776 : vector<16xf32>
    %get3A_778 = arith.constant 672 : index
    %get3A_779 = tpu.vector_load %arg7[%get3A_778] {strides = array<i32>} : memref<1024xf32, #tpu.memory_space<vmem>>, vector<16xf32>,
    %add3A_780 = arith.addf %add3A_771, %get3A_779 : vector<16xf32>
    %get3A_781 = arith.constant 688 : index
    %get3A_782 = tpu.vector_load %arg5[%get3A_781] {strides = array<i32>} : memref<1024xf32, #tpu.memory_space<vmem>>, vector<16xf32>,
    %add3A_783 = arith.addf %add3A_774, %get3A_782 : vector<16xf32>
    %get3A_784 = arith.constant 688 : index
    %get3A_785 = tpu.vector_load %arg6[%get3A_784] {strides = array<i32>} : memref<1024xf32, #tpu.memory_space<vmem>>, vector<16xf32>,
    %add3A_786 = arith.addf %add3A_777, %get3A_785 : vector<16xf32>
    %get3A_787 = arith.constant 688 : index
    %get3A_788 = tpu.vector_load %arg7[%get3A_787] {strides = array<i32>} : memref<1024xf32, #tpu.memory_space<vmem>>, vector<16xf32>,
    %add3A_789 = arith.addf %add3A_780, %get3A_788 : vector<16xf32>
    %get3A_790 = arith.constant 704 : index
    %get3A_791 = tpu.vector_load %arg5[%get3A_790] {strides = array<i32>} : memref<1024xf32, #tpu.memory_space<vmem>>, vector<16xf32>,
    %add3A_792 = arith.addf %add3A_783, %get3A_791 : vector<16xf32>
    %get3A_793 = arith.constant 704 : index
    %get3A_794 = tpu.vector_load %arg6[%get3A_793] {strides = array<i32>} : memref<1024xf32, #tpu.memory_space<vmem>>, vector<16xf32>,
    %add3A_795 = arith.addf %add3A_786, %get3A_794 : vector<16xf32>
    %get3A_796 = arith.constant 704 : index
    %get3A_797 = tpu.vector_load %arg7[%get3A_796] {strides = array<i32>} : memref<1024xf32, #tpu.memory_space<vmem>>, vector<16xf32>,
    %add3A_798 = arith.addf %add3A_789, %get3A_797 : vector<16xf32>
    %get3A_799 = arith.constant 720 : index
    %get3A_800 = tpu.vector_load %arg5[%get3A_799] {strides = array<i32>} : memref<1024xf32, #tpu.memory_space<vmem>>, vector<16xf32>,
    %add3A_801 = arith.addf %add3A_792, %get3A_800 : vector<16xf32>
    %get3A_802 = arith.constant 720 : index
    %get3A_803 = tpu.vector_load %arg6[%get3A_802] {strides = array<i32>} : memref<1024xf32, #tpu.memory_space<vmem>>, vector<16xf32>,
    %add3A_804 = arith.addf %add3A_795, %get3A_803 : vector<16xf32>
    %get3A_805 = arith.constant 720 : index
    %get3A_806 = tpu.vector_load %arg7[%get3A_805] {strides = array<i32>} : memref<1024xf32, #tpu.memory_space<vmem>>, vector<16xf32>,
    %add3A_807 = arith.addf %add3A_798, %get3A_806 : vector<16xf32>
    %get3A_808 = arith.constant 736 : index
    %get3A_809 = tpu.vector_load %arg5[%get3A_808] {strides = array<i32>} : memref<1024xf32, #tpu.memory_space<vmem>>, vector<16xf32>,
    %add3A_810 = arith.addf %add3A_801, %get3A_809 : vector<16xf32>
    %get3A_811 = arith.constant 736 : index
    %get3A_812 = tpu.vector_load %arg6[%get3A_811] {strides = array<i32>} : memref<1024xf32, #tpu.memory_space<vmem>>, vector<16xf32>,
    %add3A_813 = arith.addf %add3A_804, %get3A_812 : vector<16xf32>
    %get3A_814 = arith.constant 736 : index
    %get3A_815 = tpu.vector_load %arg7[%get3A_814] {strides = array<i32>} : memref<1024xf32, #tpu.memory_space<vmem>>, vector<16xf32>,
    %add3A_816 = arith.addf %add3A_807, %get3A_815 : vector<16xf32>
    %get3A_817 = arith.constant 752 : index
    %get3A_818 = tpu.vector_load %arg5[%get3A_817] {strides = array<i32>} : memref<1024xf32, #tpu.memory_space<vmem>>, vector<16xf32>,
    %add3A_819 = arith.addf %add3A_810, %get3A_818 : vector<16xf32>
    %get3A_820 = arith.constant 752 : index
    %get3A_821 = tpu.vector_load %arg6[%get3A_820] {strides = array<i32>} : memref<1024xf32, #tpu.memory_space<vmem>>, vector<16xf32>,
    %add3A_822 = arith.addf %add3A_813, %get3A_821 : vector<16xf32>
    %get3A_823 = arith.constant 752 : index
    %get3A_824 = tpu.vector_load %arg7[%get3A_823] {strides = array<i32>} : memref<1024xf32, #tpu.memory_space<vmem>>, vector<16xf32>,
    %add3A_825 = arith.addf %add3A_816, %get3A_824 : vector<16xf32>
    %get3A_826 = arith.constant 768 : index
    %get3A_827 = tpu.vector_load %arg5[%get3A_826] {strides = array<i32>} : memref<1024xf32, #tpu.memory_space<vmem>>, vector<16xf32>,
    %add3A_828 = arith.addf %add3A_819, %get3A_827 : vector<16xf32>
    %get3A_829 = arith.constant 768 : index
    %get3A_830 = tpu.vector_load %arg6[%get3A_829] {strides = array<i32>} : memref<1024xf32, #tpu.memory_space<vmem>>, vector<16xf32>,
    %add3A_831 = arith.addf %add3A_822, %get3A_830 : vector<16xf32>
    %get3A_832 = arith.constant 768 : index
    %get3A_833 = tpu.vector_load %arg7[%get3A_832] {strides = array<i32>} : memref<1024xf32, #tpu.memory_space<vmem>>, vector<16xf32>,
    %add3A_834 = arith.addf %add3A_825, %get3A_833 : vector<16xf32>
    %get3A_835 = arith.constant 784 : index
    %get3A_836 = tpu.vector_load %arg5[%get3A_835] {strides = array<i32>} : memref<1024xf32, #tpu.memory_space<vmem>>, vector<16xf32>,
    %add3A_837 = arith.addf %add3A_828, %get3A_836 : vector<16xf32>
    %get3A_838 = arith.constant 784 : index
    %get3A_839 = tpu.vector_load %arg6[%get3A_838] {strides = array<i32>} : memref<1024xf32, #tpu.memory_space<vmem>>, vector<16xf32>,
    %add3A_840 = arith.addf %add3A_831, %get3A_839 : vector<16xf32>
    %get3A_841 = arith.constant 784 : index
    %get3A_842 = tpu.vector_load %arg7[%get3A_841] {strides = array<i32>} : memref<1024xf32, #tpu.memory_space<vmem>>, vector<16xf32>,
    %add3A_843 = arith.addf %add3A_834, %get3A_842 : vector<16xf32>
    %get3A_844 = arith.constant 800 : index
    %get3A_845 = tpu.vector_load %arg5[%get3A_844] {strides = array<i32>} : memref<1024xf32, #tpu.memory_space<vmem>>, vector<16xf32>,
    %add3A_846 = arith.addf %add3A_837, %get3A_845 : vector<16xf32>
    %get3A_847 = arith.constant 800 : index
    %get3A_848 = tpu.vector_load %arg6[%get3A_847] {strides = array<i32>} : memref<1024xf32, #tpu.memory_space<vmem>>, vector<16xf32>,
    %add3A_849 = arith.addf %add3A_840, %get3A_848 : vector<16xf32>
    %get3A_850 = arith.constant 800 : index
    %get3A_851 = tpu.vector_load %arg7[%get3A_850] {strides = array<i32>} : memref<1024xf32, #tpu.memory_space<vmem>>, vector<16xf32>,
    %add3A_852 = arith.addf %add3A_843, %get3A_851 : vector<16xf32>
    %get3A_853 = arith.constant 816 : index
    %get3A_854 = tpu.vector_load %arg5[%get3A_853] {strides = array<i32>} : memref<1024xf32, #tpu.memory_space<vmem>>, vector<16xf32>,
    %add3A_855 = arith.addf %add3A_846, %get3A_854 : vector<16xf32>
    %get3A_856 = arith.constant 816 : index
    %get3A_857 = tpu.vector_load %arg6[%get3A_856] {strides = array<i32>} : memref<1024xf32, #tpu.memory_space<vmem>>, vector<16xf32>,
    %add3A_858 = arith.addf %add3A_849, %get3A_857 : vector<16xf32>
    %get3A_859 = arith.constant 816 : index
    %get3A_860 = tpu.vector_load %arg7[%get3A_859] {strides = array<i32>} : memref<1024xf32, #tpu.memory_space<vmem>>, vector<16xf32>,
    %add3A_861 = arith.addf %add3A_852, %get3A_860 : vector<16xf32>
    %get3A_862 = arith.constant 832 : index
    %get3A_863 = tpu.vector_load %arg5[%get3A_862] {strides = array<i32>} : memref<1024xf32, #tpu.memory_space<vmem>>, vector<16xf32>,
    %add3A_864 = arith.addf %add3A_855, %get3A_863 : vector<16xf32>
    %get3A_865 = arith.constant 832 : index
    %get3A_866 = tpu.vector_load %arg6[%get3A_865] {strides = array<i32>} : memref<1024xf32, #tpu.memory_space<vmem>>, vector<16xf32>,
    %add3A_867 = arith.addf %add3A_858, %get3A_866 : vector<16xf32>
    %get3A_868 = arith.constant 832 : index
    %get3A_869 = tpu.vector_load %arg7[%get3A_868] {strides = array<i32>} : memref<1024xf32, #tpu.memory_space<vmem>>, vector<16xf32>,
    %add3A_870 = arith.addf %add3A_861, %get3A_869 : vector<16xf32>
    %get3A_871 = arith.constant 848 : index
    %get3A_872 = tpu.vector_load %arg5[%get3A_871] {strides = array<i32>} : memref<1024xf32, #tpu.memory_space<vmem>>, vector<16xf32>,
    %add3A_873 = arith.addf %add3A_864, %get3A_872 : vector<16xf32>
    %get3A_874 = arith.constant 848 : index
    %get3A_875 = tpu.vector_load %arg6[%get3A_874] {strides = array<i32>} : memref<1024xf32, #tpu.memory_space<vmem>>, vector<16xf32>,
    %add3A_876 = arith.addf %add3A_867, %get3A_875 : vector<16xf32>
    %get3A_877 = arith.constant 848 : index
    %get3A_878 = tpu.vector_load %arg7[%get3A_877] {strides = array<i32>} : memref<1024xf32, #tpu.memory_space<vmem>>, vector<16xf32>,
    %add3A_879 = arith.addf %add3A_870, %get3A_878 : vector<16xf32>
    %get3A_880 = arith.constant 864 : index
    %get3A_881 = tpu.vector_load %arg5[%get3A_880] {strides = array<i32>} : memref<1024xf32, #tpu.memory_space<vmem>>, vector<16xf32>,
    %add3A_882 = arith.addf %add3A_873, %get3A_881 : vector<16xf32>
    %get3A_883 = arith.constant 864 : index
    %get3A_884 = tpu.vector_load %arg6[%get3A_883] {strides = array<i32>} : memref<1024xf32, #tpu.memory_space<vmem>>, vector<16xf32>,
    %add3A_885 = arith.addf %add3A_876, %get3A_884 : vector<16xf32>
    %get3A_886 = arith.constant 864 : index
    %get3A_887 = tpu.vector_load %arg7[%get3A_886] {strides = array<i32>} : memref<1024xf32, #tpu.memory_space<vmem>>, vector<16xf32>,
    %add3A_888 = arith.addf %add3A_879, %get3A_887 : vector<16xf32>
    %get3A_889 = arith.constant 880 : index
    %get3A_890 = tpu.vector_load %arg5[%get3A_889] {strides = array<i32>} : memref<1024xf32, #tpu.memory_space<vmem>>, vector<16xf32>,
    %add3A_891 = arith.addf %add3A_882, %get3A_890 : vector<16xf32>
    %get3A_892 = arith.constant 880 : index
    %get3A_893 = tpu.vector_load %arg6[%get3A_892] {strides = array<i32>} : memref<1024xf32, #tpu.memory_space<vmem>>, vector<16xf32>,
    %add3A_894 = arith.addf %add3A_885, %get3A_893 : vector<16xf32>
    %get3A_895 = arith.constant 880 : index
    %get3A_896 = tpu.vector_load %arg7[%get3A_895] {strides = array<i32>} : memref<1024xf32, #tpu.memory_space<vmem>>, vector<16xf32>,
    %add3A_897 = arith.addf %add3A_888, %get3A_896 : vector<16xf32>
    %get3A_898 = arith.constant 896 : index
    %get3A_899 = tpu.vector_load %arg5[%get3A_898] {strides = array<i32>} : memref<1024xf32, #tpu.memory_space<vmem>>, vector<16xf32>,
    %add3A_900 = arith.addf %add3A_891, %get3A_899 : vector<16xf32>
    %get3A_901 = arith.constant 896 : index
    %get3A_902 = tpu.vector_load %arg6[%get3A_901] {strides = array<i32>} : memref<1024xf32, #tpu.memory_space<vmem>>, vector<16xf32>,
    %add3A_903 = arith.addf %add3A_894, %get3A_902 : vector<16xf32>
    %get3A_904 = arith.constant 896 : index
    %get3A_905 = tpu.vector_load %arg7[%get3A_904] {strides = array<i32>} : memref<1024xf32, #tpu.memory_space<vmem>>, vector<16xf32>,
    %add3A_906 = arith.addf %add3A_897, %get3A_905 : vector<16xf32>
    %get3A_907 = arith.constant 912 : index
    %get3A_908 = tpu.vector_load %arg5[%get3A_907] {strides = array<i32>} : memref<1024xf32, #tpu.memory_space<vmem>>, vector<16xf32>,
    %add3A_909 = arith.addf %add3A_900, %get3A_908 : vector<16xf32>
    %get3A_910 = arith.constant 912 : index
    %get3A_911 = tpu.vector_load %arg6[%get3A_910] {strides = array<i32>} : memref<1024xf32, #tpu.memory_space<vmem>>, vector<16xf32>,
    %add3A_912 = arith.addf %add3A_903, %get3A_911 : vector<16xf32>
    %get3A_913 = arith.constant 912 : index
    %get3A_914 = tpu.vector_load %arg7[%get3A_913] {strides = array<i32>} : memref<1024xf32, #tpu.memory_space<vmem>>, vector<16xf32>,
    %add3A_915 = arith.addf %add3A_906, %get3A_914 : vector<16xf32>
    %get3A_916 = arith.constant 928 : index
    %get3A_917 = tpu.vector_load %arg5[%get3A_916] {strides = array<i32>} : memref<1024xf32, #tpu.memory_space<vmem>>, vector<16xf32>,
    %add3A_918 = arith.addf %add3A_909, %get3A_917 : vector<16xf32>
    %get3A_919 = arith.constant 928 : index
    %get3A_920 = tpu.vector_load %arg6[%get3A_919] {strides = array<i32>} : memref<1024xf32, #tpu.memory_space<vmem>>, vector<16xf32>,
    %add3A_921 = arith.addf %add3A_912, %get3A_920 : vector<16xf32>
    %get3A_922 = arith.constant 928 : index
    %get3A_923 = tpu.vector_load %arg7[%get3A_922] {strides = array<i32>} : memref<1024xf32, #tpu.memory_space<vmem>>, vector<16xf32>,
    %add3A_924 = arith.addf %add3A_915, %get3A_923 : vector<16xf32>
    %get3A_925 = arith.constant 944 : index
    %get3A_926 = tpu.vector_load %arg5[%get3A_925] {strides = array<i32>} : memref<1024xf32, #tpu.memory_space<vmem>>, vector<16xf32>,
    %add3A_927 = arith.addf %add3A_918, %get3A_926 : vector<16xf32>
    %get3A_928 = arith.constant 944 : index
    %get3A_929 = tpu.vector_load %arg6[%get3A_928] {strides = array<i32>} : memref<1024xf32, #tpu.memory_space<vmem>>, vector<16xf32>,
    %add3A_930 = arith.addf %add3A_921, %get3A_929 : vector<16xf32>
    %get3A_931 = arith.constant 944 : index
    %get3A_932 = tpu.vector_load %arg7[%get3A_931] {strides = array<i32>} : memref<1024xf32, #tpu.memory_space<vmem>>, vector<16xf32>,
    %add3A_933 = arith.addf %add3A_924, %get3A_932 : vector<16xf32>
    %get3A_934 = arith.constant 960 : index
    %get3A_935 = tpu.vector_load %arg5[%get3A_934] {strides = array<i32>} : memref<1024xf32, #tpu.memory_space<vmem>>, vector<16xf32>,
    %add3A_936 = arith.addf %add3A_927, %get3A_935 : vector<16xf32>
    %get3A_937 = arith.constant 960 : index
    %get3A_938 = tpu.vector_load %arg6[%get3A_937] {strides = array<i32>} : memref<1024xf32, #tpu.memory_space<vmem>>, vector<16xf32>,
    %add3A_939 = arith.addf %add3A_930, %get3A_938 : vector<16xf32>
    %get3A_940 = arith.constant 960 : index
    %get3A_941 = tpu.vector_load %arg7[%get3A_940] {strides = array<i32>} : memref<1024xf32, #tpu.memory_space<vmem>>, vector<16xf32>,
    %add3A_942 = arith.addf %add3A_933, %get3A_941 : vector<16xf32>
    %get3A_943 = arith.constant 976 : index
    %get3A_944 = tpu.vector_load %arg5[%get3A_943] {strides = array<i32>} : memref<1024xf32, #tpu.memory_space<vmem>>, vector<16xf32>,
    %add3A_945 = arith.addf %add3A_936, %get3A_944 : vector<16xf32>
    %get3A_946 = arith.constant 976 : index
    %get3A_947 = tpu.vector_load %arg6[%get3A_946] {strides = array<i32>} : memref<1024xf32, #tpu.memory_space<vmem>>, vector<16xf32>,
    %add3A_948 = arith.addf %add3A_939, %get3A_947 : vector<16xf32>
    %get3A_949 = arith.constant 976 : index
    %get3A_950 = tpu.vector_load %arg7[%get3A_949] {strides = array<i32>} : memref<1024xf32, #tpu.memory_space<vmem>>, vector<16xf32>,
    %add3A_951 = arith.addf %add3A_942, %get3A_950 : vector<16xf32>
    %get3A_952 = arith.constant 992 : index
    %get3A_953 = tpu.vector_load %arg5[%get3A_952] {strides = array<i32>} : memref<1024xf32, #tpu.memory_space<vmem>>, vector<16xf32>,
    %add3A_954 = arith.addf %add3A_945, %get3A_953 : vector<16xf32>
    %get3A_955 = arith.constant 992 : index
    %get3A_956 = tpu.vector_load %arg6[%get3A_955] {strides = array<i32>} : memref<1024xf32, #tpu.memory_space<vmem>>, vector<16xf32>,
    %add3A_957 = arith.addf %add3A_948, %get3A_956 : vector<16xf32>
    %get3A_958 = arith.constant 992 : index
    %get3A_959 = tpu.vector_load %arg7[%get3A_958] {strides = array<i32>} : memref<1024xf32, #tpu.memory_space<vmem>>, vector<16xf32>,
    %add3A_960 = arith.addf %add3A_951, %get3A_959 : vector<16xf32>
    %get3A_961 = arith.constant 1008 : index
    %get3A_962 = tpu.vector_load %arg5[%get3A_961] {strides = array<i32>} : memref<1024xf32, #tpu.memory_space<vmem>>, vector<16xf32>,
    %add3A_963 = arith.addf %add3A_954, %get3A_962 : vector<16xf32>
    %get3A_964 = arith.constant 1008 : index
    %get3A_965 = tpu.vector_load %arg6[%get3A_964] {strides = array<i32>} : memref<1024xf32, #tpu.memory_space<vmem>>, vector<16xf32>,
    %add3A_966 = arith.addf %add3A_957, %get3A_965 : vector<16xf32>
    %get3A_967 = arith.constant 1008 : index
    %get3A_968 = tpu.vector_load %arg7[%get3A_967] {strides = array<i32>} : memref<1024xf32, #tpu.memory_space<vmem>>, vector<16xf32>,
    %add3A_969 = arith.addf %add3A_960, %get3A_968 : vector<16xf32>
    %swap3A_970 = arith.constant 0 : index
    %swap3A_971 = tpu.vector_load %arg8[%swap3A_970] {strides = array<i32>} : memref<48xf32, #tpu.memory_space<vmem>>, vector<16xf32>,
    tpu.vector_store %arg8[%swap3A_970], %add3A_963 {strides = array<i32>} : memref<48xf32, #tpu.memory_space<vmem>>, vector<16xf32>,
    %swap3A_972 = arith.constant 16 : index
    %swap3A_973 = tpu.vector_load %arg8[%swap3A_972] {strides = array<i32>} : memref<48xf32, #tpu.memory_space<vmem>>, vector<16xf32>,
    tpu.vector_store %arg8[%swap3A_972], %add3A_966 {strides = array<i32>} : memref<48xf32, #tpu.memory_space<vmem>>, vector<16xf32>,
    %swap3A_974 = arith.constant 32 : index
    %swap3A_975 = tpu.vector_load %arg8[%swap3A_974] {strides = array<i32>} : memref<48xf32, #tpu.memory_space<vmem>>, vector<16xf32>,
    tpu.vector_store %arg8[%swap3A_974], %add3A_969 {strides = array<i32>} : memref<48xf32, #tpu.memory_space<vmem>>, vector<16xf32>,
    %mul3A_976 = arith.constant 48 : i32
    %mul3A_977 = arith.muli %arg1, %mul3A_976 : i32
    "tpu.region"() ({
      %run_scoped3A = tpu.sem_alloc : memref<!tpu.dma_semaphore, #tpu.memory_space<semaphore_mem>>
      %dma_start3A = tpu.memref_slice %arg10[%mul3A_977] : memref<768xf32, #tpu.memory_space<vmem_shared>> -> memref<48xf32, #tpu.memory_space<vmem_shared>>
      %dma_start3A_980 = tpu.memref_slice %arg10[%mul3A_977] : memref<768xf32, #tpu.memory_space<vmem_shared>> -> memref<48xf32, #tpu.memory_space<vmem_shared>>
      tpu.enqueue_dma source(%arg8 : memref<48xf32, #tpu.memory_space<vmem>>) target(%dma_start3A_980 : memref<48xf32, #tpu.memory_space<vmem_shared>>) target_semaphore(%run_scoped3A : memref<!tpu.dma_semaphore, #tpu.memory_space<semaphore_mem>>)
      %dma_wait3A = tpu.memref_slice %arg10[%mul3A_977] : memref<768xf32, #tpu.memory_space<vmem_shared>> -> memref<48xf32, #tpu.memory_space<vmem_shared>>
      %dma_wait3A_981 = tpu.memref_slice %arg10[%mul3A_977] : memref<768xf32, #tpu.memory_space<vmem_shared>> -> memref<48xf32, #tpu.memory_space<vmem_shared>>
      tpu.wait_dma2 semaphore(%run_scoped3A : memref<!tpu.dma_semaphore, #tpu.memory_space<semaphore_mem>>) src(%arg8 : memref<48xf32, #tpu.memory_space<vmem>>) dst(%dma_wait3A_981 : memref<48xf32, #tpu.memory_space<vmem_shared>>)
      tpu.yield
    }) : () -> ()
    %barrier3A = arith.constant 0 : index
    tpu.barrier barrier_id(%barrier3A)
    %eq3A = arith.constant 0 : i32
    %eq3A_978 = arith.cmpi eq, %arg1, %eq3A : i32
    %convert_element_type3A = arith.extui %eq3A_978 : i1 to i32
    %cond3A = arith.constant 0 : i32
    %cond3A_979 = arith.cmpi ne, %convert_element_type3A, %cond3A : i32
    scf.if %cond3A_979 {
      "tpu.region"() ({
        %run_scoped3A = tpu.sem_alloc : memref<!tpu.dma_semaphore, #tpu.memory_space<semaphore_mem>>
        tpu.enqueue_dma source(%arg10 : memref<768xf32, #tpu.memory_space<vmem_shared>>) target(%arg9 : memref<768xf32, #tpu.memory_space<vmem>>) target_semaphore(%run_scoped3A : memref<!tpu.dma_semaphore, #tpu.memory_space<semaphore_mem>>)
        tpu.wait_dma2 semaphore(%run_scoped3A : memref<!tpu.dma_semaphore, #tpu.memory_space<semaphore_mem>>) src(%arg10 : memref<768xf32, #tpu.memory_space<vmem_shared>>) dst(%arg9 : memref<768xf32, #tpu.memory_space<vmem>>)
        tpu.yield
      }) : () -> ()
      %get3A_980 = arith.constant 0 : index
      %get3A_981 = tpu.vector_load %arg9[%get3A_980] {strides = array<i32>} : memref<768xf32, #tpu.memory_space<vmem>>, vector<16xf32>,
      %get3A_982 = arith.constant 16 : index
      %get3A_983 = tpu.vector_load %arg9[%get3A_982] {strides = array<i32>} : memref<768xf32, #tpu.memory_space<vmem>>, vector<16xf32>,
      %get3A_984 = arith.constant 32 : index
      %get3A_985 = tpu.vector_load %arg9[%get3A_984] {strides = array<i32>} : memref<768xf32, #tpu.memory_space<vmem>>, vector<16xf32>,
      %get3A_986 = arith.constant 48 : index
      %get3A_987 = tpu.vector_load %arg9[%get3A_986] {strides = array<i32>} : memref<768xf32, #tpu.memory_space<vmem>>, vector<16xf32>,
      %add3A_988 = arith.addf %get3A_981, %get3A_987 : vector<16xf32>
      %get3A_989 = arith.constant 64 : index
      %get3A_990 = tpu.vector_load %arg9[%get3A_989] {strides = array<i32>} : memref<768xf32, #tpu.memory_space<vmem>>, vector<16xf32>,
      %add3A_991 = arith.addf %get3A_983, %get3A_990 : vector<16xf32>
      %get3A_992 = arith.constant 80 : index
      %get3A_993 = tpu.vector_load %arg9[%get3A_992] {strides = array<i32>} : memref<768xf32, #tpu.memory_space<vmem>>, vector<16xf32>,
      %add3A_994 = arith.addf %get3A_985, %get3A_993 : vector<16xf32>
      %get3A_995 = arith.constant 96 : index
      %get3A_996 = tpu.vector_load %arg9[%get3A_995] {strides = array<i32>} : memref<768xf32, #tpu.memory_space<vmem>>, vector<16xf32>,
      %add3A_997 = arith.addf %add3A_988, %get3A_996 : vector<16xf32>
      %get3A_998 = arith.constant 112 : index
      %get3A_999 = tpu.vector_load %arg9[%get3A_998] {strides = array<i32>} : memref<768xf32, #tpu.memory_space<vmem>>, vector<16xf32>,
      %add3A_1000 = arith.addf %add3A_991, %get3A_999 : vector<16xf32>
      %get3A_1001 = arith.constant 128 : index
      %get3A_1002 = tpu.vector_load %arg9[%get3A_1001] {strides = array<i32>} : memref<768xf32, #tpu.memory_space<vmem>>, vector<16xf32>,
      %add3A_1003 = arith.addf %add3A_994, %get3A_1002 : vector<16xf32>
      %get3A_1004 = arith.constant 144 : index
      %get3A_1005 = tpu.vector_load %arg9[%get3A_1004] {strides = array<i32>} : memref<768xf32, #tpu.memory_space<vmem>>, vector<16xf32>,
      %add3A_1006 = arith.addf %add3A_997, %get3A_1005 : vector<16xf32>
      %get3A_1007 = arith.constant 160 : index
      %get3A_1008 = tpu.vector_load %arg9[%get3A_1007] {strides = array<i32>} : memref<768xf32, #tpu.memory_space<vmem>>, vector<16xf32>,
      %add3A_1009 = arith.addf %add3A_1000, %get3A_1008 : vector<16xf32>
      %get3A_1010 = arith.constant 176 : index
      %get3A_1011 = tpu.vector_load %arg9[%get3A_1010] {strides = array<i32>} : memref<768xf32, #tpu.memory_space<vmem>>, vector<16xf32>,
      %add3A_1012 = arith.addf %add3A_1003, %get3A_1011 : vector<16xf32>
      %get3A_1013 = arith.constant 192 : index
      %get3A_1014 = tpu.vector_load %arg9[%get3A_1013] {strides = array<i32>} : memref<768xf32, #tpu.memory_space<vmem>>, vector<16xf32>,
      %add3A_1015 = arith.addf %add3A_1006, %get3A_1014 : vector<16xf32>
      %get3A_1016 = arith.constant 208 : index
      %get3A_1017 = tpu.vector_load %arg9[%get3A_1016] {strides = array<i32>} : memref<768xf32, #tpu.memory_space<vmem>>, vector<16xf32>,
      %add3A_1018 = arith.addf %add3A_1009, %get3A_1017 : vector<16xf32>
      %get3A_1019 = arith.constant 224 : index
      %get3A_1020 = tpu.vector_load %arg9[%get3A_1019] {strides = array<i32>} : memref<768xf32, #tpu.memory_space<vmem>>, vector<16xf32>,
      %add3A_1021 = arith.addf %add3A_1012, %get3A_1020 : vector<16xf32>
      %get3A_1022 = arith.constant 240 : index
      %get3A_1023 = tpu.vector_load %arg9[%get3A_1022] {strides = array<i32>} : memref<768xf32, #tpu.memory_space<vmem>>, vector<16xf32>,
      %add3A_1024 = arith.addf %add3A_1015, %get3A_1023 : vector<16xf32>
      %get3A_1025 = arith.constant 256 : index
      %get3A_1026 = tpu.vector_load %arg9[%get3A_1025] {strides = array<i32>} : memref<768xf32, #tpu.memory_space<vmem>>, vector<16xf32>,
      %add3A_1027 = arith.addf %add3A_1018, %get3A_1026 : vector<16xf32>
      %get3A_1028 = arith.constant 272 : index
      %get3A_1029 = tpu.vector_load %arg9[%get3A_1028] {strides = array<i32>} : memref<768xf32, #tpu.memory_space<vmem>>, vector<16xf32>,
      %add3A_1030 = arith.addf %add3A_1021, %get3A_1029 : vector<16xf32>
      %get3A_1031 = arith.constant 288 : index
      %get3A_1032 = tpu.vector_load %arg9[%get3A_1031] {strides = array<i32>} : memref<768xf32, #tpu.memory_space<vmem>>, vector<16xf32>,
      %add3A_1033 = arith.addf %add3A_1024, %get3A_1032 : vector<16xf32>
      %get3A_1034 = arith.constant 304 : index
      %get3A_1035 = tpu.vector_load %arg9[%get3A_1034] {strides = array<i32>} : memref<768xf32, #tpu.memory_space<vmem>>, vector<16xf32>,
      %add3A_1036 = arith.addf %add3A_1027, %get3A_1035 : vector<16xf32>
      %get3A_1037 = arith.constant 320 : index
      %get3A_1038 = tpu.vector_load %arg9[%get3A_1037] {strides = array<i32>} : memref<768xf32, #tpu.memory_space<vmem>>, vector<16xf32>,
      %add3A_1039 = arith.addf %add3A_1030, %get3A_1038 : vector<16xf32>
      %get3A_1040 = arith.constant 336 : index
      %get3A_1041 = tpu.vector_load %arg9[%get3A_1040] {strides = array<i32>} : memref<768xf32, #tpu.memory_space<vmem>>, vector<16xf32>,
      %add3A_1042 = arith.addf %add3A_1033, %get3A_1041 : vector<16xf32>
      %get3A_1043 = arith.constant 352 : index
      %get3A_1044 = tpu.vector_load %arg9[%get3A_1043] {strides = array<i32>} : memref<768xf32, #tpu.memory_space<vmem>>, vector<16xf32>,
      %add3A_1045 = arith.addf %add3A_1036, %get3A_1044 : vector<16xf32>
      %get3A_1046 = arith.constant 368 : index
      %get3A_1047 = tpu.vector_load %arg9[%get3A_1046] {strides = array<i32>} : memref<768xf32, #tpu.memory_space<vmem>>, vector<16xf32>,
      %add3A_1048 = arith.addf %add3A_1039, %get3A_1047 : vector<16xf32>
      %get3A_1049 = arith.constant 384 : index
      %get3A_1050 = tpu.vector_load %arg9[%get3A_1049] {strides = array<i32>} : memref<768xf32, #tpu.memory_space<vmem>>, vector<16xf32>,
      %add3A_1051 = arith.addf %add3A_1042, %get3A_1050 : vector<16xf32>
      %get3A_1052 = arith.constant 400 : index
      %get3A_1053 = tpu.vector_load %arg9[%get3A_1052] {strides = array<i32>} : memref<768xf32, #tpu.memory_space<vmem>>, vector<16xf32>,
      %add3A_1054 = arith.addf %add3A_1045, %get3A_1053 : vector<16xf32>
      %get3A_1055 = arith.constant 416 : index
      %get3A_1056 = tpu.vector_load %arg9[%get3A_1055] {strides = array<i32>} : memref<768xf32, #tpu.memory_space<vmem>>, vector<16xf32>,
      %add3A_1057 = arith.addf %add3A_1048, %get3A_1056 : vector<16xf32>
      %get3A_1058 = arith.constant 432 : index
      %get3A_1059 = tpu.vector_load %arg9[%get3A_1058] {strides = array<i32>} : memref<768xf32, #tpu.memory_space<vmem>>, vector<16xf32>,
      %add3A_1060 = arith.addf %add3A_1051, %get3A_1059 : vector<16xf32>
      %get3A_1061 = arith.constant 448 : index
      %get3A_1062 = tpu.vector_load %arg9[%get3A_1061] {strides = array<i32>} : memref<768xf32, #tpu.memory_space<vmem>>, vector<16xf32>,
      %add3A_1063 = arith.addf %add3A_1054, %get3A_1062 : vector<16xf32>
      %get3A_1064 = arith.constant 464 : index
      %get3A_1065 = tpu.vector_load %arg9[%get3A_1064] {strides = array<i32>} : memref<768xf32, #tpu.memory_space<vmem>>, vector<16xf32>,
      %add3A_1066 = arith.addf %add3A_1057, %get3A_1065 : vector<16xf32>
      %get3A_1067 = arith.constant 480 : index
      %get3A_1068 = tpu.vector_load %arg9[%get3A_1067] {strides = array<i32>} : memref<768xf32, #tpu.memory_space<vmem>>, vector<16xf32>,
      %add3A_1069 = arith.addf %add3A_1060, %get3A_1068 : vector<16xf32>
      %get3A_1070 = arith.constant 496 : index
      %get3A_1071 = tpu.vector_load %arg9[%get3A_1070] {strides = array<i32>} : memref<768xf32, #tpu.memory_space<vmem>>, vector<16xf32>,
      %add3A_1072 = arith.addf %add3A_1063, %get3A_1071 : vector<16xf32>
      %get3A_1073 = arith.constant 512 : index
      %get3A_1074 = tpu.vector_load %arg9[%get3A_1073] {strides = array<i32>} : memref<768xf32, #tpu.memory_space<vmem>>, vector<16xf32>,
      %add3A_1075 = arith.addf %add3A_1066, %get3A_1074 : vector<16xf32>
      %get3A_1076 = arith.constant 528 : index
      %get3A_1077 = tpu.vector_load %arg9[%get3A_1076] {strides = array<i32>} : memref<768xf32, #tpu.memory_space<vmem>>, vector<16xf32>,
      %add3A_1078 = arith.addf %add3A_1069, %get3A_1077 : vector<16xf32>
      %get3A_1079 = arith.constant 544 : index
      %get3A_1080 = tpu.vector_load %arg9[%get3A_1079] {strides = array<i32>} : memref<768xf32, #tpu.memory_space<vmem>>, vector<16xf32>,
      %add3A_1081 = arith.addf %add3A_1072, %get3A_1080 : vector<16xf32>
      %get3A_1082 = arith.constant 560 : index
      %get3A_1083 = tpu.vector_load %arg9[%get3A_1082] {strides = array<i32>} : memref<768xf32, #tpu.memory_space<vmem>>, vector<16xf32>,
      %add3A_1084 = arith.addf %add3A_1075, %get3A_1083 : vector<16xf32>
      %get3A_1085 = arith.constant 576 : index
      %get3A_1086 = tpu.vector_load %arg9[%get3A_1085] {strides = array<i32>} : memref<768xf32, #tpu.memory_space<vmem>>, vector<16xf32>,
      %add3A_1087 = arith.addf %add3A_1078, %get3A_1086 : vector<16xf32>
      %get3A_1088 = arith.constant 592 : index
      %get3A_1089 = tpu.vector_load %arg9[%get3A_1088] {strides = array<i32>} : memref<768xf32, #tpu.memory_space<vmem>>, vector<16xf32>,
      %add3A_1090 = arith.addf %add3A_1081, %get3A_1089 : vector<16xf32>
      %get3A_1091 = arith.constant 608 : index
      %get3A_1092 = tpu.vector_load %arg9[%get3A_1091] {strides = array<i32>} : memref<768xf32, #tpu.memory_space<vmem>>, vector<16xf32>,
      %add3A_1093 = arith.addf %add3A_1084, %get3A_1092 : vector<16xf32>
      %get3A_1094 = arith.constant 624 : index
      %get3A_1095 = tpu.vector_load %arg9[%get3A_1094] {strides = array<i32>} : memref<768xf32, #tpu.memory_space<vmem>>, vector<16xf32>,
      %add3A_1096 = arith.addf %add3A_1087, %get3A_1095 : vector<16xf32>
      %get3A_1097 = arith.constant 640 : index
      %get3A_1098 = tpu.vector_load %arg9[%get3A_1097] {strides = array<i32>} : memref<768xf32, #tpu.memory_space<vmem>>, vector<16xf32>,
      %add3A_1099 = arith.addf %add3A_1090, %get3A_1098 : vector<16xf32>
      %get3A_1100 = arith.constant 656 : index
      %get3A_1101 = tpu.vector_load %arg9[%get3A_1100] {strides = array<i32>} : memref<768xf32, #tpu.memory_space<vmem>>, vector<16xf32>,
      %add3A_1102 = arith.addf %add3A_1093, %get3A_1101 : vector<16xf32>
      %get3A_1103 = arith.constant 672 : index
      %get3A_1104 = tpu.vector_load %arg9[%get3A_1103] {strides = array<i32>} : memref<768xf32, #tpu.memory_space<vmem>>, vector<16xf32>,
      %add3A_1105 = arith.addf %add3A_1096, %get3A_1104 : vector<16xf32>
      %get3A_1106 = arith.constant 688 : index
      %get3A_1107 = tpu.vector_load %arg9[%get3A_1106] {strides = array<i32>} : memref<768xf32, #tpu.memory_space<vmem>>, vector<16xf32>,
      %add3A_1108 = arith.addf %add3A_1099, %get3A_1107 : vector<16xf32>
      %get3A_1109 = arith.constant 704 : index
      %get3A_1110 = tpu.vector_load %arg9[%get3A_1109] {strides = array<i32>} : memref<768xf32, #tpu.memory_space<vmem>>, vector<16xf32>,
      %add3A_1111 = arith.addf %add3A_1102, %get3A_1110 : vector<16xf32>
      %get3A_1112 = arith.constant 720 : index
      %get3A_1113 = tpu.vector_load %arg9[%get3A_1112] {strides = array<i32>} : memref<768xf32, #tpu.memory_space<vmem>>, vector<16xf32>,
      %add3A_1114 = arith.addf %add3A_1105, %get3A_1113 : vector<16xf32>
      %get3A_1115 = arith.constant 736 : index
      %get3A_1116 = tpu.vector_load %arg9[%get3A_1115] {strides = array<i32>} : memref<768xf32, #tpu.memory_space<vmem>>, vector<16xf32>,
      %add3A_1117 = arith.addf %add3A_1108, %get3A_1116 : vector<16xf32>
      %get3A_1118 = arith.constant 752 : index
      %get3A_1119 = tpu.vector_load %arg9[%get3A_1118] {strides = array<i32>} : memref<768xf32, #tpu.memory_space<vmem>>, vector<16xf32>,
      %add3A_1120 = arith.addf %add3A_1111, %get3A_1119 : vector<16xf32>
      %swap3A_1121 = arith.constant 0 : index
      %swap3A_1122 = tpu.vector_load %arg8[%swap3A_1121] {strides = array<i32>} : memref<48xf32, #tpu.memory_space<vmem>>, vector<16xf32>,
      tpu.vector_store %arg8[%swap3A_1121], %add3A_1114 {strides = array<i32>} : memref<48xf32, #tpu.memory_space<vmem>>, vector<16xf32>,
      %swap3A_1123 = arith.constant 16 : index
      %swap3A_1124 = tpu.vector_load %arg8[%swap3A_1123] {strides = array<i32>} : memref<48xf32, #tpu.memory_space<vmem>>, vector<16xf32>,
      tpu.vector_store %arg8[%swap3A_1123], %add3A_1117 {strides = array<i32>} : memref<48xf32, #tpu.memory_space<vmem>>, vector<16xf32>,
      %swap3A_1125 = arith.constant 32 : index
      %swap3A_1126 = tpu.vector_load %arg8[%swap3A_1125] {strides = array<i32>} : memref<48xf32, #tpu.memory_space<vmem>>, vector<16xf32>,
      tpu.vector_store %arg8[%swap3A_1125], %add3A_1120 {strides = array<i32>} : memref<48xf32, #tpu.memory_space<vmem>>, vector<16xf32>,
      %mul3A_1127 = arith.constant 48 : i32
      %mul3A_1128 = arith.muli %arg0, %mul3A_1127 : i32
      "tpu.region"() ({
        %run_scoped3A = tpu.sem_alloc : memref<!tpu.dma_semaphore, #tpu.memory_space<semaphore_mem>>
        %dma_start3A = tpu.memref_slice %arg3[%mul3A_1128] : memref<96xf32, #tpu.memory_space<hbm>> -> memref<48xf32, #tpu.memory_space<hbm>>
        %dma_start3A_1129 = tpu.memref_slice %arg3[%mul3A_1128] : memref<96xf32, #tpu.memory_space<hbm>> -> memref<48xf32, #tpu.memory_space<hbm>>
        tpu.enqueue_dma source(%arg8 : memref<48xf32, #tpu.memory_space<vmem>>) target(%dma_start3A_1129 : memref<48xf32, #tpu.memory_space<hbm>>) target_semaphore(%run_scoped3A : memref<!tpu.dma_semaphore, #tpu.memory_space<semaphore_mem>>)
        %dma_wait3A = tpu.memref_slice %arg3[%mul3A_1128] : memref<96xf32, #tpu.memory_space<hbm>> -> memref<48xf32, #tpu.memory_space<hbm>>
        %dma_wait3A_1130 = tpu.memref_slice %arg3[%mul3A_1128] : memref<96xf32, #tpu.memory_space<hbm>> -> memref<48xf32, #tpu.memory_space<hbm>>
        tpu.wait_dma2 semaphore(%run_scoped3A : memref<!tpu.dma_semaphore, #tpu.memory_space<semaphore_mem>>) src(%arg8 : memref<48xf32, #tpu.memory_space<vmem>>) dst(%dma_wait3A_1130 : memref<48xf32, #tpu.memory_space<hbm>>)
        tpu.yield
      }) : () -> ()
    } else {
    }
    return
  }
}

#map = affine_map<(d0, d1) -> (0)>
module attributes {stable_mosaic.version = 14 : i64} {
  func.func @ece_bin_kernel(%arg0: i32, %arg1: i32, %arg2: memref<131072xf32, #tpu.memory_space<hbm>>, %arg3: memref<96xf32, #tpu.memory_space<hbm>>, %arg4: memref<4096xf32, #tpu.memory_space<vmem>>, %arg5: memref<1024xf32, #tpu.memory_space<vmem>>, %arg6: memref<1024xf32, #tpu.memory_space<vmem>>, %arg7: memref<1024xf32, #tpu.memory_space<vmem>>, %arg8: memref<48xf32, #tpu.memory_space<vmem>>, %arg9: memref<768xf32, #tpu.memory_space<vmem>>, %arg10: memref<768xf32, #tpu.memory_space<vmem_shared>>) attributes {dimension_semantics = [#tpu.dimension_semantics<core_parallel>, #tpu.dimension_semantics<subcore_parallel>], iteration_bounds = array<i64: 2, 16>, scalar_prefetch = 0 : i64, scratch_operands = 7 : i64, tpu.core_type = #tpu.core_type<sc_vector_subcore>, window_params = [{transform_indices = #map}, {transform_indices = #map}]} {
    %mul3A = arith.constant 16 : i32
    %mul3A_0 = arith.muli %arg0, %mul3A : i32
    %add3A = arith.addi %mul3A_0, %arg1 : i32
    %mul3A_1 = arith.constant 4096 : i32
    %mul3A_2 = arith.muli %add3A, %mul3A_1 : i32
    "tpu.region"() ({
      %run_scoped3A = tpu.sem_alloc : memref<!tpu.dma_semaphore, #tpu.memory_space<semaphore_mem>>
      %dma_start3A = tpu.memref_slice %arg2[%mul3A_2] : memref<131072xf32, #tpu.memory_space<hbm>> -> memref<4096xf32, #tpu.memory_space<hbm>>
      %dma_start3A_980 = tpu.memref_slice %arg2[%mul3A_2] : memref<131072xf32, #tpu.memory_space<hbm>> -> memref<4096xf32, #tpu.memory_space<hbm>>
      tpu.enqueue_dma source(%dma_start3A_980 : memref<4096xf32, #tpu.memory_space<hbm>>) target(%arg4 : memref<4096xf32, #tpu.memory_space<vmem>>) target_semaphore(%run_scoped3A : memref<!tpu.dma_semaphore, #tpu.memory_space<semaphore_mem>>)
      %dma_wait3A = tpu.memref_slice %arg2[%mul3A_2] : memref<131072xf32, #tpu.memory_space<hbm>> -> memref<4096xf32, #tpu.memory_space<hbm>>
      %dma_wait3A_981 = tpu.memref_slice %arg2[%mul3A_2] : memref<131072xf32, #tpu.memory_space<hbm>> -> memref<4096xf32, #tpu.memory_space<hbm>>
      tpu.wait_dma2 semaphore(%run_scoped3A : memref<!tpu.dma_semaphore, #tpu.memory_space<semaphore_mem>>) src(%dma_wait3A_981 : memref<4096xf32, #tpu.memory_space<hbm>>) dst(%arg4 : memref<4096xf32, #tpu.memory_space<vmem>>)
      tpu.yield
    }) : () -> ()
    %broadcast_in_dim3A = arith.constant 0.000000e+00 : f32
    %broadcast_in_dim3A_3 = vector.broadcast %broadcast_in_dim3A : f32 to vector<16xf32>
    %swap3A = arith.constant 0 : index
    %swap3A_4 = tpu.vector_load %arg5[%swap3A] {strides = array<i32>} : memref<1024xf32, #tpu.memory_space<vmem>>, vector<16xf32>,
    tpu.vector_store %arg5[%swap3A], %broadcast_in_dim3A_3 {strides = array<i32>} : memref<1024xf32, #tpu.memory_space<vmem>>, vector<16xf32>,
    %swap3A_5 = arith.constant 0 : index
    %swap3A_6 = tpu.vector_load %arg6[%swap3A_5] {strides = array<i32>} : memref<1024xf32, #tpu.memory_space<vmem>>, vector<16xf32>,
    tpu.vector_store %arg6[%swap3A_5], %broadcast_in_dim3A_3 {strides = array<i32>} : memref<1024xf32, #tpu.memory_space<vmem>>, vector<16xf32>,
    %swap3A_7 = arith.constant 0 : index
    %swap3A_8 = tpu.vector_load %arg7[%swap3A_7] {strides = array<i32>} : memref<1024xf32, #tpu.memory_space<vmem>>, vector<16xf32>,
    tpu.vector_store %arg7[%swap3A_7], %broadcast_in_dim3A_3 {strides = array<i32>} : memref<1024xf32, #tpu.memory_space<vmem>>, vector<16xf32>,
    %swap3A_9 = arith.constant 16 : index
    %swap3A_10 = tpu.vector_load %arg5[%swap3A_9] {strides = array<i32>} : memref<1024xf32, #tpu.memory_space<vmem>>, vector<16xf32>,
    tpu.vector_store %arg5[%swap3A_9], %broadcast_in_dim3A_3 {strides = array<i32>} : memref<1024xf32, #tpu.memory_space<vmem>>, vector<16xf32>,
    %swap3A_11 = arith.constant 16 : index
    %swap3A_12 = tpu.vector_load %arg6[%swap3A_11] {strides = array<i32>} : memref<1024xf32, #tpu.memory_space<vmem>>, vector<16xf32>,
    tpu.vector_store %arg6[%swap3A_11], %broadcast_in_dim3A_3 {strides = array<i32>} : memref<1024xf32, #tpu.memory_space<vmem>>, vector<16xf32>,
    %swap3A_13 = arith.constant 16 : index
    %swap3A_14 = tpu.vector_load %arg7[%swap3A_13] {strides = array<i32>} : memref<1024xf32, #tpu.memory_space<vmem>>, vector<16xf32>,
    tpu.vector_store %arg7[%swap3A_13], %broadcast_in_dim3A_3 {strides = array<i32>} : memref<1024xf32, #tpu.memory_space<vmem>>, vector<16xf32>,
    %swap3A_15 = arith.constant 32 : index
    %swap3A_16 = tpu.vector_load %arg5[%swap3A_15] {strides = array<i32>} : memref<1024xf32, #tpu.memory_space<vmem>>, vector<16xf32>,
    tpu.vector_store %arg5[%swap3A_15], %broadcast_in_dim3A_3 {strides = array<i32>} : memref<1024xf32, #tpu.memory_space<vmem>>, vector<16xf32>,
    %swap3A_17 = arith.constant 32 : index
    %swap3A_18 = tpu.vector_load %arg6[%swap3A_17] {strides = array<i32>} : memref<1024xf32, #tpu.memory_space<vmem>>, vector<16xf32>,
    tpu.vector_store %arg6[%swap3A_17], %broadcast_in_dim3A_3 {strides = array<i32>} : memref<1024xf32, #tpu.memory_space<vmem>>, vector<16xf32>,
    %swap3A_19 = arith.constant 32 : index
    %swap3A_20 = tpu.vector_load %arg7[%swap3A_19] {strides = array<i32>} : memref<1024xf32, #tpu.memory_space<vmem>>, vector<16xf32>,
    tpu.vector_store %arg7[%swap3A_19], %broadcast_in_dim3A_3 {strides = array<i32>} : memref<1024xf32, #tpu.memory_space<vmem>>, vector<16xf32>,
    %swap3A_21 = arith.constant 48 : index
    %swap3A_22 = tpu.vector_load %arg5[%swap3A_21] {strides = array<i32>} : memref<1024xf32, #tpu.memory_space<vmem>>, vector<16xf32>,
    tpu.vector_store %arg5[%swap3A_21], %broadcast_in_dim3A_3 {strides = array<i32>} : memref<1024xf32, #tpu.memory_space<vmem>>, vector<16xf32>,
    %swap3A_23 = arith.constant 48 : index
    %swap3A_24 = tpu.vector_load %arg6[%swap3A_23] {strides = array<i32>} : memref<1024xf32, #tpu.memory_space<vmem>>, vector<16xf32>,
    tpu.vector_store %arg6[%swap3A_23], %broadcast_in_dim3A_3 {strides = array<i32>} : memref<1024xf32, #tpu.memory_space<vmem>>, vector<16xf32>,
    %swap3A_25 = arith.constant 48 : index
    %swap3A_26 = tpu.vector_load %arg7[%swap3A_25] {strides = array<i32>} : memref<1024xf32, #tpu.memory_space<vmem>>, vector<16xf32>,
    tpu.vector_store %arg7[%swap3A_25], %broadcast_in_dim3A_3 {strides = array<i32>} : memref<1024xf32, #tpu.memory_space<vmem>>, vector<16xf32>,
    %swap3A_27 = arith.constant 64 : index
    %swap3A_28 = tpu.vector_load %arg5[%swap3A_27] {strides = array<i32>} : memref<1024xf32, #tpu.memory_space<vmem>>, vector<16xf32>,
    tpu.vector_store %arg5[%swap3A_27], %broadcast_in_dim3A_3 {strides = array<i32>} : memref<1024xf32, #tpu.memory_space<vmem>>, vector<16xf32>,
    %swap3A_29 = arith.constant 64 : index
    %swap3A_30 = tpu.vector_load %arg6[%swap3A_29] {strides = array<i32>} : memref<1024xf32, #tpu.memory_space<vmem>>, vector<16xf32>,
    tpu.vector_store %arg6[%swap3A_29], %broadcast_in_dim3A_3 {strides = array<i32>} : memref<1024xf32, #tpu.memory_space<vmem>>, vector<16xf32>,
    %swap3A_31 = arith.constant 64 : index
    %swap3A_32 = tpu.vector_load %arg7[%swap3A_31] {strides = array<i32>} : memref<1024xf32, #tpu.memory_space<vmem>>, vector<16xf32>,
    tpu.vector_store %arg7[%swap3A_31], %broadcast_in_dim3A_3 {strides = array<i32>} : memref<1024xf32, #tpu.memory_space<vmem>>, vector<16xf32>,
    %swap3A_33 = arith.constant 80 : index
    %swap3A_34 = tpu.vector_load %arg5[%swap3A_33] {strides = array<i32>} : memref<1024xf32, #tpu.memory_space<vmem>>, vector<16xf32>,
    tpu.vector_store %arg5[%swap3A_33], %broadcast_in_dim3A_3 {strides = array<i32>} : memref<1024xf32, #tpu.memory_space<vmem>>, vector<16xf32>,
    %swap3A_35 = arith.constant 80 : index
    %swap3A_36 = tpu.vector_load %arg6[%swap3A_35] {strides = array<i32>} : memref<1024xf32, #tpu.memory_space<vmem>>, vector<16xf32>,
    tpu.vector_store %arg6[%swap3A_35], %broadcast_in_dim3A_3 {strides = array<i32>} : memref<1024xf32, #tpu.memory_space<vmem>>, vector<16xf32>,
    %swap3A_37 = arith.constant 80 : index
    %swap3A_38 = tpu.vector_load %arg7[%swap3A_37] {strides = array<i32>} : memref<1024xf32, #tpu.memory_space<vmem>>, vector<16xf32>,
    tpu.vector_store %arg7[%swap3A_37], %broadcast_in_dim3A_3 {strides = array<i32>} : memref<1024xf32, #tpu.memory_space<vmem>>, vector<16xf32>,
    %swap3A_39 = arith.constant 96 : index
    %swap3A_40 = tpu.vector_load %arg5[%swap3A_39] {strides = array<i32>} : memref<1024xf32, #tpu.memory_space<vmem>>, vector<16xf32>,
    tpu.vector_store %arg5[%swap3A_39], %broadcast_in_dim3A_3 {strides = array<i32>} : memref<1024xf32, #tpu.memory_space<vmem>>, vector<16xf32>,
    %swap3A_41 = arith.constant 96 : index
    %swap3A_42 = tpu.vector_load %arg6[%swap3A_41] {strides = array<i32>} : memref<1024xf32, #tpu.memory_space<vmem>>, vector<16xf32>,
    tpu.vector_store %arg6[%swap3A_41], %broadcast_in_dim3A_3 {strides = array<i32>} : memref<1024xf32, #tpu.memory_space<vmem>>, vector<16xf32>,
    %swap3A_43 = arith.constant 96 : index
    %swap3A_44 = tpu.vector_load %arg7[%swap3A_43] {strides = array<i32>} : memref<1024xf32, #tpu.memory_space<vmem>>, vector<16xf32>,
    tpu.vector_store %arg7[%swap3A_43], %broadcast_in_dim3A_3 {strides = array<i32>} : memref<1024xf32, #tpu.memory_space<vmem>>, vector<16xf32>,
    %swap3A_45 = arith.constant 112 : index
    %swap3A_46 = tpu.vector_load %arg5[%swap3A_45] {strides = array<i32>} : memref<1024xf32, #tpu.memory_space<vmem>>, vector<16xf32>,
    tpu.vector_store %arg5[%swap3A_45], %broadcast_in_dim3A_3 {strides = array<i32>} : memref<1024xf32, #tpu.memory_space<vmem>>, vector<16xf32>,
    %swap3A_47 = arith.constant 112 : index
    %swap3A_48 = tpu.vector_load %arg6[%swap3A_47] {strides = array<i32>} : memref<1024xf32, #tpu.memory_space<vmem>>, vector<16xf32>,
    tpu.vector_store %arg6[%swap3A_47], %broadcast_in_dim3A_3 {strides = array<i32>} : memref<1024xf32, #tpu.memory_space<vmem>>, vector<16xf32>,
    %swap3A_49 = arith.constant 112 : index
    %swap3A_50 = tpu.vector_load %arg7[%swap3A_49] {strides = array<i32>} : memref<1024xf32, #tpu.memory_space<vmem>>, vector<16xf32>,
    tpu.vector_store %arg7[%swap3A_49], %broadcast_in_dim3A_3 {strides = array<i32>} : memref<1024xf32, #tpu.memory_space<vmem>>, vector<16xf32>,
    %swap3A_51 = arith.constant 128 : index
    %swap3A_52 = tpu.vector_load %arg5[%swap3A_51] {strides = array<i32>} : memref<1024xf32, #tpu.memory_space<vmem>>, vector<16xf32>,
    tpu.vector_store %arg5[%swap3A_51], %broadcast_in_dim3A_3 {strides = array<i32>} : memref<1024xf32, #tpu.memory_space<vmem>>, vector<16xf32>,
    %swap3A_53 = arith.constant 128 : index
    %swap3A_54 = tpu.vector_load %arg6[%swap3A_53] {strides = array<i32>} : memref<1024xf32, #tpu.memory_space<vmem>>, vector<16xf32>,
    tpu.vector_store %arg6[%swap3A_53], %broadcast_in_dim3A_3 {strides = array<i32>} : memref<1024xf32, #tpu.memory_space<vmem>>, vector<16xf32>,
    %swap3A_55 = arith.constant 128 : index
    %swap3A_56 = tpu.vector_load %arg7[%swap3A_55] {strides = array<i32>} : memref<1024xf32, #tpu.memory_space<vmem>>, vector<16xf32>,
    tpu.vector_store %arg7[%swap3A_55], %broadcast_in_dim3A_3 {strides = array<i32>} : memref<1024xf32, #tpu.memory_space<vmem>>, vector<16xf32>,
    %swap3A_57 = arith.constant 144 : index
    %swap3A_58 = tpu.vector_load %arg5[%swap3A_57] {strides = array<i32>} : memref<1024xf32, #tpu.memory_space<vmem>>, vector<16xf32>,
    tpu.vector_store %arg5[%swap3A_57], %broadcast_in_dim3A_3 {strides = array<i32>} : memref<1024xf32, #tpu.memory_space<vmem>>, vector<16xf32>,
    %swap3A_59 = arith.constant 144 : index
    %swap3A_60 = tpu.vector_load %arg6[%swap3A_59] {strides = array<i32>} : memref<1024xf32, #tpu.memory_space<vmem>>, vector<16xf32>,
    tpu.vector_store %arg6[%swap3A_59], %broadcast_in_dim3A_3 {strides = array<i32>} : memref<1024xf32, #tpu.memory_space<vmem>>, vector<16xf32>,
    %swap3A_61 = arith.constant 144 : index
    %swap3A_62 = tpu.vector_load %arg7[%swap3A_61] {strides = array<i32>} : memref<1024xf32, #tpu.memory_space<vmem>>, vector<16xf32>,
    tpu.vector_store %arg7[%swap3A_61], %broadcast_in_dim3A_3 {strides = array<i32>} : memref<1024xf32, #tpu.memory_space<vmem>>, vector<16xf32>,
    %swap3A_63 = arith.constant 160 : index
    %swap3A_64 = tpu.vector_load %arg5[%swap3A_63] {strides = array<i32>} : memref<1024xf32, #tpu.memory_space<vmem>>, vector<16xf32>,
    tpu.vector_store %arg5[%swap3A_63], %broadcast_in_dim3A_3 {strides = array<i32>} : memref<1024xf32, #tpu.memory_space<vmem>>, vector<16xf32>,
    %swap3A_65 = arith.constant 160 : index
    %swap3A_66 = tpu.vector_load %arg6[%swap3A_65] {strides = array<i32>} : memref<1024xf32, #tpu.memory_space<vmem>>, vector<16xf32>,
    tpu.vector_store %arg6[%swap3A_65], %broadcast_in_dim3A_3 {strides = array<i32>} : memref<1024xf32, #tpu.memory_space<vmem>>, vector<16xf32>,
    %swap3A_67 = arith.constant 160 : index
    %swap3A_68 = tpu.vector_load %arg7[%swap3A_67] {strides = array<i32>} : memref<1024xf32, #tpu.memory_space<vmem>>, vector<16xf32>,
    tpu.vector_store %arg7[%swap3A_67], %broadcast_in_dim3A_3 {strides = array<i32>} : memref<1024xf32, #tpu.memory_space<vmem>>, vector<16xf32>,
    %swap3A_69 = arith.constant 176 : index
    %swap3A_70 = tpu.vector_load %arg5[%swap3A_69] {strides = array<i32>} : memref<1024xf32, #tpu.memory_space<vmem>>, vector<16xf32>,
    tpu.vector_store %arg5[%swap3A_69], %broadcast_in_dim3A_3 {strides = array<i32>} : memref<1024xf32, #tpu.memory_space<vmem>>, vector<16xf32>,
    %swap3A_71 = arith.constant 176 : index
    %swap3A_72 = tpu.vector_load %arg6[%swap3A_71] {strides = array<i32>} : memref<1024xf32, #tpu.memory_space<vmem>>, vector<16xf32>,
    tpu.vector_store %arg6[%swap3A_71], %broadcast_in_dim3A_3 {strides = array<i32>} : memref<1024xf32, #tpu.memory_space<vmem>>, vector<16xf32>,
    %swap3A_73 = arith.constant 176 : index
    %swap3A_74 = tpu.vector_load %arg7[%swap3A_73] {strides = array<i32>} : memref<1024xf32, #tpu.memory_space<vmem>>, vector<16xf32>,
    tpu.vector_store %arg7[%swap3A_73], %broadcast_in_dim3A_3 {strides = array<i32>} : memref<1024xf32, #tpu.memory_space<vmem>>, vector<16xf32>,
    %swap3A_75 = arith.constant 192 : index
    %swap3A_76 = tpu.vector_load %arg5[%swap3A_75] {strides = array<i32>} : memref<1024xf32, #tpu.memory_space<vmem>>, vector<16xf32>,
    tpu.vector_store %arg5[%swap3A_75], %broadcast_in_dim3A_3 {strides = array<i32>} : memref<1024xf32, #tpu.memory_space<vmem>>, vector<16xf32>,
    %swap3A_77 = arith.constant 192 : index
    %swap3A_78 = tpu.vector_load %arg6[%swap3A_77] {strides = array<i32>} : memref<1024xf32, #tpu.memory_space<vmem>>, vector<16xf32>,
    tpu.vector_store %arg6[%swap3A_77], %broadcast_in_dim3A_3 {strides = array<i32>} : memref<1024xf32, #tpu.memory_space<vmem>>, vector<16xf32>,
    %swap3A_79 = arith.constant 192 : index
    %swap3A_80 = tpu.vector_load %arg7[%swap3A_79] {strides = array<i32>} : memref<1024xf32, #tpu.memory_space<vmem>>, vector<16xf32>,
    tpu.vector_store %arg7[%swap3A_79], %broadcast_in_dim3A_3 {strides = array<i32>} : memref<1024xf32, #tpu.memory_space<vmem>>, vector<16xf32>,
    %swap3A_81 = arith.constant 208 : index
    %swap3A_82 = tpu.vector_load %arg5[%swap3A_81] {strides = array<i32>} : memref<1024xf32, #tpu.memory_space<vmem>>, vector<16xf32>,
    tpu.vector_store %arg5[%swap3A_81], %broadcast_in_dim3A_3 {strides = array<i32>} : memref<1024xf32, #tpu.memory_space<vmem>>, vector<16xf32>,
    %swap3A_83 = arith.constant 208 : index
    %swap3A_84 = tpu.vector_load %arg6[%swap3A_83] {strides = array<i32>} : memref<1024xf32, #tpu.memory_space<vmem>>, vector<16xf32>,
    tpu.vector_store %arg6[%swap3A_83], %broadcast_in_dim3A_3 {strides = array<i32>} : memref<1024xf32, #tpu.memory_space<vmem>>, vector<16xf32>,
    %swap3A_85 = arith.constant 208 : index
    %swap3A_86 = tpu.vector_load %arg7[%swap3A_85] {strides = array<i32>} : memref<1024xf32, #tpu.memory_space<vmem>>, vector<16xf32>,
    tpu.vector_store %arg7[%swap3A_85], %broadcast_in_dim3A_3 {strides = array<i32>} : memref<1024xf32, #tpu.memory_space<vmem>>, vector<16xf32>,
    %swap3A_87 = arith.constant 224 : index
    %swap3A_88 = tpu.vector_load %arg5[%swap3A_87] {strides = array<i32>} : memref<1024xf32, #tpu.memory_space<vmem>>, vector<16xf32>,
    tpu.vector_store %arg5[%swap3A_87], %broadcast_in_dim3A_3 {strides = array<i32>} : memref<1024xf32, #tpu.memory_space<vmem>>, vector<16xf32>,
    %swap3A_89 = arith.constant 224 : index
    %swap3A_90 = tpu.vector_load %arg6[%swap3A_89] {strides = array<i32>} : memref<1024xf32, #tpu.memory_space<vmem>>, vector<16xf32>,
    tpu.vector_store %arg6[%swap3A_89], %broadcast_in_dim3A_3 {strides = array<i32>} : memref<1024xf32, #tpu.memory_space<vmem>>, vector<16xf32>,
    %swap3A_91 = arith.constant 224 : index
    %swap3A_92 = tpu.vector_load %arg7[%swap3A_91] {strides = array<i32>} : memref<1024xf32, #tpu.memory_space<vmem>>, vector<16xf32>,
    tpu.vector_store %arg7[%swap3A_91], %broadcast_in_dim3A_3 {strides = array<i32>} : memref<1024xf32, #tpu.memory_space<vmem>>, vector<16xf32>,
    %swap3A_93 = arith.constant 240 : index
    %swap3A_94 = tpu.vector_load %arg5[%swap3A_93] {strides = array<i32>} : memref<1024xf32, #tpu.memory_space<vmem>>, vector<16xf32>,
    tpu.vector_store %arg5[%swap3A_93], %broadcast_in_dim3A_3 {strides = array<i32>} : memref<1024xf32, #tpu.memory_space<vmem>>, vector<16xf32>,
    %swap3A_95 = arith.constant 240 : index
    %swap3A_96 = tpu.vector_load %arg6[%swap3A_95] {strides = array<i32>} : memref<1024xf32, #tpu.memory_space<vmem>>, vector<16xf32>,
    tpu.vector_store %arg6[%swap3A_95], %broadcast_in_dim3A_3 {strides = array<i32>} : memref<1024xf32, #tpu.memory_space<vmem>>, vector<16xf32>,
    %swap3A_97 = arith.constant 240 : index
    %swap3A_98 = tpu.vector_load %arg7[%swap3A_97] {strides = array<i32>} : memref<1024xf32, #tpu.memory_space<vmem>>, vector<16xf32>,
    tpu.vector_store %arg7[%swap3A_97], %broadcast_in_dim3A_3 {strides = array<i32>} : memref<1024xf32, #tpu.memory_space<vmem>>, vector<16xf32>,
    %swap3A_99 = arith.constant 256 : index
    %swap3A_100 = tpu.vector_load %arg5[%swap3A_99] {strides = array<i32>} : memref<1024xf32, #tpu.memory_space<vmem>>, vector<16xf32>,
    tpu.vector_store %arg5[%swap3A_99], %broadcast_in_dim3A_3 {strides = array<i32>} : memref<1024xf32, #tpu.memory_space<vmem>>, vector<16xf32>,
    %swap3A_101 = arith.constant 256 : index
    %swap3A_102 = tpu.vector_load %arg6[%swap3A_101] {strides = array<i32>} : memref<1024xf32, #tpu.memory_space<vmem>>, vector<16xf32>,
    tpu.vector_store %arg6[%swap3A_101], %broadcast_in_dim3A_3 {strides = array<i32>} : memref<1024xf32, #tpu.memory_space<vmem>>, vector<16xf32>,
    %swap3A_103 = arith.constant 256 : index
    %swap3A_104 = tpu.vector_load %arg7[%swap3A_103] {strides = array<i32>} : memref<1024xf32, #tpu.memory_space<vmem>>, vector<16xf32>,
    tpu.vector_store %arg7[%swap3A_103], %broadcast_in_dim3A_3 {strides = array<i32>} : memref<1024xf32, #tpu.memory_space<vmem>>, vector<16xf32>,
    %swap3A_105 = arith.constant 272 : index
    %swap3A_106 = tpu.vector_load %arg5[%swap3A_105] {strides = array<i32>} : memref<1024xf32, #tpu.memory_space<vmem>>, vector<16xf32>,
    tpu.vector_store %arg5[%swap3A_105], %broadcast_in_dim3A_3 {strides = array<i32>} : memref<1024xf32, #tpu.memory_space<vmem>>, vector<16xf32>,
    %swap3A_107 = arith.constant 272 : index
    %swap3A_108 = tpu.vector_load %arg6[%swap3A_107] {strides = array<i32>} : memref<1024xf32, #tpu.memory_space<vmem>>, vector<16xf32>,
    tpu.vector_store %arg6[%swap3A_107], %broadcast_in_dim3A_3 {strides = array<i32>} : memref<1024xf32, #tpu.memory_space<vmem>>, vector<16xf32>,
    %swap3A_109 = arith.constant 272 : index
    %swap3A_110 = tpu.vector_load %arg7[%swap3A_109] {strides = array<i32>} : memref<1024xf32, #tpu.memory_space<vmem>>, vector<16xf32>,
    tpu.vector_store %arg7[%swap3A_109], %broadcast_in_dim3A_3 {strides = array<i32>} : memref<1024xf32, #tpu.memory_space<vmem>>, vector<16xf32>,
    %swap3A_111 = arith.constant 288 : index
    %swap3A_112 = tpu.vector_load %arg5[%swap3A_111] {strides = array<i32>} : memref<1024xf32, #tpu.memory_space<vmem>>, vector<16xf32>,
    tpu.vector_store %arg5[%swap3A_111], %broadcast_in_dim3A_3 {strides = array<i32>} : memref<1024xf32, #tpu.memory_space<vmem>>, vector<16xf32>,
    %swap3A_113 = arith.constant 288 : index
    %swap3A_114 = tpu.vector_load %arg6[%swap3A_113] {strides = array<i32>} : memref<1024xf32, #tpu.memory_space<vmem>>, vector<16xf32>,
    tpu.vector_store %arg6[%swap3A_113], %broadcast_in_dim3A_3 {strides = array<i32>} : memref<1024xf32, #tpu.memory_space<vmem>>, vector<16xf32>,
    %swap3A_115 = arith.constant 288 : index
    %swap3A_116 = tpu.vector_load %arg7[%swap3A_115] {strides = array<i32>} : memref<1024xf32, #tpu.memory_space<vmem>>, vector<16xf32>,
    tpu.vector_store %arg7[%swap3A_115], %broadcast_in_dim3A_3 {strides = array<i32>} : memref<1024xf32, #tpu.memory_space<vmem>>, vector<16xf32>,
    %swap3A_117 = arith.constant 304 : index
    %swap3A_118 = tpu.vector_load %arg5[%swap3A_117] {strides = array<i32>} : memref<1024xf32, #tpu.memory_space<vmem>>, vector<16xf32>,
    tpu.vector_store %arg5[%swap3A_117], %broadcast_in_dim3A_3 {strides = array<i32>} : memref<1024xf32, #tpu.memory_space<vmem>>, vector<16xf32>,
    %swap3A_119 = arith.constant 304 : index
    %swap3A_120 = tpu.vector_load %arg6[%swap3A_119] {strides = array<i32>} : memref<1024xf32, #tpu.memory_space<vmem>>, vector<16xf32>,
    tpu.vector_store %arg6[%swap3A_119], %broadcast_in_dim3A_3 {strides = array<i32>} : memref<1024xf32, #tpu.memory_space<vmem>>, vector<16xf32>,
    %swap3A_121 = arith.constant 304 : index
    %swap3A_122 = tpu.vector_load %arg7[%swap3A_121] {strides = array<i32>} : memref<1024xf32, #tpu.memory_space<vmem>>, vector<16xf32>,
    tpu.vector_store %arg7[%swap3A_121], %broadcast_in_dim3A_3 {strides = array<i32>} : memref<1024xf32, #tpu.memory_space<vmem>>, vector<16xf32>,
    %swap3A_123 = arith.constant 320 : index
    %swap3A_124 = tpu.vector_load %arg5[%swap3A_123] {strides = array<i32>} : memref<1024xf32, #tpu.memory_space<vmem>>, vector<16xf32>,
    tpu.vector_store %arg5[%swap3A_123], %broadcast_in_dim3A_3 {strides = array<i32>} : memref<1024xf32, #tpu.memory_space<vmem>>, vector<16xf32>,
    %swap3A_125 = arith.constant 320 : index
    %swap3A_126 = tpu.vector_load %arg6[%swap3A_125] {strides = array<i32>} : memref<1024xf32, #tpu.memory_space<vmem>>, vector<16xf32>,
    tpu.vector_store %arg6[%swap3A_125], %broadcast_in_dim3A_3 {strides = array<i32>} : memref<1024xf32, #tpu.memory_space<vmem>>, vector<16xf32>,
    %swap3A_127 = arith.constant 320 : index
    %swap3A_128 = tpu.vector_load %arg7[%swap3A_127] {strides = array<i32>} : memref<1024xf32, #tpu.memory_space<vmem>>, vector<16xf32>,
    tpu.vector_store %arg7[%swap3A_127], %broadcast_in_dim3A_3 {strides = array<i32>} : memref<1024xf32, #tpu.memory_space<vmem>>, vector<16xf32>,
    %swap3A_129 = arith.constant 336 : index
    %swap3A_130 = tpu.vector_load %arg5[%swap3A_129] {strides = array<i32>} : memref<1024xf32, #tpu.memory_space<vmem>>, vector<16xf32>,
    tpu.vector_store %arg5[%swap3A_129], %broadcast_in_dim3A_3 {strides = array<i32>} : memref<1024xf32, #tpu.memory_space<vmem>>, vector<16xf32>,
    %swap3A_131 = arith.constant 336 : index
    %swap3A_132 = tpu.vector_load %arg6[%swap3A_131] {strides = array<i32>} : memref<1024xf32, #tpu.memory_space<vmem>>, vector<16xf32>,
    tpu.vector_store %arg6[%swap3A_131], %broadcast_in_dim3A_3 {strides = array<i32>} : memref<1024xf32, #tpu.memory_space<vmem>>, vector<16xf32>,
    %swap3A_133 = arith.constant 336 : index
    %swap3A_134 = tpu.vector_load %arg7[%swap3A_133] {strides = array<i32>} : memref<1024xf32, #tpu.memory_space<vmem>>, vector<16xf32>,
    tpu.vector_store %arg7[%swap3A_133], %broadcast_in_dim3A_3 {strides = array<i32>} : memref<1024xf32, #tpu.memory_space<vmem>>, vector<16xf32>,
    %swap3A_135 = arith.constant 352 : index
    %swap3A_136 = tpu.vector_load %arg5[%swap3A_135] {strides = array<i32>} : memref<1024xf32, #tpu.memory_space<vmem>>, vector<16xf32>,
    tpu.vector_store %arg5[%swap3A_135], %broadcast_in_dim3A_3 {strides = array<i32>} : memref<1024xf32, #tpu.memory_space<vmem>>, vector<16xf32>,
    %swap3A_137 = arith.constant 352 : index
    %swap3A_138 = tpu.vector_load %arg6[%swap3A_137] {strides = array<i32>} : memref<1024xf32, #tpu.memory_space<vmem>>, vector<16xf32>,
    tpu.vector_store %arg6[%swap3A_137], %broadcast_in_dim3A_3 {strides = array<i32>} : memref<1024xf32, #tpu.memory_space<vmem>>, vector<16xf32>,
    %swap3A_139 = arith.constant 352 : index
    %swap3A_140 = tpu.vector_load %arg7[%swap3A_139] {strides = array<i32>} : memref<1024xf32, #tpu.memory_space<vmem>>, vector<16xf32>,
    tpu.vector_store %arg7[%swap3A_139], %broadcast_in_dim3A_3 {strides = array<i32>} : memref<1024xf32, #tpu.memory_space<vmem>>, vector<16xf32>,
    %swap3A_141 = arith.constant 368 : index
    %swap3A_142 = tpu.vector_load %arg5[%swap3A_141] {strides = array<i32>} : memref<1024xf32, #tpu.memory_space<vmem>>, vector<16xf32>,
    tpu.vector_store %arg5[%swap3A_141], %broadcast_in_dim3A_3 {strides = array<i32>} : memref<1024xf32, #tpu.memory_space<vmem>>, vector<16xf32>,
    %swap3A_143 = arith.constant 368 : index
    %swap3A_144 = tpu.vector_load %arg6[%swap3A_143] {strides = array<i32>} : memref<1024xf32, #tpu.memory_space<vmem>>, vector<16xf32>,
    tpu.vector_store %arg6[%swap3A_143], %broadcast_in_dim3A_3 {strides = array<i32>} : memref<1024xf32, #tpu.memory_space<vmem>>, vector<16xf32>,
    %swap3A_145 = arith.constant 368 : index
    %swap3A_146 = tpu.vector_load %arg7[%swap3A_145] {strides = array<i32>} : memref<1024xf32, #tpu.memory_space<vmem>>, vector<16xf32>,
    tpu.vector_store %arg7[%swap3A_145], %broadcast_in_dim3A_3 {strides = array<i32>} : memref<1024xf32, #tpu.memory_space<vmem>>, vector<16xf32>,
    %swap3A_147 = arith.constant 384 : index
    %swap3A_148 = tpu.vector_load %arg5[%swap3A_147] {strides = array<i32>} : memref<1024xf32, #tpu.memory_space<vmem>>, vector<16xf32>,
    tpu.vector_store %arg5[%swap3A_147], %broadcast_in_dim3A_3 {strides = array<i32>} : memref<1024xf32, #tpu.memory_space<vmem>>, vector<16xf32>,
    %swap3A_149 = arith.constant 384 : index
    %swap3A_150 = tpu.vector_load %arg6[%swap3A_149] {strides = array<i32>} : memref<1024xf32, #tpu.memory_space<vmem>>, vector<16xf32>,
    tpu.vector_store %arg6[%swap3A_149], %broadcast_in_dim3A_3 {strides = array<i32>} : memref<1024xf32, #tpu.memory_space<vmem>>, vector<16xf32>,
    %swap3A_151 = arith.constant 384 : index
    %swap3A_152 = tpu.vector_load %arg7[%swap3A_151] {strides = array<i32>} : memref<1024xf32, #tpu.memory_space<vmem>>, vector<16xf32>,
    tpu.vector_store %arg7[%swap3A_151], %broadcast_in_dim3A_3 {strides = array<i32>} : memref<1024xf32, #tpu.memory_space<vmem>>, vector<16xf32>,
    %swap3A_153 = arith.constant 400 : index
    %swap3A_154 = tpu.vector_load %arg5[%swap3A_153] {strides = array<i32>} : memref<1024xf32, #tpu.memory_space<vmem>>, vector<16xf32>,
    tpu.vector_store %arg5[%swap3A_153], %broadcast_in_dim3A_3 {strides = array<i32>} : memref<1024xf32, #tpu.memory_space<vmem>>, vector<16xf32>,
    %swap3A_155 = arith.constant 400 : index
    %swap3A_156 = tpu.vector_load %arg6[%swap3A_155] {strides = array<i32>} : memref<1024xf32, #tpu.memory_space<vmem>>, vector<16xf32>,
    tpu.vector_store %arg6[%swap3A_155], %broadcast_in_dim3A_3 {strides = array<i32>} : memref<1024xf32, #tpu.memory_space<vmem>>, vector<16xf32>,
    %swap3A_157 = arith.constant 400 : index
    %swap3A_158 = tpu.vector_load %arg7[%swap3A_157] {strides = array<i32>} : memref<1024xf32, #tpu.memory_space<vmem>>, vector<16xf32>,
    tpu.vector_store %arg7[%swap3A_157], %broadcast_in_dim3A_3 {strides = array<i32>} : memref<1024xf32, #tpu.memory_space<vmem>>, vector<16xf32>,
    %swap3A_159 = arith.constant 416 : index
    %swap3A_160 = tpu.vector_load %arg5[%swap3A_159] {strides = array<i32>} : memref<1024xf32, #tpu.memory_space<vmem>>, vector<16xf32>,
    tpu.vector_store %arg5[%swap3A_159], %broadcast_in_dim3A_3 {strides = array<i32>} : memref<1024xf32, #tpu.memory_space<vmem>>, vector<16xf32>,
    %swap3A_161 = arith.constant 416 : index
    %swap3A_162 = tpu.vector_load %arg6[%swap3A_161] {strides = array<i32>} : memref<1024xf32, #tpu.memory_space<vmem>>, vector<16xf32>,
    tpu.vector_store %arg6[%swap3A_161], %broadcast_in_dim3A_3 {strides = array<i32>} : memref<1024xf32, #tpu.memory_space<vmem>>, vector<16xf32>,
    %swap3A_163 = arith.constant 416 : index
    %swap3A_164 = tpu.vector_load %arg7[%swap3A_163] {strides = array<i32>} : memref<1024xf32, #tpu.memory_space<vmem>>, vector<16xf32>,
    tpu.vector_store %arg7[%swap3A_163], %broadcast_in_dim3A_3 {strides = array<i32>} : memref<1024xf32, #tpu.memory_space<vmem>>, vector<16xf32>,
    %swap3A_165 = arith.constant 432 : index
    %swap3A_166 = tpu.vector_load %arg5[%swap3A_165] {strides = array<i32>} : memref<1024xf32, #tpu.memory_space<vmem>>, vector<16xf32>,
    tpu.vector_store %arg5[%swap3A_165], %broadcast_in_dim3A_3 {strides = array<i32>} : memref<1024xf32, #tpu.memory_space<vmem>>, vector<16xf32>,
    %swap3A_167 = arith.constant 432 : index
    %swap3A_168 = tpu.vector_load %arg6[%swap3A_167] {strides = array<i32>} : memref<1024xf32, #tpu.memory_space<vmem>>, vector<16xf32>,
    tpu.vector_store %arg6[%swap3A_167], %broadcast_in_dim3A_3 {strides = array<i32>} : memref<1024xf32, #tpu.memory_space<vmem>>, vector<16xf32>,
    %swap3A_169 = arith.constant 432 : index
    %swap3A_170 = tpu.vector_load %arg7[%swap3A_169] {strides = array<i32>} : memref<1024xf32, #tpu.memory_space<vmem>>, vector<16xf32>,
    tpu.vector_store %arg7[%swap3A_169], %broadcast_in_dim3A_3 {strides = array<i32>} : memref<1024xf32, #tpu.memory_space<vmem>>, vector<16xf32>,
    %swap3A_171 = arith.constant 448 : index
    %swap3A_172 = tpu.vector_load %arg5[%swap3A_171] {strides = array<i32>} : memref<1024xf32, #tpu.memory_space<vmem>>, vector<16xf32>,
    tpu.vector_store %arg5[%swap3A_171], %broadcast_in_dim3A_3 {strides = array<i32>} : memref<1024xf32, #tpu.memory_space<vmem>>, vector<16xf32>,
    %swap3A_173 = arith.constant 448 : index
    %swap3A_174 = tpu.vector_load %arg6[%swap3A_173] {strides = array<i32>} : memref<1024xf32, #tpu.memory_space<vmem>>, vector<16xf32>,
    tpu.vector_store %arg6[%swap3A_173], %broadcast_in_dim3A_3 {strides = array<i32>} : memref<1024xf32, #tpu.memory_space<vmem>>, vector<16xf32>,
    %swap3A_175 = arith.constant 448 : index
    %swap3A_176 = tpu.vector_load %arg7[%swap3A_175] {strides = array<i32>} : memref<1024xf32, #tpu.memory_space<vmem>>, vector<16xf32>,
    tpu.vector_store %arg7[%swap3A_175], %broadcast_in_dim3A_3 {strides = array<i32>} : memref<1024xf32, #tpu.memory_space<vmem>>, vector<16xf32>,
    %swap3A_177 = arith.constant 464 : index
    %swap3A_178 = tpu.vector_load %arg5[%swap3A_177] {strides = array<i32>} : memref<1024xf32, #tpu.memory_space<vmem>>, vector<16xf32>,
    tpu.vector_store %arg5[%swap3A_177], %broadcast_in_dim3A_3 {strides = array<i32>} : memref<1024xf32, #tpu.memory_space<vmem>>, vector<16xf32>,
    %swap3A_179 = arith.constant 464 : index
    %swap3A_180 = tpu.vector_load %arg6[%swap3A_179] {strides = array<i32>} : memref<1024xf32, #tpu.memory_space<vmem>>, vector<16xf32>,
    tpu.vector_store %arg6[%swap3A_179], %broadcast_in_dim3A_3 {strides = array<i32>} : memref<1024xf32, #tpu.memory_space<vmem>>, vector<16xf32>,
    %swap3A_181 = arith.constant 464 : index
    %swap3A_182 = tpu.vector_load %arg7[%swap3A_181] {strides = array<i32>} : memref<1024xf32, #tpu.memory_space<vmem>>, vector<16xf32>,
    tpu.vector_store %arg7[%swap3A_181], %broadcast_in_dim3A_3 {strides = array<i32>} : memref<1024xf32, #tpu.memory_space<vmem>>, vector<16xf32>,
    %swap3A_183 = arith.constant 480 : index
    %swap3A_184 = tpu.vector_load %arg5[%swap3A_183] {strides = array<i32>} : memref<1024xf32, #tpu.memory_space<vmem>>, vector<16xf32>,
    tpu.vector_store %arg5[%swap3A_183], %broadcast_in_dim3A_3 {strides = array<i32>} : memref<1024xf32, #tpu.memory_space<vmem>>, vector<16xf32>,
    %swap3A_185 = arith.constant 480 : index
    %swap3A_186 = tpu.vector_load %arg6[%swap3A_185] {strides = array<i32>} : memref<1024xf32, #tpu.memory_space<vmem>>, vector<16xf32>,
    tpu.vector_store %arg6[%swap3A_185], %broadcast_in_dim3A_3 {strides = array<i32>} : memref<1024xf32, #tpu.memory_space<vmem>>, vector<16xf32>,
    %swap3A_187 = arith.constant 480 : index
    %swap3A_188 = tpu.vector_load %arg7[%swap3A_187] {strides = array<i32>} : memref<1024xf32, #tpu.memory_space<vmem>>, vector<16xf32>,
    tpu.vector_store %arg7[%swap3A_187], %broadcast_in_dim3A_3 {strides = array<i32>} : memref<1024xf32, #tpu.memory_space<vmem>>, vector<16xf32>,
    %swap3A_189 = arith.constant 496 : index
    %swap3A_190 = tpu.vector_load %arg5[%swap3A_189] {strides = array<i32>} : memref<1024xf32, #tpu.memory_space<vmem>>, vector<16xf32>,
    tpu.vector_store %arg5[%swap3A_189], %broadcast_in_dim3A_3 {strides = array<i32>} : memref<1024xf32, #tpu.memory_space<vmem>>, vector<16xf32>,
    %swap3A_191 = arith.constant 496 : index
    %swap3A_192 = tpu.vector_load %arg6[%swap3A_191] {strides = array<i32>} : memref<1024xf32, #tpu.memory_space<vmem>>, vector<16xf32>,
    tpu.vector_store %arg6[%swap3A_191], %broadcast_in_dim3A_3 {strides = array<i32>} : memref<1024xf32, #tpu.memory_space<vmem>>, vector<16xf32>,
    %swap3A_193 = arith.constant 496 : index
    %swap3A_194 = tpu.vector_load %arg7[%swap3A_193] {strides = array<i32>} : memref<1024xf32, #tpu.memory_space<vmem>>, vector<16xf32>,
    tpu.vector_store %arg7[%swap3A_193], %broadcast_in_dim3A_3 {strides = array<i32>} : memref<1024xf32, #tpu.memory_space<vmem>>, vector<16xf32>,
    %swap3A_195 = arith.constant 512 : index
    %swap3A_196 = tpu.vector_load %arg5[%swap3A_195] {strides = array<i32>} : memref<1024xf32, #tpu.memory_space<vmem>>, vector<16xf32>,
    tpu.vector_store %arg5[%swap3A_195], %broadcast_in_dim3A_3 {strides = array<i32>} : memref<1024xf32, #tpu.memory_space<vmem>>, vector<16xf32>,
    %swap3A_197 = arith.constant 512 : index
    %swap3A_198 = tpu.vector_load %arg6[%swap3A_197] {strides = array<i32>} : memref<1024xf32, #tpu.memory_space<vmem>>, vector<16xf32>,
    tpu.vector_store %arg6[%swap3A_197], %broadcast_in_dim3A_3 {strides = array<i32>} : memref<1024xf32, #tpu.memory_space<vmem>>, vector<16xf32>,
    %swap3A_199 = arith.constant 512 : index
    %swap3A_200 = tpu.vector_load %arg7[%swap3A_199] {strides = array<i32>} : memref<1024xf32, #tpu.memory_space<vmem>>, vector<16xf32>,
    tpu.vector_store %arg7[%swap3A_199], %broadcast_in_dim3A_3 {strides = array<i32>} : memref<1024xf32, #tpu.memory_space<vmem>>, vector<16xf32>,
    %swap3A_201 = arith.constant 528 : index
    %swap3A_202 = tpu.vector_load %arg5[%swap3A_201] {strides = array<i32>} : memref<1024xf32, #tpu.memory_space<vmem>>, vector<16xf32>,
    tpu.vector_store %arg5[%swap3A_201], %broadcast_in_dim3A_3 {strides = array<i32>} : memref<1024xf32, #tpu.memory_space<vmem>>, vector<16xf32>,
    %swap3A_203 = arith.constant 528 : index
    %swap3A_204 = tpu.vector_load %arg6[%swap3A_203] {strides = array<i32>} : memref<1024xf32, #tpu.memory_space<vmem>>, vector<16xf32>,
    tpu.vector_store %arg6[%swap3A_203], %broadcast_in_dim3A_3 {strides = array<i32>} : memref<1024xf32, #tpu.memory_space<vmem>>, vector<16xf32>,
    %swap3A_205 = arith.constant 528 : index
    %swap3A_206 = tpu.vector_load %arg7[%swap3A_205] {strides = array<i32>} : memref<1024xf32, #tpu.memory_space<vmem>>, vector<16xf32>,
    tpu.vector_store %arg7[%swap3A_205], %broadcast_in_dim3A_3 {strides = array<i32>} : memref<1024xf32, #tpu.memory_space<vmem>>, vector<16xf32>,
    %swap3A_207 = arith.constant 544 : index
    %swap3A_208 = tpu.vector_load %arg5[%swap3A_207] {strides = array<i32>} : memref<1024xf32, #tpu.memory_space<vmem>>, vector<16xf32>,
    tpu.vector_store %arg5[%swap3A_207], %broadcast_in_dim3A_3 {strides = array<i32>} : memref<1024xf32, #tpu.memory_space<vmem>>, vector<16xf32>,
    %swap3A_209 = arith.constant 544 : index
    %swap3A_210 = tpu.vector_load %arg6[%swap3A_209] {strides = array<i32>} : memref<1024xf32, #tpu.memory_space<vmem>>, vector<16xf32>,
    tpu.vector_store %arg6[%swap3A_209], %broadcast_in_dim3A_3 {strides = array<i32>} : memref<1024xf32, #tpu.memory_space<vmem>>, vector<16xf32>,
    %swap3A_211 = arith.constant 544 : index
    %swap3A_212 = tpu.vector_load %arg7[%swap3A_211] {strides = array<i32>} : memref<1024xf32, #tpu.memory_space<vmem>>, vector<16xf32>,
    tpu.vector_store %arg7[%swap3A_211], %broadcast_in_dim3A_3 {strides = array<i32>} : memref<1024xf32, #tpu.memory_space<vmem>>, vector<16xf32>,
    %swap3A_213 = arith.constant 560 : index
    %swap3A_214 = tpu.vector_load %arg5[%swap3A_213] {strides = array<i32>} : memref<1024xf32, #tpu.memory_space<vmem>>, vector<16xf32>,
    tpu.vector_store %arg5[%swap3A_213], %broadcast_in_dim3A_3 {strides = array<i32>} : memref<1024xf32, #tpu.memory_space<vmem>>, vector<16xf32>,
    %swap3A_215 = arith.constant 560 : index
    %swap3A_216 = tpu.vector_load %arg6[%swap3A_215] {strides = array<i32>} : memref<1024xf32, #tpu.memory_space<vmem>>, vector<16xf32>,
    tpu.vector_store %arg6[%swap3A_215], %broadcast_in_dim3A_3 {strides = array<i32>} : memref<1024xf32, #tpu.memory_space<vmem>>, vector<16xf32>,
    %swap3A_217 = arith.constant 560 : index
    %swap3A_218 = tpu.vector_load %arg7[%swap3A_217] {strides = array<i32>} : memref<1024xf32, #tpu.memory_space<vmem>>, vector<16xf32>,
    tpu.vector_store %arg7[%swap3A_217], %broadcast_in_dim3A_3 {strides = array<i32>} : memref<1024xf32, #tpu.memory_space<vmem>>, vector<16xf32>,
    %swap3A_219 = arith.constant 576 : index
    %swap3A_220 = tpu.vector_load %arg5[%swap3A_219] {strides = array<i32>} : memref<1024xf32, #tpu.memory_space<vmem>>, vector<16xf32>,
    tpu.vector_store %arg5[%swap3A_219], %broadcast_in_dim3A_3 {strides = array<i32>} : memref<1024xf32, #tpu.memory_space<vmem>>, vector<16xf32>,
    %swap3A_221 = arith.constant 576 : index
    %swap3A_222 = tpu.vector_load %arg6[%swap3A_221] {strides = array<i32>} : memref<1024xf32, #tpu.memory_space<vmem>>, vector<16xf32>,
    tpu.vector_store %arg6[%swap3A_221], %broadcast_in_dim3A_3 {strides = array<i32>} : memref<1024xf32, #tpu.memory_space<vmem>>, vector<16xf32>,
    %swap3A_223 = arith.constant 576 : index
    %swap3A_224 = tpu.vector_load %arg7[%swap3A_223] {strides = array<i32>} : memref<1024xf32, #tpu.memory_space<vmem>>, vector<16xf32>,
    tpu.vector_store %arg7[%swap3A_223], %broadcast_in_dim3A_3 {strides = array<i32>} : memref<1024xf32, #tpu.memory_space<vmem>>, vector<16xf32>,
    %swap3A_225 = arith.constant 592 : index
    %swap3A_226 = tpu.vector_load %arg5[%swap3A_225] {strides = array<i32>} : memref<1024xf32, #tpu.memory_space<vmem>>, vector<16xf32>,
    tpu.vector_store %arg5[%swap3A_225], %broadcast_in_dim3A_3 {strides = array<i32>} : memref<1024xf32, #tpu.memory_space<vmem>>, vector<16xf32>,
    %swap3A_227 = arith.constant 592 : index
    %swap3A_228 = tpu.vector_load %arg6[%swap3A_227] {strides = array<i32>} : memref<1024xf32, #tpu.memory_space<vmem>>, vector<16xf32>,
    tpu.vector_store %arg6[%swap3A_227], %broadcast_in_dim3A_3 {strides = array<i32>} : memref<1024xf32, #tpu.memory_space<vmem>>, vector<16xf32>,
    %swap3A_229 = arith.constant 592 : index
    %swap3A_230 = tpu.vector_load %arg7[%swap3A_229] {strides = array<i32>} : memref<1024xf32, #tpu.memory_space<vmem>>, vector<16xf32>,
    tpu.vector_store %arg7[%swap3A_229], %broadcast_in_dim3A_3 {strides = array<i32>} : memref<1024xf32, #tpu.memory_space<vmem>>, vector<16xf32>,
    %swap3A_231 = arith.constant 608 : index
    %swap3A_232 = tpu.vector_load %arg5[%swap3A_231] {strides = array<i32>} : memref<1024xf32, #tpu.memory_space<vmem>>, vector<16xf32>,
    tpu.vector_store %arg5[%swap3A_231], %broadcast_in_dim3A_3 {strides = array<i32>} : memref<1024xf32, #tpu.memory_space<vmem>>, vector<16xf32>,
    %swap3A_233 = arith.constant 608 : index
    %swap3A_234 = tpu.vector_load %arg6[%swap3A_233] {strides = array<i32>} : memref<1024xf32, #tpu.memory_space<vmem>>, vector<16xf32>,
    tpu.vector_store %arg6[%swap3A_233], %broadcast_in_dim3A_3 {strides = array<i32>} : memref<1024xf32, #tpu.memory_space<vmem>>, vector<16xf32>,
    %swap3A_235 = arith.constant 608 : index
    %swap3A_236 = tpu.vector_load %arg7[%swap3A_235] {strides = array<i32>} : memref<1024xf32, #tpu.memory_space<vmem>>, vector<16xf32>,
    tpu.vector_store %arg7[%swap3A_235], %broadcast_in_dim3A_3 {strides = array<i32>} : memref<1024xf32, #tpu.memory_space<vmem>>, vector<16xf32>,
    %swap3A_237 = arith.constant 624 : index
    %swap3A_238 = tpu.vector_load %arg5[%swap3A_237] {strides = array<i32>} : memref<1024xf32, #tpu.memory_space<vmem>>, vector<16xf32>,
    tpu.vector_store %arg5[%swap3A_237], %broadcast_in_dim3A_3 {strides = array<i32>} : memref<1024xf32, #tpu.memory_space<vmem>>, vector<16xf32>,
    %swap3A_239 = arith.constant 624 : index
    %swap3A_240 = tpu.vector_load %arg6[%swap3A_239] {strides = array<i32>} : memref<1024xf32, #tpu.memory_space<vmem>>, vector<16xf32>,
    tpu.vector_store %arg6[%swap3A_239], %broadcast_in_dim3A_3 {strides = array<i32>} : memref<1024xf32, #tpu.memory_space<vmem>>, vector<16xf32>,
    %swap3A_241 = arith.constant 624 : index
    %swap3A_242 = tpu.vector_load %arg7[%swap3A_241] {strides = array<i32>} : memref<1024xf32, #tpu.memory_space<vmem>>, vector<16xf32>,
    tpu.vector_store %arg7[%swap3A_241], %broadcast_in_dim3A_3 {strides = array<i32>} : memref<1024xf32, #tpu.memory_space<vmem>>, vector<16xf32>,
    %swap3A_243 = arith.constant 640 : index
    %swap3A_244 = tpu.vector_load %arg5[%swap3A_243] {strides = array<i32>} : memref<1024xf32, #tpu.memory_space<vmem>>, vector<16xf32>,
    tpu.vector_store %arg5[%swap3A_243], %broadcast_in_dim3A_3 {strides = array<i32>} : memref<1024xf32, #tpu.memory_space<vmem>>, vector<16xf32>,
    %swap3A_245 = arith.constant 640 : index
    %swap3A_246 = tpu.vector_load %arg6[%swap3A_245] {strides = array<i32>} : memref<1024xf32, #tpu.memory_space<vmem>>, vector<16xf32>,
    tpu.vector_store %arg6[%swap3A_245], %broadcast_in_dim3A_3 {strides = array<i32>} : memref<1024xf32, #tpu.memory_space<vmem>>, vector<16xf32>,
    %swap3A_247 = arith.constant 640 : index
    %swap3A_248 = tpu.vector_load %arg7[%swap3A_247] {strides = array<i32>} : memref<1024xf32, #tpu.memory_space<vmem>>, vector<16xf32>,
    tpu.vector_store %arg7[%swap3A_247], %broadcast_in_dim3A_3 {strides = array<i32>} : memref<1024xf32, #tpu.memory_space<vmem>>, vector<16xf32>,
    %swap3A_249 = arith.constant 656 : index
    %swap3A_250 = tpu.vector_load %arg5[%swap3A_249] {strides = array<i32>} : memref<1024xf32, #tpu.memory_space<vmem>>, vector<16xf32>,
    tpu.vector_store %arg5[%swap3A_249], %broadcast_in_dim3A_3 {strides = array<i32>} : memref<1024xf32, #tpu.memory_space<vmem>>, vector<16xf32>,
    %swap3A_251 = arith.constant 656 : index
    %swap3A_252 = tpu.vector_load %arg6[%swap3A_251] {strides = array<i32>} : memref<1024xf32, #tpu.memory_space<vmem>>, vector<16xf32>,
    tpu.vector_store %arg6[%swap3A_251], %broadcast_in_dim3A_3 {strides = array<i32>} : memref<1024xf32, #tpu.memory_space<vmem>>, vector<16xf32>,
    %swap3A_253 = arith.constant 656 : index
    %swap3A_254 = tpu.vector_load %arg7[%swap3A_253] {strides = array<i32>} : memref<1024xf32, #tpu.memory_space<vmem>>, vector<16xf32>,
    tpu.vector_store %arg7[%swap3A_253], %broadcast_in_dim3A_3 {strides = array<i32>} : memref<1024xf32, #tpu.memory_space<vmem>>, vector<16xf32>,
    %swap3A_255 = arith.constant 672 : index
    %swap3A_256 = tpu.vector_load %arg5[%swap3A_255] {strides = array<i32>} : memref<1024xf32, #tpu.memory_space<vmem>>, vector<16xf32>,
    tpu.vector_store %arg5[%swap3A_255], %broadcast_in_dim3A_3 {strides = array<i32>} : memref<1024xf32, #tpu.memory_space<vmem>>, vector<16xf32>,
    %swap3A_257 = arith.constant 672 : index
    %swap3A_258 = tpu.vector_load %arg6[%swap3A_257] {strides = array<i32>} : memref<1024xf32, #tpu.memory_space<vmem>>, vector<16xf32>,
    tpu.vector_store %arg6[%swap3A_257], %broadcast_in_dim3A_3 {strides = array<i32>} : memref<1024xf32, #tpu.memory_space<vmem>>, vector<16xf32>,
    %swap3A_259 = arith.constant 672 : index
    %swap3A_260 = tpu.vector_load %arg7[%swap3A_259] {strides = array<i32>} : memref<1024xf32, #tpu.memory_space<vmem>>, vector<16xf32>,
    tpu.vector_store %arg7[%swap3A_259], %broadcast_in_dim3A_3 {strides = array<i32>} : memref<1024xf32, #tpu.memory_space<vmem>>, vector<16xf32>,
    %swap3A_261 = arith.constant 688 : index
    %swap3A_262 = tpu.vector_load %arg5[%swap3A_261] {strides = array<i32>} : memref<1024xf32, #tpu.memory_space<vmem>>, vector<16xf32>,
    tpu.vector_store %arg5[%swap3A_261], %broadcast_in_dim3A_3 {strides = array<i32>} : memref<1024xf32, #tpu.memory_space<vmem>>, vector<16xf32>,
    %swap3A_263 = arith.constant 688 : index
    %swap3A_264 = tpu.vector_load %arg6[%swap3A_263] {strides = array<i32>} : memref<1024xf32, #tpu.memory_space<vmem>>, vector<16xf32>,
    tpu.vector_store %arg6[%swap3A_263], %broadcast_in_dim3A_3 {strides = array<i32>} : memref<1024xf32, #tpu.memory_space<vmem>>, vector<16xf32>,
    %swap3A_265 = arith.constant 688 : index
    %swap3A_266 = tpu.vector_load %arg7[%swap3A_265] {strides = array<i32>} : memref<1024xf32, #tpu.memory_space<vmem>>, vector<16xf32>,
    tpu.vector_store %arg7[%swap3A_265], %broadcast_in_dim3A_3 {strides = array<i32>} : memref<1024xf32, #tpu.memory_space<vmem>>, vector<16xf32>,
    %swap3A_267 = arith.constant 704 : index
    %swap3A_268 = tpu.vector_load %arg5[%swap3A_267] {strides = array<i32>} : memref<1024xf32, #tpu.memory_space<vmem>>, vector<16xf32>,
    tpu.vector_store %arg5[%swap3A_267], %broadcast_in_dim3A_3 {strides = array<i32>} : memref<1024xf32, #tpu.memory_space<vmem>>, vector<16xf32>,
    %swap3A_269 = arith.constant 704 : index
    %swap3A_270 = tpu.vector_load %arg6[%swap3A_269] {strides = array<i32>} : memref<1024xf32, #tpu.memory_space<vmem>>, vector<16xf32>,
    tpu.vector_store %arg6[%swap3A_269], %broadcast_in_dim3A_3 {strides = array<i32>} : memref<1024xf32, #tpu.memory_space<vmem>>, vector<16xf32>,
    %swap3A_271 = arith.constant 704 : index
    %swap3A_272 = tpu.vector_load %arg7[%swap3A_271] {strides = array<i32>} : memref<1024xf32, #tpu.memory_space<vmem>>, vector<16xf32>,
    tpu.vector_store %arg7[%swap3A_271], %broadcast_in_dim3A_3 {strides = array<i32>} : memref<1024xf32, #tpu.memory_space<vmem>>, vector<16xf32>,
    %swap3A_273 = arith.constant 720 : index
    %swap3A_274 = tpu.vector_load %arg5[%swap3A_273] {strides = array<i32>} : memref<1024xf32, #tpu.memory_space<vmem>>, vector<16xf32>,
    tpu.vector_store %arg5[%swap3A_273], %broadcast_in_dim3A_3 {strides = array<i32>} : memref<1024xf32, #tpu.memory_space<vmem>>, vector<16xf32>,
    %swap3A_275 = arith.constant 720 : index
    %swap3A_276 = tpu.vector_load %arg6[%swap3A_275] {strides = array<i32>} : memref<1024xf32, #tpu.memory_space<vmem>>, vector<16xf32>,
    tpu.vector_store %arg6[%swap3A_275], %broadcast_in_dim3A_3 {strides = array<i32>} : memref<1024xf32, #tpu.memory_space<vmem>>, vector<16xf32>,
    %swap3A_277 = arith.constant 720 : index
    %swap3A_278 = tpu.vector_load %arg7[%swap3A_277] {strides = array<i32>} : memref<1024xf32, #tpu.memory_space<vmem>>, vector<16xf32>,
    tpu.vector_store %arg7[%swap3A_277], %broadcast_in_dim3A_3 {strides = array<i32>} : memref<1024xf32, #tpu.memory_space<vmem>>, vector<16xf32>,
    %swap3A_279 = arith.constant 736 : index
    %swap3A_280 = tpu.vector_load %arg5[%swap3A_279] {strides = array<i32>} : memref<1024xf32, #tpu.memory_space<vmem>>, vector<16xf32>,
    tpu.vector_store %arg5[%swap3A_279], %broadcast_in_dim3A_3 {strides = array<i32>} : memref<1024xf32, #tpu.memory_space<vmem>>, vector<16xf32>,
    %swap3A_281 = arith.constant 736 : index
    %swap3A_282 = tpu.vector_load %arg6[%swap3A_281] {strides = array<i32>} : memref<1024xf32, #tpu.memory_space<vmem>>, vector<16xf32>,
    tpu.vector_store %arg6[%swap3A_281], %broadcast_in_dim3A_3 {strides = array<i32>} : memref<1024xf32, #tpu.memory_space<vmem>>, vector<16xf32>,
    %swap3A_283 = arith.constant 736 : index
    %swap3A_284 = tpu.vector_load %arg7[%swap3A_283] {strides = array<i32>} : memref<1024xf32, #tpu.memory_space<vmem>>, vector<16xf32>,
    tpu.vector_store %arg7[%swap3A_283], %broadcast_in_dim3A_3 {strides = array<i32>} : memref<1024xf32, #tpu.memory_space<vmem>>, vector<16xf32>,
    %swap3A_285 = arith.constant 752 : index
    %swap3A_286 = tpu.vector_load %arg5[%swap3A_285] {strides = array<i32>} : memref<1024xf32, #tpu.memory_space<vmem>>, vector<16xf32>,
    tpu.vector_store %arg5[%swap3A_285], %broadcast_in_dim3A_3 {strides = array<i32>} : memref<1024xf32, #tpu.memory_space<vmem>>, vector<16xf32>,
    %swap3A_287 = arith.constant 752 : index
    %swap3A_288 = tpu.vector_load %arg6[%swap3A_287] {strides = array<i32>} : memref<1024xf32, #tpu.memory_space<vmem>>, vector<16xf32>,
    tpu.vector_store %arg6[%swap3A_287], %broadcast_in_dim3A_3 {strides = array<i32>} : memref<1024xf32, #tpu.memory_space<vmem>>, vector<16xf32>,
    %swap3A_289 = arith.constant 752 : index
    %swap3A_290 = tpu.vector_load %arg7[%swap3A_289] {strides = array<i32>} : memref<1024xf32, #tpu.memory_space<vmem>>, vector<16xf32>,
    tpu.vector_store %arg7[%swap3A_289], %broadcast_in_dim3A_3 {strides = array<i32>} : memref<1024xf32, #tpu.memory_space<vmem>>, vector<16xf32>,
    %swap3A_291 = arith.constant 768 : index
    %swap3A_292 = tpu.vector_load %arg5[%swap3A_291] {strides = array<i32>} : memref<1024xf32, #tpu.memory_space<vmem>>, vector<16xf32>,
    tpu.vector_store %arg5[%swap3A_291], %broadcast_in_dim3A_3 {strides = array<i32>} : memref<1024xf32, #tpu.memory_space<vmem>>, vector<16xf32>,
    %swap3A_293 = arith.constant 768 : index
    %swap3A_294 = tpu.vector_load %arg6[%swap3A_293] {strides = array<i32>} : memref<1024xf32, #tpu.memory_space<vmem>>, vector<16xf32>,
    tpu.vector_store %arg6[%swap3A_293], %broadcast_in_dim3A_3 {strides = array<i32>} : memref<1024xf32, #tpu.memory_space<vmem>>, vector<16xf32>,
    %swap3A_295 = arith.constant 768 : index
    %swap3A_296 = tpu.vector_load %arg7[%swap3A_295] {strides = array<i32>} : memref<1024xf32, #tpu.memory_space<vmem>>, vector<16xf32>,
    tpu.vector_store %arg7[%swap3A_295], %broadcast_in_dim3A_3 {strides = array<i32>} : memref<1024xf32, #tpu.memory_space<vmem>>, vector<16xf32>,
    %swap3A_297 = arith.constant 784 : index
    %swap3A_298 = tpu.vector_load %arg5[%swap3A_297] {strides = array<i32>} : memref<1024xf32, #tpu.memory_space<vmem>>, vector<16xf32>,
    tpu.vector_store %arg5[%swap3A_297], %broadcast_in_dim3A_3 {strides = array<i32>} : memref<1024xf32, #tpu.memory_space<vmem>>, vector<16xf32>,
    %swap3A_299 = arith.constant 784 : index
    %swap3A_300 = tpu.vector_load %arg6[%swap3A_299] {strides = array<i32>} : memref<1024xf32, #tpu.memory_space<vmem>>, vector<16xf32>,
    tpu.vector_store %arg6[%swap3A_299], %broadcast_in_dim3A_3 {strides = array<i32>} : memref<1024xf32, #tpu.memory_space<vmem>>, vector<16xf32>,
    %swap3A_301 = arith.constant 784 : index
    %swap3A_302 = tpu.vector_load %arg7[%swap3A_301] {strides = array<i32>} : memref<1024xf32, #tpu.memory_space<vmem>>, vector<16xf32>,
    tpu.vector_store %arg7[%swap3A_301], %broadcast_in_dim3A_3 {strides = array<i32>} : memref<1024xf32, #tpu.memory_space<vmem>>, vector<16xf32>,
    %swap3A_303 = arith.constant 800 : index
    %swap3A_304 = tpu.vector_load %arg5[%swap3A_303] {strides = array<i32>} : memref<1024xf32, #tpu.memory_space<vmem>>, vector<16xf32>,
    tpu.vector_store %arg5[%swap3A_303], %broadcast_in_dim3A_3 {strides = array<i32>} : memref<1024xf32, #tpu.memory_space<vmem>>, vector<16xf32>,
    %swap3A_305 = arith.constant 800 : index
    %swap3A_306 = tpu.vector_load %arg6[%swap3A_305] {strides = array<i32>} : memref<1024xf32, #tpu.memory_space<vmem>>, vector<16xf32>,
    tpu.vector_store %arg6[%swap3A_305], %broadcast_in_dim3A_3 {strides = array<i32>} : memref<1024xf32, #tpu.memory_space<vmem>>, vector<16xf32>,
    %swap3A_307 = arith.constant 800 : index
    %swap3A_308 = tpu.vector_load %arg7[%swap3A_307] {strides = array<i32>} : memref<1024xf32, #tpu.memory_space<vmem>>, vector<16xf32>,
    tpu.vector_store %arg7[%swap3A_307], %broadcast_in_dim3A_3 {strides = array<i32>} : memref<1024xf32, #tpu.memory_space<vmem>>, vector<16xf32>,
    %swap3A_309 = arith.constant 816 : index
    %swap3A_310 = tpu.vector_load %arg5[%swap3A_309] {strides = array<i32>} : memref<1024xf32, #tpu.memory_space<vmem>>, vector<16xf32>,
    tpu.vector_store %arg5[%swap3A_309], %broadcast_in_dim3A_3 {strides = array<i32>} : memref<1024xf32, #tpu.memory_space<vmem>>, vector<16xf32>,
    %swap3A_311 = arith.constant 816 : index
    %swap3A_312 = tpu.vector_load %arg6[%swap3A_311] {strides = array<i32>} : memref<1024xf32, #tpu.memory_space<vmem>>, vector<16xf32>,
    tpu.vector_store %arg6[%swap3A_311], %broadcast_in_dim3A_3 {strides = array<i32>} : memref<1024xf32, #tpu.memory_space<vmem>>, vector<16xf32>,
    %swap3A_313 = arith.constant 816 : index
    %swap3A_314 = tpu.vector_load %arg7[%swap3A_313] {strides = array<i32>} : memref<1024xf32, #tpu.memory_space<vmem>>, vector<16xf32>,
    tpu.vector_store %arg7[%swap3A_313], %broadcast_in_dim3A_3 {strides = array<i32>} : memref<1024xf32, #tpu.memory_space<vmem>>, vector<16xf32>,
    %swap3A_315 = arith.constant 832 : index
    %swap3A_316 = tpu.vector_load %arg5[%swap3A_315] {strides = array<i32>} : memref<1024xf32, #tpu.memory_space<vmem>>, vector<16xf32>,
    tpu.vector_store %arg5[%swap3A_315], %broadcast_in_dim3A_3 {strides = array<i32>} : memref<1024xf32, #tpu.memory_space<vmem>>, vector<16xf32>,
    %swap3A_317 = arith.constant 832 : index
    %swap3A_318 = tpu.vector_load %arg6[%swap3A_317] {strides = array<i32>} : memref<1024xf32, #tpu.memory_space<vmem>>, vector<16xf32>,
    tpu.vector_store %arg6[%swap3A_317], %broadcast_in_dim3A_3 {strides = array<i32>} : memref<1024xf32, #tpu.memory_space<vmem>>, vector<16xf32>,
    %swap3A_319 = arith.constant 832 : index
    %swap3A_320 = tpu.vector_load %arg7[%swap3A_319] {strides = array<i32>} : memref<1024xf32, #tpu.memory_space<vmem>>, vector<16xf32>,
    tpu.vector_store %arg7[%swap3A_319], %broadcast_in_dim3A_3 {strides = array<i32>} : memref<1024xf32, #tpu.memory_space<vmem>>, vector<16xf32>,
    %swap3A_321 = arith.constant 848 : index
    %swap3A_322 = tpu.vector_load %arg5[%swap3A_321] {strides = array<i32>} : memref<1024xf32, #tpu.memory_space<vmem>>, vector<16xf32>,
    tpu.vector_store %arg5[%swap3A_321], %broadcast_in_dim3A_3 {strides = array<i32>} : memref<1024xf32, #tpu.memory_space<vmem>>, vector<16xf32>,
    %swap3A_323 = arith.constant 848 : index
    %swap3A_324 = tpu.vector_load %arg6[%swap3A_323] {strides = array<i32>} : memref<1024xf32, #tpu.memory_space<vmem>>, vector<16xf32>,
    tpu.vector_store %arg6[%swap3A_323], %broadcast_in_dim3A_3 {strides = array<i32>} : memref<1024xf32, #tpu.memory_space<vmem>>, vector<16xf32>,
    %swap3A_325 = arith.constant 848 : index
    %swap3A_326 = tpu.vector_load %arg7[%swap3A_325] {strides = array<i32>} : memref<1024xf32, #tpu.memory_space<vmem>>, vector<16xf32>,
    tpu.vector_store %arg7[%swap3A_325], %broadcast_in_dim3A_3 {strides = array<i32>} : memref<1024xf32, #tpu.memory_space<vmem>>, vector<16xf32>,
    %swap3A_327 = arith.constant 864 : index
    %swap3A_328 = tpu.vector_load %arg5[%swap3A_327] {strides = array<i32>} : memref<1024xf32, #tpu.memory_space<vmem>>, vector<16xf32>,
    tpu.vector_store %arg5[%swap3A_327], %broadcast_in_dim3A_3 {strides = array<i32>} : memref<1024xf32, #tpu.memory_space<vmem>>, vector<16xf32>,
    %swap3A_329 = arith.constant 864 : index
    %swap3A_330 = tpu.vector_load %arg6[%swap3A_329] {strides = array<i32>} : memref<1024xf32, #tpu.memory_space<vmem>>, vector<16xf32>,
    tpu.vector_store %arg6[%swap3A_329], %broadcast_in_dim3A_3 {strides = array<i32>} : memref<1024xf32, #tpu.memory_space<vmem>>, vector<16xf32>,
    %swap3A_331 = arith.constant 864 : index
    %swap3A_332 = tpu.vector_load %arg7[%swap3A_331] {strides = array<i32>} : memref<1024xf32, #tpu.memory_space<vmem>>, vector<16xf32>,
    tpu.vector_store %arg7[%swap3A_331], %broadcast_in_dim3A_3 {strides = array<i32>} : memref<1024xf32, #tpu.memory_space<vmem>>, vector<16xf32>,
    %swap3A_333 = arith.constant 880 : index
    %swap3A_334 = tpu.vector_load %arg5[%swap3A_333] {strides = array<i32>} : memref<1024xf32, #tpu.memory_space<vmem>>, vector<16xf32>,
    tpu.vector_store %arg5[%swap3A_333], %broadcast_in_dim3A_3 {strides = array<i32>} : memref<1024xf32, #tpu.memory_space<vmem>>, vector<16xf32>,
    %swap3A_335 = arith.constant 880 : index
    %swap3A_336 = tpu.vector_load %arg6[%swap3A_335] {strides = array<i32>} : memref<1024xf32, #tpu.memory_space<vmem>>, vector<16xf32>,
    tpu.vector_store %arg6[%swap3A_335], %broadcast_in_dim3A_3 {strides = array<i32>} : memref<1024xf32, #tpu.memory_space<vmem>>, vector<16xf32>,
    %swap3A_337 = arith.constant 880 : index
    %swap3A_338 = tpu.vector_load %arg7[%swap3A_337] {strides = array<i32>} : memref<1024xf32, #tpu.memory_space<vmem>>, vector<16xf32>,
    tpu.vector_store %arg7[%swap3A_337], %broadcast_in_dim3A_3 {strides = array<i32>} : memref<1024xf32, #tpu.memory_space<vmem>>, vector<16xf32>,
    %swap3A_339 = arith.constant 896 : index
    %swap3A_340 = tpu.vector_load %arg5[%swap3A_339] {strides = array<i32>} : memref<1024xf32, #tpu.memory_space<vmem>>, vector<16xf32>,
    tpu.vector_store %arg5[%swap3A_339], %broadcast_in_dim3A_3 {strides = array<i32>} : memref<1024xf32, #tpu.memory_space<vmem>>, vector<16xf32>,
    %swap3A_341 = arith.constant 896 : index
    %swap3A_342 = tpu.vector_load %arg6[%swap3A_341] {strides = array<i32>} : memref<1024xf32, #tpu.memory_space<vmem>>, vector<16xf32>,
    tpu.vector_store %arg6[%swap3A_341], %broadcast_in_dim3A_3 {strides = array<i32>} : memref<1024xf32, #tpu.memory_space<vmem>>, vector<16xf32>,
    %swap3A_343 = arith.constant 896 : index
    %swap3A_344 = tpu.vector_load %arg7[%swap3A_343] {strides = array<i32>} : memref<1024xf32, #tpu.memory_space<vmem>>, vector<16xf32>,
    tpu.vector_store %arg7[%swap3A_343], %broadcast_in_dim3A_3 {strides = array<i32>} : memref<1024xf32, #tpu.memory_space<vmem>>, vector<16xf32>,
    %swap3A_345 = arith.constant 912 : index
    %swap3A_346 = tpu.vector_load %arg5[%swap3A_345] {strides = array<i32>} : memref<1024xf32, #tpu.memory_space<vmem>>, vector<16xf32>,
    tpu.vector_store %arg5[%swap3A_345], %broadcast_in_dim3A_3 {strides = array<i32>} : memref<1024xf32, #tpu.memory_space<vmem>>, vector<16xf32>,
    %swap3A_347 = arith.constant 912 : index
    %swap3A_348 = tpu.vector_load %arg6[%swap3A_347] {strides = array<i32>} : memref<1024xf32, #tpu.memory_space<vmem>>, vector<16xf32>,
    tpu.vector_store %arg6[%swap3A_347], %broadcast_in_dim3A_3 {strides = array<i32>} : memref<1024xf32, #tpu.memory_space<vmem>>, vector<16xf32>,
    %swap3A_349 = arith.constant 912 : index
    %swap3A_350 = tpu.vector_load %arg7[%swap3A_349] {strides = array<i32>} : memref<1024xf32, #tpu.memory_space<vmem>>, vector<16xf32>,
    tpu.vector_store %arg7[%swap3A_349], %broadcast_in_dim3A_3 {strides = array<i32>} : memref<1024xf32, #tpu.memory_space<vmem>>, vector<16xf32>,
    %swap3A_351 = arith.constant 928 : index
    %swap3A_352 = tpu.vector_load %arg5[%swap3A_351] {strides = array<i32>} : memref<1024xf32, #tpu.memory_space<vmem>>, vector<16xf32>,
    tpu.vector_store %arg5[%swap3A_351], %broadcast_in_dim3A_3 {strides = array<i32>} : memref<1024xf32, #tpu.memory_space<vmem>>, vector<16xf32>,
    %swap3A_353 = arith.constant 928 : index
    %swap3A_354 = tpu.vector_load %arg6[%swap3A_353] {strides = array<i32>} : memref<1024xf32, #tpu.memory_space<vmem>>, vector<16xf32>,
    tpu.vector_store %arg6[%swap3A_353], %broadcast_in_dim3A_3 {strides = array<i32>} : memref<1024xf32, #tpu.memory_space<vmem>>, vector<16xf32>,
    %swap3A_355 = arith.constant 928 : index
    %swap3A_356 = tpu.vector_load %arg7[%swap3A_355] {strides = array<i32>} : memref<1024xf32, #tpu.memory_space<vmem>>, vector<16xf32>,
    tpu.vector_store %arg7[%swap3A_355], %broadcast_in_dim3A_3 {strides = array<i32>} : memref<1024xf32, #tpu.memory_space<vmem>>, vector<16xf32>,
    %swap3A_357 = arith.constant 944 : index
    %swap3A_358 = tpu.vector_load %arg5[%swap3A_357] {strides = array<i32>} : memref<1024xf32, #tpu.memory_space<vmem>>, vector<16xf32>,
    tpu.vector_store %arg5[%swap3A_357], %broadcast_in_dim3A_3 {strides = array<i32>} : memref<1024xf32, #tpu.memory_space<vmem>>, vector<16xf32>,
    %swap3A_359 = arith.constant 944 : index
    %swap3A_360 = tpu.vector_load %arg6[%swap3A_359] {strides = array<i32>} : memref<1024xf32, #tpu.memory_space<vmem>>, vector<16xf32>,
    tpu.vector_store %arg6[%swap3A_359], %broadcast_in_dim3A_3 {strides = array<i32>} : memref<1024xf32, #tpu.memory_space<vmem>>, vector<16xf32>,
    %swap3A_361 = arith.constant 944 : index
    %swap3A_362 = tpu.vector_load %arg7[%swap3A_361] {strides = array<i32>} : memref<1024xf32, #tpu.memory_space<vmem>>, vector<16xf32>,
    tpu.vector_store %arg7[%swap3A_361], %broadcast_in_dim3A_3 {strides = array<i32>} : memref<1024xf32, #tpu.memory_space<vmem>>, vector<16xf32>,
    %swap3A_363 = arith.constant 960 : index
    %swap3A_364 = tpu.vector_load %arg5[%swap3A_363] {strides = array<i32>} : memref<1024xf32, #tpu.memory_space<vmem>>, vector<16xf32>,
    tpu.vector_store %arg5[%swap3A_363], %broadcast_in_dim3A_3 {strides = array<i32>} : memref<1024xf32, #tpu.memory_space<vmem>>, vector<16xf32>,
    %swap3A_365 = arith.constant 960 : index
    %swap3A_366 = tpu.vector_load %arg6[%swap3A_365] {strides = array<i32>} : memref<1024xf32, #tpu.memory_space<vmem>>, vector<16xf32>,
    tpu.vector_store %arg6[%swap3A_365], %broadcast_in_dim3A_3 {strides = array<i32>} : memref<1024xf32, #tpu.memory_space<vmem>>, vector<16xf32>,
    %swap3A_367 = arith.constant 960 : index
    %swap3A_368 = tpu.vector_load %arg7[%swap3A_367] {strides = array<i32>} : memref<1024xf32, #tpu.memory_space<vmem>>, vector<16xf32>,
    tpu.vector_store %arg7[%swap3A_367], %broadcast_in_dim3A_3 {strides = array<i32>} : memref<1024xf32, #tpu.memory_space<vmem>>, vector<16xf32>,
    %swap3A_369 = arith.constant 976 : index
    %swap3A_370 = tpu.vector_load %arg5[%swap3A_369] {strides = array<i32>} : memref<1024xf32, #tpu.memory_space<vmem>>, vector<16xf32>,
    tpu.vector_store %arg5[%swap3A_369], %broadcast_in_dim3A_3 {strides = array<i32>} : memref<1024xf32, #tpu.memory_space<vmem>>, vector<16xf32>,
    %swap3A_371 = arith.constant 976 : index
    %swap3A_372 = tpu.vector_load %arg6[%swap3A_371] {strides = array<i32>} : memref<1024xf32, #tpu.memory_space<vmem>>, vector<16xf32>,
    tpu.vector_store %arg6[%swap3A_371], %broadcast_in_dim3A_3 {strides = array<i32>} : memref<1024xf32, #tpu.memory_space<vmem>>, vector<16xf32>,
    %swap3A_373 = arith.constant 976 : index
    %swap3A_374 = tpu.vector_load %arg7[%swap3A_373] {strides = array<i32>} : memref<1024xf32, #tpu.memory_space<vmem>>, vector<16xf32>,
    tpu.vector_store %arg7[%swap3A_373], %broadcast_in_dim3A_3 {strides = array<i32>} : memref<1024xf32, #tpu.memory_space<vmem>>, vector<16xf32>,
    %swap3A_375 = arith.constant 992 : index
    %swap3A_376 = tpu.vector_load %arg5[%swap3A_375] {strides = array<i32>} : memref<1024xf32, #tpu.memory_space<vmem>>, vector<16xf32>,
    tpu.vector_store %arg5[%swap3A_375], %broadcast_in_dim3A_3 {strides = array<i32>} : memref<1024xf32, #tpu.memory_space<vmem>>, vector<16xf32>,
    %swap3A_377 = arith.constant 992 : index
    %swap3A_378 = tpu.vector_load %arg6[%swap3A_377] {strides = array<i32>} : memref<1024xf32, #tpu.memory_space<vmem>>, vector<16xf32>,
    tpu.vector_store %arg6[%swap3A_377], %broadcast_in_dim3A_3 {strides = array<i32>} : memref<1024xf32, #tpu.memory_space<vmem>>, vector<16xf32>,
    %swap3A_379 = arith.constant 992 : index
    %swap3A_380 = tpu.vector_load %arg7[%swap3A_379] {strides = array<i32>} : memref<1024xf32, #tpu.memory_space<vmem>>, vector<16xf32>,
    tpu.vector_store %arg7[%swap3A_379], %broadcast_in_dim3A_3 {strides = array<i32>} : memref<1024xf32, #tpu.memory_space<vmem>>, vector<16xf32>,
    %swap3A_381 = arith.constant 1008 : index
    %swap3A_382 = tpu.vector_load %arg5[%swap3A_381] {strides = array<i32>} : memref<1024xf32, #tpu.memory_space<vmem>>, vector<16xf32>,
    tpu.vector_store %arg5[%swap3A_381], %broadcast_in_dim3A_3 {strides = array<i32>} : memref<1024xf32, #tpu.memory_space<vmem>>, vector<16xf32>,
    %swap3A_383 = arith.constant 1008 : index
    %swap3A_384 = tpu.vector_load %arg6[%swap3A_383] {strides = array<i32>} : memref<1024xf32, #tpu.memory_space<vmem>>, vector<16xf32>,
    tpu.vector_store %arg6[%swap3A_383], %broadcast_in_dim3A_3 {strides = array<i32>} : memref<1024xf32, #tpu.memory_space<vmem>>, vector<16xf32>,
    %swap3A_385 = arith.constant 1008 : index
    %swap3A_386 = tpu.vector_load %arg7[%swap3A_385] {strides = array<i32>} : memref<1024xf32, #tpu.memory_space<vmem>>, vector<16xf32>,
    tpu.vector_store %arg7[%swap3A_385], %broadcast_in_dim3A_3 {strides = array<i32>} : memref<1024xf32, #tpu.memory_space<vmem>>, vector<16xf32>,
    %iota3A = tpu.iota {dimensions = array<i32: 0>} : vector<16xi32>
    %mul3A_387 = arith.constant 16 : i32
    %mul3A_388 = vector.broadcast %mul3A_387 : i32 to vector<16xi32>
    %mul3A_389 = arith.muli %iota3A, %mul3A_388 : vector<16xi32>
    %broadcast_in_dim3A_390 = arith.constant 1.000000e+00 : f32
    %broadcast_in_dim3A_391 = vector.broadcast %broadcast_in_dim3A_390 : f32 to vector<16xf32>
    %scan3A = arith.constant 0 : i32
    %scan3A_392 = arith.constant 1.500000e+01 : f32
    %scan3A_393 = arith.constant 0 : i32
    %scan3A_394 = arith.constant 64 : i32
    %scan3A_395 = arith.addi %scan3A_393, %scan3A_394 : i32
    %scan3A_396 = arith.constant 1 : i32
    scf.for %scan3A_980 = %scan3A_393 to %scan3A_395 step %scan3A_396  : i32 {
      %mul3A_981 = arith.constant 4 : i32
      %mul3A_982 = arith.muli %scan3A_980, %mul3A_981 : i32
      %add3A_983 = arith.constant 0 : i32
      %add3A_984 = arith.addi %mul3A_982, %add3A_983 : i32
      %mul3A_985 = arith.constant 16 : i32
      %mul3A_986 = arith.muli %add3A_984, %mul3A_985 : i32
      %get3A_987 = arith.index_cast %mul3A_986 : i32 to index
      %get3A_988 = tpu.vector_load %arg4[%get3A_987] {strides = array<i32>} : memref<4096xf32, #tpu.memory_space<vmem>>, vector<16xf32>,
      %abs3A = math.absf %get3A_988 : vector<16xf32>
      %lt3A = arith.constant 0.000000e+00 : f32
      %lt3A_989 = vector.broadcast %lt3A : f32 to vector<16xf32>
      %lt3A_990 = arith.cmpf olt, %get3A_988, %lt3A_989 : vector<16xf32>
      %jit3A = arith.constant 1.000000e+00 : f32
      %jit3A_991 = arith.constant 0.000000e+00 : f32
      %broadcast_in_dim3A_992 = vector.broadcast %jit3A : f32 to vector<16xf32>
      %broadcast_in_dim3A_993 = vector.broadcast %jit3A_991 : f32 to vector<16xf32>
      %select_n3A = arith.select %lt3A_990, %broadcast_in_dim3A_992, %broadcast_in_dim3A_993 : vector<16xi1>, vector<16xf32>
      %mul3A_994 = vector.broadcast %scan3A_392 : f32 to vector<16xf32>
      %mul3A_995 = arith.mulf %abs3A, %mul3A_994 : vector<16xf32>
      %convert_element_type3A_996 = arith.fptosi %mul3A_995 : vector<16xf32> to vector<16xi32>
      %convert_element_type3A_997 = arith.sitofp %convert_element_type3A_996 : vector<16xi32> to vector<16xf32>
      %eq3A_998 = arith.cmpf oeq, %convert_element_type3A_997, %mul3A_995 : vector<16xf32>
      %jit3A_999 = arith.constant 1 : i32
      %jit3A_1000 = arith.constant 0 : i32
      %broadcast_in_dim3A_1001 = vector.broadcast %jit3A_999 : i32 to vector<16xi32>
      %broadcast_in_dim3A_1002 = vector.broadcast %jit3A_1000 : i32 to vector<16xi32>
      %select_n3A_1003 = arith.select %eq3A_998, %broadcast_in_dim3A_1001, %broadcast_in_dim3A_1002 : vector<16xi1>, vector<16xi32>
      %sub3A = arith.subi %convert_element_type3A_996, %select_n3A_1003 : vector<16xi32>
      %jit3A_1004 = arith.constant 0 : i32
      %jit3A_1005 = arith.constant 14 : i32
      %max3A = vector.broadcast %jit3A_1004 : i32 to vector<16xi32>
      %max3A_1006 = arith.maxsi %max3A, %sub3A : vector<16xi32>
      %min3A = vector.broadcast %jit3A_1005 : i32 to vector<16xi32>
      %min3A_1007 = arith.minsi %min3A, %max3A_1006 : vector<16xi32>
      %add3A_1008 = arith.addi %mul3A_389, %min3A_1007 : vector<16xi32>
      %add3A_1009 = arith.constant 0 : i32
      %add3A_1010 = vector.broadcast %add3A_1009 : i32 to vector<16xi32>
      %add3A_1011 = arith.addi %add3A_1008, %add3A_1010 : vector<16xi32>
      tpu.vector_store_idx %arg5[%add3A_1011], %broadcast_in_dim3A_391 {add = true} : memref<1024xf32, #tpu.memory_space<vmem>>[vector<16xi32>], vector<16xf32>,
      tpu.vector_store_idx %arg6[%add3A_1011], %select_n3A {add = true} : memref<1024xf32, #tpu.memory_space<vmem>>[vector<16xi32>], vector<16xf32>,
      tpu.vector_store_idx %arg7[%add3A_1011], %abs3A {add = true} : memref<1024xf32, #tpu.memory_space<vmem>>[vector<16xi32>], vector<16xf32>,
      %mul3A_1012 = arith.constant 4 : i32
      %mul3A_1013 = arith.muli %scan3A_980, %mul3A_1012 : i32
      %add3A_1014 = arith.constant 1 : i32
      %add3A_1015 = arith.addi %mul3A_1013, %add3A_1014 : i32
      %mul3A_1016 = arith.constant 16 : i32
      %mul3A_1017 = arith.muli %add3A_1015, %mul3A_1016 : i32
      %get3A_1018 = arith.index_cast %mul3A_1017 : i32 to index
      %get3A_1019 = tpu.vector_load %arg4[%get3A_1018] {strides = array<i32>} : memref<4096xf32, #tpu.memory_space<vmem>>, vector<16xf32>,
      %abs3A_1020 = math.absf %get3A_1019 : vector<16xf32>
      %lt3A_1021 = arith.constant 0.000000e+00 : f32
      %lt3A_1022 = vector.broadcast %lt3A_1021 : f32 to vector<16xf32>
      %lt3A_1023 = arith.cmpf olt, %get3A_1019, %lt3A_1022 : vector<16xf32>
      %jit3A_1024 = arith.constant 1.000000e+00 : f32
      %jit3A_1025 = arith.constant 0.000000e+00 : f32
      %broadcast_in_dim3A_1026 = vector.broadcast %jit3A_1024 : f32 to vector<16xf32>
      %broadcast_in_dim3A_1027 = vector.broadcast %jit3A_1025 : f32 to vector<16xf32>
      %select_n3A_1028 = arith.select %lt3A_1023, %broadcast_in_dim3A_1026, %broadcast_in_dim3A_1027 : vector<16xi1>, vector<16xf32>
      %mul3A_1029 = vector.broadcast %scan3A_392 : f32 to vector<16xf32>
      %mul3A_1030 = arith.mulf %abs3A_1020, %mul3A_1029 : vector<16xf32>
      %convert_element_type3A_1031 = arith.fptosi %mul3A_1030 : vector<16xf32> to vector<16xi32>
      %convert_element_type3A_1032 = arith.sitofp %convert_element_type3A_1031 : vector<16xi32> to vector<16xf32>
      %eq3A_1033 = arith.cmpf oeq, %convert_element_type3A_1032, %mul3A_1030 : vector<16xf32>
      %jit3A_1034 = arith.constant 1 : i32
      %jit3A_1035 = arith.constant 0 : i32
      %broadcast_in_dim3A_1036 = vector.broadcast %jit3A_1034 : i32 to vector<16xi32>
      %broadcast_in_dim3A_1037 = vector.broadcast %jit3A_1035 : i32 to vector<16xi32>
      %select_n3A_1038 = arith.select %eq3A_1033, %broadcast_in_dim3A_1036, %broadcast_in_dim3A_1037 : vector<16xi1>, vector<16xi32>
      %sub3A_1039 = arith.subi %convert_element_type3A_1031, %select_n3A_1038 : vector<16xi32>
      %jit3A_1040 = arith.constant 0 : i32
      %jit3A_1041 = arith.constant 14 : i32
      %max3A_1042 = vector.broadcast %jit3A_1040 : i32 to vector<16xi32>
      %max3A_1043 = arith.maxsi %max3A_1042, %sub3A_1039 : vector<16xi32>
      %min3A_1044 = vector.broadcast %jit3A_1041 : i32 to vector<16xi32>
      %min3A_1045 = arith.minsi %min3A_1044, %max3A_1043 : vector<16xi32>
      %add3A_1046 = arith.addi %mul3A_389, %min3A_1045 : vector<16xi32>
      %add3A_1047 = arith.constant 256 : i32
      %add3A_1048 = vector.broadcast %add3A_1047 : i32 to vector<16xi32>
      %add3A_1049 = arith.addi %add3A_1046, %add3A_1048 : vector<16xi32>
      tpu.vector_store_idx %arg5[%add3A_1049], %broadcast_in_dim3A_391 {add = true} : memref<1024xf32, #tpu.memory_space<vmem>>[vector<16xi32>], vector<16xf32>,
      tpu.vector_store_idx %arg6[%add3A_1049], %select_n3A_1028 {add = true} : memref<1024xf32, #tpu.memory_space<vmem>>[vector<16xi32>], vector<16xf32>,
      tpu.vector_store_idx %arg7[%add3A_1049], %abs3A_1020 {add = true} : memref<1024xf32, #tpu.memory_space<vmem>>[vector<16xi32>], vector<16xf32>,
      %mul3A_1050 = arith.constant 4 : i32
      %mul3A_1051 = arith.muli %scan3A_980, %mul3A_1050 : i32
      %add3A_1052 = arith.constant 2 : i32
      %add3A_1053 = arith.addi %mul3A_1051, %add3A_1052 : i32
      %mul3A_1054 = arith.constant 16 : i32
      %mul3A_1055 = arith.muli %add3A_1053, %mul3A_1054 : i32
      %get3A_1056 = arith.index_cast %mul3A_1055 : i32 to index
      %get3A_1057 = tpu.vector_load %arg4[%get3A_1056] {strides = array<i32>} : memref<4096xf32, #tpu.memory_space<vmem>>, vector<16xf32>,
      %abs3A_1058 = math.absf %get3A_1057 : vector<16xf32>
      %lt3A_1059 = arith.constant 0.000000e+00 : f32
      %lt3A_1060 = vector.broadcast %lt3A_1059 : f32 to vector<16xf32>
      %lt3A_1061 = arith.cmpf olt, %get3A_1057, %lt3A_1060 : vector<16xf32>
      %jit3A_1062 = arith.constant 1.000000e+00 : f32
      %jit3A_1063 = arith.constant 0.000000e+00 : f32
      %broadcast_in_dim3A_1064 = vector.broadcast %jit3A_1062 : f32 to vector<16xf32>
      %broadcast_in_dim3A_1065 = vector.broadcast %jit3A_1063 : f32 to vector<16xf32>
      %select_n3A_1066 = arith.select %lt3A_1061, %broadcast_in_dim3A_1064, %broadcast_in_dim3A_1065 : vector<16xi1>, vector<16xf32>
      %mul3A_1067 = vector.broadcast %scan3A_392 : f32 to vector<16xf32>
      %mul3A_1068 = arith.mulf %abs3A_1058, %mul3A_1067 : vector<16xf32>
      %convert_element_type3A_1069 = arith.fptosi %mul3A_1068 : vector<16xf32> to vector<16xi32>
      %convert_element_type3A_1070 = arith.sitofp %convert_element_type3A_1069 : vector<16xi32> to vector<16xf32>
      %eq3A_1071 = arith.cmpf oeq, %convert_element_type3A_1070, %mul3A_1068 : vector<16xf32>
      %jit3A_1072 = arith.constant 1 : i32
      %jit3A_1073 = arith.constant 0 : i32
      %broadcast_in_dim3A_1074 = vector.broadcast %jit3A_1072 : i32 to vector<16xi32>
      %broadcast_in_dim3A_1075 = vector.broadcast %jit3A_1073 : i32 to vector<16xi32>
      %select_n3A_1076 = arith.select %eq3A_1071, %broadcast_in_dim3A_1074, %broadcast_in_dim3A_1075 : vector<16xi1>, vector<16xi32>
      %sub3A_1077 = arith.subi %convert_element_type3A_1069, %select_n3A_1076 : vector<16xi32>
      %jit3A_1078 = arith.constant 0 : i32
      %jit3A_1079 = arith.constant 14 : i32
      %max3A_1080 = vector.broadcast %jit3A_1078 : i32 to vector<16xi32>
      %max3A_1081 = arith.maxsi %max3A_1080, %sub3A_1077 : vector<16xi32>
      %min3A_1082 = vector.broadcast %jit3A_1079 : i32 to vector<16xi32>
      %min3A_1083 = arith.minsi %min3A_1082, %max3A_1081 : vector<16xi32>
      %add3A_1084 = arith.addi %mul3A_389, %min3A_1083 : vector<16xi32>
      %add3A_1085 = arith.constant 512 : i32
      %add3A_1086 = vector.broadcast %add3A_1085 : i32 to vector<16xi32>
      %add3A_1087 = arith.addi %add3A_1084, %add3A_1086 : vector<16xi32>
      tpu.vector_store_idx %arg5[%add3A_1087], %broadcast_in_dim3A_391 {add = true} : memref<1024xf32, #tpu.memory_space<vmem>>[vector<16xi32>], vector<16xf32>,
      tpu.vector_store_idx %arg6[%add3A_1087], %select_n3A_1066 {add = true} : memref<1024xf32, #tpu.memory_space<vmem>>[vector<16xi32>], vector<16xf32>,
      tpu.vector_store_idx %arg7[%add3A_1087], %abs3A_1058 {add = true} : memref<1024xf32, #tpu.memory_space<vmem>>[vector<16xi32>], vector<16xf32>,
      %mul3A_1088 = arith.constant 4 : i32
      %mul3A_1089 = arith.muli %scan3A_980, %mul3A_1088 : i32
      %add3A_1090 = arith.constant 3 : i32
      %add3A_1091 = arith.addi %mul3A_1089, %add3A_1090 : i32
      %mul3A_1092 = arith.constant 16 : i32
      %mul3A_1093 = arith.muli %add3A_1091, %mul3A_1092 : i32
      %get3A_1094 = arith.index_cast %mul3A_1093 : i32 to index
      %get3A_1095 = tpu.vector_load %arg4[%get3A_1094] {strides = array<i32>} : memref<4096xf32, #tpu.memory_space<vmem>>, vector<16xf32>,
      %abs3A_1096 = math.absf %get3A_1095 : vector<16xf32>
      %lt3A_1097 = arith.constant 0.000000e+00 : f32
      %lt3A_1098 = vector.broadcast %lt3A_1097 : f32 to vector<16xf32>
      %lt3A_1099 = arith.cmpf olt, %get3A_1095, %lt3A_1098 : vector<16xf32>
      %jit3A_1100 = arith.constant 1.000000e+00 : f32
      %jit3A_1101 = arith.constant 0.000000e+00 : f32
      %broadcast_in_dim3A_1102 = vector.broadcast %jit3A_1100 : f32 to vector<16xf32>
      %broadcast_in_dim3A_1103 = vector.broadcast %jit3A_1101 : f32 to vector<16xf32>
      %select_n3A_1104 = arith.select %lt3A_1099, %broadcast_in_dim3A_1102, %broadcast_in_dim3A_1103 : vector<16xi1>, vector<16xf32>
      %mul3A_1105 = vector.broadcast %scan3A_392 : f32 to vector<16xf32>
      %mul3A_1106 = arith.mulf %abs3A_1096, %mul3A_1105 : vector<16xf32>
      %convert_element_type3A_1107 = arith.fptosi %mul3A_1106 : vector<16xf32> to vector<16xi32>
      %convert_element_type3A_1108 = arith.sitofp %convert_element_type3A_1107 : vector<16xi32> to vector<16xf32>
      %eq3A_1109 = arith.cmpf oeq, %convert_element_type3A_1108, %mul3A_1106 : vector<16xf32>
      %jit3A_1110 = arith.constant 1 : i32
      %jit3A_1111 = arith.constant 0 : i32
      %broadcast_in_dim3A_1112 = vector.broadcast %jit3A_1110 : i32 to vector<16xi32>
      %broadcast_in_dim3A_1113 = vector.broadcast %jit3A_1111 : i32 to vector<16xi32>
      %select_n3A_1114 = arith.select %eq3A_1109, %broadcast_in_dim3A_1112, %broadcast_in_dim3A_1113 : vector<16xi1>, vector<16xi32>
      %sub3A_1115 = arith.subi %convert_element_type3A_1107, %select_n3A_1114 : vector<16xi32>
      %jit3A_1116 = arith.constant 0 : i32
      %jit3A_1117 = arith.constant 14 : i32
      %max3A_1118 = vector.broadcast %jit3A_1116 : i32 to vector<16xi32>
      %max3A_1119 = arith.maxsi %max3A_1118, %sub3A_1115 : vector<16xi32>
      %min3A_1120 = vector.broadcast %jit3A_1117 : i32 to vector<16xi32>
      %min3A_1121 = arith.minsi %min3A_1120, %max3A_1119 : vector<16xi32>
      %add3A_1122 = arith.addi %mul3A_389, %min3A_1121 : vector<16xi32>
      %add3A_1123 = arith.constant 768 : i32
      %add3A_1124 = vector.broadcast %add3A_1123 : i32 to vector<16xi32>
      %add3A_1125 = arith.addi %add3A_1122, %add3A_1124 : vector<16xi32>
      tpu.vector_store_idx %arg5[%add3A_1125], %broadcast_in_dim3A_391 {add = true} : memref<1024xf32, #tpu.memory_space<vmem>>[vector<16xi32>], vector<16xf32>,
      tpu.vector_store_idx %arg6[%add3A_1125], %select_n3A_1104 {add = true} : memref<1024xf32, #tpu.memory_space<vmem>>[vector<16xi32>], vector<16xf32>,
      tpu.vector_store_idx %arg7[%add3A_1125], %abs3A_1096 {add = true} : memref<1024xf32, #tpu.memory_space<vmem>>[vector<16xi32>], vector<16xf32>,
    }
    %scan3A_397 = arith.constant 64 : i32
    %get3A = arith.constant 0 : index
    %get3A_398 = tpu.vector_load %arg5[%get3A] {strides = array<i32>} : memref<1024xf32, #tpu.memory_space<vmem>>, vector<16xf32>,
    %get3A_399 = arith.constant 0 : index
    %get3A_400 = tpu.vector_load %arg6[%get3A_399] {strides = array<i32>} : memref<1024xf32, #tpu.memory_space<vmem>>, vector<16xf32>,
    %get3A_401 = arith.constant 0 : index
    %get3A_402 = tpu.vector_load %arg7[%get3A_401] {strides = array<i32>} : memref<1024xf32, #tpu.memory_space<vmem>>, vector<16xf32>,
    %get3A_403 = arith.constant 16 : index
    %get3A_404 = tpu.vector_load %arg5[%get3A_403] {strides = array<i32>} : memref<1024xf32, #tpu.memory_space<vmem>>, vector<16xf32>,
    %add3A_405 = arith.addf %get3A_398, %get3A_404 : vector<16xf32>
    %get3A_406 = arith.constant 16 : index
    %get3A_407 = tpu.vector_load %arg6[%get3A_406] {strides = array<i32>} : memref<1024xf32, #tpu.memory_space<vmem>>, vector<16xf32>,
    %add3A_408 = arith.addf %get3A_400, %get3A_407 : vector<16xf32>
    %get3A_409 = arith.constant 16 : index
    %get3A_410 = tpu.vector_load %arg7[%get3A_409] {strides = array<i32>} : memref<1024xf32, #tpu.memory_space<vmem>>, vector<16xf32>,
    %add3A_411 = arith.addf %get3A_402, %get3A_410 : vector<16xf32>
    %get3A_412 = arith.constant 32 : index
    %get3A_413 = tpu.vector_load %arg5[%get3A_412] {strides = array<i32>} : memref<1024xf32, #tpu.memory_space<vmem>>, vector<16xf32>,
    %add3A_414 = arith.addf %add3A_405, %get3A_413 : vector<16xf32>
    %get3A_415 = arith.constant 32 : index
    %get3A_416 = tpu.vector_load %arg6[%get3A_415] {strides = array<i32>} : memref<1024xf32, #tpu.memory_space<vmem>>, vector<16xf32>,
    %add3A_417 = arith.addf %add3A_408, %get3A_416 : vector<16xf32>
    %get3A_418 = arith.constant 32 : index
    %get3A_419 = tpu.vector_load %arg7[%get3A_418] {strides = array<i32>} : memref<1024xf32, #tpu.memory_space<vmem>>, vector<16xf32>,
    %add3A_420 = arith.addf %add3A_411, %get3A_419 : vector<16xf32>
    %get3A_421 = arith.constant 48 : index
    %get3A_422 = tpu.vector_load %arg5[%get3A_421] {strides = array<i32>} : memref<1024xf32, #tpu.memory_space<vmem>>, vector<16xf32>,
    %add3A_423 = arith.addf %add3A_414, %get3A_422 : vector<16xf32>
    %get3A_424 = arith.constant 48 : index
    %get3A_425 = tpu.vector_load %arg6[%get3A_424] {strides = array<i32>} : memref<1024xf32, #tpu.memory_space<vmem>>, vector<16xf32>,
    %add3A_426 = arith.addf %add3A_417, %get3A_425 : vector<16xf32>
    %get3A_427 = arith.constant 48 : index
    %get3A_428 = tpu.vector_load %arg7[%get3A_427] {strides = array<i32>} : memref<1024xf32, #tpu.memory_space<vmem>>, vector<16xf32>,
    %add3A_429 = arith.addf %add3A_420, %get3A_428 : vector<16xf32>
    %get3A_430 = arith.constant 64 : index
    %get3A_431 = tpu.vector_load %arg5[%get3A_430] {strides = array<i32>} : memref<1024xf32, #tpu.memory_space<vmem>>, vector<16xf32>,
    %add3A_432 = arith.addf %add3A_423, %get3A_431 : vector<16xf32>
    %get3A_433 = arith.constant 64 : index
    %get3A_434 = tpu.vector_load %arg6[%get3A_433] {strides = array<i32>} : memref<1024xf32, #tpu.memory_space<vmem>>, vector<16xf32>,
    %add3A_435 = arith.addf %add3A_426, %get3A_434 : vector<16xf32>
    %get3A_436 = arith.constant 64 : index
    %get3A_437 = tpu.vector_load %arg7[%get3A_436] {strides = array<i32>} : memref<1024xf32, #tpu.memory_space<vmem>>, vector<16xf32>,
    %add3A_438 = arith.addf %add3A_429, %get3A_437 : vector<16xf32>
    %get3A_439 = arith.constant 80 : index
    %get3A_440 = tpu.vector_load %arg5[%get3A_439] {strides = array<i32>} : memref<1024xf32, #tpu.memory_space<vmem>>, vector<16xf32>,
    %add3A_441 = arith.addf %add3A_432, %get3A_440 : vector<16xf32>
    %get3A_442 = arith.constant 80 : index
    %get3A_443 = tpu.vector_load %arg6[%get3A_442] {strides = array<i32>} : memref<1024xf32, #tpu.memory_space<vmem>>, vector<16xf32>,
    %add3A_444 = arith.addf %add3A_435, %get3A_443 : vector<16xf32>
    %get3A_445 = arith.constant 80 : index
    %get3A_446 = tpu.vector_load %arg7[%get3A_445] {strides = array<i32>} : memref<1024xf32, #tpu.memory_space<vmem>>, vector<16xf32>,
    %add3A_447 = arith.addf %add3A_438, %get3A_446 : vector<16xf32>
    %get3A_448 = arith.constant 96 : index
    %get3A_449 = tpu.vector_load %arg5[%get3A_448] {strides = array<i32>} : memref<1024xf32, #tpu.memory_space<vmem>>, vector<16xf32>,
    %add3A_450 = arith.addf %add3A_441, %get3A_449 : vector<16xf32>
    %get3A_451 = arith.constant 96 : index
    %get3A_452 = tpu.vector_load %arg6[%get3A_451] {strides = array<i32>} : memref<1024xf32, #tpu.memory_space<vmem>>, vector<16xf32>,
    %add3A_453 = arith.addf %add3A_444, %get3A_452 : vector<16xf32>
    %get3A_454 = arith.constant 96 : index
    %get3A_455 = tpu.vector_load %arg7[%get3A_454] {strides = array<i32>} : memref<1024xf32, #tpu.memory_space<vmem>>, vector<16xf32>,
    %add3A_456 = arith.addf %add3A_447, %get3A_455 : vector<16xf32>
    %get3A_457 = arith.constant 112 : index
    %get3A_458 = tpu.vector_load %arg5[%get3A_457] {strides = array<i32>} : memref<1024xf32, #tpu.memory_space<vmem>>, vector<16xf32>,
    %add3A_459 = arith.addf %add3A_450, %get3A_458 : vector<16xf32>
    %get3A_460 = arith.constant 112 : index
    %get3A_461 = tpu.vector_load %arg6[%get3A_460] {strides = array<i32>} : memref<1024xf32, #tpu.memory_space<vmem>>, vector<16xf32>,
    %add3A_462 = arith.addf %add3A_453, %get3A_461 : vector<16xf32>
    %get3A_463 = arith.constant 112 : index
    %get3A_464 = tpu.vector_load %arg7[%get3A_463] {strides = array<i32>} : memref<1024xf32, #tpu.memory_space<vmem>>, vector<16xf32>,
    %add3A_465 = arith.addf %add3A_456, %get3A_464 : vector<16xf32>
    %get3A_466 = arith.constant 128 : index
    %get3A_467 = tpu.vector_load %arg5[%get3A_466] {strides = array<i32>} : memref<1024xf32, #tpu.memory_space<vmem>>, vector<16xf32>,
    %add3A_468 = arith.addf %add3A_459, %get3A_467 : vector<16xf32>
    %get3A_469 = arith.constant 128 : index
    %get3A_470 = tpu.vector_load %arg6[%get3A_469] {strides = array<i32>} : memref<1024xf32, #tpu.memory_space<vmem>>, vector<16xf32>,
    %add3A_471 = arith.addf %add3A_462, %get3A_470 : vector<16xf32>
    %get3A_472 = arith.constant 128 : index
    %get3A_473 = tpu.vector_load %arg7[%get3A_472] {strides = array<i32>} : memref<1024xf32, #tpu.memory_space<vmem>>, vector<16xf32>,
    %add3A_474 = arith.addf %add3A_465, %get3A_473 : vector<16xf32>
    %get3A_475 = arith.constant 144 : index
    %get3A_476 = tpu.vector_load %arg5[%get3A_475] {strides = array<i32>} : memref<1024xf32, #tpu.memory_space<vmem>>, vector<16xf32>,
    %add3A_477 = arith.addf %add3A_468, %get3A_476 : vector<16xf32>
    %get3A_478 = arith.constant 144 : index
    %get3A_479 = tpu.vector_load %arg6[%get3A_478] {strides = array<i32>} : memref<1024xf32, #tpu.memory_space<vmem>>, vector<16xf32>,
    %add3A_480 = arith.addf %add3A_471, %get3A_479 : vector<16xf32>
    %get3A_481 = arith.constant 144 : index
    %get3A_482 = tpu.vector_load %arg7[%get3A_481] {strides = array<i32>} : memref<1024xf32, #tpu.memory_space<vmem>>, vector<16xf32>,
    %add3A_483 = arith.addf %add3A_474, %get3A_482 : vector<16xf32>
    %get3A_484 = arith.constant 160 : index
    %get3A_485 = tpu.vector_load %arg5[%get3A_484] {strides = array<i32>} : memref<1024xf32, #tpu.memory_space<vmem>>, vector<16xf32>,
    %add3A_486 = arith.addf %add3A_477, %get3A_485 : vector<16xf32>
    %get3A_487 = arith.constant 160 : index
    %get3A_488 = tpu.vector_load %arg6[%get3A_487] {strides = array<i32>} : memref<1024xf32, #tpu.memory_space<vmem>>, vector<16xf32>,
    %add3A_489 = arith.addf %add3A_480, %get3A_488 : vector<16xf32>
    %get3A_490 = arith.constant 160 : index
    %get3A_491 = tpu.vector_load %arg7[%get3A_490] {strides = array<i32>} : memref<1024xf32, #tpu.memory_space<vmem>>, vector<16xf32>,
    %add3A_492 = arith.addf %add3A_483, %get3A_491 : vector<16xf32>
    %get3A_493 = arith.constant 176 : index
    %get3A_494 = tpu.vector_load %arg5[%get3A_493] {strides = array<i32>} : memref<1024xf32, #tpu.memory_space<vmem>>, vector<16xf32>,
    %add3A_495 = arith.addf %add3A_486, %get3A_494 : vector<16xf32>
    %get3A_496 = arith.constant 176 : index
    %get3A_497 = tpu.vector_load %arg6[%get3A_496] {strides = array<i32>} : memref<1024xf32, #tpu.memory_space<vmem>>, vector<16xf32>,
    %add3A_498 = arith.addf %add3A_489, %get3A_497 : vector<16xf32>
    %get3A_499 = arith.constant 176 : index
    %get3A_500 = tpu.vector_load %arg7[%get3A_499] {strides = array<i32>} : memref<1024xf32, #tpu.memory_space<vmem>>, vector<16xf32>,
    %add3A_501 = arith.addf %add3A_492, %get3A_500 : vector<16xf32>
    %get3A_502 = arith.constant 192 : index
    %get3A_503 = tpu.vector_load %arg5[%get3A_502] {strides = array<i32>} : memref<1024xf32, #tpu.memory_space<vmem>>, vector<16xf32>,
    %add3A_504 = arith.addf %add3A_495, %get3A_503 : vector<16xf32>
    %get3A_505 = arith.constant 192 : index
    %get3A_506 = tpu.vector_load %arg6[%get3A_505] {strides = array<i32>} : memref<1024xf32, #tpu.memory_space<vmem>>, vector<16xf32>,
    %add3A_507 = arith.addf %add3A_498, %get3A_506 : vector<16xf32>
    %get3A_508 = arith.constant 192 : index
    %get3A_509 = tpu.vector_load %arg7[%get3A_508] {strides = array<i32>} : memref<1024xf32, #tpu.memory_space<vmem>>, vector<16xf32>,
    %add3A_510 = arith.addf %add3A_501, %get3A_509 : vector<16xf32>
    %get3A_511 = arith.constant 208 : index
    %get3A_512 = tpu.vector_load %arg5[%get3A_511] {strides = array<i32>} : memref<1024xf32, #tpu.memory_space<vmem>>, vector<16xf32>,
    %add3A_513 = arith.addf %add3A_504, %get3A_512 : vector<16xf32>
    %get3A_514 = arith.constant 208 : index
    %get3A_515 = tpu.vector_load %arg6[%get3A_514] {strides = array<i32>} : memref<1024xf32, #tpu.memory_space<vmem>>, vector<16xf32>,
    %add3A_516 = arith.addf %add3A_507, %get3A_515 : vector<16xf32>
    %get3A_517 = arith.constant 208 : index
    %get3A_518 = tpu.vector_load %arg7[%get3A_517] {strides = array<i32>} : memref<1024xf32, #tpu.memory_space<vmem>>, vector<16xf32>,
    %add3A_519 = arith.addf %add3A_510, %get3A_518 : vector<16xf32>
    %get3A_520 = arith.constant 224 : index
    %get3A_521 = tpu.vector_load %arg5[%get3A_520] {strides = array<i32>} : memref<1024xf32, #tpu.memory_space<vmem>>, vector<16xf32>,
    %add3A_522 = arith.addf %add3A_513, %get3A_521 : vector<16xf32>
    %get3A_523 = arith.constant 224 : index
    %get3A_524 = tpu.vector_load %arg6[%get3A_523] {strides = array<i32>} : memref<1024xf32, #tpu.memory_space<vmem>>, vector<16xf32>,
    %add3A_525 = arith.addf %add3A_516, %get3A_524 : vector<16xf32>
    %get3A_526 = arith.constant 224 : index
    %get3A_527 = tpu.vector_load %arg7[%get3A_526] {strides = array<i32>} : memref<1024xf32, #tpu.memory_space<vmem>>, vector<16xf32>,
    %add3A_528 = arith.addf %add3A_519, %get3A_527 : vector<16xf32>
    %get3A_529 = arith.constant 240 : index
    %get3A_530 = tpu.vector_load %arg5[%get3A_529] {strides = array<i32>} : memref<1024xf32, #tpu.memory_space<vmem>>, vector<16xf32>,
    %add3A_531 = arith.addf %add3A_522, %get3A_530 : vector<16xf32>
    %get3A_532 = arith.constant 240 : index
    %get3A_533 = tpu.vector_load %arg6[%get3A_532] {strides = array<i32>} : memref<1024xf32, #tpu.memory_space<vmem>>, vector<16xf32>,
    %add3A_534 = arith.addf %add3A_525, %get3A_533 : vector<16xf32>
    %get3A_535 = arith.constant 240 : index
    %get3A_536 = tpu.vector_load %arg7[%get3A_535] {strides = array<i32>} : memref<1024xf32, #tpu.memory_space<vmem>>, vector<16xf32>,
    %add3A_537 = arith.addf %add3A_528, %get3A_536 : vector<16xf32>
    %get3A_538 = arith.constant 256 : index
    %get3A_539 = tpu.vector_load %arg5[%get3A_538] {strides = array<i32>} : memref<1024xf32, #tpu.memory_space<vmem>>, vector<16xf32>,
    %add3A_540 = arith.addf %add3A_531, %get3A_539 : vector<16xf32>
    %get3A_541 = arith.constant 256 : index
    %get3A_542 = tpu.vector_load %arg6[%get3A_541] {strides = array<i32>} : memref<1024xf32, #tpu.memory_space<vmem>>, vector<16xf32>,
    %add3A_543 = arith.addf %add3A_534, %get3A_542 : vector<16xf32>
    %get3A_544 = arith.constant 256 : index
    %get3A_545 = tpu.vector_load %arg7[%get3A_544] {strides = array<i32>} : memref<1024xf32, #tpu.memory_space<vmem>>, vector<16xf32>,
    %add3A_546 = arith.addf %add3A_537, %get3A_545 : vector<16xf32>
    %get3A_547 = arith.constant 272 : index
    %get3A_548 = tpu.vector_load %arg5[%get3A_547] {strides = array<i32>} : memref<1024xf32, #tpu.memory_space<vmem>>, vector<16xf32>,
    %add3A_549 = arith.addf %add3A_540, %get3A_548 : vector<16xf32>
    %get3A_550 = arith.constant 272 : index
    %get3A_551 = tpu.vector_load %arg6[%get3A_550] {strides = array<i32>} : memref<1024xf32, #tpu.memory_space<vmem>>, vector<16xf32>,
    %add3A_552 = arith.addf %add3A_543, %get3A_551 : vector<16xf32>
    %get3A_553 = arith.constant 272 : index
    %get3A_554 = tpu.vector_load %arg7[%get3A_553] {strides = array<i32>} : memref<1024xf32, #tpu.memory_space<vmem>>, vector<16xf32>,
    %add3A_555 = arith.addf %add3A_546, %get3A_554 : vector<16xf32>
    %get3A_556 = arith.constant 288 : index
    %get3A_557 = tpu.vector_load %arg5[%get3A_556] {strides = array<i32>} : memref<1024xf32, #tpu.memory_space<vmem>>, vector<16xf32>,
    %add3A_558 = arith.addf %add3A_549, %get3A_557 : vector<16xf32>
    %get3A_559 = arith.constant 288 : index
    %get3A_560 = tpu.vector_load %arg6[%get3A_559] {strides = array<i32>} : memref<1024xf32, #tpu.memory_space<vmem>>, vector<16xf32>,
    %add3A_561 = arith.addf %add3A_552, %get3A_560 : vector<16xf32>
    %get3A_562 = arith.constant 288 : index
    %get3A_563 = tpu.vector_load %arg7[%get3A_562] {strides = array<i32>} : memref<1024xf32, #tpu.memory_space<vmem>>, vector<16xf32>,
    %add3A_564 = arith.addf %add3A_555, %get3A_563 : vector<16xf32>
    %get3A_565 = arith.constant 304 : index
    %get3A_566 = tpu.vector_load %arg5[%get3A_565] {strides = array<i32>} : memref<1024xf32, #tpu.memory_space<vmem>>, vector<16xf32>,
    %add3A_567 = arith.addf %add3A_558, %get3A_566 : vector<16xf32>
    %get3A_568 = arith.constant 304 : index
    %get3A_569 = tpu.vector_load %arg6[%get3A_568] {strides = array<i32>} : memref<1024xf32, #tpu.memory_space<vmem>>, vector<16xf32>,
    %add3A_570 = arith.addf %add3A_561, %get3A_569 : vector<16xf32>
    %get3A_571 = arith.constant 304 : index
    %get3A_572 = tpu.vector_load %arg7[%get3A_571] {strides = array<i32>} : memref<1024xf32, #tpu.memory_space<vmem>>, vector<16xf32>,
    %add3A_573 = arith.addf %add3A_564, %get3A_572 : vector<16xf32>
    %get3A_574 = arith.constant 320 : index
    %get3A_575 = tpu.vector_load %arg5[%get3A_574] {strides = array<i32>} : memref<1024xf32, #tpu.memory_space<vmem>>, vector<16xf32>,
    %add3A_576 = arith.addf %add3A_567, %get3A_575 : vector<16xf32>
    %get3A_577 = arith.constant 320 : index
    %get3A_578 = tpu.vector_load %arg6[%get3A_577] {strides = array<i32>} : memref<1024xf32, #tpu.memory_space<vmem>>, vector<16xf32>,
    %add3A_579 = arith.addf %add3A_570, %get3A_578 : vector<16xf32>
    %get3A_580 = arith.constant 320 : index
    %get3A_581 = tpu.vector_load %arg7[%get3A_580] {strides = array<i32>} : memref<1024xf32, #tpu.memory_space<vmem>>, vector<16xf32>,
    %add3A_582 = arith.addf %add3A_573, %get3A_581 : vector<16xf32>
    %get3A_583 = arith.constant 336 : index
    %get3A_584 = tpu.vector_load %arg5[%get3A_583] {strides = array<i32>} : memref<1024xf32, #tpu.memory_space<vmem>>, vector<16xf32>,
    %add3A_585 = arith.addf %add3A_576, %get3A_584 : vector<16xf32>
    %get3A_586 = arith.constant 336 : index
    %get3A_587 = tpu.vector_load %arg6[%get3A_586] {strides = array<i32>} : memref<1024xf32, #tpu.memory_space<vmem>>, vector<16xf32>,
    %add3A_588 = arith.addf %add3A_579, %get3A_587 : vector<16xf32>
    %get3A_589 = arith.constant 336 : index
    %get3A_590 = tpu.vector_load %arg7[%get3A_589] {strides = array<i32>} : memref<1024xf32, #tpu.memory_space<vmem>>, vector<16xf32>,
    %add3A_591 = arith.addf %add3A_582, %get3A_590 : vector<16xf32>
    %get3A_592 = arith.constant 352 : index
    %get3A_593 = tpu.vector_load %arg5[%get3A_592] {strides = array<i32>} : memref<1024xf32, #tpu.memory_space<vmem>>, vector<16xf32>,
    %add3A_594 = arith.addf %add3A_585, %get3A_593 : vector<16xf32>
    %get3A_595 = arith.constant 352 : index
    %get3A_596 = tpu.vector_load %arg6[%get3A_595] {strides = array<i32>} : memref<1024xf32, #tpu.memory_space<vmem>>, vector<16xf32>,
    %add3A_597 = arith.addf %add3A_588, %get3A_596 : vector<16xf32>
    %get3A_598 = arith.constant 352 : index
    %get3A_599 = tpu.vector_load %arg7[%get3A_598] {strides = array<i32>} : memref<1024xf32, #tpu.memory_space<vmem>>, vector<16xf32>,
    %add3A_600 = arith.addf %add3A_591, %get3A_599 : vector<16xf32>
    %get3A_601 = arith.constant 368 : index
    %get3A_602 = tpu.vector_load %arg5[%get3A_601] {strides = array<i32>} : memref<1024xf32, #tpu.memory_space<vmem>>, vector<16xf32>,
    %add3A_603 = arith.addf %add3A_594, %get3A_602 : vector<16xf32>
    %get3A_604 = arith.constant 368 : index
    %get3A_605 = tpu.vector_load %arg6[%get3A_604] {strides = array<i32>} : memref<1024xf32, #tpu.memory_space<vmem>>, vector<16xf32>,
    %add3A_606 = arith.addf %add3A_597, %get3A_605 : vector<16xf32>
    %get3A_607 = arith.constant 368 : index
    %get3A_608 = tpu.vector_load %arg7[%get3A_607] {strides = array<i32>} : memref<1024xf32, #tpu.memory_space<vmem>>, vector<16xf32>,
    %add3A_609 = arith.addf %add3A_600, %get3A_608 : vector<16xf32>
    %get3A_610 = arith.constant 384 : index
    %get3A_611 = tpu.vector_load %arg5[%get3A_610] {strides = array<i32>} : memref<1024xf32, #tpu.memory_space<vmem>>, vector<16xf32>,
    %add3A_612 = arith.addf %add3A_603, %get3A_611 : vector<16xf32>
    %get3A_613 = arith.constant 384 : index
    %get3A_614 = tpu.vector_load %arg6[%get3A_613] {strides = array<i32>} : memref<1024xf32, #tpu.memory_space<vmem>>, vector<16xf32>,
    %add3A_615 = arith.addf %add3A_606, %get3A_614 : vector<16xf32>
    %get3A_616 = arith.constant 384 : index
    %get3A_617 = tpu.vector_load %arg7[%get3A_616] {strides = array<i32>} : memref<1024xf32, #tpu.memory_space<vmem>>, vector<16xf32>,
    %add3A_618 = arith.addf %add3A_609, %get3A_617 : vector<16xf32>
    %get3A_619 = arith.constant 400 : index
    %get3A_620 = tpu.vector_load %arg5[%get3A_619] {strides = array<i32>} : memref<1024xf32, #tpu.memory_space<vmem>>, vector<16xf32>,
    %add3A_621 = arith.addf %add3A_612, %get3A_620 : vector<16xf32>
    %get3A_622 = arith.constant 400 : index
    %get3A_623 = tpu.vector_load %arg6[%get3A_622] {strides = array<i32>} : memref<1024xf32, #tpu.memory_space<vmem>>, vector<16xf32>,
    %add3A_624 = arith.addf %add3A_615, %get3A_623 : vector<16xf32>
    %get3A_625 = arith.constant 400 : index
    %get3A_626 = tpu.vector_load %arg7[%get3A_625] {strides = array<i32>} : memref<1024xf32, #tpu.memory_space<vmem>>, vector<16xf32>,
    %add3A_627 = arith.addf %add3A_618, %get3A_626 : vector<16xf32>
    %get3A_628 = arith.constant 416 : index
    %get3A_629 = tpu.vector_load %arg5[%get3A_628] {strides = array<i32>} : memref<1024xf32, #tpu.memory_space<vmem>>, vector<16xf32>,
    %add3A_630 = arith.addf %add3A_621, %get3A_629 : vector<16xf32>
    %get3A_631 = arith.constant 416 : index
    %get3A_632 = tpu.vector_load %arg6[%get3A_631] {strides = array<i32>} : memref<1024xf32, #tpu.memory_space<vmem>>, vector<16xf32>,
    %add3A_633 = arith.addf %add3A_624, %get3A_632 : vector<16xf32>
    %get3A_634 = arith.constant 416 : index
    %get3A_635 = tpu.vector_load %arg7[%get3A_634] {strides = array<i32>} : memref<1024xf32, #tpu.memory_space<vmem>>, vector<16xf32>,
    %add3A_636 = arith.addf %add3A_627, %get3A_635 : vector<16xf32>
    %get3A_637 = arith.constant 432 : index
    %get3A_638 = tpu.vector_load %arg5[%get3A_637] {strides = array<i32>} : memref<1024xf32, #tpu.memory_space<vmem>>, vector<16xf32>,
    %add3A_639 = arith.addf %add3A_630, %get3A_638 : vector<16xf32>
    %get3A_640 = arith.constant 432 : index
    %get3A_641 = tpu.vector_load %arg6[%get3A_640] {strides = array<i32>} : memref<1024xf32, #tpu.memory_space<vmem>>, vector<16xf32>,
    %add3A_642 = arith.addf %add3A_633, %get3A_641 : vector<16xf32>
    %get3A_643 = arith.constant 432 : index
    %get3A_644 = tpu.vector_load %arg7[%get3A_643] {strides = array<i32>} : memref<1024xf32, #tpu.memory_space<vmem>>, vector<16xf32>,
    %add3A_645 = arith.addf %add3A_636, %get3A_644 : vector<16xf32>
    %get3A_646 = arith.constant 448 : index
    %get3A_647 = tpu.vector_load %arg5[%get3A_646] {strides = array<i32>} : memref<1024xf32, #tpu.memory_space<vmem>>, vector<16xf32>,
    %add3A_648 = arith.addf %add3A_639, %get3A_647 : vector<16xf32>
    %get3A_649 = arith.constant 448 : index
    %get3A_650 = tpu.vector_load %arg6[%get3A_649] {strides = array<i32>} : memref<1024xf32, #tpu.memory_space<vmem>>, vector<16xf32>,
    %add3A_651 = arith.addf %add3A_642, %get3A_650 : vector<16xf32>
    %get3A_652 = arith.constant 448 : index
    %get3A_653 = tpu.vector_load %arg7[%get3A_652] {strides = array<i32>} : memref<1024xf32, #tpu.memory_space<vmem>>, vector<16xf32>,
    %add3A_654 = arith.addf %add3A_645, %get3A_653 : vector<16xf32>
    %get3A_655 = arith.constant 464 : index
    %get3A_656 = tpu.vector_load %arg5[%get3A_655] {strides = array<i32>} : memref<1024xf32, #tpu.memory_space<vmem>>, vector<16xf32>,
    %add3A_657 = arith.addf %add3A_648, %get3A_656 : vector<16xf32>
    %get3A_658 = arith.constant 464 : index
    %get3A_659 = tpu.vector_load %arg6[%get3A_658] {strides = array<i32>} : memref<1024xf32, #tpu.memory_space<vmem>>, vector<16xf32>,
    %add3A_660 = arith.addf %add3A_651, %get3A_659 : vector<16xf32>
    %get3A_661 = arith.constant 464 : index
    %get3A_662 = tpu.vector_load %arg7[%get3A_661] {strides = array<i32>} : memref<1024xf32, #tpu.memory_space<vmem>>, vector<16xf32>,
    %add3A_663 = arith.addf %add3A_654, %get3A_662 : vector<16xf32>
    %get3A_664 = arith.constant 480 : index
    %get3A_665 = tpu.vector_load %arg5[%get3A_664] {strides = array<i32>} : memref<1024xf32, #tpu.memory_space<vmem>>, vector<16xf32>,
    %add3A_666 = arith.addf %add3A_657, %get3A_665 : vector<16xf32>
    %get3A_667 = arith.constant 480 : index
    %get3A_668 = tpu.vector_load %arg6[%get3A_667] {strides = array<i32>} : memref<1024xf32, #tpu.memory_space<vmem>>, vector<16xf32>,
    %add3A_669 = arith.addf %add3A_660, %get3A_668 : vector<16xf32>
    %get3A_670 = arith.constant 480 : index
    %get3A_671 = tpu.vector_load %arg7[%get3A_670] {strides = array<i32>} : memref<1024xf32, #tpu.memory_space<vmem>>, vector<16xf32>,
    %add3A_672 = arith.addf %add3A_663, %get3A_671 : vector<16xf32>
    %get3A_673 = arith.constant 496 : index
    %get3A_674 = tpu.vector_load %arg5[%get3A_673] {strides = array<i32>} : memref<1024xf32, #tpu.memory_space<vmem>>, vector<16xf32>,
    %add3A_675 = arith.addf %add3A_666, %get3A_674 : vector<16xf32>
    %get3A_676 = arith.constant 496 : index
    %get3A_677 = tpu.vector_load %arg6[%get3A_676] {strides = array<i32>} : memref<1024xf32, #tpu.memory_space<vmem>>, vector<16xf32>,
    %add3A_678 = arith.addf %add3A_669, %get3A_677 : vector<16xf32>
    %get3A_679 = arith.constant 496 : index
    %get3A_680 = tpu.vector_load %arg7[%get3A_679] {strides = array<i32>} : memref<1024xf32, #tpu.memory_space<vmem>>, vector<16xf32>,
    %add3A_681 = arith.addf %add3A_672, %get3A_680 : vector<16xf32>
    %get3A_682 = arith.constant 512 : index
    %get3A_683 = tpu.vector_load %arg5[%get3A_682] {strides = array<i32>} : memref<1024xf32, #tpu.memory_space<vmem>>, vector<16xf32>,
    %add3A_684 = arith.addf %add3A_675, %get3A_683 : vector<16xf32>
    %get3A_685 = arith.constant 512 : index
    %get3A_686 = tpu.vector_load %arg6[%get3A_685] {strides = array<i32>} : memref<1024xf32, #tpu.memory_space<vmem>>, vector<16xf32>,
    %add3A_687 = arith.addf %add3A_678, %get3A_686 : vector<16xf32>
    %get3A_688 = arith.constant 512 : index
    %get3A_689 = tpu.vector_load %arg7[%get3A_688] {strides = array<i32>} : memref<1024xf32, #tpu.memory_space<vmem>>, vector<16xf32>,
    %add3A_690 = arith.addf %add3A_681, %get3A_689 : vector<16xf32>
    %get3A_691 = arith.constant 528 : index
    %get3A_692 = tpu.vector_load %arg5[%get3A_691] {strides = array<i32>} : memref<1024xf32, #tpu.memory_space<vmem>>, vector<16xf32>,
    %add3A_693 = arith.addf %add3A_684, %get3A_692 : vector<16xf32>
    %get3A_694 = arith.constant 528 : index
    %get3A_695 = tpu.vector_load %arg6[%get3A_694] {strides = array<i32>} : memref<1024xf32, #tpu.memory_space<vmem>>, vector<16xf32>,
    %add3A_696 = arith.addf %add3A_687, %get3A_695 : vector<16xf32>
    %get3A_697 = arith.constant 528 : index
    %get3A_698 = tpu.vector_load %arg7[%get3A_697] {strides = array<i32>} : memref<1024xf32, #tpu.memory_space<vmem>>, vector<16xf32>,
    %add3A_699 = arith.addf %add3A_690, %get3A_698 : vector<16xf32>
    %get3A_700 = arith.constant 544 : index
    %get3A_701 = tpu.vector_load %arg5[%get3A_700] {strides = array<i32>} : memref<1024xf32, #tpu.memory_space<vmem>>, vector<16xf32>,
    %add3A_702 = arith.addf %add3A_693, %get3A_701 : vector<16xf32>
    %get3A_703 = arith.constant 544 : index
    %get3A_704 = tpu.vector_load %arg6[%get3A_703] {strides = array<i32>} : memref<1024xf32, #tpu.memory_space<vmem>>, vector<16xf32>,
    %add3A_705 = arith.addf %add3A_696, %get3A_704 : vector<16xf32>
    %get3A_706 = arith.constant 544 : index
    %get3A_707 = tpu.vector_load %arg7[%get3A_706] {strides = array<i32>} : memref<1024xf32, #tpu.memory_space<vmem>>, vector<16xf32>,
    %add3A_708 = arith.addf %add3A_699, %get3A_707 : vector<16xf32>
    %get3A_709 = arith.constant 560 : index
    %get3A_710 = tpu.vector_load %arg5[%get3A_709] {strides = array<i32>} : memref<1024xf32, #tpu.memory_space<vmem>>, vector<16xf32>,
    %add3A_711 = arith.addf %add3A_702, %get3A_710 : vector<16xf32>
    %get3A_712 = arith.constant 560 : index
    %get3A_713 = tpu.vector_load %arg6[%get3A_712] {strides = array<i32>} : memref<1024xf32, #tpu.memory_space<vmem>>, vector<16xf32>,
    %add3A_714 = arith.addf %add3A_705, %get3A_713 : vector<16xf32>
    %get3A_715 = arith.constant 560 : index
    %get3A_716 = tpu.vector_load %arg7[%get3A_715] {strides = array<i32>} : memref<1024xf32, #tpu.memory_space<vmem>>, vector<16xf32>,
    %add3A_717 = arith.addf %add3A_708, %get3A_716 : vector<16xf32>
    %get3A_718 = arith.constant 576 : index
    %get3A_719 = tpu.vector_load %arg5[%get3A_718] {strides = array<i32>} : memref<1024xf32, #tpu.memory_space<vmem>>, vector<16xf32>,
    %add3A_720 = arith.addf %add3A_711, %get3A_719 : vector<16xf32>
    %get3A_721 = arith.constant 576 : index
    %get3A_722 = tpu.vector_load %arg6[%get3A_721] {strides = array<i32>} : memref<1024xf32, #tpu.memory_space<vmem>>, vector<16xf32>,
    %add3A_723 = arith.addf %add3A_714, %get3A_722 : vector<16xf32>
    %get3A_724 = arith.constant 576 : index
    %get3A_725 = tpu.vector_load %arg7[%get3A_724] {strides = array<i32>} : memref<1024xf32, #tpu.memory_space<vmem>>, vector<16xf32>,
    %add3A_726 = arith.addf %add3A_717, %get3A_725 : vector<16xf32>
    %get3A_727 = arith.constant 592 : index
    %get3A_728 = tpu.vector_load %arg5[%get3A_727] {strides = array<i32>} : memref<1024xf32, #tpu.memory_space<vmem>>, vector<16xf32>,
    %add3A_729 = arith.addf %add3A_720, %get3A_728 : vector<16xf32>
    %get3A_730 = arith.constant 592 : index
    %get3A_731 = tpu.vector_load %arg6[%get3A_730] {strides = array<i32>} : memref<1024xf32, #tpu.memory_space<vmem>>, vector<16xf32>,
    %add3A_732 = arith.addf %add3A_723, %get3A_731 : vector<16xf32>
    %get3A_733 = arith.constant 592 : index
    %get3A_734 = tpu.vector_load %arg7[%get3A_733] {strides = array<i32>} : memref<1024xf32, #tpu.memory_space<vmem>>, vector<16xf32>,
    %add3A_735 = arith.addf %add3A_726, %get3A_734 : vector<16xf32>
    %get3A_736 = arith.constant 608 : index
    %get3A_737 = tpu.vector_load %arg5[%get3A_736] {strides = array<i32>} : memref<1024xf32, #tpu.memory_space<vmem>>, vector<16xf32>,
    %add3A_738 = arith.addf %add3A_729, %get3A_737 : vector<16xf32>
    %get3A_739 = arith.constant 608 : index
    %get3A_740 = tpu.vector_load %arg6[%get3A_739] {strides = array<i32>} : memref<1024xf32, #tpu.memory_space<vmem>>, vector<16xf32>,
    %add3A_741 = arith.addf %add3A_732, %get3A_740 : vector<16xf32>
    %get3A_742 = arith.constant 608 : index
    %get3A_743 = tpu.vector_load %arg7[%get3A_742] {strides = array<i32>} : memref<1024xf32, #tpu.memory_space<vmem>>, vector<16xf32>,
    %add3A_744 = arith.addf %add3A_735, %get3A_743 : vector<16xf32>
    %get3A_745 = arith.constant 624 : index
    %get3A_746 = tpu.vector_load %arg5[%get3A_745] {strides = array<i32>} : memref<1024xf32, #tpu.memory_space<vmem>>, vector<16xf32>,
    %add3A_747 = arith.addf %add3A_738, %get3A_746 : vector<16xf32>
    %get3A_748 = arith.constant 624 : index
    %get3A_749 = tpu.vector_load %arg6[%get3A_748] {strides = array<i32>} : memref<1024xf32, #tpu.memory_space<vmem>>, vector<16xf32>,
    %add3A_750 = arith.addf %add3A_741, %get3A_749 : vector<16xf32>
    %get3A_751 = arith.constant 624 : index
    %get3A_752 = tpu.vector_load %arg7[%get3A_751] {strides = array<i32>} : memref<1024xf32, #tpu.memory_space<vmem>>, vector<16xf32>,
    %add3A_753 = arith.addf %add3A_744, %get3A_752 : vector<16xf32>
    %get3A_754 = arith.constant 640 : index
    %get3A_755 = tpu.vector_load %arg5[%get3A_754] {strides = array<i32>} : memref<1024xf32, #tpu.memory_space<vmem>>, vector<16xf32>,
    %add3A_756 = arith.addf %add3A_747, %get3A_755 : vector<16xf32>
    %get3A_757 = arith.constant 640 : index
    %get3A_758 = tpu.vector_load %arg6[%get3A_757] {strides = array<i32>} : memref<1024xf32, #tpu.memory_space<vmem>>, vector<16xf32>,
    %add3A_759 = arith.addf %add3A_750, %get3A_758 : vector<16xf32>
    %get3A_760 = arith.constant 640 : index
    %get3A_761 = tpu.vector_load %arg7[%get3A_760] {strides = array<i32>} : memref<1024xf32, #tpu.memory_space<vmem>>, vector<16xf32>,
    %add3A_762 = arith.addf %add3A_753, %get3A_761 : vector<16xf32>
    %get3A_763 = arith.constant 656 : index
    %get3A_764 = tpu.vector_load %arg5[%get3A_763] {strides = array<i32>} : memref<1024xf32, #tpu.memory_space<vmem>>, vector<16xf32>,
    %add3A_765 = arith.addf %add3A_756, %get3A_764 : vector<16xf32>
    %get3A_766 = arith.constant 656 : index
    %get3A_767 = tpu.vector_load %arg6[%get3A_766] {strides = array<i32>} : memref<1024xf32, #tpu.memory_space<vmem>>, vector<16xf32>,
    %add3A_768 = arith.addf %add3A_759, %get3A_767 : vector<16xf32>
    %get3A_769 = arith.constant 656 : index
    %get3A_770 = tpu.vector_load %arg7[%get3A_769] {strides = array<i32>} : memref<1024xf32, #tpu.memory_space<vmem>>, vector<16xf32>,
    %add3A_771 = arith.addf %add3A_762, %get3A_770 : vector<16xf32>
    %get3A_772 = arith.constant 672 : index
    %get3A_773 = tpu.vector_load %arg5[%get3A_772] {strides = array<i32>} : memref<1024xf32, #tpu.memory_space<vmem>>, vector<16xf32>,
    %add3A_774 = arith.addf %add3A_765, %get3A_773 : vector<16xf32>
    %get3A_775 = arith.constant 672 : index
    %get3A_776 = tpu.vector_load %arg6[%get3A_775] {strides = array<i32>} : memref<1024xf32, #tpu.memory_space<vmem>>, vector<16xf32>,
    %add3A_777 = arith.addf %add3A_768, %get3A_776 : vector<16xf32>
    %get3A_778 = arith.constant 672 : index
    %get3A_779 = tpu.vector_load %arg7[%get3A_778] {strides = array<i32>} : memref<1024xf32, #tpu.memory_space<vmem>>, vector<16xf32>,
    %add3A_780 = arith.addf %add3A_771, %get3A_779 : vector<16xf32>
    %get3A_781 = arith.constant 688 : index
    %get3A_782 = tpu.vector_load %arg5[%get3A_781] {strides = array<i32>} : memref<1024xf32, #tpu.memory_space<vmem>>, vector<16xf32>,
    %add3A_783 = arith.addf %add3A_774, %get3A_782 : vector<16xf32>
    %get3A_784 = arith.constant 688 : index
    %get3A_785 = tpu.vector_load %arg6[%get3A_784] {strides = array<i32>} : memref<1024xf32, #tpu.memory_space<vmem>>, vector<16xf32>,
    %add3A_786 = arith.addf %add3A_777, %get3A_785 : vector<16xf32>
    %get3A_787 = arith.constant 688 : index
    %get3A_788 = tpu.vector_load %arg7[%get3A_787] {strides = array<i32>} : memref<1024xf32, #tpu.memory_space<vmem>>, vector<16xf32>,
    %add3A_789 = arith.addf %add3A_780, %get3A_788 : vector<16xf32>
    %get3A_790 = arith.constant 704 : index
    %get3A_791 = tpu.vector_load %arg5[%get3A_790] {strides = array<i32>} : memref<1024xf32, #tpu.memory_space<vmem>>, vector<16xf32>,
    %add3A_792 = arith.addf %add3A_783, %get3A_791 : vector<16xf32>
    %get3A_793 = arith.constant 704 : index
    %get3A_794 = tpu.vector_load %arg6[%get3A_793] {strides = array<i32>} : memref<1024xf32, #tpu.memory_space<vmem>>, vector<16xf32>,
    %add3A_795 = arith.addf %add3A_786, %get3A_794 : vector<16xf32>
    %get3A_796 = arith.constant 704 : index
    %get3A_797 = tpu.vector_load %arg7[%get3A_796] {strides = array<i32>} : memref<1024xf32, #tpu.memory_space<vmem>>, vector<16xf32>,
    %add3A_798 = arith.addf %add3A_789, %get3A_797 : vector<16xf32>
    %get3A_799 = arith.constant 720 : index
    %get3A_800 = tpu.vector_load %arg5[%get3A_799] {strides = array<i32>} : memref<1024xf32, #tpu.memory_space<vmem>>, vector<16xf32>,
    %add3A_801 = arith.addf %add3A_792, %get3A_800 : vector<16xf32>
    %get3A_802 = arith.constant 720 : index
    %get3A_803 = tpu.vector_load %arg6[%get3A_802] {strides = array<i32>} : memref<1024xf32, #tpu.memory_space<vmem>>, vector<16xf32>,
    %add3A_804 = arith.addf %add3A_795, %get3A_803 : vector<16xf32>
    %get3A_805 = arith.constant 720 : index
    %get3A_806 = tpu.vector_load %arg7[%get3A_805] {strides = array<i32>} : memref<1024xf32, #tpu.memory_space<vmem>>, vector<16xf32>,
    %add3A_807 = arith.addf %add3A_798, %get3A_806 : vector<16xf32>
    %get3A_808 = arith.constant 736 : index
    %get3A_809 = tpu.vector_load %arg5[%get3A_808] {strides = array<i32>} : memref<1024xf32, #tpu.memory_space<vmem>>, vector<16xf32>,
    %add3A_810 = arith.addf %add3A_801, %get3A_809 : vector<16xf32>
    %get3A_811 = arith.constant 736 : index
    %get3A_812 = tpu.vector_load %arg6[%get3A_811] {strides = array<i32>} : memref<1024xf32, #tpu.memory_space<vmem>>, vector<16xf32>,
    %add3A_813 = arith.addf %add3A_804, %get3A_812 : vector<16xf32>
    %get3A_814 = arith.constant 736 : index
    %get3A_815 = tpu.vector_load %arg7[%get3A_814] {strides = array<i32>} : memref<1024xf32, #tpu.memory_space<vmem>>, vector<16xf32>,
    %add3A_816 = arith.addf %add3A_807, %get3A_815 : vector<16xf32>
    %get3A_817 = arith.constant 752 : index
    %get3A_818 = tpu.vector_load %arg5[%get3A_817] {strides = array<i32>} : memref<1024xf32, #tpu.memory_space<vmem>>, vector<16xf32>,
    %add3A_819 = arith.addf %add3A_810, %get3A_818 : vector<16xf32>
    %get3A_820 = arith.constant 752 : index
    %get3A_821 = tpu.vector_load %arg6[%get3A_820] {strides = array<i32>} : memref<1024xf32, #tpu.memory_space<vmem>>, vector<16xf32>,
    %add3A_822 = arith.addf %add3A_813, %get3A_821 : vector<16xf32>
    %get3A_823 = arith.constant 752 : index
    %get3A_824 = tpu.vector_load %arg7[%get3A_823] {strides = array<i32>} : memref<1024xf32, #tpu.memory_space<vmem>>, vector<16xf32>,
    %add3A_825 = arith.addf %add3A_816, %get3A_824 : vector<16xf32>
    %get3A_826 = arith.constant 768 : index
    %get3A_827 = tpu.vector_load %arg5[%get3A_826] {strides = array<i32>} : memref<1024xf32, #tpu.memory_space<vmem>>, vector<16xf32>,
    %add3A_828 = arith.addf %add3A_819, %get3A_827 : vector<16xf32>
    %get3A_829 = arith.constant 768 : index
    %get3A_830 = tpu.vector_load %arg6[%get3A_829] {strides = array<i32>} : memref<1024xf32, #tpu.memory_space<vmem>>, vector<16xf32>,
    %add3A_831 = arith.addf %add3A_822, %get3A_830 : vector<16xf32>
    %get3A_832 = arith.constant 768 : index
    %get3A_833 = tpu.vector_load %arg7[%get3A_832] {strides = array<i32>} : memref<1024xf32, #tpu.memory_space<vmem>>, vector<16xf32>,
    %add3A_834 = arith.addf %add3A_825, %get3A_833 : vector<16xf32>
    %get3A_835 = arith.constant 784 : index
    %get3A_836 = tpu.vector_load %arg5[%get3A_835] {strides = array<i32>} : memref<1024xf32, #tpu.memory_space<vmem>>, vector<16xf32>,
    %add3A_837 = arith.addf %add3A_828, %get3A_836 : vector<16xf32>
    %get3A_838 = arith.constant 784 : index
    %get3A_839 = tpu.vector_load %arg6[%get3A_838] {strides = array<i32>} : memref<1024xf32, #tpu.memory_space<vmem>>, vector<16xf32>,
    %add3A_840 = arith.addf %add3A_831, %get3A_839 : vector<16xf32>
    %get3A_841 = arith.constant 784 : index
    %get3A_842 = tpu.vector_load %arg7[%get3A_841] {strides = array<i32>} : memref<1024xf32, #tpu.memory_space<vmem>>, vector<16xf32>,
    %add3A_843 = arith.addf %add3A_834, %get3A_842 : vector<16xf32>
    %get3A_844 = arith.constant 800 : index
    %get3A_845 = tpu.vector_load %arg5[%get3A_844] {strides = array<i32>} : memref<1024xf32, #tpu.memory_space<vmem>>, vector<16xf32>,
    %add3A_846 = arith.addf %add3A_837, %get3A_845 : vector<16xf32>
    %get3A_847 = arith.constant 800 : index
    %get3A_848 = tpu.vector_load %arg6[%get3A_847] {strides = array<i32>} : memref<1024xf32, #tpu.memory_space<vmem>>, vector<16xf32>,
    %add3A_849 = arith.addf %add3A_840, %get3A_848 : vector<16xf32>
    %get3A_850 = arith.constant 800 : index
    %get3A_851 = tpu.vector_load %arg7[%get3A_850] {strides = array<i32>} : memref<1024xf32, #tpu.memory_space<vmem>>, vector<16xf32>,
    %add3A_852 = arith.addf %add3A_843, %get3A_851 : vector<16xf32>
    %get3A_853 = arith.constant 816 : index
    %get3A_854 = tpu.vector_load %arg5[%get3A_853] {strides = array<i32>} : memref<1024xf32, #tpu.memory_space<vmem>>, vector<16xf32>,
    %add3A_855 = arith.addf %add3A_846, %get3A_854 : vector<16xf32>
    %get3A_856 = arith.constant 816 : index
    %get3A_857 = tpu.vector_load %arg6[%get3A_856] {strides = array<i32>} : memref<1024xf32, #tpu.memory_space<vmem>>, vector<16xf32>,
    %add3A_858 = arith.addf %add3A_849, %get3A_857 : vector<16xf32>
    %get3A_859 = arith.constant 816 : index
    %get3A_860 = tpu.vector_load %arg7[%get3A_859] {strides = array<i32>} : memref<1024xf32, #tpu.memory_space<vmem>>, vector<16xf32>,
    %add3A_861 = arith.addf %add3A_852, %get3A_860 : vector<16xf32>
    %get3A_862 = arith.constant 832 : index
    %get3A_863 = tpu.vector_load %arg5[%get3A_862] {strides = array<i32>} : memref<1024xf32, #tpu.memory_space<vmem>>, vector<16xf32>,
    %add3A_864 = arith.addf %add3A_855, %get3A_863 : vector<16xf32>
    %get3A_865 = arith.constant 832 : index
    %get3A_866 = tpu.vector_load %arg6[%get3A_865] {strides = array<i32>} : memref<1024xf32, #tpu.memory_space<vmem>>, vector<16xf32>,
    %add3A_867 = arith.addf %add3A_858, %get3A_866 : vector<16xf32>
    %get3A_868 = arith.constant 832 : index
    %get3A_869 = tpu.vector_load %arg7[%get3A_868] {strides = array<i32>} : memref<1024xf32, #tpu.memory_space<vmem>>, vector<16xf32>,
    %add3A_870 = arith.addf %add3A_861, %get3A_869 : vector<16xf32>
    %get3A_871 = arith.constant 848 : index
    %get3A_872 = tpu.vector_load %arg5[%get3A_871] {strides = array<i32>} : memref<1024xf32, #tpu.memory_space<vmem>>, vector<16xf32>,
    %add3A_873 = arith.addf %add3A_864, %get3A_872 : vector<16xf32>
    %get3A_874 = arith.constant 848 : index
    %get3A_875 = tpu.vector_load %arg6[%get3A_874] {strides = array<i32>} : memref<1024xf32, #tpu.memory_space<vmem>>, vector<16xf32>,
    %add3A_876 = arith.addf %add3A_867, %get3A_875 : vector<16xf32>
    %get3A_877 = arith.constant 848 : index
    %get3A_878 = tpu.vector_load %arg7[%get3A_877] {strides = array<i32>} : memref<1024xf32, #tpu.memory_space<vmem>>, vector<16xf32>,
    %add3A_879 = arith.addf %add3A_870, %get3A_878 : vector<16xf32>
    %get3A_880 = arith.constant 864 : index
    %get3A_881 = tpu.vector_load %arg5[%get3A_880] {strides = array<i32>} : memref<1024xf32, #tpu.memory_space<vmem>>, vector<16xf32>,
    %add3A_882 = arith.addf %add3A_873, %get3A_881 : vector<16xf32>
    %get3A_883 = arith.constant 864 : index
    %get3A_884 = tpu.vector_load %arg6[%get3A_883] {strides = array<i32>} : memref<1024xf32, #tpu.memory_space<vmem>>, vector<16xf32>,
    %add3A_885 = arith.addf %add3A_876, %get3A_884 : vector<16xf32>
    %get3A_886 = arith.constant 864 : index
    %get3A_887 = tpu.vector_load %arg7[%get3A_886] {strides = array<i32>} : memref<1024xf32, #tpu.memory_space<vmem>>, vector<16xf32>,
    %add3A_888 = arith.addf %add3A_879, %get3A_887 : vector<16xf32>
    %get3A_889 = arith.constant 880 : index
    %get3A_890 = tpu.vector_load %arg5[%get3A_889] {strides = array<i32>} : memref<1024xf32, #tpu.memory_space<vmem>>, vector<16xf32>,
    %add3A_891 = arith.addf %add3A_882, %get3A_890 : vector<16xf32>
    %get3A_892 = arith.constant 880 : index
    %get3A_893 = tpu.vector_load %arg6[%get3A_892] {strides = array<i32>} : memref<1024xf32, #tpu.memory_space<vmem>>, vector<16xf32>,
    %add3A_894 = arith.addf %add3A_885, %get3A_893 : vector<16xf32>
    %get3A_895 = arith.constant 880 : index
    %get3A_896 = tpu.vector_load %arg7[%get3A_895] {strides = array<i32>} : memref<1024xf32, #tpu.memory_space<vmem>>, vector<16xf32>,
    %add3A_897 = arith.addf %add3A_888, %get3A_896 : vector<16xf32>
    %get3A_898 = arith.constant 896 : index
    %get3A_899 = tpu.vector_load %arg5[%get3A_898] {strides = array<i32>} : memref<1024xf32, #tpu.memory_space<vmem>>, vector<16xf32>,
    %add3A_900 = arith.addf %add3A_891, %get3A_899 : vector<16xf32>
    %get3A_901 = arith.constant 896 : index
    %get3A_902 = tpu.vector_load %arg6[%get3A_901] {strides = array<i32>} : memref<1024xf32, #tpu.memory_space<vmem>>, vector<16xf32>,
    %add3A_903 = arith.addf %add3A_894, %get3A_902 : vector<16xf32>
    %get3A_904 = arith.constant 896 : index
    %get3A_905 = tpu.vector_load %arg7[%get3A_904] {strides = array<i32>} : memref<1024xf32, #tpu.memory_space<vmem>>, vector<16xf32>,
    %add3A_906 = arith.addf %add3A_897, %get3A_905 : vector<16xf32>
    %get3A_907 = arith.constant 912 : index
    %get3A_908 = tpu.vector_load %arg5[%get3A_907] {strides = array<i32>} : memref<1024xf32, #tpu.memory_space<vmem>>, vector<16xf32>,
    %add3A_909 = arith.addf %add3A_900, %get3A_908 : vector<16xf32>
    %get3A_910 = arith.constant 912 : index
    %get3A_911 = tpu.vector_load %arg6[%get3A_910] {strides = array<i32>} : memref<1024xf32, #tpu.memory_space<vmem>>, vector<16xf32>,
    %add3A_912 = arith.addf %add3A_903, %get3A_911 : vector<16xf32>
    %get3A_913 = arith.constant 912 : index
    %get3A_914 = tpu.vector_load %arg7[%get3A_913] {strides = array<i32>} : memref<1024xf32, #tpu.memory_space<vmem>>, vector<16xf32>,
    %add3A_915 = arith.addf %add3A_906, %get3A_914 : vector<16xf32>
    %get3A_916 = arith.constant 928 : index
    %get3A_917 = tpu.vector_load %arg5[%get3A_916] {strides = array<i32>} : memref<1024xf32, #tpu.memory_space<vmem>>, vector<16xf32>,
    %add3A_918 = arith.addf %add3A_909, %get3A_917 : vector<16xf32>
    %get3A_919 = arith.constant 928 : index
    %get3A_920 = tpu.vector_load %arg6[%get3A_919] {strides = array<i32>} : memref<1024xf32, #tpu.memory_space<vmem>>, vector<16xf32>,
    %add3A_921 = arith.addf %add3A_912, %get3A_920 : vector<16xf32>
    %get3A_922 = arith.constant 928 : index
    %get3A_923 = tpu.vector_load %arg7[%get3A_922] {strides = array<i32>} : memref<1024xf32, #tpu.memory_space<vmem>>, vector<16xf32>,
    %add3A_924 = arith.addf %add3A_915, %get3A_923 : vector<16xf32>
    %get3A_925 = arith.constant 944 : index
    %get3A_926 = tpu.vector_load %arg5[%get3A_925] {strides = array<i32>} : memref<1024xf32, #tpu.memory_space<vmem>>, vector<16xf32>,
    %add3A_927 = arith.addf %add3A_918, %get3A_926 : vector<16xf32>
    %get3A_928 = arith.constant 944 : index
    %get3A_929 = tpu.vector_load %arg6[%get3A_928] {strides = array<i32>} : memref<1024xf32, #tpu.memory_space<vmem>>, vector<16xf32>,
    %add3A_930 = arith.addf %add3A_921, %get3A_929 : vector<16xf32>
    %get3A_931 = arith.constant 944 : index
    %get3A_932 = tpu.vector_load %arg7[%get3A_931] {strides = array<i32>} : memref<1024xf32, #tpu.memory_space<vmem>>, vector<16xf32>,
    %add3A_933 = arith.addf %add3A_924, %get3A_932 : vector<16xf32>
    %get3A_934 = arith.constant 960 : index
    %get3A_935 = tpu.vector_load %arg5[%get3A_934] {strides = array<i32>} : memref<1024xf32, #tpu.memory_space<vmem>>, vector<16xf32>,
    %add3A_936 = arith.addf %add3A_927, %get3A_935 : vector<16xf32>
    %get3A_937 = arith.constant 960 : index
    %get3A_938 = tpu.vector_load %arg6[%get3A_937] {strides = array<i32>} : memref<1024xf32, #tpu.memory_space<vmem>>, vector<16xf32>,
    %add3A_939 = arith.addf %add3A_930, %get3A_938 : vector<16xf32>
    %get3A_940 = arith.constant 960 : index
    %get3A_941 = tpu.vector_load %arg7[%get3A_940] {strides = array<i32>} : memref<1024xf32, #tpu.memory_space<vmem>>, vector<16xf32>,
    %add3A_942 = arith.addf %add3A_933, %get3A_941 : vector<16xf32>
    %get3A_943 = arith.constant 976 : index
    %get3A_944 = tpu.vector_load %arg5[%get3A_943] {strides = array<i32>} : memref<1024xf32, #tpu.memory_space<vmem>>, vector<16xf32>,
    %add3A_945 = arith.addf %add3A_936, %get3A_944 : vector<16xf32>
    %get3A_946 = arith.constant 976 : index
    %get3A_947 = tpu.vector_load %arg6[%get3A_946] {strides = array<i32>} : memref<1024xf32, #tpu.memory_space<vmem>>, vector<16xf32>,
    %add3A_948 = arith.addf %add3A_939, %get3A_947 : vector<16xf32>
    %get3A_949 = arith.constant 976 : index
    %get3A_950 = tpu.vector_load %arg7[%get3A_949] {strides = array<i32>} : memref<1024xf32, #tpu.memory_space<vmem>>, vector<16xf32>,
    %add3A_951 = arith.addf %add3A_942, %get3A_950 : vector<16xf32>
    %get3A_952 = arith.constant 992 : index
    %get3A_953 = tpu.vector_load %arg5[%get3A_952] {strides = array<i32>} : memref<1024xf32, #tpu.memory_space<vmem>>, vector<16xf32>,
    %add3A_954 = arith.addf %add3A_945, %get3A_953 : vector<16xf32>
    %get3A_955 = arith.constant 992 : index
    %get3A_956 = tpu.vector_load %arg6[%get3A_955] {strides = array<i32>} : memref<1024xf32, #tpu.memory_space<vmem>>, vector<16xf32>,
    %add3A_957 = arith.addf %add3A_948, %get3A_956 : vector<16xf32>
    %get3A_958 = arith.constant 992 : index
    %get3A_959 = tpu.vector_load %arg7[%get3A_958] {strides = array<i32>} : memref<1024xf32, #tpu.memory_space<vmem>>, vector<16xf32>,
    %add3A_960 = arith.addf %add3A_951, %get3A_959 : vector<16xf32>
    %get3A_961 = arith.constant 1008 : index
    %get3A_962 = tpu.vector_load %arg5[%get3A_961] {strides = array<i32>} : memref<1024xf32, #tpu.memory_space<vmem>>, vector<16xf32>,
    %add3A_963 = arith.addf %add3A_954, %get3A_962 : vector<16xf32>
    %get3A_964 = arith.constant 1008 : index
    %get3A_965 = tpu.vector_load %arg6[%get3A_964] {strides = array<i32>} : memref<1024xf32, #tpu.memory_space<vmem>>, vector<16xf32>,
    %add3A_966 = arith.addf %add3A_957, %get3A_965 : vector<16xf32>
    %get3A_967 = arith.constant 1008 : index
    %get3A_968 = tpu.vector_load %arg7[%get3A_967] {strides = array<i32>} : memref<1024xf32, #tpu.memory_space<vmem>>, vector<16xf32>,
    %add3A_969 = arith.addf %add3A_960, %get3A_968 : vector<16xf32>
    %swap3A_970 = arith.constant 0 : index
    %swap3A_971 = tpu.vector_load %arg8[%swap3A_970] {strides = array<i32>} : memref<48xf32, #tpu.memory_space<vmem>>, vector<16xf32>,
    tpu.vector_store %arg8[%swap3A_970], %add3A_963 {strides = array<i32>} : memref<48xf32, #tpu.memory_space<vmem>>, vector<16xf32>,
    %swap3A_972 = arith.constant 16 : index
    %swap3A_973 = tpu.vector_load %arg8[%swap3A_972] {strides = array<i32>} : memref<48xf32, #tpu.memory_space<vmem>>, vector<16xf32>,
    tpu.vector_store %arg8[%swap3A_972], %add3A_966 {strides = array<i32>} : memref<48xf32, #tpu.memory_space<vmem>>, vector<16xf32>,
    %swap3A_974 = arith.constant 32 : index
    %swap3A_975 = tpu.vector_load %arg8[%swap3A_974] {strides = array<i32>} : memref<48xf32, #tpu.memory_space<vmem>>, vector<16xf32>,
    tpu.vector_store %arg8[%swap3A_974], %add3A_969 {strides = array<i32>} : memref<48xf32, #tpu.memory_space<vmem>>, vector<16xf32>,
    %mul3A_976 = arith.constant 48 : i32
    %mul3A_977 = arith.muli %arg1, %mul3A_976 : i32
    "tpu.region"() ({
      %run_scoped3A = tpu.sem_alloc : memref<!tpu.dma_semaphore, #tpu.memory_space<semaphore_mem>>
      %dma_start3A = tpu.memref_slice %arg10[%mul3A_977] : memref<768xf32, #tpu.memory_space<vmem_shared>> -> memref<48xf32, #tpu.memory_space<vmem_shared>>
      %dma_start3A_980 = tpu.memref_slice %arg10[%mul3A_977] : memref<768xf32, #tpu.memory_space<vmem_shared>> -> memref<48xf32, #tpu.memory_space<vmem_shared>>
      tpu.enqueue_dma source(%arg8 : memref<48xf32, #tpu.memory_space<vmem>>) target(%dma_start3A_980 : memref<48xf32, #tpu.memory_space<vmem_shared>>) target_semaphore(%run_scoped3A : memref<!tpu.dma_semaphore, #tpu.memory_space<semaphore_mem>>)
      %dma_wait3A = tpu.memref_slice %arg10[%mul3A_977] : memref<768xf32, #tpu.memory_space<vmem_shared>> -> memref<48xf32, #tpu.memory_space<vmem_shared>>
      %dma_wait3A_981 = tpu.memref_slice %arg10[%mul3A_977] : memref<768xf32, #tpu.memory_space<vmem_shared>> -> memref<48xf32, #tpu.memory_space<vmem_shared>>
      tpu.wait_dma2 semaphore(%run_scoped3A : memref<!tpu.dma_semaphore, #tpu.memory_space<semaphore_mem>>) src(%arg8 : memref<48xf32, #tpu.memory_space<vmem>>) dst(%dma_wait3A_981 : memref<48xf32, #tpu.memory_space<vmem_shared>>)
      tpu.yield
    }) : () -> ()
    %barrier3A = arith.constant 0 : index
    tpu.barrier barrier_id(%barrier3A)
    %eq3A = arith.constant 0 : i32
    %eq3A_978 = arith.cmpi eq, %arg1, %eq3A : i32
    %convert_element_type3A = arith.extui %eq3A_978 : i1 to i32
    %cond3A = arith.constant 0 : i32
    %cond3A_979 = arith.cmpi ne, %convert_element_type3A, %cond3A : i32
    scf.if %cond3A_979 {
      "tpu.region"() ({
        %run_scoped3A = tpu.sem_alloc : memref<!tpu.dma_semaphore, #tpu.memory_space<semaphore_mem>>
        tpu.enqueue_dma source(%arg10 : memref<768xf32, #tpu.memory_space<vmem_shared>>) target(%arg9 : memref<768xf32, #tpu.memory_space<vmem>>) target_semaphore(%run_scoped3A : memref<!tpu.dma_semaphore, #tpu.memory_space<semaphore_mem>>)
        tpu.wait_dma2 semaphore(%run_scoped3A : memref<!tpu.dma_semaphore, #tpu.memory_space<semaphore_mem>>) src(%arg10 : memref<768xf32, #tpu.memory_space<vmem_shared>>) dst(%arg9 : memref<768xf32, #tpu.memory_space<vmem>>)
        tpu.yield
      }) : () -> ()
      %get3A_980 = arith.constant 0 : index
      %get3A_981 = tpu.vector_load %arg9[%get3A_980] {strides = array<i32>} : memref<768xf32, #tpu.memory_space<vmem>>, vector<16xf32>,
      %get3A_982 = arith.constant 16 : index
      %get3A_983 = tpu.vector_load %arg9[%get3A_982] {strides = array<i32>} : memref<768xf32, #tpu.memory_space<vmem>>, vector<16xf32>,
      %get3A_984 = arith.constant 32 : index
      %get3A_985 = tpu.vector_load %arg9[%get3A_984] {strides = array<i32>} : memref<768xf32, #tpu.memory_space<vmem>>, vector<16xf32>,
      %get3A_986 = arith.constant 48 : index
      %get3A_987 = tpu.vector_load %arg9[%get3A_986] {strides = array<i32>} : memref<768xf32, #tpu.memory_space<vmem>>, vector<16xf32>,
      %add3A_988 = arith.addf %get3A_981, %get3A_987 : vector<16xf32>
      %get3A_989 = arith.constant 64 : index
      %get3A_990 = tpu.vector_load %arg9[%get3A_989] {strides = array<i32>} : memref<768xf32, #tpu.memory_space<vmem>>, vector<16xf32>,
      %add3A_991 = arith.addf %get3A_983, %get3A_990 : vector<16xf32>
      %get3A_992 = arith.constant 80 : index
      %get3A_993 = tpu.vector_load %arg9[%get3A_992] {strides = array<i32>} : memref<768xf32, #tpu.memory_space<vmem>>, vector<16xf32>,
      %add3A_994 = arith.addf %get3A_985, %get3A_993 : vector<16xf32>
      %get3A_995 = arith.constant 96 : index
      %get3A_996 = tpu.vector_load %arg9[%get3A_995] {strides = array<i32>} : memref<768xf32, #tpu.memory_space<vmem>>, vector<16xf32>,
      %add3A_997 = arith.addf %add3A_988, %get3A_996 : vector<16xf32>
      %get3A_998 = arith.constant 112 : index
      %get3A_999 = tpu.vector_load %arg9[%get3A_998] {strides = array<i32>} : memref<768xf32, #tpu.memory_space<vmem>>, vector<16xf32>,
      %add3A_1000 = arith.addf %add3A_991, %get3A_999 : vector<16xf32>
      %get3A_1001 = arith.constant 128 : index
      %get3A_1002 = tpu.vector_load %arg9[%get3A_1001] {strides = array<i32>} : memref<768xf32, #tpu.memory_space<vmem>>, vector<16xf32>,
      %add3A_1003 = arith.addf %add3A_994, %get3A_1002 : vector<16xf32>
      %get3A_1004 = arith.constant 144 : index
      %get3A_1005 = tpu.vector_load %arg9[%get3A_1004] {strides = array<i32>} : memref<768xf32, #tpu.memory_space<vmem>>, vector<16xf32>,
      %add3A_1006 = arith.addf %add3A_997, %get3A_1005 : vector<16xf32>
      %get3A_1007 = arith.constant 160 : index
      %get3A_1008 = tpu.vector_load %arg9[%get3A_1007] {strides = array<i32>} : memref<768xf32, #tpu.memory_space<vmem>>, vector<16xf32>,
      %add3A_1009 = arith.addf %add3A_1000, %get3A_1008 : vector<16xf32>
      %get3A_1010 = arith.constant 176 : index
      %get3A_1011 = tpu.vector_load %arg9[%get3A_1010] {strides = array<i32>} : memref<768xf32, #tpu.memory_space<vmem>>, vector<16xf32>,
      %add3A_1012 = arith.addf %add3A_1003, %get3A_1011 : vector<16xf32>
      %get3A_1013 = arith.constant 192 : index
      %get3A_1014 = tpu.vector_load %arg9[%get3A_1013] {strides = array<i32>} : memref<768xf32, #tpu.memory_space<vmem>>, vector<16xf32>,
      %add3A_1015 = arith.addf %add3A_1006, %get3A_1014 : vector<16xf32>
      %get3A_1016 = arith.constant 208 : index
      %get3A_1017 = tpu.vector_load %arg9[%get3A_1016] {strides = array<i32>} : memref<768xf32, #tpu.memory_space<vmem>>, vector<16xf32>,
      %add3A_1018 = arith.addf %add3A_1009, %get3A_1017 : vector<16xf32>
      %get3A_1019 = arith.constant 224 : index
      %get3A_1020 = tpu.vector_load %arg9[%get3A_1019] {strides = array<i32>} : memref<768xf32, #tpu.memory_space<vmem>>, vector<16xf32>,
      %add3A_1021 = arith.addf %add3A_1012, %get3A_1020 : vector<16xf32>
      %get3A_1022 = arith.constant 240 : index
      %get3A_1023 = tpu.vector_load %arg9[%get3A_1022] {strides = array<i32>} : memref<768xf32, #tpu.memory_space<vmem>>, vector<16xf32>,
      %add3A_1024 = arith.addf %add3A_1015, %get3A_1023 : vector<16xf32>
      %get3A_1025 = arith.constant 256 : index
      %get3A_1026 = tpu.vector_load %arg9[%get3A_1025] {strides = array<i32>} : memref<768xf32, #tpu.memory_space<vmem>>, vector<16xf32>,
      %add3A_1027 = arith.addf %add3A_1018, %get3A_1026 : vector<16xf32>
      %get3A_1028 = arith.constant 272 : index
      %get3A_1029 = tpu.vector_load %arg9[%get3A_1028] {strides = array<i32>} : memref<768xf32, #tpu.memory_space<vmem>>, vector<16xf32>,
      %add3A_1030 = arith.addf %add3A_1021, %get3A_1029 : vector<16xf32>
      %get3A_1031 = arith.constant 288 : index
      %get3A_1032 = tpu.vector_load %arg9[%get3A_1031] {strides = array<i32>} : memref<768xf32, #tpu.memory_space<vmem>>, vector<16xf32>,
      %add3A_1033 = arith.addf %add3A_1024, %get3A_1032 : vector<16xf32>
      %get3A_1034 = arith.constant 304 : index
      %get3A_1035 = tpu.vector_load %arg9[%get3A_1034] {strides = array<i32>} : memref<768xf32, #tpu.memory_space<vmem>>, vector<16xf32>,
      %add3A_1036 = arith.addf %add3A_1027, %get3A_1035 : vector<16xf32>
      %get3A_1037 = arith.constant 320 : index
      %get3A_1038 = tpu.vector_load %arg9[%get3A_1037] {strides = array<i32>} : memref<768xf32, #tpu.memory_space<vmem>>, vector<16xf32>,
      %add3A_1039 = arith.addf %add3A_1030, %get3A_1038 : vector<16xf32>
      %get3A_1040 = arith.constant 336 : index
      %get3A_1041 = tpu.vector_load %arg9[%get3A_1040] {strides = array<i32>} : memref<768xf32, #tpu.memory_space<vmem>>, vector<16xf32>,
      %add3A_1042 = arith.addf %add3A_1033, %get3A_1041 : vector<16xf32>
      %get3A_1043 = arith.constant 352 : index
      %get3A_1044 = tpu.vector_load %arg9[%get3A_1043] {strides = array<i32>} : memref<768xf32, #tpu.memory_space<vmem>>, vector<16xf32>,
      %add3A_1045 = arith.addf %add3A_1036, %get3A_1044 : vector<16xf32>
      %get3A_1046 = arith.constant 368 : index
      %get3A_1047 = tpu.vector_load %arg9[%get3A_1046] {strides = array<i32>} : memref<768xf32, #tpu.memory_space<vmem>>, vector<16xf32>,
      %add3A_1048 = arith.addf %add3A_1039, %get3A_1047 : vector<16xf32>
      %get3A_1049 = arith.constant 384 : index
      %get3A_1050 = tpu.vector_load %arg9[%get3A_1049] {strides = array<i32>} : memref<768xf32, #tpu.memory_space<vmem>>, vector<16xf32>,
      %add3A_1051 = arith.addf %add3A_1042, %get3A_1050 : vector<16xf32>
      %get3A_1052 = arith.constant 400 : index
      %get3A_1053 = tpu.vector_load %arg9[%get3A_1052] {strides = array<i32>} : memref<768xf32, #tpu.memory_space<vmem>>, vector<16xf32>,
      %add3A_1054 = arith.addf %add3A_1045, %get3A_1053 : vector<16xf32>
      %get3A_1055 = arith.constant 416 : index
      %get3A_1056 = tpu.vector_load %arg9[%get3A_1055] {strides = array<i32>} : memref<768xf32, #tpu.memory_space<vmem>>, vector<16xf32>,
      %add3A_1057 = arith.addf %add3A_1048, %get3A_1056 : vector<16xf32>
      %get3A_1058 = arith.constant 432 : index
      %get3A_1059 = tpu.vector_load %arg9[%get3A_1058] {strides = array<i32>} : memref<768xf32, #tpu.memory_space<vmem>>, vector<16xf32>,
      %add3A_1060 = arith.addf %add3A_1051, %get3A_1059 : vector<16xf32>
      %get3A_1061 = arith.constant 448 : index
      %get3A_1062 = tpu.vector_load %arg9[%get3A_1061] {strides = array<i32>} : memref<768xf32, #tpu.memory_space<vmem>>, vector<16xf32>,
      %add3A_1063 = arith.addf %add3A_1054, %get3A_1062 : vector<16xf32>
      %get3A_1064 = arith.constant 464 : index
      %get3A_1065 = tpu.vector_load %arg9[%get3A_1064] {strides = array<i32>} : memref<768xf32, #tpu.memory_space<vmem>>, vector<16xf32>,
      %add3A_1066 = arith.addf %add3A_1057, %get3A_1065 : vector<16xf32>
      %get3A_1067 = arith.constant 480 : index
      %get3A_1068 = tpu.vector_load %arg9[%get3A_1067] {strides = array<i32>} : memref<768xf32, #tpu.memory_space<vmem>>, vector<16xf32>,
      %add3A_1069 = arith.addf %add3A_1060, %get3A_1068 : vector<16xf32>
      %get3A_1070 = arith.constant 496 : index
      %get3A_1071 = tpu.vector_load %arg9[%get3A_1070] {strides = array<i32>} : memref<768xf32, #tpu.memory_space<vmem>>, vector<16xf32>,
      %add3A_1072 = arith.addf %add3A_1063, %get3A_1071 : vector<16xf32>
      %get3A_1073 = arith.constant 512 : index
      %get3A_1074 = tpu.vector_load %arg9[%get3A_1073] {strides = array<i32>} : memref<768xf32, #tpu.memory_space<vmem>>, vector<16xf32>,
      %add3A_1075 = arith.addf %add3A_1066, %get3A_1074 : vector<16xf32>
      %get3A_1076 = arith.constant 528 : index
      %get3A_1077 = tpu.vector_load %arg9[%get3A_1076] {strides = array<i32>} : memref<768xf32, #tpu.memory_space<vmem>>, vector<16xf32>,
      %add3A_1078 = arith.addf %add3A_1069, %get3A_1077 : vector<16xf32>
      %get3A_1079 = arith.constant 544 : index
      %get3A_1080 = tpu.vector_load %arg9[%get3A_1079] {strides = array<i32>} : memref<768xf32, #tpu.memory_space<vmem>>, vector<16xf32>,
      %add3A_1081 = arith.addf %add3A_1072, %get3A_1080 : vector<16xf32>
      %get3A_1082 = arith.constant 560 : index
      %get3A_1083 = tpu.vector_load %arg9[%get3A_1082] {strides = array<i32>} : memref<768xf32, #tpu.memory_space<vmem>>, vector<16xf32>,
      %add3A_1084 = arith.addf %add3A_1075, %get3A_1083 : vector<16xf32>
      %get3A_1085 = arith.constant 576 : index
      %get3A_1086 = tpu.vector_load %arg9[%get3A_1085] {strides = array<i32>} : memref<768xf32, #tpu.memory_space<vmem>>, vector<16xf32>,
      %add3A_1087 = arith.addf %add3A_1078, %get3A_1086 : vector<16xf32>
      %get3A_1088 = arith.constant 592 : index
      %get3A_1089 = tpu.vector_load %arg9[%get3A_1088] {strides = array<i32>} : memref<768xf32, #tpu.memory_space<vmem>>, vector<16xf32>,
      %add3A_1090 = arith.addf %add3A_1081, %get3A_1089 : vector<16xf32>
      %get3A_1091 = arith.constant 608 : index
      %get3A_1092 = tpu.vector_load %arg9[%get3A_1091] {strides = array<i32>} : memref<768xf32, #tpu.memory_space<vmem>>, vector<16xf32>,
      %add3A_1093 = arith.addf %add3A_1084, %get3A_1092 : vector<16xf32>
      %get3A_1094 = arith.constant 624 : index
      %get3A_1095 = tpu.vector_load %arg9[%get3A_1094] {strides = array<i32>} : memref<768xf32, #tpu.memory_space<vmem>>, vector<16xf32>,
      %add3A_1096 = arith.addf %add3A_1087, %get3A_1095 : vector<16xf32>
      %get3A_1097 = arith.constant 640 : index
      %get3A_1098 = tpu.vector_load %arg9[%get3A_1097] {strides = array<i32>} : memref<768xf32, #tpu.memory_space<vmem>>, vector<16xf32>,
      %add3A_1099 = arith.addf %add3A_1090, %get3A_1098 : vector<16xf32>
      %get3A_1100 = arith.constant 656 : index
      %get3A_1101 = tpu.vector_load %arg9[%get3A_1100] {strides = array<i32>} : memref<768xf32, #tpu.memory_space<vmem>>, vector<16xf32>,
      %add3A_1102 = arith.addf %add3A_1093, %get3A_1101 : vector<16xf32>
      %get3A_1103 = arith.constant 672 : index
      %get3A_1104 = tpu.vector_load %arg9[%get3A_1103] {strides = array<i32>} : memref<768xf32, #tpu.memory_space<vmem>>, vector<16xf32>,
      %add3A_1105 = arith.addf %add3A_1096, %get3A_1104 : vector<16xf32>
      %get3A_1106 = arith.constant 688 : index
      %get3A_1107 = tpu.vector_load %arg9[%get3A_1106] {strides = array<i32>} : memref<768xf32, #tpu.memory_space<vmem>>, vector<16xf32>,
      %add3A_1108 = arith.addf %add3A_1099, %get3A_1107 : vector<16xf32>
      %get3A_1109 = arith.constant 704 : index
      %get3A_1110 = tpu.vector_load %arg9[%get3A_1109] {strides = array<i32>} : memref<768xf32, #tpu.memory_space<vmem>>, vector<16xf32>,
      %add3A_1111 = arith.addf %add3A_1102, %get3A_1110 : vector<16xf32>
      %get3A_1112 = arith.constant 720 : index
      %get3A_1113 = tpu.vector_load %arg9[%get3A_1112] {strides = array<i32>} : memref<768xf32, #tpu.memory_space<vmem>>, vector<16xf32>,
      %add3A_1114 = arith.addf %add3A_1105, %get3A_1113 : vector<16xf32>
      %get3A_1115 = arith.constant 736 : index
      %get3A_1116 = tpu.vector_load %arg9[%get3A_1115] {strides = array<i32>} : memref<768xf32, #tpu.memory_space<vmem>>, vector<16xf32>,
      %add3A_1117 = arith.addf %add3A_1108, %get3A_1116 : vector<16xf32>
      %get3A_1118 = arith.constant 752 : index
      %get3A_1119 = tpu.vector_load %arg9[%get3A_1118] {strides = array<i32>} : memref<768xf32, #tpu.memory_space<vmem>>, vector<16xf32>,
      %add3A_1120 = arith.addf %add3A_1111, %get3A_1119 : vector<16xf32>
      %swap3A_1121 = arith.constant 0 : index
      %swap3A_1122 = tpu.vector_load %arg8[%swap3A_1121] {strides = array<i32>} : memref<48xf32, #tpu.memory_space<vmem>>, vector<16xf32>,
      tpu.vector_store %arg8[%swap3A_1121], %add3A_1114 {strides = array<i32>} : memref<48xf32, #tpu.memory_space<vmem>>, vector<16xf32>,
      %swap3A_1123 = arith.constant 16 : index
      %swap3A_1124 = tpu.vector_load %arg8[%swap3A_1123] {strides = array<i32>} : memref<48xf32, #tpu.memory_space<vmem>>, vector<16xf32>,
      tpu.vector_store %arg8[%swap3A_1123], %add3A_1117 {strides = array<i32>} : memref<48xf32, #tpu.memory_space<vmem>>, vector<16xf32>,
      %swap3A_1125 = arith.constant 32 : index
      %swap3A_1126 = tpu.vector_load %arg8[%swap3A_1125] {strides = array<i32>} : memref<48xf32, #tpu.memory_space<vmem>>, vector<16xf32>,
      tpu.vector_store %arg8[%swap3A_1125], %add3A_1120 {strides = array<i32>} : memref<48xf32, #tpu.memory_space<vmem>>, vector<16xf32>,
      %mul3A_1127 = arith.constant 48 : i32
      %mul3A_1128 = arith.muli %arg0, %mul3A_1127 : i32
      "tpu.region"() ({
        %run_scoped3A = tpu.sem_alloc : memref<!tpu.dma_semaphore, #tpu.memory_space<semaphore_mem>>
        %dma_start3A = tpu.memref_slice %arg3[%mul3A_1128] : memref<96xf32, #tpu.memory_space<hbm>> -> memref<48xf32, #tpu.memory_space<hbm>>
        %dma_start3A_1129 = tpu.memref_slice %arg3[%mul3A_1128] : memref<96xf32, #tpu.memory_space<hbm>> -> memref<48xf32, #tpu.memory_space<hbm>>
        tpu.enqueue_dma source(%arg8 : memref<48xf32, #tpu.memory_space<vmem>>) target(%dma_start3A_1129 : memref<48xf32, #tpu.memory_space<hbm>>) target_semaphore(%run_scoped3A : memref<!tpu.dma_semaphore, #tpu.memory_space<semaphore_mem>>)
        %dma_wait3A = tpu.memref_slice %arg3[%mul3A_1128] : memref<96xf32, #tpu.memory_space<hbm>> -> memref<48xf32, #tpu.memory_space<hbm>>
        %dma_wait3A_1130 = tpu.memref_slice %arg3[%mul3A_1128] : memref<96xf32, #tpu.memory_space<hbm>> -> memref<48xf32, #tpu.memory_space<hbm>>
        tpu.wait_dma2 semaphore(%run_scoped3A : memref<!tpu.dma_semaphore, #tpu.memory_space<semaphore_mem>>) src(%arg8 : memref<48xf32, #tpu.memory_space<vmem>>) dst(%dma_wait3A_1130 : memref<48xf32, #tpu.memory_space<hbm>>)
        tpu.yield
      }) : () -> ()
    } else {
    }
    return
  }
}

module attributes {stable_mosaic.version = 14 : i64} {
  func.func @_finalize_body(%arg0: memref<96xf32, #tpu.memory_space<vmem>>, %arg1: memref<96xf32, #tpu.memory_space<vmem>>, %arg2: memref<32xf32, #tpu.memory_space<vmem>>) attributes {dimension_semantics = [], scalar_prefetch = 0 : i64, scratch_operands = 0 : i64, tpu.core_type = #tpu.core_type<tc>} {
    %get3A = arith.constant 0 : index
    %get3A_0 = vector.load %arg0[%get3A] : memref<96xf32, #tpu.memory_space<vmem>>, vector<96xf32>
    %get3A_1 = arith.constant 0 : index
    %get3A_2 = vector.load %arg1[%get3A_1] : memref<96xf32, #tpu.memory_space<vmem>>, vector<96xf32>
    %add3A = arith.addf %get3A_0, %get3A_2 : vector<96xf32>
    %slice3A = vector.extract_strided_slice %add3A {offsets = [0], sizes = [16], strides = [1]} : vector<96xf32> to vector<16xf32>
    %slice3A_3 = vector.extract_strided_slice %add3A {offsets = [48], sizes = [16], strides = [1]} : vector<96xf32> to vector<16xf32>
    %add3A_4 = arith.addf %slice3A, %slice3A_3 : vector<16xf32>
    %slice3A_5 = vector.extract_strided_slice %add3A {offsets = [16], sizes = [16], strides = [1]} : vector<96xf32> to vector<16xf32>
    %slice3A_6 = vector.extract_strided_slice %add3A {offsets = [64], sizes = [16], strides = [1]} : vector<96xf32> to vector<16xf32>
    %add3A_7 = arith.addf %slice3A_5, %slice3A_6 : vector<16xf32>
    %slice3A_8 = vector.extract_strided_slice %add3A {offsets = [32], sizes = [16], strides = [1]} : vector<96xf32> to vector<16xf32>
    %slice3A_9 = vector.extract_strided_slice %add3A {offsets = [80], sizes = [16], strides = [1]} : vector<96xf32> to vector<16xf32>
    %add3A_10 = arith.addf %slice3A_8, %slice3A_9 : vector<16xf32>
    %mul3A = arith.constant 3.81469727E-6 : f32
    %mul3A_11 = vector.broadcast %mul3A : f32 to vector<16xf32>
    %mul3A_12 = arith.mulf %add3A_4, %mul3A_11 : vector<16xf32>
    %max3A = arith.constant 1.000000e+00 : f32
    %max3A_13 = vector.broadcast %max3A : f32 to vector<16xf32>
    %max3A_14 = arith.maximumf %add3A_4, %max3A_13 : vector<16xf32>
    %gt3A = arith.constant 0.000000e+00 : f32
    %gt3A_15 = vector.broadcast %gt3A : f32 to vector<16xf32>
    %gt3A_16 = arith.cmpf ogt, %add3A_4, %gt3A_15 : vector<16xf32>
    %div3A = arith.divf %add3A_10, %max3A_14 : vector<16xf32>
    %div3A_17 = arith.divf %add3A_7, %max3A_14 : vector<16xf32>
    %sub3A = arith.subf %div3A, %div3A_17 : vector<16xf32>
    %abs3A = math.absf %sub3A : vector<16xf32>
    %mul3A_18 = arith.mulf %abs3A, %mul3A_12 : vector<16xf32>
    %jit3A = arith.constant 0.000000e+00 : f32
    %broadcast_in_dim3A = vector.broadcast %jit3A : f32 to vector<16xf32>
    %select_n3A = arith.select %gt3A_16, %mul3A_18, %broadcast_in_dim3A : vector<16xi1>, vector<16xf32>
    %reduce_sum3A = vector.shape_cast %select_n3A : vector<16xf32> to vector<1x16xf32>
    %reduce_sum3A_19 = arith.constant dense<0.000000e+00> : vector<1xf32>
    %reduce_sum3A_20 = vector.multi_reduction <add>, %reduce_sum3A, %reduce_sum3A_19 [1] : vector<1x16xf32> to vector<1xf32>
    %reduce_sum3A_21 = vector.shape_cast %reduce_sum3A_20 : vector<1xf32> to vector<1x1xf32>
    %reduce_sum3A_22 = vector.extract %reduce_sum3A_21[0, 0] : f32 from vector<1x1xf32>
    %broadcast_in_dim3A_23 = vector.broadcast %reduce_sum3A_22 : f32 to vector<16xf32>
    %concatenate3A = tpu.concatenate %select_n3A, %broadcast_in_dim3A_23 in 0 : vector<16xf32>, vector<16xf32> -> vector<32xf32>
    %swap3A = arith.constant 0 : index
    %swap3A_24 = vector.load %arg2[%swap3A] : memref<32xf32, #tpu.memory_space<vmem>>, vector<32xf32>
    tpu.vector_store %arg2[%swap3A], %concatenate3A {strides = array<i32>} : memref<32xf32, #tpu.memory_space<vmem>>, vector<32xf32>,
    return
  }
}

module attributes {stable_mosaic.version = 14 : i64} {
  func.func @_row_stats_body(%arg0: i32, %arg1: memref<16384x128xf32, #tpu.memory_space<vmem>>, %arg2: memref<16384xi32, #tpu.memory_space<vmem>>, %arg3: memref<16384xf32, #tpu.memory_space<vmem>>) attributes {dimension_semantics = [#tpu.dimension_semantics<parallel>], iteration_bounds = array<i64: 8>, scalar_prefetch = 0 : i64, scratch_operands = 0 : i64, tpu.core_type = #tpu.core_type<tc>, window_params = [{transform_indices = @transform_0, window_bounds = array<i64: 16384, 128>}, {transform_indices = @transform_1, window_bounds = array<i64: 16384>}, {transform_indices = @transform_2, window_bounds = array<i64: 16384>}]} {
    %get3A = arith.constant 0 : index
    %get3A_0 = arith.constant 0 : index
    %get3A_1 = vector.load %arg1[%get3A, %get3A_0] : memref<16384x128xf32, #tpu.memory_space<vmem>>, vector<16384x128xf32>
    %transpose3A = tpu.transpose %get3A_1, [1, 0] : vector<16384x128xf32> -> vector<128x16384xf32>
    %reduce_max3A = arith.constant dense<0xFF800000> : vector<16384xf32>
    %reduce_max3A_2 = vector.multi_reduction <maximumf>, %transpose3A, %reduce_max3A [0] : vector<128x16384xf32> to vector<16384xf32>
    %broadcast_in_dim3A = vector.shape_cast %reduce_max3A_2 : vector<16384xf32> to vector<1x16384xf32>
    %sub3A = vector.broadcast %broadcast_in_dim3A : vector<1x16384xf32> to vector<128x16384xf32>
    %sub3A_3 = arith.subf %transpose3A, %sub3A : vector<128x16384xf32>
    %exp3A = math.exp %sub3A_3 : vector<128x16384xf32>
    %reduce_sum3A = arith.constant dense<0.000000e+00> : vector<16384xf32>
    %reduce_sum3A_4 = vector.multi_reduction <add>, %exp3A, %reduce_sum3A [0] : vector<128x16384xf32> to vector<16384xf32>
    %div3A = arith.constant 1.000000e+00 : f32
    %div3A_5 = vector.broadcast %div3A : f32 to vector<16384xf32>
    %div3A_6 = arith.divf %div3A_5, %reduce_sum3A_4 : vector<16384xf32>
    %iota3A = tpu.iota {dimensions = array<i32: 0>} : vector<128x16384xi32>
    %eq3A = vector.broadcast %broadcast_in_dim3A : vector<1x16384xf32> to vector<128x16384xf32>
    %eq3A_7 = arith.cmpf oeq, %transpose3A, %eq3A : vector<128x16384xf32>
    %jit3A = arith.constant 128 : i32
    %broadcast_in_dim3A_8 = vector.broadcast %jit3A : i32 to vector<128x16384xi32>
    %select_n3A = arith.select %eq3A_7, %iota3A, %broadcast_in_dim3A_8 : vector<128x16384xi1>, vector<128x16384xi32>
    %reduce_min3A = arith.constant dense<2147483647> : vector<16384xi32>
    %reduce_min3A_9 = vector.multi_reduction <minsi>, %select_n3A, %reduce_min3A [0] : vector<128x16384xi32> to vector<16384xi32>
    %get3A_10 = arith.constant 0 : index
    %get3A_11 = vector.load %arg2[%get3A_10] : memref<16384xi32, #tpu.memory_space<vmem>>, vector<16384xi32>
    %eq3A_12 = arith.cmpi eq, %reduce_min3A_9, %get3A_11 : vector<16384xi32>
    %neg3A = arith.constant 0.000000e+00 : f32
    %neg3A_13 = vector.broadcast %neg3A : f32 to vector<16384xf32>
    %neg3A_14 = arith.subf %neg3A_13, %div3A_6 : vector<16384xf32>
    %select_n3A_15 = arith.select %eq3A_12, %neg3A_14, %div3A_6 : vector<16384xi1>, vector<16384xf32>
    %swap3A = arith.constant 0 : index
    %swap3A_16 = vector.load %arg3[%swap3A] : memref<16384xf32, #tpu.memory_space<vmem>>, vector<16384xf32>
    tpu.vector_store %arg3[%swap3A], %select_n3A_15 {strides = array<i32>} : memref<16384xf32, #tpu.memory_space<vmem>>, vector<16384xf32>,
    return
  }
  func.func @transform_0(%arg0: i32) -> (i32, i32) {
    %add3A = arith.constant 8 : i32
    %add3A_0 = arith.addi %arg0, %add3A : i32
    %c0_i32 = arith.constant 0 : i32
    %c0_i32_1 = arith.constant 0 : i32
    return %add3A_0, %c0_i32 : i32, i32
  }
  func.func @transform_1(%arg0: i32) -> i32 {
    %add3A = arith.constant 8 : i32
    %add3A_0 = arith.addi %arg0, %add3A : i32
    %c0_i32 = arith.constant 0 : i32
    return %add3A_0 : i32
  }
  func.func @transform_2(%arg0: i32) -> i32 {
    %c0_i32 = arith.constant 0 : i32
    return %arg0 : i32
  }
}

module attributes {stable_mosaic.version = 14 : i64} {
  func.func @_row_stats_body(%arg0: i32, %arg1: memref<16384x128xf32, #tpu.memory_space<vmem>>, %arg2: memref<16384xi32, #tpu.memory_space<vmem>>, %arg3: memref<16384xf32, #tpu.memory_space<vmem>>) attributes {dimension_semantics = [#tpu.dimension_semantics<parallel>], iteration_bounds = array<i64: 8>, scalar_prefetch = 0 : i64, scratch_operands = 0 : i64, tpu.core_type = #tpu.core_type<tc>, window_params = [{transform_indices = @transform_0, window_bounds = array<i64: 16384, 128>}, {transform_indices = @transform_1, window_bounds = array<i64: 16384>}, {transform_indices = @transform_2, window_bounds = array<i64: 16384>}]} {
    %get3A = arith.constant 0 : index
    %get3A_0 = arith.constant 0 : index
    %get3A_1 = vector.load %arg1[%get3A, %get3A_0] : memref<16384x128xf32, #tpu.memory_space<vmem>>, vector<16384x128xf32>
    %transpose3A = tpu.transpose %get3A_1, [1, 0] : vector<16384x128xf32> -> vector<128x16384xf32>
    %reduce_max3A = arith.constant dense<0xFF800000> : vector<16384xf32>
    %reduce_max3A_2 = vector.multi_reduction <maximumf>, %transpose3A, %reduce_max3A [0] : vector<128x16384xf32> to vector<16384xf32>
    %broadcast_in_dim3A = vector.shape_cast %reduce_max3A_2 : vector<16384xf32> to vector<1x16384xf32>
    %sub3A = vector.broadcast %broadcast_in_dim3A : vector<1x16384xf32> to vector<128x16384xf32>
    %sub3A_3 = arith.subf %transpose3A, %sub3A : vector<128x16384xf32>
    %exp3A = math.exp %sub3A_3 : vector<128x16384xf32>
    %reduce_sum3A = arith.constant dense<0.000000e+00> : vector<16384xf32>
    %reduce_sum3A_4 = vector.multi_reduction <add>, %exp3A, %reduce_sum3A [0] : vector<128x16384xf32> to vector<16384xf32>
    %div3A = arith.constant 1.000000e+00 : f32
    %div3A_5 = vector.broadcast %div3A : f32 to vector<16384xf32>
    %div3A_6 = arith.divf %div3A_5, %reduce_sum3A_4 : vector<16384xf32>
    %iota3A = tpu.iota {dimensions = array<i32: 0>} : vector<128x16384xi32>
    %eq3A = vector.broadcast %broadcast_in_dim3A : vector<1x16384xf32> to vector<128x16384xf32>
    %eq3A_7 = arith.cmpf oeq, %transpose3A, %eq3A : vector<128x16384xf32>
    %jit3A = arith.constant 128 : i32
    %broadcast_in_dim3A_8 = vector.broadcast %jit3A : i32 to vector<128x16384xi32>
    %select_n3A = arith.select %eq3A_7, %iota3A, %broadcast_in_dim3A_8 : vector<128x16384xi1>, vector<128x16384xi32>
    %reduce_min3A = arith.constant dense<2147483647> : vector<16384xi32>
    %reduce_min3A_9 = vector.multi_reduction <minsi>, %select_n3A, %reduce_min3A [0] : vector<128x16384xi32> to vector<16384xi32>
    %get3A_10 = arith.constant 0 : index
    %get3A_11 = vector.load %arg2[%get3A_10] : memref<16384xi32, #tpu.memory_space<vmem>>, vector<16384xi32>
    %eq3A_12 = arith.cmpi eq, %reduce_min3A_9, %get3A_11 : vector<16384xi32>
    %neg3A = arith.constant 0.000000e+00 : f32
    %neg3A_13 = vector.broadcast %neg3A : f32 to vector<16384xf32>
    %neg3A_14 = arith.subf %neg3A_13, %div3A_6 : vector<16384xf32>
    %select_n3A_15 = arith.select %eq3A_12, %neg3A_14, %div3A_6 : vector<16384xi1>, vector<16384xf32>
    %swap3A = arith.constant 0 : index
    %swap3A_16 = vector.load %arg3[%swap3A] : memref<16384xf32, #tpu.memory_space<vmem>>, vector<16384xf32>
    tpu.vector_store %arg3[%swap3A], %select_n3A_15 {strides = array<i32>} : memref<16384xf32, #tpu.memory_space<vmem>>, vector<16384xf32>,
    return
  }
  func.func @transform_0(%arg0: i32) -> (i32, i32) {
    %add3A = arith.constant 0 : i32
    %add3A_0 = arith.addi %arg0, %add3A : i32
    %c0_i32 = arith.constant 0 : i32
    %c0_i32_1 = arith.constant 0 : i32
    return %add3A_0, %c0_i32 : i32, i32
  }
  func.func @transform_1(%arg0: i32) -> i32 {
    %add3A = arith.constant 0 : i32
    %add3A_0 = arith.addi %arg0, %add3A : i32
    %c0_i32 = arith.constant 0 : i32
    return %add3A_0 : i32
  }
  func.func @transform_2(%arg0: i32) -> i32 {
    %c0_i32 = arith.constant 0 : i32
    return %arg0 : i32
  }
}

</mosaic_0001>

<sc_bundles>
// kernel: kernel.10.cloned.1.call-start
scs
__scs_entry_jumppad:
0x0: {  	(pc) =	sbr.rel $0x88, $3  }
0x1: {  	(tag) =	ssettag $0x0;
	lr =	simm.s32 $0x1  }
0x2: {  	[smem:$0x3F9F] =	sst lr;
	_ =	strace $0xD0000000  }
0x3: {  	_ = 	snop  }
0x4: {  	_ = 	snop  }
0x5: {  	_ = 	snop  }
0x6: {  	_ = 	snop  }
0x7: {  	_ = 	snop  }
__scs_overlays_trampoline_lowered:
0x8: {  	[smem:$0x3FAE] =	sst s0  }
0x9: {  	[smem:$0x3FAF] =	sst s1  }
0xa: {  	[smem:$0x3FB0] =	sst s2  }
0xb: {  	[smem:$0x3FB1] =	sst s3  }
0xc: {  	[smem:$0x3FB2] =	sst s4  }
0xd: {  	[smem:$0x3FB3] =	sst s5  }
0xe: {  	[smem:$0x3FB4] =	sst s6  }
0xf: {  	[smem:$0x3FB5] =	sst s7  }
0x10: {  	[smem:$0x3FB6] =	sst s8  }
0x11: {  	[smem:$0x3FB7] =	sst s9;
	s0 =	simm.s32 @!p0 $0x0  }
0x12: {  	s1 =	sld [smem:$0x3F9D];
	s0 =	simm.s32 @p0 $0x1  }
0x13: {  	[smem:$0x3FB8] =	sst s0;
	s0 =	simm.s32 @!p1 $0x0  }
0x14: {  	s2 =	sld [smem:$0x3F9C];
	s0 =	simm.s32 @p1 $0x1  }
0x15: {  	[smem:$0x3FB9] =	sst s0;
	s0 =	simm.s32 @!p2 $0x0  }
0x16: {  	s3 =	sld [smem:$0x3FDB];
	s0 =	simm.s32 @p2 $0x1  }
0x17: {  	s4 =	simm.s32 $0x1BF5;
	[smem:$0x3FBB] =	sst s0  }
0x18: {  	s0 =	sld [smem:$0x3F9E];
	_ =	swait.ge [sflag:s4], $0x0  }
0x19: {  	s7 =	sld [smem:$0x3F9F]  }
0x1a: {  	s8 =	sadd.s32 $0xFFFFE003, lr  }
0x1b: {  	s9 =	sadd.s32 $0xFFFFFEF7, lr;
	s5 =	simm.s32 $0xFFFFFFFF;
	p2 =	slt.u32 s8, $0xFFFFF086  }
0x1c: {  	p1 =	slt.u32 s9, $0xF7A;
	s5 =	simm.s32 @!p2 $0x0  }
0x1d: {  	s5 =	simm.s32 @p1 $0x1;
	p0 =	seq.s32 s7, s2  }
0x1e: {  	s7 =	smul.u32 @!p0 $0xF7A, s2;
	p2 =	seq.s32 @!p0 s5, $0x0  }
0x1f: {  	s9 =	smul.u32 $0xF7A, s1;
	s8 =	simm.s32 @!p0 $0x1BF5;
	p2 =	por !p2, p0  }
0x20: {  	[sflag:s8] =	ssyncset.s32 @!p0 $0xFFFFF086;
	s6 =	sadd.s32 @!p0 s3, s7;
	s7 =	simm.s32 @!p0 $0x108  }
0x21: {  	s3 =	sadd.s32 s3, s9;
	s6 =	sadd.s32 @!p0 $0x88, s6;
	s7 =	simm.s32 @p2 $0x1082  }
0x22: {  	[simem:s7], [sflag:s8] =	dma.local @!p0 [hbm:s6], $0xF7A  }
0x23: {  	s9 =	sor.u32 $0xD0000000, s2;
	s6 =	simm.s32 $0x108;
	_ =	swait.ge @!p0 [sflag:s8], $0x0  }
0x24: {  	s3 =	sadd.s32 $0x88, s3;
	s6 =	simm.s32 @!p1 $0x1082;
	[sflag:s4] =	ssyncset.s32 $0xFFFFF086  }
0x25: {  	[simem:s6], [sflag:s4] =	dma.local [hbm:s3], $0xF7A  }
0x26: {  	[smem:$0x3F9F] =	sst s1;
	(tag) =	ssettag s2;
	_ =	strace s9  }
0x27: {  	s1 =	sld [smem:$0x3FAF]  }
0x28: {  	s2 =	sld [smem:$0x3FB0]  }
0x29: {  	s4 =	sld [smem:$0x3FB2]  }
0x2a: {  	p0 =	seq.s32 s5, $0x0;
	s5 =	sld [smem:$0x3FB3]  }
0x2b: {  	s6 =	sld [smem:$0x3FB4]  }
0x2c: {  	s7 =	sld [smem:$0x3FB5]  }
0x2d: {  	s3 =	simm.s32 $0x108;
	s8 =	sld [smem:$0x3FB6]  }
0x2e: {  	s3 =	simm.s32 @!p0 $0x1082;
	s9 =	sld [smem:$0x3FB7]  }
0x2f: {  	lr =	sadd.s32 s0, s3;
	s0 =	sld [smem:$0x3FAE]  }
0x30: {  	s3 =	sld [smem:$0x3FB1]  }
0x31: {  	[smem:$0x3FBA] =	sst s10  }
0x32: {  	s10 =	sld [smem:$0x3FB8];
	_ =	sdelay $0x3  }
0x33: {  	p0 =	seq.s32 s10, $0x1;
	s10 =	sld [smem:$0x3FBA];
	_ =	sdelay $0x3  }
0x34: {  	[smem:$0x3FBA] =	sst s10  }
0x35: {  	s10 =	sld [smem:$0x3FB9];
	_ =	sdelay $0x3  }
0x36: {  	p1 =	seq.s32 s10, $0x1;
	s10 =	sld [smem:$0x3FBA];
	_ =	sdelay $0x3  }
0x37: {  	[smem:$0x3FBA] =	sst s10  }
0x38: {  	s10 =	sld [smem:$0x3FBB]  }
0x39: {  	_ = 	snop;
	(pc) =	sbr.ind lr, $3  }
0x3a: {  	_ = 	snop  }
0x3b: {  	_ = 	snop  }
0x3c: {  	p2 =	seq.s32 s10, $0x1;
	s10 =	sld [smem:$0x3FBA]  }
0x3d: {  	_ =	shalt  }
0x3e: {  	_ =	shalt  }
0x3f: {  	_ =	shalt  }
0x40: {  	_ =	shalt  }
0x41: {  	_ =	shalt  }
0x42: {  	_ =	shalt  }
0x43: {  	_ =	shalt  }
0x44: {  	_ =	shalt  }
0x45: {  	_ =	shalt  }
0x46: {  	_ =	shalt  }
0x47: {  	_ =	shalt  }
0x48: {  	_ =	shalt  }
0x49: {  	_ =	shalt  }
0x4a: {  	_ =	shalt  }
0x4b: {  	_ =	shalt  }
0x4c: {  	_ =	shalt  }
0x4d: {  	_ =	shalt  }
0x4e: {  	_ =	shalt  }
0x4f: {  	_ =	shalt  }
0x50: {  	_ =	shalt  }
0x51: {  	_ =	shalt  }
0x52: {  	_ =	shalt  }
0x53: {  	_ =	shalt  }
0x54: {  	_ =	shalt  }
0x55: {  	_ =	shalt  }
0x56: {  	_ =	shalt  }
0x57: {  	_ =	shalt  }
0x58: {  	_ =	shalt  }
0x59: {  	_ =	shalt  }
0x5a: {  	_ =	shalt  }
0x5b: {  	_ =	shalt  }
0x5c: {  	_ =	shalt  }
0x5d: {  	_ =	shalt  }
0x5e: {  	_ =	shalt  }
0x5f: {  	_ =	shalt  }
0x60: {  	_ =	shalt  }
0x61: {  	_ =	shalt  }
0x62: {  	_ =	shalt  }
0x63: {  	_ =	shalt  }
0x64: {  	_ =	shalt  }
0x65: {  	_ =	shalt  }
0x66: {  	_ =	shalt  }
0x67: {  	_ =	shalt  }
0x68: {  	_ =	shalt  }
0x69: {  	_ =	shalt  }
0x6a: {  	_ =	shalt  }
0x6b: {  	_ =	shalt  }
0x6c: {  	_ =	shalt  }
0x6d: {  	_ =	shalt  }
0x6e: {  	_ =	shalt  }
0x6f: {  	_ =	shalt  }
0x70: {  	_ =	shalt  }
0x71: {  	_ =	shalt  }
0x72: {  	_ =	shalt  }
0x73: {  	_ =	shalt  }
0x74: {  	_ =	shalt  }
0x75: {  	_ =	shalt  }
0x76: {  	_ =	shalt  }
0x77: {  	_ =	shalt  }
0x78: {  	_ =	shalt  }
0x79: {  	_ =	shalt  }
0x7a: {  	_ =	shalt  }
0x7b: {  	_ =	shalt  }
0x7c: {  	_ =	shalt  }
0x7d: {  	_ =	shalt  }
0x7e: {  	_ =	shalt  }
0x7f: {  	_ =	shalt  }
0x80: {  	_ =	shalt  }
0x81: {  	_ =	shalt  }
0x82: {  	_ =	shalt  }
0x83: {  	_ =	shalt  }
0x84: {  	_ =	shalt  }
0x85: {  	_ =	shalt  }
0x86: {  	_ =	shalt  }
0x87: {  	_ =	shalt  }
.Lfunc_end0:
.L_simem_size_0:
called_computation.1_lowered:
.L_overlay_start_0:
0x88: {  	s2 =	sld [smem:$0x3FD9]  }
0x89: {  	s3 =	sld [smem:$0x3FFE];
	_ =	sdelay $0x1  }
0x8a: {  	s1 =	srdreg.scid  }
0x8b: {  	s0 =	sand.u32 $0x1, s1  }
0x8c: {  	s14 =	sshll.u32 s0, $0xA;
	s2 =	sadd.s32 s3, s2  }
0x8d: {  	s2 =	sadd.s32 s2, s14  }
0x8e: {  	[smem:$0x3FC6] =	sst s2  }
0x8f: {  	_ = 	snop  }
0x90: {  	s2 =	sld [smem:$0x3FD0];
	_ =	sdelay $0x2  }
0x91: {  	s15 =	simm.s32 $0xB;
	s4 =	simm.s32 $0x10  }
0x92: {  	[smem:s4], [sflag:s15] =	dma.local [hbm:s2], $0x1  }
0x93: {  	_ =	swait.eq [sflag:s15], $0x1  }
0x94: {  	[sflag:s15] =	ssyncset.done $0x0  }
0x95: {  	[sflag:s15] =	ssyncadd.s32 $0xFFFFFFFF  }
0x96: {  	s16 =	sld [smem:$0x11];
	(tm) =	ssettm $0x1  }
0x97: {  	s17 =	sld [smem:$0x3FFB];
	_ =	sdelay $0x3  }
0x98: {  	_ =	strace s17  }
0x99: {  	s3 =	sld [smem:$0x3FFC];
	_ =	sdelay $0x3  }
0x9a: {  	_ =	strace s3  }
0x9b: {  	s3 =	sld [smem:$0x3FFD];
	_ =	sdelay $0x3  }
0x9c: {  	_ =	strace s3  }
0x9d: {  	_ =	strace $0x8FFFFFFF  }
0x9e: {  	s18 =	sld [smem:$0x3FDB];
	_ =	sdelay $0x1  }
0x9f: {  	s19 =	simm.s32 $_scs_section_size  }
0xa0: {  	s5 =	simm.s32 $_size__tile_overlayer_lowered;
	s6 =	simm.s32 $_tile_overlayer_lowered  }
0xa1: {  	s22 =	simm.s32 $0x1BFF;
	s21 =	sshll.u32 s6, $0x1;
	s3 =	sadd.s32 s19, s18  }
0xa2: {  	s7 =	simm.s32 $0x0;
	s20 =	sshll.u32 s5, $0x1;
	s5 =	sadd.s32 s21, s3  }
0xa3: {  	[timem:s7], [sflag:s22] =	dma.local [hbm:s5], s20  }
0xa4: {  	_ =	swait.ge [sflag:s22], s20  }
0xa5: {  	s4 =	ssub.s32 $0x0, s20;
	[sflag:s22] =	ssyncset.done $0x0  }
0xa6: {  	[sflag:s22] =	ssyncadd.s32 s4;
	_ =	sdelay $0x1  }
0xa7: {  	s23 =	simm.s32 $0x1B8B  }
0xa8: {  	_ =	swait.ge [sflag:s23], $0x1  }
0xa9: {  	[sflag:s23] =	ssyncset.done $0x0  }
0xaa: {  	s25 =	simm.s32 $0x1B8E;
	s24 =	sld [smem:$0x3FFE];
	[sflag:s23] =	ssyncadd.s32 $0xFFFFFFFF  }
0xab: {  	s26 =	simm.s32 $execute0_lowered;
	[smem:$0x3FD2] =	sst s25  }
0xac: {  	s5 =	sshll.u32 s26, $0x1;
	_ =	strace $0x80000046;
	[dreg:$0x1] =	wrdreg $0xFFFFFFFF  }
0xad: {  	s28 =	simm.s32 $_size_execute0_lowered;
	s3 =	sadd.s32 s3, s5;
	[dreg:$0x0] =	wrdreg $0x0  }
0xae: {  	s5 =	sshll.u32 s28, $0x1;
	[dreg:$0x2] =	wrdreg s3  }
0xaf: {  	[dreg:$0x3] =	wrdreg s5  }
0xb0: {  	[dreg:$0x4] =	wrdreg $0xC0  }
0xb1: {  	_ =	task [dreg:s7], $0x5FFFF  }
0xb2: {  	[dreg:$0x1] =	wrdreg $0xFFFFFFFF  }
0xb3: {  	[dreg:$0x0] =	wrdreg $0x60  }
0xb4: {  	[dreg:$0x2] =	wrdreg s24  }
0xb5: {  	[dreg:$0x3] =	wrdreg s16  }
0xb6: {  	[dreg:$0x4] =	wrdreg $0x1F800  }
0xb7: {  	[dreg:$0x5] =	wrdreg $0xA  }
0xb8: {  	_ =	task.clear_ibuf [dreg:s7], $0x6FFFF;
	_ =	strace $0x90000046  }
0xb9: {  	s29 =	simm.s32 $0xA;
	_ =	strace $0x80000048  }
0xba: {  	_ =	swait.ge [sflag:s29], $0x1  }
0xbb: {  	[sflag:s29] =	ssyncadd.s32 $0xFFFFFFFF  }
0xbc: {  	_ =	strace $0x90000048  }
0xbd: {  	_ =	sfence  }
0xbe: {  	s30 =	sld [smem:$0x0];
	_ =	sdelay $0x2  }
0xbf: {  	s31 =	sshll.u32 s1, $0xD;
	s1 =	sshrl.u32 s1, $0x2  }
0xc0: {  	s3 =	sand.u32 $0x4000, s31;
	s1 =	sadd.s32 s1, s30  }
0xc1: {  	s0 =	sor.u32 s3, s0;
	s1 =	sshll.u32 s1, $0x11  }
0xc2: {  	s0 =	sor.u32 s1, s0  }
0xc3: {  	s0 =	sadd.s32 $0x8F2B, s0  }
0xc4: {  	[sflag:s0] =	ssyncadd.remote.s32 $0x1  }
0xc5: {  	_ =	sfence.sel $0xFFFF  }
0xc6: {  	[dreg:$0x0] =	wrdreg $0xFFFFFFFF;
	(pc) =	sbr.abs _section_cstart, $3  }
0xc7: {  	[dreg:$0x1] =	wrdreg $0xFFFFFFFF  }
0xc8: {  	_ =	task.clear_ibuf [dreg:s7], $0x2FFFF;
	_ =	strace $0x9FFFFFFF  }
0xc9: {  	(tm) =	ssettm $0x7FFFFFFF  }
tec
execute0_lowered:
.L_overlay_start_1:
0x0: {  	(tag) =	ssettag $0x1  }
0x1: {  	s3 =	rddreg [dreg:$0x0]  }
0x2: {  	s5 =	rddreg [dreg:$0x1]  }
0x3: {  	s1 =	rddreg [dreg:$0x2]  }
0x4: {  	s0 =	rddreg [dreg:$0x3];
	s2 =	simm.s32 $0x0;
	s11 =	stileid.u32  }
0x5: {  	s4 =	srdreg.scid;
	s12 =	simm.s32 $0x1C80;
	s13 =	simm.s32 $0x0  }
0x6: {  	[smem:$0x7FF] =	sst s2;
	s6 =	sshll.u32 s11, $0x9;
	s4 =	sand.u32 $0x1, s4  }
0x7: {  	s7 =	smul.u32 $0xC0, s11;
	p0 =	sne.s32 s11, $0x0;
	s11 =	simm.s32 $0x1C00  }
0x8: {  	_ =	strace $0x80000047;
	s3 =	sadd.s32 s6, s3;
	s10 =	smul.u32 $0x6, s4  }
.Ltmp0:
0x9: {  	s30 =	ssub.s32 $0x2, s4;
	s9 =	sshll.u32 s4, $0xD;
	(pc) =	sbr.rel .LBB2_1-.Ltmp0, $4  }
0xa: {  	v0 =	vlaneseq.u32;
	s8 =	sshrl.u32 s30, $0x1;
	s3 =	sadd.s32 s9, s3;
	s31 =	sshrl.u32 s7, $0x2  }
0xb: {  	v0 =	vmul.u32 $0x10, v0;
	s7 =	simm.s32 $0x1;
	s9 =	simm.s32 $0x1400;
	s6 =	ssub.s32 s30, s8  }
0xc: {  	v1 =	vimm.f32 $0.0e+00;
	v2 =	vimm.f32 $1.000000000e+00;
	v3 =	vimm.s32 $0x0;
	s3 =	sadd.s32 $0x1200, s3;
	s4 =	sadd.s32 s31, s1;
	s5 =	sadd.s32 s5, s10  }
0xd: {  	v4 =	vor.u32 $0x100, v0;
	v5 =	vor.u32 $0x200, v0;
	v6 =	vor.u32 $0x300, v0;
	s8 =	simm.s32 $0x1000;
	s10 =	simm.s32 $0x1800;
	s6 =	smax.u32 s6, $0x1  }
.LBB2_5:
0xe: {  	s13 =	sadd.s32 $0x1, s13  }
0xf: {  	p1 =	sne.s32 s13, s6  }
.Ltmp1:
0x10: {  	_ = 	snop;
	(pc) =	sbr.rel @!p1 .LBB2_6-.Ltmp1, $1  }
0x11: {  	_ =	sdelay $0x3  }
.LBB2_1:
0x12: {  	[tilespmem:s2], [sflag:$0x1] =	stream.linear.gather [hbm4b:s3+s2], $0x1000, $0x38;
	[tilespmem:$0x1FB0] =	vst v63  }
0x13: {  	_ =	swait.ge [sflag:s7], $0x1000  }
0x14: {  	[sflag:s7] =	ssyncset.done $0x0  }
0x15: {  	[sflag:s7] =	ssyncadd.s32 $0xFFFFF000  }
0x16: {  	[tilespmem:$0x1000] =	vst v1  }
0x17: {  	[tilespmem:$0x1400] =	vst v1  }
0x18: {  	[tilespmem:$0x1800] =	vst v1  }
0x19: {  	[tilespmem:$0x1010] =	vst v1  }
0x1a: {  	[tilespmem:$0x1410] =	vst v1  }
0x1b: {  	[tilespmem:$0x1810] =	vst v1  }
0x1c: {  	[tilespmem:$0x1020] =	vst v1  }
0x1d: {  	[tilespmem:$0x1420] =	vst v1  }
0x1e: {  	[tilespmem:$0x1820] =	vst v1  }
0x1f: {  	[tilespmem:$0x1030] =	vst v1  }
0x20: {  	[tilespmem:$0x1430] =	vst v1  }
0x21: {  	[tilespmem:$0x1830] =	vst v1  }
0x22: {  	[tilespmem:$0x1040] =	vst v1  }
0x23: {  	[tilespmem:$0x1440] =	vst v1  }
0x24: {  	[tilespmem:$0x1840] =	vst v1  }
0x25: {  	[tilespmem:$0x1050] =	vst v1  }
0x26: {  	[tilespmem:$0x1450] =	vst v1  }
0x27: {  	[tilespmem:$0x1850] =	vst v1  }
0x28: {  	[tilespmem:$0x1060] =	vst v1  }
0x29: {  	[tilespmem:$0x1460] =	vst v1  }
0x2a: {  	[tilespmem:$0x1860] =	vst v1  }
0x2b: {  	[tilespmem:$0x1070] =	vst v1  }
0x2c: {  	[tilespmem:$0x1470] =	vst v1  }
0x2d: {  	[tilespmem:$0x1870] =	vst v1  }
0x2e: {  	[tilespmem:$0x1080] =	vst v1  }
0x2f: {  	[tilespmem:$0x1480] =	vst v1  }
0x30: {  	[tilespmem:$0x1880] =	vst v1  }
0x31: {  	[tilespmem:$0x1090] =	vst v1  }
0x32: {  	[tilespmem:$0x1490] =	vst v1  }
0x33: {  	[tilespmem:$0x1890] =	vst v1  }
0x34: {  	[tilespmem:$0x10A0] =	vst v1  }
0x35: {  	[tilespmem:$0x14A0] =	vst v1  }
0x36: {  	[tilespmem:$0x18A0] =	vst v1  }
0x37: {  	[tilespmem:$0x10B0] =	vst v1  }
0x38: {  	[tilespmem:$0x14B0] =	vst v1  }
0x39: {  	[tilespmem:$0x18B0] =	vst v1  }
0x3a: {  	[tilespmem:$0x10C0] =	vst v1  }
0x3b: {  	[tilespmem:$0x14C0] =	vst v1  }
0x3c: {  	[tilespmem:$0x18C0] =	vst v1  }
0x3d: {  	[tilespmem:$0x10D0] =	vst v1  }
0x3e: {  	[tilespmem:$0x14D0] =	vst v1  }
0x3f: {  	[tilespmem:$0x18D0] =	vst v1  }
0x40: {  	[tilespmem:$0x10E0] =	vst v1  }
0x41: {  	[tilespmem:$0x14E0] =	vst v1  }
0x42: {  	[tilespmem:$0x18E0] =	vst v1  }
0x43: {  	[tilespmem:$0x10F0] =	vst v1  }
0x44: {  	[tilespmem:$0x14F0] =	vst v1  }
0x45: {  	[tilespmem:$0x18F0] =	vst v1  }
0x46: {  	[tilespmem:$0x1100] =	vst v1  }
0x47: {  	[tilespmem:$0x1500] =	vst v1  }
0x48: {  	[tilespmem:$0x1900] =	vst v1  }
0x49: {  	[tilespmem:$0x1110] =	vst v1  }
0x4a: {  	[tilespmem:$0x1510] =	vst v1  }
0x4b: {  	[tilespmem:$0x1910] =	vst v1  }
0x4c: {  	[tilespmem:$0x1120] =	vst v1  }
0x4d: {  	[tilespmem:$0x1520] =	vst v1  }
0x4e: {  	[tilespmem:$0x1920] =	vst v1  }
0x4f: {  	[tilespmem:$0x1130] =	vst v1  }
0x50: {  	[tilespmem:$0x1530] =	vst v1  }
0x51: {  	[tilespmem:$0x1930] =	vst v1  }
0x52: {  	[tilespmem:$0x1140] =	vst v1  }
0x53: {  	[tilespmem:$0x1540] =	vst v1  }
0x54: {  	[tilespmem:$0x1940] =	vst v1  }
0x55: {  	[tilespmem:$0x1150] =	vst v1  }
0x56: {  	[tilespmem:$0x1550] =	vst v1  }
0x57: {  	[tilespmem:$0x1950] =	vst v1  }
0x58: {  	[tilespmem:$0x1160] =	vst v1  }
0x59: {  	[tilespmem:$0x1560] =	vst v1  }
0x5a: {  	[tilespmem:$0x1960] =	vst v1  }
0x5b: {  	[tilespmem:$0x1170] =	vst v1  }
0x5c: {  	[tilespmem:$0x1570] =	vst v1  }
0x5d: {  	[tilespmem:$0x1970] =	vst v1  }
0x5e: {  	[tilespmem:$0x1180] =	vst v1  }
0x5f: {  	[tilespmem:$0x1580] =	vst v1  }
0x60: {  	[tilespmem:$0x1980] =	vst v1  }
0x61: {  	[tilespmem:$0x1190] =	vst v1  }
0x62: {  	[tilespmem:$0x1590] =	vst v1  }
0x63: {  	[tilespmem:$0x1990] =	vst v1  }
0x64: {  	[tilespmem:$0x11A0] =	vst v1  }
0x65: {  	[tilespmem:$0x15A0] =	vst v1  }
0x66: {  	[tilespmem:$0x19A0] =	vst v1  }
0x67: {  	[tilespmem:$0x11B0] =	vst v1  }
0x68: {  	[tilespmem:$0x15B0] =	vst v1  }
0x69: {  	[tilespmem:$0x19B0] =	vst v1  }
0x6a: {  	[tilespmem:$0x11C0] =	vst v1  }
0x6b: {  	[tilespmem:$0x15C0] =	vst v1  }
0x6c: {  	[tilespmem:$0x19C0] =	vst v1  }
0x6d: {  	[tilespmem:$0x11D0] =	vst v1  }
0x6e: {  	[tilespmem:$0x15D0] =	vst v1  }
0x6f: {  	[tilespmem:$0x19D0] =	vst v1  }
0x70: {  	[tilespmem:$0x11E0] =	vst v1  }
0x71: {  	[tilespmem:$0x15E0] =	vst v1  }
0x72: {  	[tilespmem:$0x19E0] =	vst v1  }
0x73: {  	[tilespmem:$0x11F0] =	vst v1  }
0x74: {  	[tilespmem:$0x15F0] =	vst v1  }
0x75: {  	[tilespmem:$0x19F0] =	vst v1  }
0x76: {  	[tilespmem:$0x1200] =	vst v1  }
0x77: {  	[tilespmem:$0x1600] =	vst v1  }
0x78: {  	[tilespmem:$0x1A00] =	vst v1  }
0x79: {  	[tilespmem:$0x1210] =	vst v1  }
0x7a: {  	[tilespmem:$0x1610] =	vst v1  }
0x7b: {  	[tilespmem:$0x1A10] =	vst v1  }
0x7c: {  	[tilespmem:$0x1220] =	vst v1  }
0x7d: {  	[tilespmem:$0x1620] =	vst v1  }
0x7e: {  	[tilespmem:$0x1A20] =	vst v1  }
0x7f: {  	[tilespmem:$0x1230] =	vst v1  }
0x80: {  	[tilespmem:$0x1630] =	vst v1  }
0x81: {  	[tilespmem:$0x1A30] =	vst v1  }
0x82: {  	[tilespmem:$0x1240] =	vst v1  }
0x83: {  	[tilespmem:$0x1640] =	vst v1  }
0x84: {  	[tilespmem:$0x1A40] =	vst v1  }
0x85: {  	[tilespmem:$0x1250] =	vst v1  }
0x86: {  	[tilespmem:$0x1650] =	vst v1  }
0x87: {  	[tilespmem:$0x1A50] =	vst v1  }
0x88: {  	[tilespmem:$0x1260] =	vst v1  }
0x89: {  	[tilespmem:$0x1660] =	vst v1  }
0x8a: {  	[tilespmem:$0x1A60] =	vst v1  }
0x8b: {  	[tilespmem:$0x1270] =	vst v1  }
0x8c: {  	[tilespmem:$0x1670] =	vst v1  }
0x8d: {  	[tilespmem:$0x1A70] =	vst v1  }
0x8e: {  	[tilespmem:$0x1280] =	vst v1  }
0x8f: {  	[tilespmem:$0x1680] =	vst v1  }
0x90: {  	[tilespmem:$0x1A80] =	vst v1  }
0x91: {  	[tilespmem:$0x1290] =	vst v1  }
0x92: {  	[tilespmem:$0x1690] =	vst v1  }
0x93: {  	[tilespmem:$0x1A90] =	vst v1  }
0x94: {  	[tilespmem:$0x12A0] =	vst v1  }
0x95: {  	[tilespmem:$0x16A0] =	vst v1  }
0x96: {  	[tilespmem:$0x1AA0] =	vst v1  }
0x97: {  	[tilespmem:$0x12B0] =	vst v1  }
0x98: {  	[tilespmem:$0x16B0] =	vst v1  }
0x99: {  	[tilespmem:$0x1AB0] =	vst v1  }
0x9a: {  	[tilespmem:$0x12C0] =	vst v1  }
0x9b: {  	[tilespmem:$0x16C0] =	vst v1  }
0x9c: {  	[tilespmem:$0x1AC0] =	vst v1  }
0x9d: {  	[tilespmem:$0x12D0] =	vst v1  }
0x9e: {  	[tilespmem:$0x16D0] =	vst v1  }
0x9f: {  	[tilespmem:$0x1AD0] =	vst v1  }
0xa0: {  	[tilespmem:$0x12E0] =	vst v1  }
0xa1: {  	[tilespmem:$0x16E0] =	vst v1  }
0xa2: {  	[tilespmem:$0x1AE0] =	vst v1  }
0xa3: {  	[tilespmem:$0x12F0] =	vst v1  }
0xa4: {  	[tilespmem:$0x16F0] =	vst v1  }
0xa5: {  	[tilespmem:$0x1AF0] =	vst v1  }
0xa6: {  	[tilespmem:$0x1300] =	vst v1  }
0xa7: {  	[tilespmem:$0x1700] =	vst v1  }
0xa8: {  	[tilespmem:$0x1B00] =	vst v1  }
0xa9: {  	[tilespmem:$0x1310] =	vst v1  }
0xaa: {  	[tilespmem:$0x1710] =	vst v1  }
0xab: {  	[tilespmem:$0x1B10] =	vst v1  }
0xac: {  	[tilespmem:$0x1320] =	vst v1  }
0xad: {  	[tilespmem:$0x1720] =	vst v1  }
0xae: {  	[tilespmem:$0x1B20] =	vst v1  }
0xaf: {  	[tilespmem:$0x1330] =	vst v1  }
0xb0: {  	[tilespmem:$0x1730] =	vst v1  }
0xb1: {  	[tilespmem:$0x1B30] =	vst v1  }
0xb2: {  	[tilespmem:$0x1340] =	vst v1  }
0xb3: {  	[tilespmem:$0x1740] =	vst v1  }
0xb4: {  	[tilespmem:$0x1B40] =	vst v1  }
0xb5: {  	[tilespmem:$0x1350] =	vst v1  }
0xb6: {  	[tilespmem:$0x1750] =	vst v1  }
0xb7: {  	[tilespmem:$0x1B50] =	vst v1  }
0xb8: {  	[tilespmem:$0x1360] =	vst v1  }
0xb9: {  	[tilespmem:$0x1760] =	vst v1  }
0xba: {  	[tilespmem:$0x1B60] =	vst v1  }
0xbb: {  	[tilespmem:$0x1370] =	vst v1  }
0xbc: {  	[tilespmem:$0x1770] =	vst v1  }
0xbd: {  	[tilespmem:$0x1B70] =	vst v1  }
0xbe: {  	[tilespmem:$0x1380] =	vst v1  }
0xbf: {  	[tilespmem:$0x1780] =	vst v1  }
0xc0: {  	[tilespmem:$0x1B80] =	vst v1  }
0xc1: {  	[tilespmem:$0x1390] =	vst v1  }
0xc2: {  	[tilespmem:$0x1790] =	vst v1  }
0xc3: {  	[tilespmem:$0x1B90] =	vst v1  }
0xc4: {  	[tilespmem:$0x13A0] =	vst v1  }
0xc5: {  	[tilespmem:$0x17A0] =	vst v1  }
0xc6: {  	[tilespmem:$0x1BA0] =	vst v1  }
0xc7: {  	[tilespmem:$0x13B0] =	vst v1  }
0xc8: {  	[tilespmem:$0x17B0] =	vst v1  }
0xc9: {  	[tilespmem:$0x1BB0] =	vst v1  }
0xca: {  	[tilespmem:$0x13C0] =	vst v1  }
0xcb: {  	[tilespmem:$0x17C0] =	vst v1  }
0xcc: {  	[tilespmem:$0x1BC0] =	vst v1  }
0xcd: {  	[tilespmem:$0x13D0] =	vst v1  }
0xce: {  	[tilespmem:$0x17D0] =	vst v1  }
0xcf: {  	[tilespmem:$0x1BD0] =	vst v1  }
0xd0: {  	[tilespmem:$0x13E0] =	vst v1  }
0xd1: {  	[tilespmem:$0x17E0] =	vst v1  }
0xd2: {  	[tilespmem:$0x1BE0] =	vst v1  }
0xd3: {  	[tilespmem:$0x13F0] =	vst v1  }
0xd4: {  	[tilespmem:$0x17F0] =	vst v1  }
0xd5: {  	s14 =	simm.s32 $0x0;
	[tilespmem:$0x1BF0] =	vst v1  }
.LBB2_2:
0xd6: {  	s15 =	sshra.s32 s14, $0x2  }
0xd7: {  	v7 =	vld [tilespmem:s15+$0x0];
	_ =	sdelay $0x4  }
0xd8: {  	v8 =	vand.u32 $0x7FFFFFFF, v7  }
0xd9: {  	v9 =	vmul.f32 $1.500000000e+01, v8;
	_ =	sdelay $0x1  }
0xda: {  	v10 =	vtrunc.f32 v9  }
0xdb: {  	v11 =	vcvt.f32.s32 v10;
	vm0 =	veq.f32 v9, v10  }
0xdc: {  	v9 =	vsel vm0, $0xFFFFFFFF, v3  }
0xdd: {  	v9 =	vadd.s32 v11, v9  }
0xde: {  	vm5 =	vgt.s32 v9, $0x0  }
0xdf: {  	v9 =	vnsel vm5, $0x0, v9  }
0xe0: {  	v9 =	vmin.u32 v9, $0xE  }
0xe1: {  	v9 =	vor.u32 v0, v9;
	_ =	sdelay $0x3  }
0xe2: {  	vm6 =	vlt.f32 v7, $0.0e+00  }
0xe3: {  	v7 =	vsel vm6, $0x3F800000, v1;
	[tilespmem:v9+s8+$0x0] =	vst.idx.add.f32.msk $0xffff, v2  }
0xe4: {  	[tilespmem:v9+s9+$0x0] =	vst.idx.add.f32.msk $0xffff, v7  }
0xe5: {  	[tilespmem:v9+s10+$0x0] =	vst.idx.add.f32.msk $0xffff, v8  }
0xe6: {  	v7 =	vld [tilespmem:s15+$0x10];
	_ =	sdelay $0x4  }
0xe7: {  	v8 =	vand.u32 $0x7FFFFFFF, v7  }
0xe8: {  	v55 =	vmul.f32 $1.500000000e+01, v8;
	_ =	sdelay $0x1  }
0xe9: {  	v56 =	vtrunc.f32 v55  }
0xea: {  	v57 =	vcvt.f32.s32 v56;
	vm7 =	veq.f32 v55, v56  }
0xeb: {  	v9 =	vsel vm7, $0xFFFFFFFF, v3  }
0xec: {  	v9 =	vadd.s32 v57, v9  }
0xed: {  	vm8 =	vgt.s32 v9, $0x0  }
0xee: {  	v9 =	vnsel vm8, $0x0, v9  }
0xef: {  	v9 =	vmin.u32 v9, $0xE  }
0xf0: {  	v9 =	vor.u32 v4, v9;
	_ =	sdelay $0x3  }
0xf1: {  	vm9 =	vlt.f32 v7, $0.0e+00  }
0xf2: {  	v7 =	vsel vm9, $0x3F800000, v1;
	[tilespmem:v9+s8+$0x0] =	vst.idx.add.f32.msk $0xffff, v2  }
0xf3: {  	[tilespmem:v9+s9+$0x0] =	vst.idx.add.f32.msk $0xffff, v7  }
0xf4: {  	[tilespmem:v9+s10+$0x0] =	vst.idx.add.f32.msk $0xffff, v8  }
0xf5: {  	v7 =	vld [tilespmem:s15+$0x20];
	_ =	sdelay $0x4  }
0xf6: {  	v8 =	vand.u32 $0x7FFFFFFF, v7  }
0xf7: {  	v58 =	vmul.f32 $1.500000000e+01, v8;
	_ =	sdelay $0x1  }
0xf8: {  	v59 =	vtrunc.f32 v58  }
0xf9: {  	v60 =	vcvt.f32.s32 v59;
	vm10 =	veq.f32 v58, v59  }
0xfa: {  	v9 =	vsel vm10, $0xFFFFFFFF, v3  }
0xfb: {  	v9 =	vadd.s32 v60, v9  }
0xfc: {  	vm11 =	vgt.s32 v9, $0x0  }
0xfd: {  	v9 =	vnsel vm11, $0x0, v9  }
0xfe: {  	v9 =	vmin.u32 v9, $0xE  }
0xff: {  	v9 =	vor.u32 v5, v9;
	_ =	sdelay $0x3  }
0x100: {  	vm12 =	vlt.f32 v7, $0.0e+00  }
0x101: {  	v7 =	vsel vm12, $0x3F800000, v1;
	[tilespmem:v9+s8+$0x0] =	vst.idx.add.f32.msk $0xffff, v2  }
0x102: {  	[tilespmem:v9+s9+$0x0] =	vst.idx.add.f32.msk $0xffff, v7  }
0x103: {  	[tilespmem:v9+s10+$0x0] =	vst.idx.add.f32.msk $0xffff, v8  }
0x104: {  	v7 =	vld [tilespmem:s15+$0x30];
	_ =	sdelay $0x4  }
0x105: {  	v8 =	vand.u32 $0x7FFFFFFF, v7  }
0x106: {  	v61 =	vmul.f32 $1.500000000e+01, v8;
	_ =	sdelay $0x1  }
0x107: {  	v62 =	vtrunc.f32 v61  }
0x108: {  	v63 =	vcvt.f32.s32 v62;
	vm13 =	veq.f32 v61, v62  }
0x109: {  	v9 =	vsel vm13, $0xFFFFFFFF, v3  }
0x10a: {  	v9 =	vadd.s32 v63, v9  }
0x10b: {  	vm14 =	vgt.s32 v9, $0x0  }
0x10c: {  	v9 =	vnsel vm14, $0x0, v9  }
0x10d: {  	v9 =	vmin.u32 v9, $0xE  }
0x10e: {  	v9 =	vor.u32 v6, v9;
	_ =	sdelay $0x1  }
0x10f: {  	p1 =	sne.s32 s14, $0x3F00  }
.Ltmp2:
0x110: {  	_ = 	snop;
	(pc) =	sbr.rel @p1 .LBB2_2-.Ltmp2, $4  }
0x111: {  	vm15 =	vlt.f32 v7, $0.0e+00  }
0x112: {  	v7 =	vsel vm15, $0x3F800000, v1;
	[tilespmem:v9+s8+$0x0] =	vst.idx.add.f32.msk $0xffff, v2  }
0x113: {  	[tilespmem:v9+s9+$0x0] =	vst.idx.add.f32.msk $0xffff, v7  }
0x114: {  	s14 =	sadd.s32 $0x100, s14;
	[tilespmem:v9+s10+$0x0] =	vst.idx.add.f32.msk $0xffff, v8  }
0x115: {  	v7 =	vld [tilespmem:$0x1000]  }
0x116: {  	v8 =	vld [tilespmem:$0x1400]  }
0x117: {  	v9 =	vld [tilespmem:$0x1800]  }
0x118: {  	v10 =	vld [tilespmem:$0x1010]  }
0x119: {  	v11 =	vld [tilespmem:$0x1410]  }
0x11a: {  	v12 =	vld [tilespmem:$0x1810]  }
0x11b: {  	v13 =	vld [tilespmem:$0x1020]  }
0x11c: {  	v14 =	vld [tilespmem:$0x1420]  }
0x11d: {  	v15 =	vld [tilespmem:$0x1820]  }
0x11e: {  	v16 =	vld [tilespmem:$0x1030]  }
0x11f: {  	v17 =	vld [tilespmem:$0x1430]  }
0x120: {  	v18 =	vld [tilespmem:$0x1830]  }
0x121: {  	v19 =	vld [tilespmem:$0x1040]  }
0x122: {  	v20 =	vld [tilespmem:$0x1440]  }
0x123: {  	v21 =	vld [tilespmem:$0x1840]  }
0x124: {  	v22 =	vld [tilespmem:$0x1050]  }
0x125: {  	v23 =	vld [tilespmem:$0x1450]  }
0x126: {  	v24 =	vld [tilespmem:$0x1850]  }
0x127: {  	v25 =	vld [tilespmem:$0x1060]  }
0x128: {  	v26 =	vld [tilespmem:$0x1460]  }
0x129: {  	v27 =	vld [tilespmem:$0x1860]  }
0x12a: {  	v28 =	vld [tilespmem:$0x1070]  }
0x12b: {  	v29 =	vld [tilespmem:$0x1470]  }
0x12c: {  	v30 =	vld [tilespmem:$0x1870]  }
0x12d: {  	v31 =	vld [tilespmem:$0x1080]  }
0x12e: {  	v32 =	vld [tilespmem:$0x1480]  }
0x12f: {  	v33 =	vld [tilespmem:$0x1880]  }
0x130: {  	v34 =	vld [tilespmem:$0x1090]  }
0x131: {  	v35 =	vld [tilespmem:$0x1490]  }
0x132: {  	v36 =	vld [tilespmem:$0x1890]  }
0x133: {  	v37 =	vld [tilespmem:$0x10A0]  }
0x134: {  	v38 =	vld [tilespmem:$0x14A0]  }
0x135: {  	v39 =	vld [tilespmem:$0x18A0]  }
0x136: {  	v40 =	vld [tilespmem:$0x10B0]  }
0x137: {  	v41 =	vld [tilespmem:$0x14B0]  }
0x138: {  	v42 =	vld [tilespmem:$0x18B0]  }
0x139: {  	v43 =	vld [tilespmem:$0x10C0]  }
0x13a: {  	v44 =	vld [tilespmem:$0x14C0]  }
0x13b: {  	v45 =	vld [tilespmem:$0x18C0]  }
0x13c: {  	v46 =	vld [tilespmem:$0x10D0]  }
0x13d: {  	v47 =	vld [tilespmem:$0x14D0]  }
0x13e: {  	v48 =	vld [tilespmem:$0x18D0]  }
0x13f: {  	v49 =	vld [tilespmem:$0x10E0]  }
0x140: {  	v50 =	vld [tilespmem:$0x14E0]  }
0x141: {  	v51 =	vld [tilespmem:$0x18E0]  }
0x142: {  	v52 =	vld [tilespmem:$0x10F0]  }
0x143: {  	v53 =	vld [tilespmem:$0x14F0]  }
0x144: {  	v54 =	vld [tilespmem:$0x18F0]  }
0x145: {  	v55 =	vld [tilespmem:$0x1100]  }
0x146: {  	v56 =	vld [tilespmem:$0x1500]  }
0x147: {  	v57 =	vld [tilespmem:$0x1900]  }
0x148: {  	v58 =	vld [tilespmem:$0x1110]  }
0x149: {  	v63 =	vld [tilespmem:$0x1920]  }
0x14a: {  	v59 =	vld [tilespmem:$0x1510]  }
0x14b: {  	v60 =	vld [tilespmem:$0x1910]  }
0x14c: {  	v61 =	vld [tilespmem:$0x1120]  }
0x14d: {  	v62 =	vld [tilespmem:$0x1520]  }
0x14e: {  	[tilespmem:$0x1FF30] =	vst v63;
	v63 =	vld [tilespmem:$0x1130]  }
0x14f: {  	v7 =	vadd.f32 v10, v7;
	v10 =	vld [tilespmem:$0x1570]  }
0x150: {  	v8 =	vadd.f32 v11, v8;
	v11 =	vld [tilespmem:$0x1970]  }
0x151: {  	v9 =	vadd.f32 v12, v9;
	v12 =	vld [tilespmem:$0x1180]  }
0x152: {  	v7 =	vadd.f32 v13, v7;
	v13 =	vld [tilespmem:$0x1580]  }
0x153: {  	v8 =	vadd.f32 v14, v8;
	v14 =	vld [tilespmem:$0x1980]  }
0x154: {  	v9 =	vadd.f32 v15, v9;
	v15 =	vld [tilespmem:$0x1190]  }
0x155: {  	v7 =	vadd.f32 v16, v7;
	v16 =	vld [tilespmem:$0x1590]  }
0x156: {  	v8 =	vadd.f32 v17, v8;
	v17 =	vld [tilespmem:$0x1990]  }
0x157: {  	[tilespmem:$0x1FF40] =	vst v63;
	v63 =	vld [tilespmem:$0x1530]  }
0x158: {  	v9 =	vadd.f32 v18, v9;
	v18 =	vld [tilespmem:$0x11A0]  }
0x159: {  	v7 =	vadd.f32 v19, v7;
	v19 =	vld [tilespmem:$0x15A0]  }
0x15a: {  	v8 =	vadd.f32 v20, v8;
	v20 =	vld [tilespmem:$0x19A0]  }
0x15b: {  	v9 =	vadd.f32 v21, v9;
	v21 =	vld [tilespmem:$0x11B0]  }
0x15c: {  	[tilespmem:$0x1FF50] =	vst v63;
	v63 =	vld [tilespmem:$0x1930]  }
0x15d: {  	v7 =	vadd.f32 v22, v7;
	v22 =	vld [tilespmem:$0x15B0]  }
0x15e: {  	v8 =	vadd.f32 v23, v8;
	v23 =	vld [tilespmem:$0x19B0]  }
0x15f: {  	v9 =	vadd.f32 v24, v9;
	v24 =	vld [tilespmem:$0x11C0]  }
0x160: {  	v7 =	vadd.f32 v25, v7;
	v25 =	vld [tilespmem:$0x15C0]  }
0x161: {  	[tilespmem:$0x1FF60] =	vst v63;
	v63 =	vld [tilespmem:$0x1140]  }
0x162: {  	v8 =	vadd.f32 v26, v8;
	v26 =	vld [tilespmem:$0x19C0]  }
0x163: {  	v9 =	vadd.f32 v27, v9;
	v27 =	vld [tilespmem:$0x11D0]  }
0x164: {  	v7 =	vadd.f32 v28, v7;
	v28 =	vld [tilespmem:$0x15D0]  }
0x165: {  	v8 =	vadd.f32 v29, v8;
	v29 =	vld [tilespmem:$0x19D0]  }
0x166: {  	[tilespmem:$0x1FF70] =	vst v63;
	v63 =	vld [tilespmem:$0x1540]  }
0x167: {  	v9 =	vadd.f32 v30, v9;
	v30 =	vld [tilespmem:$0x11E0]  }
0x168: {  	v7 =	vadd.f32 v31, v7;
	v31 =	vld [tilespmem:$0x15E0]  }
0x169: {  	v8 =	vadd.f32 v32, v8;
	v32 =	vld [tilespmem:$0x19E0]  }
0x16a: {  	v9 =	vadd.f32 v33, v9;
	v33 =	vld [tilespmem:$0x11F0]  }
0x16b: {  	[tilespmem:$0x1FF80] =	vst v63;
	v63 =	vld [tilespmem:$0x1940]  }
0x16c: {  	v7 =	vadd.f32 v34, v7;
	v34 =	vld [tilespmem:$0x15F0]  }
0x16d: {  	v8 =	vadd.f32 v35, v8;
	v35 =	vld [tilespmem:$0x19F0]  }
0x16e: {  	v9 =	vadd.f32 v36, v9;
	v36 =	vld [tilespmem:$0x1200]  }
0x16f: {  	v7 =	vadd.f32 v37, v7;
	v37 =	vld [tilespmem:$0x1600]  }
0x170: {  	[tilespmem:$0x1FF90] =	vst v63;
	v63 =	vld [tilespmem:$0x1150]  }
0x171: {  	v8 =	vadd.f32 v38, v8;
	v38 =	vld [tilespmem:$0x1A00]  }
0x172: {  	v9 =	vadd.f32 v39, v9;
	v39 =	vld [tilespmem:$0x1210]  }
0x173: {  	v7 =	vadd.f32 v40, v7;
	v40 =	vld [tilespmem:$0x1610]  }
0x174: {  	v8 =	vadd.f32 v41, v8;
	v41 =	vld [tilespmem:$0x1A10]  }
0x175: {  	[tilespmem:$0x1FFA0] =	vst v63;
	v63 =	vld [tilespmem:$0x1550]  }
0x176: {  	v9 =	vadd.f32 v42, v9;
	v42 =	vld [tilespmem:$0x1220]  }
0x177: {  	v7 =	vadd.f32 v43, v7;
	v43 =	vld [tilespmem:$0x1620]  }
0x178: {  	v8 =	vadd.f32 v44, v8;
	v44 =	vld [tilespmem:$0x1A20]  }
0x179: {  	v9 =	vadd.f32 v45, v9;
	v45 =	vld [tilespmem:$0x1230]  }
0x17a: {  	[tilespmem:$0x1FFB0] =	vst v63;
	v63 =	vld [tilespmem:$0x1950]  }
0x17b: {  	v7 =	vadd.f32 v46, v7;
	v46 =	vld [tilespmem:$0x1630]  }
0x17c: {  	v8 =	vadd.f32 v47, v8;
	v47 =	vld [tilespmem:$0x1A30]  }
0x17d: {  	v9 =	vadd.f32 v48, v9;
	v48 =	vld [tilespmem:$0x1240]  }
0x17e: {  	v8 =	vadd.f32 v50, v8;
	v50 =	vld [tilespmem:$0x1FF30]  }
0x17f: {  	[tilespmem:$0x1FFC0] =	vst v63;
	v63 =	vld [tilespmem:$0x1160]  }
0x180: {  	v7 =	vadd.f32 v49, v7;
	v9 =	vadd.f32 v51, v9;
	v51 =	vld [tilespmem:$0x1FF40]  }
0x181: {  	v49 =	vld [tilespmem:$0x1640]  }
0x182: {  	v7 =	vadd.f32 v52, v7;
	v9 =	vadd.f32 v54, v9;
	v52 =	vld [tilespmem:$0x1FF50]  }
0x183: {  	v8 =	vadd.f32 v53, v8;
	v53 =	vld [tilespmem:$0x1FF60]  }
0x184: {  	v9 =	vadd.f32 v57, v9;
	[tilespmem:$0x1FFD0] =	vst v63;
	v63 =	vld [tilespmem:$0x1560]  }
0x185: {  	v54 =	vld [tilespmem:$0x1FF70];
	v7 =	vadd.f32 v55, v7  }
0x186: {  	v8 =	vadd.f32 v56, v8;
	v55 =	vld [tilespmem:$0x1FF80];
	v9 =	vadd.f32 v60, v9  }
0x187: {  	v56 =	vld [tilespmem:$0x1FF90]  }
0x188: {  	v8 =	vadd.f32 v59, v8;
	v9 =	vadd.f32 v50, v9;
	v50 =	vld [tilespmem:$0x1A40]  }
0x189: {  	v7 =	vadd.f32 v58, v7;
	[tilespmem:$0x1FFE0] =	vst v63;
	v63 =	vld [tilespmem:$0x1960]  }
0x18a: {  	v8 =	vadd.f32 v62, v8;
	v57 =	vld [tilespmem:$0x1FFA0]  }
0x18b: {  	v7 =	vadd.f32 v61, v7;
	v58 =	vld [tilespmem:$0x1FFB0]  }
0x18c: {  	v8 =	vadd.f32 v52, v8;
	v59 =	vld [tilespmem:$0x1FFC0]  }
0x18d: {  	v7 =	vadd.f32 v51, v7;
	v61 =	vld [tilespmem:$0x1FFE0]  }
0x18e: {  	v9 =	vadd.f32 v53, v9;
	v8 =	vadd.f32 v55, v8;
	v60 =	vld [tilespmem:$0x1FFD0];
	[tilespmem:$0x1FFF0] =	vst v63  }
0x18f: {  	v7 =	vadd.f32 v54, v7;
	v62 =	vld [tilespmem:$0x1FFF0]  }
0x190: {  	v9 =	vadd.f32 v56, v9;
	v8 =	vadd.f32 v58, v8;
	v63 =	vld [tilespmem:$0x1170]  }
0x191: {  	v51 =	vld [tilespmem:$0x1250];
	v7 =	vadd.f32 v57, v7  }
0x192: {  	v52 =	vld [tilespmem:$0x1650];
	v9 =	vadd.f32 v59, v9;
	v8 =	vadd.f32 v61, v8  }
0x193: {  	v53 =	vld [tilespmem:$0x1A50];
	v7 =	vadd.f32 v60, v7  }
0x194: {  	v54 =	vld [tilespmem:$0x1260];
	v8 =	vadd.f32 v10, v8;
	v9 =	vadd.f32 v62, v9  }
0x195: {  	v55 =	vld [tilespmem:$0x1690];
	v7 =	vadd.f32 v63, v7  }
0x196: {  	v56 =	vld [tilespmem:$0x12A0];
	v8 =	vadd.f32 v13, v8;
	v9 =	vadd.f32 v11, v9  }
0x197: {  	v57 =	vld [tilespmem:$0x16A0];
	v7 =	vadd.f32 v12, v7  }
0x198: {  	v58 =	vld [tilespmem:$0x12B0];
	v8 =	vadd.f32 v16, v8;
	v9 =	vadd.f32 v14, v9  }
0x199: {  	v59 =	vld [tilespmem:$0x16B0];
	v7 =	vadd.f32 v15, v7  }
0x19a: {  	v60 =	vld [tilespmem:$0x12C0];
	v8 =	vadd.f32 v19, v8;
	v9 =	vadd.f32 v17, v9  }
0x19b: {  	v61 =	vld [tilespmem:$0x16C0];
	v7 =	vadd.f32 v18, v7  }
0x19c: {  	v10 =	vld [tilespmem:$0x1660];
	v8 =	vadd.f32 v22, v8;
	v9 =	vadd.f32 v20, v9  }
0x19d: {  	v13 =	vld [tilespmem:$0x1670];
	v7 =	vadd.f32 v21, v7  }
0x19e: {  	v63 =	vld [tilespmem:$0x16D0];
	v8 =	vadd.f32 v25, v8;
	v9 =	vadd.f32 v23, v9  }
0x19f: {  	v62 =	vld [tilespmem:$0x12D0];
	v7 =	vadd.f32 v24, v7  }
0x1a0: {  	v12 =	vld [tilespmem:$0x1270];
	v8 =	vadd.f32 v28, v8;
	v9 =	vadd.f32 v26, v9  }
0x1a1: {  	v16 =	vld [tilespmem:$0x1680];
	v7 =	vadd.f32 v27, v7  }
0x1a2: {  	v11 =	vld [tilespmem:$0x1A60];
	v8 =	vadd.f32 v31, v8;
	v9 =	vadd.f32 v29, v9  }
0x1a3: {  	v15 =	vld [tilespmem:$0x1280];
	v7 =	vadd.f32 v30, v7  }
0x1a4: {  	v14 =	vld [tilespmem:$0x1A70];
	v8 =	vadd.f32 v34, v8;
	v9 =	vadd.f32 v32, v9  }
0x1a5: {  	v18 =	vld [tilespmem:$0x1290];
	v7 =	vadd.f32 v33, v7  }
0x1a6: {  	v17 =	vld [tilespmem:$0x1A80];
	v8 =	vadd.f32 v37, v8;
	v9 =	vadd.f32 v35, v9  }
0x1a7: {  	v20 =	vld [tilespmem:$0x1A90];
	v7 =	vadd.f32 v36, v7  }
0x1a8: {  	v23 =	vld [tilespmem:$0x1AA0];
	v8 =	vadd.f32 v40, v8;
	v9 =	vadd.f32 v38, v9  }
0x1a9: {  	v26 =	vld [tilespmem:$0x1AB0];
	v7 =	vadd.f32 v39, v7  }
0x1aa: {  	v34 =	vld [tilespmem:$0x1360];
	v8 =	vadd.f32 v43, v8;
	v9 =	vadd.f32 v41, v9  }
0x1ab: {  	v29 =	vld [tilespmem:$0x1AC0];
	v7 =	vadd.f32 v42, v7  }
0x1ac: {  	v33 =	vld [tilespmem:$0x1B50];
	v8 =	vadd.f32 v46, v8;
	v9 =	vadd.f32 v44, v9  }
0x1ad: {  	v37 =	vld [tilespmem:$0x1370];
	v7 =	vadd.f32 v45, v7  }
0x1ae: {  	v32 =	vld [tilespmem:$0x1AD0];
	v8 =	vadd.f32 v49, v8;
	v9 =	vadd.f32 v47, v9  }
0x1af: {  	v36 =	vld [tilespmem:$0x1B60];
	v7 =	vadd.f32 v48, v7  }
0x1b0: {  	v40 =	vld [tilespmem:$0x1380];
	v8 =	vadd.f32 v52, v8;
	v9 =	vadd.f32 v50, v9  }
0x1b1: {  	v35 =	vld [tilespmem:$0x1760];
	v7 =	vadd.f32 v51, v7  }
0x1b2: {  	v43 =	vld [tilespmem:$0x16E0];
	v8 =	vadd.f32 v10, v8;
	v9 =	vadd.f32 v53, v9  }
0x1b3: {  	v39 =	vld [tilespmem:$0x1B70];
	v7 =	vadd.f32 v54, v7  }
0x1b4: {  	v38 =	vld [tilespmem:$0x1770];
	v8 =	vadd.f32 v13, v8;
	v9 =	vadd.f32 v11, v9  }
0x1b5: {  	v42 =	vld [tilespmem:$0x12E0];
	v7 =	vadd.f32 v12, v7  }
0x1b6: {  	v46 =	vld [tilespmem:$0x16F0];
	v8 =	vadd.f32 v16, v8;
	v9 =	vadd.f32 v14, v9  }
0x1b7: {  	v41 =	vld [tilespmem:$0x1780];
	v7 =	vadd.f32 v15, v7  }
0x1b8: {  	v45 =	vld [tilespmem:$0x12F0];
	v8 =	vadd.f32 v55, v8;
	v9 =	vadd.f32 v17, v9  }
0x1b9: {  	v49 =	vld [tilespmem:$0x1700];
	v7 =	vadd.f32 v18, v7  }
0x1ba: {  	v44 =	vld [tilespmem:$0x1AE0];
	v8 =	vadd.f32 v57, v8;
	v9 =	vadd.f32 v20, v9  }
0x1bb: {  	v48 =	vld [tilespmem:$0x1300];
	v7 =	vadd.f32 v56, v7  }
0x1bc: {  	v52 =	vld [tilespmem:$0x1710];
	v8 =	vadd.f32 v59, v8;
	v9 =	vadd.f32 v23, v9  }
0x1bd: {  	v47 =	vld [tilespmem:$0x1AF0];
	v7 =	vadd.f32 v58, v7  }
0x1be: {  	v51 =	vld [tilespmem:$0x1310];
	v8 =	vadd.f32 v61, v8;
	v9 =	vadd.f32 v26, v9  }
0x1bf: {  	v50 =	vld [tilespmem:$0x1B00];
	v7 =	vadd.f32 v60, v7  }
0x1c0: {  	v54 =	vld [tilespmem:$0x1320];
	v8 =	vadd.f32 v63, v8;
	v9 =	vadd.f32 v29, v9  }
0x1c1: {  	v53 =	vld [tilespmem:$0x1B10];
	v7 =	vadd.f32 v62, v7  }
0x1c2: {  	v55 =	vld [tilespmem:$0x1720];
	v8 =	vadd.f32 v43, v8;
	v9 =	vadd.f32 v32, v9  }
0x1c3: {  	v57 =	vld [tilespmem:$0x1330];
	v7 =	vadd.f32 v42, v7  }
0x1c4: {  	v56 =	vld [tilespmem:$0x1B20];
	v8 =	vadd.f32 v46, v8;
	v9 =	vadd.f32 v44, v9  }
0x1c5: {  	v59 =	vld [tilespmem:$0x1B30];
	v7 =	vadd.f32 v45, v7  }
0x1c6: {  	v58 =	vld [tilespmem:$0x1730];
	v8 =	vadd.f32 v49, v8;
	v9 =	vadd.f32 v47, v9  }
0x1c7: {  	v61 =	vld [tilespmem:$0x1740];
	v7 =	vadd.f32 v48, v7  }
0x1c8: {  	v60 =	vld [tilespmem:$0x1340];
	v8 =	vadd.f32 v52, v8;
	v9 =	vadd.f32 v50, v9  }
0x1c9: {  	v63 =	vld [tilespmem:$0x1350];
	v7 =	vadd.f32 v51, v7  }
0x1ca: {  	v62 =	vld [tilespmem:$0x1B40];
	v8 =	vadd.f32 v55, v8;
	v9 =	vadd.f32 v53, v9  }
0x1cb: {  	v32 =	vld [tilespmem:$0x1750];
	v7 =	vadd.f32 v54, v7  }
0x1cc: {  	v43 =	vld [tilespmem:$0x1390];
	v8 =	vadd.f32 v58, v8;
	v9 =	vadd.f32 v56, v9  }
0x1cd: {  	v42 =	vld [tilespmem:$0x1B80];
	v7 =	vadd.f32 v57, v7  }
0x1ce: {  	v46 =	vld [tilespmem:$0x13A0];
	v8 =	vadd.f32 v61, v8;
	v9 =	vadd.f32 v59, v9  }
0x1cf: {  	v45 =	vld [tilespmem:$0x1B90];
	v7 =	vadd.f32 v60, v7  }
0x1d0: {  	v49 =	vld [tilespmem:$0x13B0];
	v8 =	vadd.f32 v32, v8;
	v9 =	vadd.f32 v62, v9  }
0x1d1: {  	v44 =	vld [tilespmem:$0x1790];
	v7 =	vadd.f32 v63, v7  }
0x1d2: {  	v48 =	vld [tilespmem:$0x1BA0];
	v8 =	vadd.f32 v35, v8;
	v9 =	vadd.f32 v33, v9  }
0x1d3: {  	v52 =	vld [tilespmem:$0x13C0];
	v7 =	vadd.f32 v34, v7  }
0x1d4: {  	v47 =	vld [tilespmem:$0x17A0];
	v8 =	vadd.f32 v38, v8;
	v9 =	vadd.f32 v36, v9  }
0x1d5: {  	v51 =	vld [tilespmem:$0x1BB0];
	v7 =	vadd.f32 v37, v7  }
0x1d6: {  	v55 =	vld [tilespmem:$0x13D0];
	v8 =	vadd.f32 v41, v8;
	v9 =	vadd.f32 v39, v9  }
0x1d7: {  	v50 =	vld [tilespmem:$0x17B0];
	v7 =	vadd.f32 v40, v7  }
0x1d8: {  	v54 =	vld [tilespmem:$0x1BC0];
	v8 =	vadd.f32 v44, v8;
	v9 =	vadd.f32 v42, v9  }
0x1d9: {  	v53 =	vld [tilespmem:$0x17C0];
	v7 =	vadd.f32 v43, v7  }
0x1da: {  	v58 =	vld [tilespmem:$0x13E0];
	v8 =	vadd.f32 v47, v8;
	v9 =	vadd.f32 v45, v9  }
0x1db: {  	v56 =	vld [tilespmem:$0x17D0];
	v7 =	vadd.f32 v46, v7  }
0x1dc: {  	v57 =	vld [tilespmem:$0x1BD0];
	v8 =	vadd.f32 v50, v8;
	v9 =	vadd.f32 v48, v9  }
0x1dd: {  	v59 =	vld [tilespmem:$0x17E0];
	v7 =	vadd.f32 v49, v7  }
0x1de: {  	v60 =	vld [tilespmem:$0x1BE0];
	v8 =	vadd.f32 v53, v8;
	v9 =	vadd.f32 v51, v9  }
0x1df: {  	v62 =	vld [tilespmem:$0x17F0];
	v7 =	vadd.f32 v52, v7  }
0x1e0: {  	v61 =	vld [tilespmem:$0x13F0];
	v8 =	vadd.f32 v56, v8;
	v9 =	vadd.f32 v54, v9  }
0x1e1: {  	v63 =	vld [tilespmem:$0x1BF0];
	v7 =	vadd.f32 v55, v7  }
0x1e2: {  	v8 =	vadd.f32 v59, v8;
	v9 =	vadd.f32 v57, v9  }
0x1e3: {  	v7 =	vadd.f32 v58, v7  }
0x1e4: {  	v8 =	vadd.f32 v62, v8;
	v9 =	vadd.f32 v60, v9  }
0x1e5: {  	v7 =	vadd.f32 v61, v7  }
0x1e6: {  	[tilespmem:$0x1C10] =	vst v8;
	v9 =	vadd.f32 v63, v9  }
0x1e7: {  	[tilespmem:$0x1C00] =	vst v7  }
0x1e8: {  	[tilespmem:$0x1C20] =	vst v9  }
0x1e9: {  	[spmem:s4] =	stream.linear.scatter [tilespmem:s11], [sflag:$0x1], $0x30, $0x38;
	[tilespmem:$0x1FB0] =	vst v63  }
.Ltmp3:
0x1ea: {  	_ =	swait.ge [sflag:s7], $0x30;
	(pc) =	sbr.rel @p0 .LBB2_5-.Ltmp3, $3  }
0x1eb: {  	[sflag:s7] =	ssyncset.done $0x0  }
0x1ec: {  	[sflag:s7] =	ssyncadd.s32 $0xFFFFFFD0  }
0x1ed: {  	[bflag:$0x0] =	sbarrier.arrive $0xFFFF;
	_ =	sdelay $0x1  }
0x1ee: {  	[tilespmem:s12], [sflag:$0x1] =	stream.linear.gather [spmem:s1], $0x300, $0x38;
	[tilespmem:$0x1FB0] =	vst v63  }
0x1ef: {  	_ =	swait.ge [sflag:s7], $0x300  }
0x1f0: {  	[sflag:s7] =	ssyncset.done $0x0  }
0x1f1: {  	[sflag:s7] =	ssyncadd.s32 $0xFFFFFD00  }
0x1f2: {  	v7 =	vld [tilespmem:$0x1C80]  }
0x1f3: {  	v8 =	vld [tilespmem:$0x1C90]  }
0x1f4: {  	v9 =	vld [tilespmem:$0x1CA0]  }
0x1f5: {  	v10 =	vld [tilespmem:$0x1CB0]  }
0x1f6: {  	v11 =	vld [tilespmem:$0x1CC0]  }
0x1f7: {  	v12 =	vld [tilespmem:$0x1CD0]  }
0x1f8: {  	v13 =	vld [tilespmem:$0x1CE0]  }
0x1f9: {  	v14 =	vld [tilespmem:$0x1CF0]  }
0x1fa: {  	v15 =	vld [tilespmem:$0x1D00]  }
0x1fb: {  	v16 =	vld [tilespmem:$0x1D10]  }
0x1fc: {  	v17 =	vld [tilespmem:$0x1D20]  }
0x1fd: {  	v18 =	vld [tilespmem:$0x1D30]  }
0x1fe: {  	v19 =	vld [tilespmem:$0x1D40]  }
0x1ff: {  	v20 =	vld [tilespmem:$0x1D50]  }
0x200: {  	v21 =	vld [tilespmem:$0x1D60]  }
0x201: {  	v22 =	vld [tilespmem:$0x1D70]  }
0x202: {  	v23 =	vld [tilespmem:$0x1D80]  }
0x203: {  	v24 =	vld [tilespmem:$0x1D90]  }
0x204: {  	v25 =	vld [tilespmem:$0x1DA0]  }
0x205: {  	v26 =	vld [tilespmem:$0x1DB0]  }
0x206: {  	v27 =	vld [tilespmem:$0x1DC0]  }
0x207: {  	v28 =	vld [tilespmem:$0x1DD0]  }
0x208: {  	v38 =	vld [tilespmem:$0x1DE0];
	v7 =	vadd.f32 v10, v7  }
0x209: {  	v39 =	vld [tilespmem:$0x1DF0];
	v8 =	vadd.f32 v11, v8  }
0x20a: {  	v40 =	vld [tilespmem:$0x1E00];
	v9 =	vadd.f32 v12, v9;
	v7 =	vadd.f32 v13, v7  }
0x20b: {  	v41 =	vld [tilespmem:$0x1E10];
	v8 =	vadd.f32 v14, v8  }
0x20c: {  	v42 =	vld [tilespmem:$0x1E20];
	v9 =	vadd.f32 v15, v9;
	v7 =	vadd.f32 v16, v7  }
0x20d: {  	v43 =	vld [tilespmem:$0x1E30];
	v8 =	vadd.f32 v17, v8  }
0x20e: {  	v44 =	vld [tilespmem:$0x1E40];
	v9 =	vadd.f32 v18, v9;
	v7 =	vadd.f32 v19, v7  }
0x20f: {  	v45 =	vld [tilespmem:$0x1E50];
	v8 =	vadd.f32 v20, v8  }
0x210: {  	v46 =	vld [tilespmem:$0x1E60];
	v9 =	vadd.f32 v21, v9;
	v7 =	vadd.f32 v22, v7  }
0x211: {  	v47 =	vld [tilespmem:$0x1E70];
	v8 =	vadd.f32 v23, v8  }
0x212: {  	v48 =	vld [tilespmem:$0x1E80];
	v9 =	vadd.f32 v24, v9;
	v7 =	vadd.f32 v25, v7  }
0x213: {  	v49 =	vld [tilespmem:$0x1E90];
	v8 =	vadd.f32 v26, v8  }
0x214: {  	v50 =	vld [tilespmem:$0x1EA0];
	v9 =	vadd.f32 v27, v9;
	v7 =	vadd.f32 v28, v7  }
0x215: {  	v51 =	vld [tilespmem:$0x1EB0];
	v8 =	vadd.f32 v38, v8  }
0x216: {  	v52 =	vld [tilespmem:$0x1EC0];
	v9 =	vadd.f32 v39, v9;
	v7 =	vadd.f32 v40, v7  }
0x217: {  	v53 =	vld [tilespmem:$0x1ED0];
	v8 =	vadd.f32 v41, v8  }
0x218: {  	v54 =	vld [tilespmem:$0x1EE0];
	v9 =	vadd.f32 v42, v9;
	v7 =	vadd.f32 v43, v7  }
0x219: {  	v55 =	vld [tilespmem:$0x1EF0];
	v8 =	vadd.f32 v44, v8  }
0x21a: {  	v56 =	vld [tilespmem:$0x1F00];
	v9 =	vadd.f32 v45, v9;
	v7 =	vadd.f32 v46, v7  }
0x21b: {  	v57 =	vld [tilespmem:$0x1F10];
	v8 =	vadd.f32 v47, v8  }
0x21c: {  	v58 =	vld [tilespmem:$0x1F20];
	v9 =	vadd.f32 v48, v9;
	v7 =	vadd.f32 v49, v7  }
0x21d: {  	v59 =	vld [tilespmem:$0x1F30];
	v8 =	vadd.f32 v50, v8  }
0x21e: {  	v60 =	vld [tilespmem:$0x1F40];
	v9 =	vadd.f32 v51, v9;
	v7 =	vadd.f32 v52, v7  }
0x21f: {  	v61 =	vld [tilespmem:$0x1F50];
	v8 =	vadd.f32 v53, v8  }
0x220: {  	v62 =	vld [tilespmem:$0x1F60];
	v9 =	vadd.f32 v54, v9;
	v7 =	vadd.f32 v55, v7  }
0x221: {  	v63 =	vld [tilespmem:$0x1F70];
	v8 =	vadd.f32 v56, v8  }
0x222: {  	v9 =	vadd.f32 v57, v9;
	v7 =	vadd.f32 v58, v7  }
0x223: {  	v8 =	vadd.f32 v59, v8  }
0x224: {  	v9 =	vadd.f32 v60, v9;
	v7 =	vadd.f32 v61, v7  }
0x225: {  	v8 =	vadd.f32 v62, v8  }
0x226: {  	v9 =	vadd.f32 v63, v9;
	[tilespmem:$0x1C00] =	vst v7  }
0x227: {  	[tilespmem:$0x1C10] =	vst v8  }
.Ltmp4:
0x228: {  	[tilespmem:$0x1C20] =	vst v9;
	(pc) =	sbr.rel .LBB2_5-.Ltmp4, $4  }
0x229: {  	[hbm4b:s5+s2] =	stream.linear.scatter [tilespmem:s11], [sflag:$0x1], $0x30, $0x38;
	[tilespmem:$0x1FB0] =	vst v63  }
0x22a: {  	_ =	swait.ge [sflag:s7], $0x30  }
0x22b: {  	[sflag:s7] =	ssyncset.done $0x0  }
0x22c: {  	[sflag:s7] =	ssyncadd.s32 $0xFFFFFFD0  }
.LBB2_6:
0x22d: {  	_ =	sfence.sel $0x180000  }
0x22e: {  	[bflag:$0x0] =	sbarrier.arrive $0xFFFF  }
0x22f: {  	_ =	strace $0x90000047  }
0x230: {  	s0 =	sadd.s32 @!p0 $0x100000, s0;
	[bflag:$0x2] =	sbarrier.arrive $0xFFFF  }
0x231: {  	[sflag:s0] =	ssyncadd.tile.s32 @!p0 $0x1;
	_ =	shalt  }
.Lfunc_end2:
_tile_overlayer_lowered:
.L_overlay_start_2:
0x232: {  	(tag) =	ssettag $0x2  }
0x233: {  	s0 =	rddreg [dreg:$0x0];
	s2 =	stileid.u32  }
0x234: {  	s1 =	rddreg [dreg:$0x1];
	p0 =	sne.s32 s2, $0x0  }
0x235: {  	s3 =	rddreg [dreg:$0x2];
	[bflag:$0x3] =	sbarrier.arrive $0xFFFF;
	s2 =	simm.s32 @!p0 $0x1C01  }
0x236: {  	[timem:s3], [sflag:s2] =	dma.local @!p0 [hbm:s0], s1  }
0x237: {  	s0 =	simm.s32 @!p0 $0x1  }
0x238: {  	_ =	swait.ge @!p0 [sflag:s0], s1  }
0x239: {  	s1 =	ssub.s32 @!p0 $0x0, s1;
	[sflag:s0] =	ssyncset.done @!p0 $0x0  }
0x23a: {  	[sflag:s0] =	ssyncadd.s32 @!p0 s1  }
0x23b: {  	[bflag:$0x3] =	sbarrier.arrive $0xFFFF  }
0x23c: {  	_ =	shalt  }

// kernel: kernel.7.cloned.1.call-start
scs
__scs_entry_jumppad:
0x0: {  	(pc) =	sbr.rel $0x88, $3  }
0x1: {  	(tag) =	ssettag $0x0;
	lr =	simm.s32 $0x1  }
0x2: {  	[smem:$0x3F9F] =	sst lr;
	_ =	strace $0xD0000000  }
0x3: {  	_ = 	snop  }
0x4: {  	_ = 	snop  }
0x5: {  	_ = 	snop  }
0x6: {  	_ = 	snop  }
0x7: {  	_ = 	snop  }
__scs_overlays_trampoline_lowered:
0x8: {  	[smem:$0x3FAE] =	sst s0  }
0x9: {  	[smem:$0x3FAF] =	sst s1  }
0xa: {  	[smem:$0x3FB0] =	sst s2  }
0xb: {  	[smem:$0x3FB1] =	sst s3  }
0xc: {  	[smem:$0x3FB2] =	sst s4  }
0xd: {  	[smem:$0x3FB3] =	sst s5  }
0xe: {  	[smem:$0x3FB4] =	sst s6  }
0xf: {  	[smem:$0x3FB5] =	sst s7  }
0x10: {  	[smem:$0x3FB6] =	sst s8  }
0x11: {  	[smem:$0x3FB7] =	sst s9;
	s0 =	simm.s32 @!p0 $0x0  }
0x12: {  	s1 =	sld [smem:$0x3F9D];
	s0 =	simm.s32 @p0 $0x1  }
0x13: {  	[smem:$0x3FB8] =	sst s0;
	s0 =	simm.s32 @!p1 $0x0  }
0x14: {  	s2 =	sld [smem:$0x3F9C];
	s0 =	simm.s32 @p1 $0x1  }
0x15: {  	[smem:$0x3FB9] =	sst s0;
	s0 =	simm.s32 @!p2 $0x0  }
0x16: {  	s3 =	sld [smem:$0x3FDB];
	s0 =	simm.s32 @p2 $0x1  }
0x17: {  	s4 =	simm.s32 $0x1BF5;
	[smem:$0x3FBB] =	sst s0  }
0x18: {  	s0 =	sld [smem:$0x3F9E];
	_ =	swait.ge [sflag:s4], $0x0  }
0x19: {  	s7 =	sld [smem:$0x3F9F]  }
0x1a: {  	s8 =	sadd.s32 $0xFFFFE003, lr  }
0x1b: {  	s9 =	sadd.s32 $0xFFFFFEF7, lr;
	s5 =	simm.s32 $0xFFFFFFFF;
	p2 =	slt.u32 s8, $0xFFFFF086  }
0x1c: {  	p1 =	slt.u32 s9, $0xF7A;
	s5 =	simm.s32 @!p2 $0x0  }
0x1d: {  	s5 =	simm.s32 @p1 $0x1;
	p0 =	seq.s32 s7, s2  }
0x1e: {  	s7 =	smul.u32 @!p0 $0xF7A, s2;
	p2 =	seq.s32 @!p0 s5, $0x0  }
0x1f: {  	s9 =	smul.u32 $0xF7A, s1;
	s8 =	simm.s32 @!p0 $0x1BF5;
	p2 =	por !p2, p0  }
0x20: {  	[sflag:s8] =	ssyncset.s32 @!p0 $0xFFFFF086;
	s6 =	sadd.s32 @!p0 s3, s7;
	s7 =	simm.s32 @!p0 $0x108  }
0x21: {  	s3 =	sadd.s32 s3, s9;
	s6 =	sadd.s32 @!p0 $0x88, s6;
	s7 =	simm.s32 @p2 $0x1082  }
0x22: {  	[simem:s7], [sflag:s8] =	dma.local @!p0 [hbm:s6], $0xF7A  }
0x23: {  	s9 =	sor.u32 $0xD0000000, s2;
	s6 =	simm.s32 $0x108;
	_ =	swait.ge @!p0 [sflag:s8], $0x0  }
0x24: {  	s3 =	sadd.s32 $0x88, s3;
	s6 =	simm.s32 @!p1 $0x1082;
	[sflag:s4] =	ssyncset.s32 $0xFFFFF086  }
0x25: {  	[simem:s6], [sflag:s4] =	dma.local [hbm:s3], $0xF7A  }
0x26: {  	[smem:$0x3F9F] =	sst s1;
	(tag) =	ssettag s2;
	_ =	strace s9  }
0x27: {  	s1 =	sld [smem:$0x3FAF]  }
0x28: {  	s2 =	sld [smem:$0x3FB0]  }
0x29: {  	s4 =	sld [smem:$0x3FB2]  }
0x2a: {  	p0 =	seq.s32 s5, $0x0;
	s5 =	sld [smem:$0x3FB3]  }
0x2b: {  	s6 =	sld [smem:$0x3FB4]  }
0x2c: {  	s7 =	sld [smem:$0x3FB5]  }
0x2d: {  	s3 =	simm.s32 $0x108;
	s8 =	sld [smem:$0x3FB6]  }
0x2e: {  	s3 =	simm.s32 @!p0 $0x1082;
	s9 =	sld [smem:$0x3FB7]  }
0x2f: {  	lr =	sadd.s32 s0, s3;
	s0 =	sld [smem:$0x3FAE]  }
0x30: {  	s3 =	sld [smem:$0x3FB1]  }
0x31: {  	[smem:$0x3FBA] =	sst s10  }
0x32: {  	s10 =	sld [smem:$0x3FB8];
	_ =	sdelay $0x3  }
0x33: {  	p0 =	seq.s32 s10, $0x1;
	s10 =	sld [smem:$0x3FBA];
	_ =	sdelay $0x3  }
0x34: {  	[smem:$0x3FBA] =	sst s10  }
0x35: {  	s10 =	sld [smem:$0x3FB9];
	_ =	sdelay $0x3  }
0x36: {  	p1 =	seq.s32 s10, $0x1;
	s10 =	sld [smem:$0x3FBA];
	_ =	sdelay $0x3  }
0x37: {  	[smem:$0x3FBA] =	sst s10  }
0x38: {  	s10 =	sld [smem:$0x3FBB]  }
0x39: {  	_ = 	snop;
	(pc) =	sbr.ind lr, $3  }
0x3a: {  	_ = 	snop  }
0x3b: {  	_ = 	snop  }
0x3c: {  	p2 =	seq.s32 s10, $0x1;
	s10 =	sld [smem:$0x3FBA]  }
0x3d: {  	_ =	shalt  }
0x3e: {  	_ =	shalt  }
0x3f: {  	_ =	shalt  }
0x40: {  	_ =	shalt  }
0x41: {  	_ =	shalt  }
0x42: {  	_ =	shalt  }
0x43: {  	_ =	shalt  }
0x44: {  	_ =	shalt  }
0x45: {  	_ =	shalt  }
0x46: {  	_ =	shalt  }
0x47: {  	_ =	shalt  }
0x48: {  	_ =	shalt  }
0x49: {  	_ =	shalt  }
0x4a: {  	_ =	shalt  }
0x4b: {  	_ =	shalt  }
0x4c: {  	_ =	shalt  }
0x4d: {  	_ =	shalt  }
0x4e: {  	_ =	shalt  }
0x4f: {  	_ =	shalt  }
0x50: {  	_ =	shalt  }
0x51: {  	_ =	shalt  }
0x52: {  	_ =	shalt  }
0x53: {  	_ =	shalt  }
0x54: {  	_ =	shalt  }
0x55: {  	_ =	shalt  }
0x56: {  	_ =	shalt  }
0x57: {  	_ =	shalt  }
0x58: {  	_ =	shalt  }
0x59: {  	_ =	shalt  }
0x5a: {  	_ =	shalt  }
0x5b: {  	_ =	shalt  }
0x5c: {  	_ =	shalt  }
0x5d: {  	_ =	shalt  }
0x5e: {  	_ =	shalt  }
0x5f: {  	_ =	shalt  }
0x60: {  	_ =	shalt  }
0x61: {  	_ =	shalt  }
0x62: {  	_ =	shalt  }
0x63: {  	_ =	shalt  }
0x64: {  	_ =	shalt  }
0x65: {  	_ =	shalt  }
0x66: {  	_ =	shalt  }
0x67: {  	_ =	shalt  }
0x68: {  	_ =	shalt  }
0x69: {  	_ =	shalt  }
0x6a: {  	_ =	shalt  }
0x6b: {  	_ =	shalt  }
0x6c: {  	_ =	shalt  }
0x6d: {  	_ =	shalt  }
0x6e: {  	_ =	shalt  }
0x6f: {  	_ =	shalt  }
0x70: {  	_ =	shalt  }
0x71: {  	_ =	shalt  }
0x72: {  	_ =	shalt  }
0x73: {  	_ =	shalt  }
0x74: {  	_ =	shalt  }
0x75: {  	_ =	shalt  }
0x76: {  	_ =	shalt  }
0x77: {  	_ =	shalt  }
0x78: {  	_ =	shalt  }
0x79: {  	_ =	shalt  }
0x7a: {  	_ =	shalt  }
0x7b: {  	_ =	shalt  }
0x7c: {  	_ =	shalt  }
0x7d: {  	_ =	shalt  }
0x7e: {  	_ =	shalt  }
0x7f: {  	_ =	shalt  }
0x80: {  	_ =	shalt  }
0x81: {  	_ =	shalt  }
0x82: {  	_ =	shalt  }
0x83: {  	_ =	shalt  }
0x84: {  	_ =	shalt  }
0x85: {  	_ =	shalt  }
0x86: {  	_ =	shalt  }
0x87: {  	_ =	shalt  }
.Lfunc_end0:
.L_simem_size_0:
called_computation_lowered:
.L_overlay_start_0:
0x88: {  	s2 =	sld [smem:$0x3FD9]  }
0x89: {  	s3 =	sld [smem:$0x3FFE];
	_ =	sdelay $0x1  }
0x8a: {  	s1 =	srdreg.scid  }
0x8b: {  	s0 =	sand.u32 $0x1, s1  }
0x8c: {  	s15 =	sshll.u32 s0, $0xA;
	s2 =	sadd.s32 s3, s2  }
0x8d: {  	s2 =	sadd.s32 s2, s15  }
0x8e: {  	[smem:$0x3FC6] =	sst s2  }
0x8f: {  	_ = 	snop  }
0x90: {  	s2 =	sld [smem:$0x3FD0];
	_ =	sdelay $0x2  }
0x91: {  	s16 =	simm.s32 $0xB;
	s4 =	simm.s32 $0x10  }
0x92: {  	[smem:s4], [sflag:s16] =	dma.local [hbm:s2], $0x1  }
0x93: {  	_ =	swait.eq [sflag:s16], $0x1  }
0x94: {  	[sflag:s16] =	ssyncset.done $0x0  }
0x95: {  	[sflag:s16] =	ssyncadd.s32 $0xFFFFFFFF  }
0x96: {  	s17 =	sld [smem:$0x10];
	(tm) =	ssettm $0x1  }
0x97: {  	s18 =	sld [smem:$0x3FFB];
	_ =	sdelay $0x3  }
0x98: {  	_ =	strace s18  }
0x99: {  	s2 =	sld [smem:$0x3FFC];
	_ =	sdelay $0x3  }
0x9a: {  	_ =	strace s2  }
0x9b: {  	s2 =	sld [smem:$0x3FFD];
	_ =	sdelay $0x3  }
0x9c: {  	_ =	strace s2  }
0x9d: {  	_ =	strace $0x8FFFFFFF  }
0x9e: {  	s19 =	sld [smem:$0x3FDB];
	_ =	sdelay $0x1  }
0x9f: {  	s20 =	simm.s32 $_scs_section_size  }
0xa0: {  	s5 =	simm.s32 $_size__tile_overlayer_lowered;
	s6 =	simm.s32 $_tile_overlayer_lowered  }
0xa1: {  	s7 =	simm.s32 $0x1BFF;
	s21 =	sshll.u32 s6, $0x1;
	s4 =	sadd.s32 s20, s19  }
0xa2: {  	s22 =	simm.s32 $0x0;
	s5 =	sshll.u32 s5, $0x1;
	s6 =	sadd.s32 s21, s4  }
0xa3: {  	[timem:s22], [sflag:s7] =	dma.local [hbm:s6], s5  }
0xa4: {  	_ =	swait.ge [sflag:s7], s5  }
0xa5: {  	s5 =	ssub.s32 $0x0, s5;
	[sflag:s7] =	ssyncset.done $0x0  }
0xa6: {  	[sflag:s7] =	ssyncadd.s32 s5;
	_ =	sdelay $0x1  }
0xa7: {  	s23 =	simm.s32 $0x1B8B  }
0xa8: {  	_ =	swait.ge [sflag:s23], $0x1  }
0xa9: {  	[sflag:s23] =	ssyncset.done $0x0  }
0xaa: {  	[sflag:s23] =	ssyncadd.s32 $0xFFFFFFFF  }
0xab: {  	s5 =	sld [smem:$0x0]  }
0xac: {  	s6 =	sand.u32 $0xFFFFFFFE, s1  }
0xad: {  	p0 =	sne.s32 s1, s6  }
0xae: {  	s6 =	sshll.u32 @p0 s6, $0xE  }
0xaf: {  	s6 =	sadd.s32 @p0 $0x11B8D, s6;
	s7 =	sshll.u32 @p0 s5, $0x11  }
0xb0: {  	s6 =	sor.u32 @p0 s7, s6  }
0xb1: {  	[sflag:s6] =	ssyncadd.remote.s32 @p0 $0x1;
	_ =	sdelay $0x1  }
0xb2: {  	s6 =	simm.s32 @p0 $0x1B8D  }
0xb3: {  	_ =	swait.eq @p0 [sflag:s6], $0x1  }
0xb4: {  	[sflag:s6] =	ssyncadd.s32 @p0 $0xFFFFFFFF  }
0xb5: {  	s7 =	sshll.u32 @!p0 s1, $0xE  }
0xb6: {  	s7 =	sor.u32 @!p0 $0x4000, s7;
	s6 =	simm.s32 @!p0 $0x1B8D  }
0xb7: {  	s5 =	sshll.u32 @!p0 s5, $0x11;
	s7 =	sadd.s32 @!p0 $0x11B8D, s7;
	_ =	swait.eq @!p0 [sflag:s6], $0x1  }
0xb8: {  	s5 =	sor.u32 @!p0 s5, s7;
	[sflag:s6] =	ssyncadd.s32 @!p0 $0xFFFFFFFF  }
0xb9: {  	s25 =	simm.s32 $0x1B8E;
	s24 =	sld [smem:$0x3FFE];
	[sflag:s5] =	ssyncadd.remote.s32 @!p0 $0x1  }
0xba: {  	s26 =	simm.s32 $execute0_lowered;
	[smem:$0x3FD2] =	sst s25  }
0xbb: {  	s6 =	sshll.u32 s26, $0x1;
	_ =	strace $0x80000049;
	[dreg:$0x1] =	wrdreg $0xFFFFFFFF  }
0xbc: {  	s28 =	simm.s32 $_size_execute0_lowered;
	s4 =	sadd.s32 s4, s6;
	[dreg:$0x0] =	wrdreg $0x0  }
0xbd: {  	s6 =	sshll.u32 s28, $0x1;
	[dreg:$0x2] =	wrdreg s4  }
0xbe: {  	[dreg:$0x3] =	wrdreg s6  }
0xbf: {  	[dreg:$0x4] =	wrdreg $0xC0  }
0xc0: {  	_ =	task [dreg:s22], $0x5FFFF  }
0xc1: {  	[dreg:$0x1] =	wrdreg $0xFFFFFFFF  }
0xc2: {  	[dreg:$0x0] =	wrdreg $0x60  }
0xc3: {  	[dreg:$0x2] =	wrdreg s24  }
0xc4: {  	[dreg:$0x3] =	wrdreg s17  }
0xc5: {  	[dreg:$0x4] =	wrdreg $0x1F800  }
0xc6: {  	[dreg:$0x5] =	wrdreg $0x9  }
0xc7: {  	_ =	task.clear_ibuf [dreg:s22], $0x6FFFF;
	_ =	strace $0x90000049  }
0xc8: {  	s29 =	simm.s32 $0x9;
	_ =	strace $0x8000004B  }
0xc9: {  	_ =	swait.ge [sflag:s29], $0x1  }
0xca: {  	[sflag:s29] =	ssyncadd.s32 $0xFFFFFFFF  }
0xcb: {  	_ =	strace $0x9000004B  }
0xcc: {  	_ =	sfence  }
0xcd: {  	s30 =	sld [smem:$0x0];
	_ =	sdelay $0x2  }
0xce: {  	s31 =	sshll.u32 s1, $0xD;
	s1 =	sshrl.u32 s1, $0x2  }
0xcf: {  	s4 =	sand.u32 $0x4000, s31;
	s1 =	sadd.s32 s1, s30  }
0xd0: {  	s0 =	sor.u32 s4, s0;
	s1 =	sshll.u32 s1, $0x11  }
0xd1: {  	s0 =	sor.u32 s1, s0  }
0xd2: {  	s0 =	sadd.s32 $0x8F2B, s0  }
0xd3: {  	[sflag:s0] =	ssyncadd.remote.s32 $0x1  }
0xd4: {  	_ =	sfence.sel $0xFFFF  }
0xd5: {  	[dreg:$0x0] =	wrdreg $0xFFFFFFFF;
	(pc) =	sbr.abs _section_cstart, $3  }
0xd6: {  	[dreg:$0x1] =	wrdreg $0xFFFFFFFF  }
0xd7: {  	_ =	task.clear_ibuf [dreg:s22], $0x2FFFF;
	_ =	strace $0x9FFFFFFF  }
0xd8: {  	(tm) =	ssettm $0x7FFFFFFF  }
0xd9: {  	_ =	shalt  }
tec
execute0_lowered:
.L_overlay_start_1:
0x0: {  	(tag) =	ssettag $0x1  }
0x1: {  	s3 =	rddreg [dreg:$0x0]  }
0x2: {  	s5 =	rddreg [dreg:$0x1]  }
0x3: {  	s1 =	rddreg [dreg:$0x2]  }
0x4: {  	s0 =	rddreg [dreg:$0x3];
	s2 =	simm.s32 $0x0;
	s11 =	stileid.u32  }
0x5: {  	s4 =	srdreg.scid;
	s12 =	simm.s32 $0x1C80;
	s13 =	simm.s32 $0x0  }
0x6: {  	[smem:$0x7FF] =	sst s2;
	s6 =	sshll.u32 s11, $0x9;
	s4 =	sand.u32 $0x1, s4  }
0x7: {  	s7 =	smul.u32 $0xC0, s11;
	p0 =	sne.s32 s11, $0x0;
	s11 =	simm.s32 $0x1C00  }
0x8: {  	_ =	strace $0x8000004A;
	s3 =	sadd.s32 s6, s3;
	s10 =	smul.u32 $0x6, s4  }
.Ltmp0:
0x9: {  	s30 =	ssub.s32 $0x2, s4;
	s9 =	sshll.u32 s4, $0xD;
	(pc) =	sbr.rel .LBB2_1-.Ltmp0, $4  }
0xa: {  	v0 =	vlaneseq.u32;
	s8 =	sshrl.u32 s30, $0x1;
	s3 =	sadd.s32 s9, s3;
	s31 =	sshrl.u32 s7, $0x2  }
0xb: {  	v0 =	vmul.u32 $0x10, v0;
	s7 =	simm.s32 $0x1;
	s9 =	simm.s32 $0x1400;
	s6 =	ssub.s32 s30, s8  }
0xc: {  	v1 =	vimm.f32 $0.0e+00;
	v2 =	vimm.f32 $1.000000000e+00;
	v3 =	vimm.s32 $0x0;
	s3 =	sadd.s32 $0x5200, s3;
	s4 =	sadd.s32 s31, s1;
	s5 =	sadd.s32 s5, s10  }
0xd: {  	v4 =	vor.u32 $0x100, v0;
	v5 =	vor.u32 $0x200, v0;
	v6 =	vor.u32 $0x300, v0;
	s8 =	simm.s32 $0x1000;
	s10 =	simm.s32 $0x1800;
	s6 =	smax.u32 s6, $0x1  }
.LBB2_5:
0xe: {  	s13 =	sadd.s32 $0x1, s13  }
0xf: {  	p1 =	sne.s32 s13, s6  }
.Ltmp1:
0x10: {  	_ = 	snop;
	(pc) =	sbr.rel @!p1 .LBB2_6-.Ltmp1, $1  }
0x11: {  	_ =	sdelay $0x3  }
.LBB2_1:
0x12: {  	[tilespmem:s2], [sflag:$0x1] =	stream.linear.gather [hbm4b:s3+s2], $0x1000, $0x38;
	[tilespmem:$0x1FB0] =	vst v63  }
0x13: {  	_ =	swait.ge [sflag:s7], $0x1000  }
0x14: {  	[sflag:s7] =	ssyncset.done $0x0  }
0x15: {  	[sflag:s7] =	ssyncadd.s32 $0xFFFFF000  }
0x16: {  	[tilespmem:$0x1000] =	vst v1  }
0x17: {  	[tilespmem:$0x1400] =	vst v1  }
0x18: {  	[tilespmem:$0x1800] =	vst v1  }
0x19: {  	[tilespmem:$0x1010] =	vst v1  }
0x1a: {  	[tilespmem:$0x1410] =	vst v1  }
0x1b: {  	[tilespmem:$0x1810] =	vst v1  }
0x1c: {  	[tilespmem:$0x1020] =	vst v1  }
0x1d: {  	[tilespmem:$0x1420] =	vst v1  }
0x1e: {  	[tilespmem:$0x1820] =	vst v1  }
0x1f: {  	[tilespmem:$0x1030] =	vst v1  }
0x20: {  	[tilespmem:$0x1430] =	vst v1  }
0x21: {  	[tilespmem:$0x1830] =	vst v1  }
0x22: {  	[tilespmem:$0x1040] =	vst v1  }
0x23: {  	[tilespmem:$0x1440] =	vst v1  }
0x24: {  	[tilespmem:$0x1840] =	vst v1  }
0x25: {  	[tilespmem:$0x1050] =	vst v1  }
0x26: {  	[tilespmem:$0x1450] =	vst v1  }
0x27: {  	[tilespmem:$0x1850] =	vst v1  }
0x28: {  	[tilespmem:$0x1060] =	vst v1  }
0x29: {  	[tilespmem:$0x1460] =	vst v1  }
0x2a: {  	[tilespmem:$0x1860] =	vst v1  }
0x2b: {  	[tilespmem:$0x1070] =	vst v1  }
0x2c: {  	[tilespmem:$0x1470] =	vst v1  }
0x2d: {  	[tilespmem:$0x1870] =	vst v1  }
0x2e: {  	[tilespmem:$0x1080] =	vst v1  }
0x2f: {  	[tilespmem:$0x1480] =	vst v1  }
0x30: {  	[tilespmem:$0x1880] =	vst v1  }
0x31: {  	[tilespmem:$0x1090] =	vst v1  }
0x32: {  	[tilespmem:$0x1490] =	vst v1  }
0x33: {  	[tilespmem:$0x1890] =	vst v1  }
0x34: {  	[tilespmem:$0x10A0] =	vst v1  }
0x35: {  	[tilespmem:$0x14A0] =	vst v1  }
0x36: {  	[tilespmem:$0x18A0] =	vst v1  }
0x37: {  	[tilespmem:$0x10B0] =	vst v1  }
0x38: {  	[tilespmem:$0x14B0] =	vst v1  }
0x39: {  	[tilespmem:$0x18B0] =	vst v1  }
0x3a: {  	[tilespmem:$0x10C0] =	vst v1  }
0x3b: {  	[tilespmem:$0x14C0] =	vst v1  }
0x3c: {  	[tilespmem:$0x18C0] =	vst v1  }
0x3d: {  	[tilespmem:$0x10D0] =	vst v1  }
0x3e: {  	[tilespmem:$0x14D0] =	vst v1  }
0x3f: {  	[tilespmem:$0x18D0] =	vst v1  }
0x40: {  	[tilespmem:$0x10E0] =	vst v1  }
0x41: {  	[tilespmem:$0x14E0] =	vst v1  }
0x42: {  	[tilespmem:$0x18E0] =	vst v1  }
0x43: {  	[tilespmem:$0x10F0] =	vst v1  }
0x44: {  	[tilespmem:$0x14F0] =	vst v1  }
0x45: {  	[tilespmem:$0x18F0] =	vst v1  }
0x46: {  	[tilespmem:$0x1100] =	vst v1  }
0x47: {  	[tilespmem:$0x1500] =	vst v1  }
0x48: {  	[tilespmem:$0x1900] =	vst v1  }
0x49: {  	[tilespmem:$0x1110] =	vst v1  }
0x4a: {  	[tilespmem:$0x1510] =	vst v1  }
0x4b: {  	[tilespmem:$0x1910] =	vst v1  }
0x4c: {  	[tilespmem:$0x1120] =	vst v1  }
0x4d: {  	[tilespmem:$0x1520] =	vst v1  }
0x4e: {  	[tilespmem:$0x1920] =	vst v1  }
0x4f: {  	[tilespmem:$0x1130] =	vst v1  }
0x50: {  	[tilespmem:$0x1530] =	vst v1  }
0x51: {  	[tilespmem:$0x1930] =	vst v1  }
0x52: {  	[tilespmem:$0x1140] =	vst v1  }
0x53: {  	[tilespmem:$0x1540] =	vst v1  }
0x54: {  	[tilespmem:$0x1940] =	vst v1  }
0x55: {  	[tilespmem:$0x1150] =	vst v1  }
0x56: {  	[tilespmem:$0x1550] =	vst v1  }
0x57: {  	[tilespmem:$0x1950] =	vst v1  }
0x58: {  	[tilespmem:$0x1160] =	vst v1  }
0x59: {  	[tilespmem:$0x1560] =	vst v1  }
0x5a: {  	[tilespmem:$0x1960] =	vst v1  }
0x5b: {  	[tilespmem:$0x1170] =	vst v1  }
0x5c: {  	[tilespmem:$0x1570] =	vst v1  }
0x5d: {  	[tilespmem:$0x1970] =	vst v1  }
0x5e: {  	[tilespmem:$0x1180] =	vst v1  }
0x5f: {  	[tilespmem:$0x1580] =	vst v1  }
0x60: {  	[tilespmem:$0x1980] =	vst v1  }
0x61: {  	[tilespmem:$0x1190] =	vst v1  }
0x62: {  	[tilespmem:$0x1590] =	vst v1  }
0x63: {  	[tilespmem:$0x1990] =	vst v1  }
0x64: {  	[tilespmem:$0x11A0] =	vst v1  }
0x65: {  	[tilespmem:$0x15A0] =	vst v1  }
0x66: {  	[tilespmem:$0x19A0] =	vst v1  }
0x67: {  	[tilespmem:$0x11B0] =	vst v1  }
0x68: {  	[tilespmem:$0x15B0] =	vst v1  }
0x69: {  	[tilespmem:$0x19B0] =	vst v1  }
0x6a: {  	[tilespmem:$0x11C0] =	vst v1  }
0x6b: {  	[tilespmem:$0x15C0] =	vst v1  }
0x6c: {  	[tilespmem:$0x19C0] =	vst v1  }
0x6d: {  	[tilespmem:$0x11D0] =	vst v1  }
0x6e: {  	[tilespmem:$0x15D0] =	vst v1  }
0x6f: {  	[tilespmem:$0x19D0] =	vst v1  }
0x70: {  	[tilespmem:$0x11E0] =	vst v1  }
0x71: {  	[tilespmem:$0x15E0] =	vst v1  }
0x72: {  	[tilespmem:$0x19E0] =	vst v1  }
0x73: {  	[tilespmem:$0x11F0] =	vst v1  }
0x74: {  	[tilespmem:$0x15F0] =	vst v1  }
0x75: {  	[tilespmem:$0x19F0] =	vst v1  }
0x76: {  	[tilespmem:$0x1200] =	vst v1  }
0x77: {  	[tilespmem:$0x1600] =	vst v1  }
0x78: {  	[tilespmem:$0x1A00] =	vst v1  }
0x79: {  	[tilespmem:$0x1210] =	vst v1  }
0x7a: {  	[tilespmem:$0x1610] =	vst v1  }
0x7b: {  	[tilespmem:$0x1A10] =	vst v1  }
0x7c: {  	[tilespmem:$0x1220] =	vst v1  }
0x7d: {  	[tilespmem:$0x1620] =	vst v1  }
0x7e: {  	[tilespmem:$0x1A20] =	vst v1  }
0x7f: {  	[tilespmem:$0x1230] =	vst v1  }
0x80: {  	[tilespmem:$0x1630] =	vst v1  }
0x81: {  	[tilespmem:$0x1A30] =	vst v1  }
0x82: {  	[tilespmem:$0x1240] =	vst v1  }
0x83: {  	[tilespmem:$0x1640] =	vst v1  }
0x84: {  	[tilespmem:$0x1A40] =	vst v1  }
0x85: {  	[tilespmem:$0x1250] =	vst v1  }
0x86: {  	[tilespmem:$0x1650] =	vst v1  }
0x87: {  	[tilespmem:$0x1A50] =	vst v1  }
0x88: {  	[tilespmem:$0x1260] =	vst v1  }
0x89: {  	[tilespmem:$0x1660] =	vst v1  }
0x8a: {  	[tilespmem:$0x1A60] =	vst v1  }
0x8b: {  	[tilespmem:$0x1270] =	vst v1  }
0x8c: {  	[tilespmem:$0x1670] =	vst v1  }
0x8d: {  	[tilespmem:$0x1A70] =	vst v1  }
0x8e: {  	[tilespmem:$0x1280] =	vst v1  }
0x8f: {  	[tilespmem:$0x1680] =	vst v1  }
0x90: {  	[tilespmem:$0x1A80] =	vst v1  }
0x91: {  	[tilespmem:$0x1290] =	vst v1  }
0x92: {  	[tilespmem:$0x1690] =	vst v1  }
0x93: {  	[tilespmem:$0x1A90] =	vst v1  }
0x94: {  	[tilespmem:$0x12A0] =	vst v1  }
0x95: {  	[tilespmem:$0x16A0] =	vst v1  }
0x96: {  	[tilespmem:$0x1AA0] =	vst v1  }
0x97: {  	[tilespmem:$0x12B0] =	vst v1  }
0x98: {  	[tilespmem:$0x16B0] =	vst v1  }
0x99: {  	[tilespmem:$0x1AB0] =	vst v1  }
0x9a: {  	[tilespmem:$0x12C0] =	vst v1  }
0x9b: {  	[tilespmem:$0x16C0] =	vst v1  }
0x9c: {  	[tilespmem:$0x1AC0] =	vst v1  }
0x9d: {  	[tilespmem:$0x12D0] =	vst v1  }
0x9e: {  	[tilespmem:$0x16D0] =	vst v1  }
0x9f: {  	[tilespmem:$0x1AD0] =	vst v1  }
0xa0: {  	[tilespmem:$0x12E0] =	vst v1  }
0xa1: {  	[tilespmem:$0x16E0] =	vst v1  }
0xa2: {  	[tilespmem:$0x1AE0] =	vst v1  }
0xa3: {  	[tilespmem:$0x12F0] =	vst v1  }
0xa4: {  	[tilespmem:$0x16F0] =	vst v1  }
0xa5: {  	[tilespmem:$0x1AF0] =	vst v1  }
0xa6: {  	[tilespmem:$0x1300] =	vst v1  }
0xa7: {  	[tilespmem:$0x1700] =	vst v1  }
0xa8: {  	[tilespmem:$0x1B00] =	vst v1  }
0xa9: {  	[tilespmem:$0x1310] =	vst v1  }
0xaa: {  	[tilespmem:$0x1710] =	vst v1  }
0xab: {  	[tilespmem:$0x1B10] =	vst v1  }
0xac: {  	[tilespmem:$0x1320] =	vst v1  }
0xad: {  	[tilespmem:$0x1720] =	vst v1  }
0xae: {  	[tilespmem:$0x1B20] =	vst v1  }
0xaf: {  	[tilespmem:$0x1330] =	vst v1  }
0xb0: {  	[tilespmem:$0x1730] =	vst v1  }
0xb1: {  	[tilespmem:$0x1B30] =	vst v1  }
0xb2: {  	[tilespmem:$0x1340] =	vst v1  }
0xb3: {  	[tilespmem:$0x1740] =	vst v1  }
0xb4: {  	[tilespmem:$0x1B40] =	vst v1  }
0xb5: {  	[tilespmem:$0x1350] =	vst v1  }
0xb6: {  	[tilespmem:$0x1750] =	vst v1  }
0xb7: {  	[tilespmem:$0x1B50] =	vst v1  }
0xb8: {  	[tilespmem:$0x1360] =	vst v1  }
0xb9: {  	[tilespmem:$0x1760] =	vst v1  }
0xba: {  	[tilespmem:$0x1B60] =	vst v1  }
0xbb: {  	[tilespmem:$0x1370] =	vst v1  }
0xbc: {  	[tilespmem:$0x1770] =	vst v1  }
0xbd: {  	[tilespmem:$0x1B70] =	vst v1  }
0xbe: {  	[tilespmem:$0x1380] =	vst v1  }
0xbf: {  	[tilespmem:$0x1780] =	vst v1  }
0xc0: {  	[tilespmem:$0x1B80] =	vst v1  }
0xc1: {  	[tilespmem:$0x1390] =	vst v1  }
0xc2: {  	[tilespmem:$0x1790] =	vst v1  }
0xc3: {  	[tilespmem:$0x1B90] =	vst v1  }
0xc4: {  	[tilespmem:$0x13A0] =	vst v1  }
0xc5: {  	[tilespmem:$0x17A0] =	vst v1  }
0xc6: {  	[tilespmem:$0x1BA0] =	vst v1  }
0xc7: {  	[tilespmem:$0x13B0] =	vst v1  }
0xc8: {  	[tilespmem:$0x17B0] =	vst v1  }
0xc9: {  	[tilespmem:$0x1BB0] =	vst v1  }
0xca: {  	[tilespmem:$0x13C0] =	vst v1  }
0xcb: {  	[tilespmem:$0x17C0] =	vst v1  }
0xcc: {  	[tilespmem:$0x1BC0] =	vst v1  }
0xcd: {  	[tilespmem:$0x13D0] =	vst v1  }
0xce: {  	[tilespmem:$0x17D0] =	vst v1  }
0xcf: {  	[tilespmem:$0x1BD0] =	vst v1  }
0xd0: {  	[tilespmem:$0x13E0] =	vst v1  }
0xd1: {  	[tilespmem:$0x17E0] =	vst v1  }
0xd2: {  	[tilespmem:$0x1BE0] =	vst v1  }
0xd3: {  	[tilespmem:$0x13F0] =	vst v1  }
0xd4: {  	[tilespmem:$0x17F0] =	vst v1  }
0xd5: {  	s14 =	simm.s32 $0x0;
	[tilespmem:$0x1BF0] =	vst v1  }
.LBB2_2:
0xd6: {  	s15 =	sshra.s32 s14, $0x2  }
0xd7: {  	v7 =	vld [tilespmem:s15+$0x0];
	_ =	sdelay $0x4  }
0xd8: {  	v8 =	vand.u32 $0x7FFFFFFF, v7  }
0xd9: {  	v9 =	vmul.f32 $1.500000000e+01, v8;
	_ =	sdelay $0x1  }
0xda: {  	v10 =	vtrunc.f32 v9  }
0xdb: {  	v11 =	vcvt.f32.s32 v10;
	vm0 =	veq.f32 v9, v10  }
0xdc: {  	v9 =	vsel vm0, $0xFFFFFFFF, v3  }
0xdd: {  	v9 =	vadd.s32 v11, v9  }
0xde: {  	vm5 =	vgt.s32 v9, $0x0  }
0xdf: {  	v9 =	vnsel vm5, $0x0, v9  }
0xe0: {  	v9 =	vmin.u32 v9, $0xE  }
0xe1: {  	v9 =	vor.u32 v0, v9;
	_ =	sdelay $0x3  }
0xe2: {  	vm6 =	vlt.f32 v7, $0.0e+00  }
0xe3: {  	v7 =	vsel vm6, $0x3F800000, v1;
	[tilespmem:v9+s8+$0x0] =	vst.idx.add.f32.msk $0xffff, v2  }
0xe4: {  	[tilespmem:v9+s9+$0x0] =	vst.idx.add.f32.msk $0xffff, v7  }
0xe5: {  	[tilespmem:v9+s10+$0x0] =	vst.idx.add.f32.msk $0xffff, v8  }
0xe6: {  	v7 =	vld [tilespmem:s15+$0x10];
	_ =	sdelay $0x4  }
0xe7: {  	v8 =	vand.u32 $0x7FFFFFFF, v7  }
0xe8: {  	v55 =	vmul.f32 $1.500000000e+01, v8;
	_ =	sdelay $0x1  }
0xe9: {  	v56 =	vtrunc.f32 v55  }
0xea: {  	v57 =	vcvt.f32.s32 v56;
	vm7 =	veq.f32 v55, v56  }
0xeb: {  	v9 =	vsel vm7, $0xFFFFFFFF, v3  }
0xec: {  	v9 =	vadd.s32 v57, v9  }
0xed: {  	vm8 =	vgt.s32 v9, $0x0  }
0xee: {  	v9 =	vnsel vm8, $0x0, v9  }
0xef: {  	v9 =	vmin.u32 v9, $0xE  }
0xf0: {  	v9 =	vor.u32 v4, v9;
	_ =	sdelay $0x3  }
0xf1: {  	vm9 =	vlt.f32 v7, $0.0e+00  }
0xf2: {  	v7 =	vsel vm9, $0x3F800000, v1;
	[tilespmem:v9+s8+$0x0] =	vst.idx.add.f32.msk $0xffff, v2  }
0xf3: {  	[tilespmem:v9+s9+$0x0] =	vst.idx.add.f32.msk $0xffff, v7  }
0xf4: {  	[tilespmem:v9+s10+$0x0] =	vst.idx.add.f32.msk $0xffff, v8  }
0xf5: {  	v7 =	vld [tilespmem:s15+$0x20];
	_ =	sdelay $0x4  }
0xf6: {  	v8 =	vand.u32 $0x7FFFFFFF, v7  }
0xf7: {  	v58 =	vmul.f32 $1.500000000e+01, v8;
	_ =	sdelay $0x1  }
0xf8: {  	v59 =	vtrunc.f32 v58  }
0xf9: {  	v60 =	vcvt.f32.s32 v59;
	vm10 =	veq.f32 v58, v59  }
0xfa: {  	v9 =	vsel vm10, $0xFFFFFFFF, v3  }
0xfb: {  	v9 =	vadd.s32 v60, v9  }
0xfc: {  	vm11 =	vgt.s32 v9, $0x0  }
0xfd: {  	v9 =	vnsel vm11, $0x0, v9  }
0xfe: {  	v9 =	vmin.u32 v9, $0xE  }
0xff: {  	v9 =	vor.u32 v5, v9;
	_ =	sdelay $0x3  }
0x100: {  	vm12 =	vlt.f32 v7, $0.0e+00  }
0x101: {  	v7 =	vsel vm12, $0x3F800000, v1;
	[tilespmem:v9+s8+$0x0] =	vst.idx.add.f32.msk $0xffff, v2  }
0x102: {  	[tilespmem:v9+s9+$0x0] =	vst.idx.add.f32.msk $0xffff, v7  }
0x103: {  	[tilespmem:v9+s10+$0x0] =	vst.idx.add.f32.msk $0xffff, v8  }
0x104: {  	v7 =	vld [tilespmem:s15+$0x30];
	_ =	sdelay $0x4  }
0x105: {  	v8 =	vand.u32 $0x7FFFFFFF, v7  }
0x106: {  	v61 =	vmul.f32 $1.500000000e+01, v8;
	_ =	sdelay $0x1  }
0x107: {  	v62 =	vtrunc.f32 v61  }
0x108: {  	v63 =	vcvt.f32.s32 v62;
	vm13 =	veq.f32 v61, v62  }
0x109: {  	v9 =	vsel vm13, $0xFFFFFFFF, v3  }
0x10a: {  	v9 =	vadd.s32 v63, v9  }
0x10b: {  	vm14 =	vgt.s32 v9, $0x0  }
0x10c: {  	v9 =	vnsel vm14, $0x0, v9  }
0x10d: {  	v9 =	vmin.u32 v9, $0xE  }
0x10e: {  	v9 =	vor.u32 v6, v9;
	_ =	sdelay $0x1  }
0x10f: {  	p1 =	sne.s32 s14, $0x3F00  }
.Ltmp2:
0x110: {  	_ = 	snop;
	(pc) =	sbr.rel @p1 .LBB2_2-.Ltmp2, $4  }
0x111: {  	vm15 =	vlt.f32 v7, $0.0e+00  }
0x112: {  	v7 =	vsel vm15, $0x3F800000, v1;
	[tilespmem:v9+s8+$0x0] =	vst.idx.add.f32.msk $0xffff, v2  }
0x113: {  	[tilespmem:v9+s9+$0x0] =	vst.idx.add.f32.msk $0xffff, v7  }
0x114: {  	s14 =	sadd.s32 $0x100, s14;
	[tilespmem:v9+s10+$0x0] =	vst.idx.add.f32.msk $0xffff, v8  }
0x115: {  	v7 =	vld [tilespmem:$0x1000]  }
0x116: {  	v8 =	vld [tilespmem:$0x1400]  }
0x117: {  	v9 =	vld [tilespmem:$0x1800]  }
0x118: {  	v10 =	vld [tilespmem:$0x1010]  }
0x119: {  	v11 =	vld [tilespmem:$0x1410]  }
0x11a: {  	v12 =	vld [tilespmem:$0x1810]  }
0x11b: {  	v13 =	vld [tilespmem:$0x1020]  }
0x11c: {  	v14 =	vld [tilespmem:$0x1420]  }
0x11d: {  	v15 =	vld [tilespmem:$0x1820]  }
0x11e: {  	v16 =	vld [tilespmem:$0x1030]  }
0x11f: {  	v17 =	vld [tilespmem:$0x1430]  }
0x120: {  	v18 =	vld [tilespmem:$0x1830]  }
0x121: {  	v19 =	vld [tilespmem:$0x1040]  }
0x122: {  	v20 =	vld [tilespmem:$0x1440]  }
0x123: {  	v21 =	vld [tilespmem:$0x1840]  }
0x124: {  	v22 =	vld [tilespmem:$0x1050]  }
0x125: {  	v23 =	vld [tilespmem:$0x1450]  }
0x126: {  	v24 =	vld [tilespmem:$0x1850]  }
0x127: {  	v25 =	vld [tilespmem:$0x1060]  }
0x128: {  	v26 =	vld [tilespmem:$0x1460]  }
0x129: {  	v27 =	vld [tilespmem:$0x1860]  }
0x12a: {  	v28 =	vld [tilespmem:$0x1070]  }
0x12b: {  	v29 =	vld [tilespmem:$0x1470]  }
0x12c: {  	v30 =	vld [tilespmem:$0x1870]  }
0x12d: {  	v31 =	vld [tilespmem:$0x1080]  }
0x12e: {  	v32 =	vld [tilespmem:$0x1480]  }
0x12f: {  	v33 =	vld [tilespmem:$0x1880]  }
0x130: {  	v34 =	vld [tilespmem:$0x1090]  }
0x131: {  	v35 =	vld [tilespmem:$0x1490]  }
0x132: {  	v36 =	vld [tilespmem:$0x1890]  }
0x133: {  	v37 =	vld [tilespmem:$0x10A0]  }
0x134: {  	v38 =	vld [tilespmem:$0x14A0]  }
0x135: {  	v39 =	vld [tilespmem:$0x18A0]  }
0x136: {  	v40 =	vld [tilespmem:$0x10B0]  }
0x137: {  	v41 =	vld [tilespmem:$0x14B0]  }
0x138: {  	v42 =	vld [tilespmem:$0x18B0]  }
0x139: {  	v43 =	vld [tilespmem:$0x10C0]  }
0x13a: {  	v44 =	vld [tilespmem:$0x14C0]  }
0x13b: {  	v45 =	vld [tilespmem:$0x18C0]  }
0x13c: {  	v46 =	vld [tilespmem:$0x10D0]  }
0x13d: {  	v47 =	vld [tilespmem:$0x14D0]  }
0x13e: {  	v48 =	vld [tilespmem:$0x18D0]  }
0x13f: {  	v49 =	vld [tilespmem:$0x10E0]  }
0x140: {  	v50 =	vld [tilespmem:$0x14E0]  }
0x141: {  	v51 =	vld [tilespmem:$0x18E0]  }
0x142: {  	v52 =	vld [tilespmem:$0x10F0]  }
0x143: {  	v53 =	vld [tilespmem:$0x14F0]  }
0x144: {  	v54 =	vld [tilespmem:$0x18F0]  }
0x145: {  	v55 =	vld [tilespmem:$0x1100]  }
0x146: {  	v56 =	vld [tilespmem:$0x1500]  }
0x147: {  	v57 =	vld [tilespmem:$0x1900]  }
0x148: {  	v58 =	vld [tilespmem:$0x1110]  }
0x149: {  	v63 =	vld [tilespmem:$0x1920]  }
0x14a: {  	v59 =	vld [tilespmem:$0x1510]  }
0x14b: {  	v60 =	vld [tilespmem:$0x1910]  }
0x14c: {  	v61 =	vld [tilespmem:$0x1120]  }
0x14d: {  	v62 =	vld [tilespmem:$0x1520]  }
0x14e: {  	[tilespmem:$0x1FF30] =	vst v63;
	v63 =	vld [tilespmem:$0x1130]  }
0x14f: {  	v7 =	vadd.f32 v10, v7;
	v10 =	vld [tilespmem:$0x1570]  }
0x150: {  	v8 =	vadd.f32 v11, v8;
	v11 =	vld [tilespmem:$0x1970]  }
0x151: {  	v9 =	vadd.f32 v12, v9;
	v12 =	vld [tilespmem:$0x1180]  }
0x152: {  	v7 =	vadd.f32 v13, v7;
	v13 =	vld [tilespmem:$0x1580]  }
0x153: {  	v8 =	vadd.f32 v14, v8;
	v14 =	vld [tilespmem:$0x1980]  }
0x154: {  	v9 =	vadd.f32 v15, v9;
	v15 =	vld [tilespmem:$0x1190]  }
0x155: {  	v7 =	vadd.f32 v16, v7;
	v16 =	vld [tilespmem:$0x1590]  }
0x156: {  	v8 =	vadd.f32 v17, v8;
	v17 =	vld [tilespmem:$0x1990]  }
0x157: {  	[tilespmem:$0x1FF40] =	vst v63;
	v63 =	vld [tilespmem:$0x1530]  }
0x158: {  	v9 =	vadd.f32 v18, v9;
	v18 =	vld [tilespmem:$0x11A0]  }
0x159: {  	v7 =	vadd.f32 v19, v7;
	v19 =	vld [tilespmem:$0x15A0]  }
0x15a: {  	v8 =	vadd.f32 v20, v8;
	v20 =	vld [tilespmem:$0x19A0]  }
0x15b: {  	v9 =	vadd.f32 v21, v9;
	v21 =	vld [tilespmem:$0x11B0]  }
0x15c: {  	[tilespmem:$0x1FF50] =	vst v63;
	v63 =	vld [tilespmem:$0x1930]  }
0x15d: {  	v7 =	vadd.f32 v22, v7;
	v22 =	vld [tilespmem:$0x15B0]  }
0x15e: {  	v8 =	vadd.f32 v23, v8;
	v23 =	vld [tilespmem:$0x19B0]  }
0x15f: {  	v9 =	vadd.f32 v24, v9;
	v24 =	vld [tilespmem:$0x11C0]  }
0x160: {  	v7 =	vadd.f32 v25, v7;
	v25 =	vld [tilespmem:$0x15C0]  }
0x161: {  	[tilespmem:$0x1FF60] =	vst v63;
	v63 =	vld [tilespmem:$0x1140]  }
0x162: {  	v8 =	vadd.f32 v26, v8;
	v26 =	vld [tilespmem:$0x19C0]  }
0x163: {  	v9 =	vadd.f32 v27, v9;
	v27 =	vld [tilespmem:$0x11D0]  }
0x164: {  	v7 =	vadd.f32 v28, v7;
	v28 =	vld [tilespmem:$0x15D0]  }
0x165: {  	v8 =	vadd.f32 v29, v8;
	v29 =	vld [tilespmem:$0x19D0]  }
0x166: {  	[tilespmem:$0x1FF70] =	vst v63;
	v63 =	vld [tilespmem:$0x1540]  }
0x167: {  	v9 =	vadd.f32 v30, v9;
	v30 =	vld [tilespmem:$0x11E0]  }
0x168: {  	v7 =	vadd.f32 v31, v7;
	v31 =	vld [tilespmem:$0x15E0]  }
0x169: {  	v8 =	vadd.f32 v32, v8;
	v32 =	vld [tilespmem:$0x19E0]  }
0x16a: {  	v9 =	vadd.f32 v33, v9;
	v33 =	vld [tilespmem:$0x11F0]  }
0x16b: {  	[tilespmem:$0x1FF80] =	vst v63;
	v63 =	vld [tilespmem:$0x1940]  }
0x16c: {  	v7 =	vadd.f32 v34, v7;
	v34 =	vld [tilespmem:$0x15F0]  }
0x16d: {  	v8 =	vadd.f32 v35, v8;
	v35 =	vld [tilespmem:$0x19F0]  }
0x16e: {  	v9 =	vadd.f32 v36, v9;
	v36 =	vld [tilespmem:$0x1200]  }
0x16f: {  	v7 =	vadd.f32 v37, v7;
	v37 =	vld [tilespmem:$0x1600]  }
0x170: {  	[tilespmem:$0x1FF90] =	vst v63;
	v63 =	vld [tilespmem:$0x1150]  }
0x171: {  	v8 =	vadd.f32 v38, v8;
	v38 =	vld [tilespmem:$0x1A00]  }
0x172: {  	v9 =	vadd.f32 v39, v9;
	v39 =	vld [tilespmem:$0x1210]  }
0x173: {  	v7 =	vadd.f32 v40, v7;
	v40 =	vld [tilespmem:$0x1610]  }
0x174: {  	v8 =	vadd.f32 v41, v8;
	v41 =	vld [tilespmem:$0x1A10]  }
0x175: {  	[tilespmem:$0x1FFA0] =	vst v63;
	v63 =	vld [tilespmem:$0x1550]  }
0x176: {  	v9 =	vadd.f32 v42, v9;
	v42 =	vld [tilespmem:$0x1220]  }
0x177: {  	v7 =	vadd.f32 v43, v7;
	v43 =	vld [tilespmem:$0x1620]  }
0x178: {  	v8 =	vadd.f32 v44, v8;
	v44 =	vld [tilespmem:$0x1A20]  }
0x179: {  	v9 =	vadd.f32 v45, v9;
	v45 =	vld [tilespmem:$0x1230]  }
0x17a: {  	[tilespmem:$0x1FFB0] =	vst v63;
	v63 =	vld [tilespmem:$0x1950]  }
0x17b: {  	v7 =	vadd.f32 v46, v7;
	v46 =	vld [tilespmem:$0x1630]  }
0x17c: {  	v8 =	vadd.f32 v47, v8;
	v47 =	vld [tilespmem:$0x1A30]  }
0x17d: {  	v9 =	vadd.f32 v48, v9;
	v48 =	vld [tilespmem:$0x1240]  }
0x17e: {  	v8 =	vadd.f32 v50, v8;
	v50 =	vld [tilespmem:$0x1FF30]  }
0x17f: {  	[tilespmem:$0x1FFC0] =	vst v63;
	v63 =	vld [tilespmem:$0x1160]  }
0x180: {  	v7 =	vadd.f32 v49, v7;
	v9 =	vadd.f32 v51, v9;
	v51 =	vld [tilespmem:$0x1FF40]  }
0x181: {  	v49 =	vld [tilespmem:$0x1640]  }
0x182: {  	v7 =	vadd.f32 v52, v7;
	v9 =	vadd.f32 v54, v9;
	v52 =	vld [tilespmem:$0x1FF50]  }
0x183: {  	v8 =	vadd.f32 v53, v8;
	v53 =	vld [tilespmem:$0x1FF60]  }
0x184: {  	v9 =	vadd.f32 v57, v9;
	[tilespmem:$0x1FFD0] =	vst v63;
	v63 =	vld [tilespmem:$0x1560]  }
0x185: {  	v54 =	vld [tilespmem:$0x1FF70];
	v7 =	vadd.f32 v55, v7  }
0x186: {  	v8 =	vadd.f32 v56, v8;
	v55 =	vld [tilespmem:$0x1FF80];
	v9 =	vadd.f32 v60, v9  }
0x187: {  	v56 =	vld [tilespmem:$0x1FF90]  }
0x188: {  	v8 =	vadd.f32 v59, v8;
	v9 =	vadd.f32 v50, v9;
	v50 =	vld [tilespmem:$0x1A40]  }
0x189: {  	v7 =	vadd.f32 v58, v7;
	[tilespmem:$0x1FFE0] =	vst v63;
	v63 =	vld [tilespmem:$0x1960]  }
0x18a: {  	v8 =	vadd.f32 v62, v8;
	v57 =	vld [tilespmem:$0x1FFA0]  }
0x18b: {  	v7 =	vadd.f32 v61, v7;
	v58 =	vld [tilespmem:$0x1FFB0]  }
0x18c: {  	v8 =	vadd.f32 v52, v8;
	v59 =	vld [tilespmem:$0x1FFC0]  }
0x18d: {  	v7 =	vadd.f32 v51, v7;
	v61 =	vld [tilespmem:$0x1FFE0]  }
0x18e: {  	v9 =	vadd.f32 v53, v9;
	v8 =	vadd.f32 v55, v8;
	v60 =	vld [tilespmem:$0x1FFD0];
	[tilespmem:$0x1FFF0] =	vst v63  }
0x18f: {  	v7 =	vadd.f32 v54, v7;
	v62 =	vld [tilespmem:$0x1FFF0]  }
0x190: {  	v9 =	vadd.f32 v56, v9;
	v8 =	vadd.f32 v58, v8;
	v63 =	vld [tilespmem:$0x1170]  }
0x191: {  	v51 =	vld [tilespmem:$0x1250];
	v7 =	vadd.f32 v57, v7  }
0x192: {  	v52 =	vld [tilespmem:$0x1650];
	v9 =	vadd.f32 v59, v9;
	v8 =	vadd.f32 v61, v8  }
0x193: {  	v53 =	vld [tilespmem:$0x1A50];
	v7 =	vadd.f32 v60, v7  }
0x194: {  	v54 =	vld [tilespmem:$0x1260];
	v8 =	vadd.f32 v10, v8;
	v9 =	vadd.f32 v62, v9  }
0x195: {  	v55 =	vld [tilespmem:$0x1690];
	v7 =	vadd.f32 v63, v7  }
0x196: {  	v56 =	vld [tilespmem:$0x12A0];
	v8 =	vadd.f32 v13, v8;
	v9 =	vadd.f32 v11, v9  }
0x197: {  	v57 =	vld [tilespmem:$0x16A0];
	v7 =	vadd.f32 v12, v7  }
0x198: {  	v58 =	vld [tilespmem:$0x12B0];
	v8 =	vadd.f32 v16, v8;
	v9 =	vadd.f32 v14, v9  }
0x199: {  	v59 =	vld [tilespmem:$0x16B0];
	v7 =	vadd.f32 v15, v7  }
0x19a: {  	v60 =	vld [tilespmem:$0x12C0];
	v8 =	vadd.f32 v19, v8;
	v9 =	vadd.f32 v17, v9  }
0x19b: {  	v61 =	vld [tilespmem:$0x16C0];
	v7 =	vadd.f32 v18, v7  }
0x19c: {  	v10 =	vld [tilespmem:$0x1660];
	v8 =	vadd.f32 v22, v8;
	v9 =	vadd.f32 v20, v9  }
0x19d: {  	v13 =	vld [tilespmem:$0x1670];
	v7 =	vadd.f32 v21, v7  }
0x19e: {  	v63 =	vld [tilespmem:$0x16D0];
	v8 =	vadd.f32 v25, v8;
	v9 =	vadd.f32 v23, v9  }
0x19f: {  	v62 =	vld [tilespmem:$0x12D0];
	v7 =	vadd.f32 v24, v7  }
0x1a0: {  	v12 =	vld [tilespmem:$0x1270];
	v8 =	vadd.f32 v28, v8;
	v9 =	vadd.f32 v26, v9  }
0x1a1: {  	v16 =	vld [tilespmem:$0x1680];
	v7 =	vadd.f32 v27, v7  }
0x1a2: {  	v11 =	vld [tilespmem:$0x1A60];
	v8 =	vadd.f32 v31, v8;
	v9 =	vadd.f32 v29, v9  }
0x1a3: {  	v15 =	vld [tilespmem:$0x1280];
	v7 =	vadd.f32 v30, v7  }
0x1a4: {  	v14 =	vld [tilespmem:$0x1A70];
	v8 =	vadd.f32 v34, v8;
	v9 =	vadd.f32 v32, v9  }
0x1a5: {  	v18 =	vld [tilespmem:$0x1290];
	v7 =	vadd.f32 v33, v7  }
0x1a6: {  	v17 =	vld [tilespmem:$0x1A80];
	v8 =	vadd.f32 v37, v8;
	v9 =	vadd.f32 v35, v9  }
0x1a7: {  	v20 =	vld [tilespmem:$0x1A90];
	v7 =	vadd.f32 v36, v7  }
0x1a8: {  	v23 =	vld [tilespmem:$0x1AA0];
	v8 =	vadd.f32 v40, v8;
	v9 =	vadd.f32 v38, v9  }
0x1a9: {  	v26 =	vld [tilespmem:$0x1AB0];
	v7 =	vadd.f32 v39, v7  }
0x1aa: {  	v34 =	vld [tilespmem:$0x1360];
	v8 =	vadd.f32 v43, v8;
	v9 =	vadd.f32 v41, v9  }
0x1ab: {  	v29 =	vld [tilespmem:$0x1AC0];
	v7 =	vadd.f32 v42, v7  }
0x1ac: {  	v33 =	vld [tilespmem:$0x1B50];
	v8 =	vadd.f32 v46, v8;
	v9 =	vadd.f32 v44, v9  }
0x1ad: {  	v37 =	vld [tilespmem:$0x1370];
	v7 =	vadd.f32 v45, v7  }
0x1ae: {  	v32 =	vld [tilespmem:$0x1AD0];
	v8 =	vadd.f32 v49, v8;
	v9 =	vadd.f32 v47, v9  }
0x1af: {  	v36 =	vld [tilespmem:$0x1B60];
	v7 =	vadd.f32 v48, v7  }
0x1b0: {  	v40 =	vld [tilespmem:$0x1380];
	v8 =	vadd.f32 v52, v8;
	v9 =	vadd.f32 v50, v9  }
0x1b1: {  	v35 =	vld [tilespmem:$0x1760];
	v7 =	vadd.f32 v51, v7  }
0x1b2: {  	v43 =	vld [tilespmem:$0x16E0];
	v8 =	vadd.f32 v10, v8;
	v9 =	vadd.f32 v53, v9  }
0x1b3: {  	v39 =	vld [tilespmem:$0x1B70];
	v7 =	vadd.f32 v54, v7  }
0x1b4: {  	v38 =	vld [tilespmem:$0x1770];
	v8 =	vadd.f32 v13, v8;
	v9 =	vadd.f32 v11, v9  }
0x1b5: {  	v42 =	vld [tilespmem:$0x12E0];
	v7 =	vadd.f32 v12, v7  }
0x1b6: {  	v46 =	vld [tilespmem:$0x16F0];
	v8 =	vadd.f32 v16, v8;
	v9 =	vadd.f32 v14, v9  }
0x1b7: {  	v41 =	vld [tilespmem:$0x1780];
	v7 =	vadd.f32 v15, v7  }
0x1b8: {  	v45 =	vld [tilespmem:$0x12F0];
	v8 =	vadd.f32 v55, v8;
	v9 =	vadd.f32 v17, v9  }
0x1b9: {  	v49 =	vld [tilespmem:$0x1700];
	v7 =	vadd.f32 v18, v7  }
0x1ba: {  	v44 =	vld [tilespmem:$0x1AE0];
	v8 =	vadd.f32 v57, v8;
	v9 =	vadd.f32 v20, v9  }
0x1bb: {  	v48 =	vld [tilespmem:$0x1300];
	v7 =	vadd.f32 v56, v7  }
0x1bc: {  	v52 =	vld [tilespmem:$0x1710];
	v8 =	vadd.f32 v59, v8;
	v9 =	vadd.f32 v23, v9  }
0x1bd: {  	v47 =	vld [tilespmem:$0x1AF0];
	v7 =	vadd.f32 v58, v7  }
0x1be: {  	v51 =	vld [tilespmem:$0x1310];
	v8 =	vadd.f32 v61, v8;
	v9 =	vadd.f32 v26, v9  }
0x1bf: {  	v50 =	vld [tilespmem:$0x1B00];
	v7 =	vadd.f32 v60, v7  }
0x1c0: {  	v54 =	vld [tilespmem:$0x1320];
	v8 =	vadd.f32 v63, v8;
	v9 =	vadd.f32 v29, v9  }
0x1c1: {  	v53 =	vld [tilespmem:$0x1B10];
	v7 =	vadd.f32 v62, v7  }
0x1c2: {  	v55 =	vld [tilespmem:$0x1720];
	v8 =	vadd.f32 v43, v8;
	v9 =	vadd.f32 v32, v9  }
0x1c3: {  	v57 =	vld [tilespmem:$0x1330];
	v7 =	vadd.f32 v42, v7  }
0x1c4: {  	v56 =	vld [tilespmem:$0x1B20];
	v8 =	vadd.f32 v46, v8;
	v9 =	vadd.f32 v44, v9  }
0x1c5: {  	v59 =	vld [tilespmem:$0x1B30];
	v7 =	vadd.f32 v45, v7  }
0x1c6: {  	v58 =	vld [tilespmem:$0x1730];
	v8 =	vadd.f32 v49, v8;
	v9 =	vadd.f32 v47, v9  }
0x1c7: {  	v61 =	vld [tilespmem:$0x1740];
	v7 =	vadd.f32 v48, v7  }
0x1c8: {  	v60 =	vld [tilespmem:$0x1340];
	v8 =	vadd.f32 v52, v8;
	v9 =	vadd.f32 v50, v9  }
0x1c9: {  	v63 =	vld [tilespmem:$0x1350];
	v7 =	vadd.f32 v51, v7  }
0x1ca: {  	v62 =	vld [tilespmem:$0x1B40];
	v8 =	vadd.f32 v55, v8;
	v9 =	vadd.f32 v53, v9  }
0x1cb: {  	v32 =	vld [tilespmem:$0x1750];
	v7 =	vadd.f32 v54, v7  }
0x1cc: {  	v43 =	vld [tilespmem:$0x1390];
	v8 =	vadd.f32 v58, v8;
	v9 =	vadd.f32 v56, v9  }
0x1cd: {  	v42 =	vld [tilespmem:$0x1B80];
	v7 =	vadd.f32 v57, v7  }
0x1ce: {  	v46 =	vld [tilespmem:$0x13A0];
	v8 =	vadd.f32 v61, v8;
	v9 =	vadd.f32 v59, v9  }
0x1cf: {  	v45 =	vld [tilespmem:$0x1B90];
	v7 =	vadd.f32 v60, v7  }
0x1d0: {  	v49 =	vld [tilespmem:$0x13B0];
	v8 =	vadd.f32 v32, v8;
	v9 =	vadd.f32 v62, v9  }
0x1d1: {  	v44 =	vld [tilespmem:$0x1790];
	v7 =	vadd.f32 v63, v7  }
0x1d2: {  	v48 =	vld [tilespmem:$0x1BA0];
	v8 =	vadd.f32 v35, v8;
	v9 =	vadd.f32 v33, v9  }
0x1d3: {  	v52 =	vld [tilespmem:$0x13C0];
	v7 =	vadd.f32 v34, v7  }
0x1d4: {  	v47 =	vld [tilespmem:$0x17A0];
	v8 =	vadd.f32 v38, v8;
	v9 =	vadd.f32 v36, v9  }
0x1d5: {  	v51 =	vld [tilespmem:$0x1BB0];
	v7 =	vadd.f32 v37, v7  }
0x1d6: {  	v55 =	vld [tilespmem:$0x13D0];
	v8 =	vadd.f32 v41, v8;
	v9 =	vadd.f32 v39, v9  }
0x1d7: {  	v50 =	vld [tilespmem:$0x17B0];
	v7 =	vadd.f32 v40, v7  }
0x1d8: {  	v54 =	vld [tilespmem:$0x1BC0];
	v8 =	vadd.f32 v44, v8;
	v9 =	vadd.f32 v42, v9  }
0x1d9: {  	v53 =	vld [tilespmem:$0x17C0];
	v7 =	vadd.f32 v43, v7  }
0x1da: {  	v58 =	vld [tilespmem:$0x13E0];
	v8 =	vadd.f32 v47, v8;
	v9 =	vadd.f32 v45, v9  }
0x1db: {  	v56 =	vld [tilespmem:$0x17D0];
	v7 =	vadd.f32 v46, v7  }
0x1dc: {  	v57 =	vld [tilespmem:$0x1BD0];
	v8 =	vadd.f32 v50, v8;
	v9 =	vadd.f32 v48, v9  }
0x1dd: {  	v59 =	vld [tilespmem:$0x17E0];
	v7 =	vadd.f32 v49, v7  }
0x1de: {  	v60 =	vld [tilespmem:$0x1BE0];
	v8 =	vadd.f32 v53, v8;
	v9 =	vadd.f32 v51, v9  }
0x1df: {  	v62 =	vld [tilespmem:$0x17F0];
	v7 =	vadd.f32 v52, v7  }
0x1e0: {  	v61 =	vld [tilespmem:$0x13F0];
	v8 =	vadd.f32 v56, v8;
	v9 =	vadd.f32 v54, v9  }
0x1e1: {  	v63 =	vld [tilespmem:$0x1BF0];
	v7 =	vadd.f32 v55, v7  }
0x1e2: {  	v8 =	vadd.f32 v59, v8;
	v9 =	vadd.f32 v57, v9  }
0x1e3: {  	v7 =	vadd.f32 v58, v7  }
0x1e4: {  	v8 =	vadd.f32 v62, v8;
	v9 =	vadd.f32 v60, v9  }
0x1e5: {  	v7 =	vadd.f32 v61, v7  }
0x1e6: {  	[tilespmem:$0x1C10] =	vst v8;
	v9 =	vadd.f32 v63, v9  }
0x1e7: {  	[tilespmem:$0x1C00] =	vst v7  }
0x1e8: {  	[tilespmem:$0x1C20] =	vst v9  }
0x1e9: {  	[spmem:s4] =	stream.linear.scatter [tilespmem:s11], [sflag:$0x1], $0x30, $0x38;
	[tilespmem:$0x1FB0] =	vst v63  }
.Ltmp3:
0x1ea: {  	_ =	swait.ge [sflag:s7], $0x30;
	(pc) =	sbr.rel @p0 .LBB2_5-.Ltmp3, $3  }
0x1eb: {  	[sflag:s7] =	ssyncset.done $0x0  }
0x1ec: {  	[sflag:s7] =	ssyncadd.s32 $0xFFFFFFD0  }
0x1ed: {  	[bflag:$0x0] =	sbarrier.arrive $0xFFFF;
	_ =	sdelay $0x1  }
0x1ee: {  	[tilespmem:s12], [sflag:$0x1] =	stream.linear.gather [spmem:s1], $0x300, $0x38;
	[tilespmem:$0x1FB0] =	vst v63  }
0x1ef: {  	_ =	swait.ge [sflag:s7], $0x300  }
0x1f0: {  	[sflag:s7] =	ssyncset.done $0x0  }
0x1f1: {  	[sflag:s7] =	ssyncadd.s32 $0xFFFFFD00  }
0x1f2: {  	v7 =	vld [tilespmem:$0x1C80]  }
0x1f3: {  	v8 =	vld [tilespmem:$0x1C90]  }
0x1f4: {  	v9 =	vld [tilespmem:$0x1CA0]  }
0x1f5: {  	v10 =	vld [tilespmem:$0x1CB0]  }
0x1f6: {  	v11 =	vld [tilespmem:$0x1CC0]  }
0x1f7: {  	v12 =	vld [tilespmem:$0x1CD0]  }
0x1f8: {  	v13 =	vld [tilespmem:$0x1CE0]  }
0x1f9: {  	v14 =	vld [tilespmem:$0x1CF0]  }
0x1fa: {  	v15 =	vld [tilespmem:$0x1D00]  }
0x1fb: {  	v16 =	vld [tilespmem:$0x1D10]  }
0x1fc: {  	v17 =	vld [tilespmem:$0x1D20]  }
0x1fd: {  	v18 =	vld [tilespmem:$0x1D30]  }
0x1fe: {  	v19 =	vld [tilespmem:$0x1D40]  }
0x1ff: {  	v20 =	vld [tilespmem:$0x1D50]  }
0x200: {  	v21 =	vld [tilespmem:$0x1D60]  }
0x201: {  	v22 =	vld [tilespmem:$0x1D70]  }
0x202: {  	v23 =	vld [tilespmem:$0x1D80]  }
0x203: {  	v24 =	vld [tilespmem:$0x1D90]  }
0x204: {  	v25 =	vld [tilespmem:$0x1DA0]  }
0x205: {  	v26 =	vld [tilespmem:$0x1DB0]  }
0x206: {  	v27 =	vld [tilespmem:$0x1DC0]  }
0x207: {  	v28 =	vld [tilespmem:$0x1DD0]  }
0x208: {  	v38 =	vld [tilespmem:$0x1DE0];
	v7 =	vadd.f32 v10, v7  }
0x209: {  	v39 =	vld [tilespmem:$0x1DF0];
	v8 =	vadd.f32 v11, v8  }
0x20a: {  	v40 =	vld [tilespmem:$0x1E00];
	v9 =	vadd.f32 v12, v9;
	v7 =	vadd.f32 v13, v7  }
0x20b: {  	v41 =	vld [tilespmem:$0x1E10];
	v8 =	vadd.f32 v14, v8  }
0x20c: {  	v42 =	vld [tilespmem:$0x1E20];
	v9 =	vadd.f32 v15, v9;
	v7 =	vadd.f32 v16, v7  }
0x20d: {  	v43 =	vld [tilespmem:$0x1E30];
	v8 =	vadd.f32 v17, v8  }
0x20e: {  	v44 =	vld [tilespmem:$0x1E40];
	v9 =	vadd.f32 v18, v9;
	v7 =	vadd.f32 v19, v7  }
0x20f: {  	v45 =	vld [tilespmem:$0x1E50];
	v8 =	vadd.f32 v20, v8  }
0x210: {  	v46 =	vld [tilespmem:$0x1E60];
	v9 =	vadd.f32 v21, v9;
	v7 =	vadd.f32 v22, v7  }
0x211: {  	v47 =	vld [tilespmem:$0x1E70];
	v8 =	vadd.f32 v23, v8  }
0x212: {  	v48 =	vld [tilespmem:$0x1E80];
	v9 =	vadd.f32 v24, v9;
	v7 =	vadd.f32 v25, v7  }
0x213: {  	v49 =	vld [tilespmem:$0x1E90];
	v8 =	vadd.f32 v26, v8  }
0x214: {  	v50 =	vld [tilespmem:$0x1EA0];
	v9 =	vadd.f32 v27, v9;
	v7 =	vadd.f32 v28, v7  }
0x215: {  	v51 =	vld [tilespmem:$0x1EB0];
	v8 =	vadd.f32 v38, v8  }
0x216: {  	v52 =	vld [tilespmem:$0x1EC0];
	v9 =	vadd.f32 v39, v9;
	v7 =	vadd.f32 v40, v7  }
0x217: {  	v53 =	vld [tilespmem:$0x1ED0];
	v8 =	vadd.f32 v41, v8  }
0x218: {  	v54 =	vld [tilespmem:$0x1EE0];
	v9 =	vadd.f32 v42, v9;
	v7 =	vadd.f32 v43, v7  }
0x219: {  	v55 =	vld [tilespmem:$0x1EF0];
	v8 =	vadd.f32 v44, v8  }
0x21a: {  	v56 =	vld [tilespmem:$0x1F00];
	v9 =	vadd.f32 v45, v9;
	v7 =	vadd.f32 v46, v7  }
0x21b: {  	v57 =	vld [tilespmem:$0x1F10];
	v8 =	vadd.f32 v47, v8  }
0x21c: {  	v58 =	vld [tilespmem:$0x1F20];
	v9 =	vadd.f32 v48, v9;
	v7 =	vadd.f32 v49, v7  }
0x21d: {  	v59 =	vld [tilespmem:$0x1F30];
	v8 =	vadd.f32 v50, v8  }
0x21e: {  	v60 =	vld [tilespmem:$0x1F40];
	v9 =	vadd.f32 v51, v9;
	v7 =	vadd.f32 v52, v7  }
0x21f: {  	v61 =	vld [tilespmem:$0x1F50];
	v8 =	vadd.f32 v53, v8  }
0x220: {  	v62 =	vld [tilespmem:$0x1F60];
	v9 =	vadd.f32 v54, v9;
	v7 =	vadd.f32 v55, v7  }
0x221: {  	v63 =	vld [tilespmem:$0x1F70];
	v8 =	vadd.f32 v56, v8  }
0x222: {  	v9 =	vadd.f32 v57, v9;
	v7 =	vadd.f32 v58, v7  }
0x223: {  	v8 =	vadd.f32 v59, v8  }
0x224: {  	v9 =	vadd.f32 v60, v9;
	v7 =	vadd.f32 v61, v7  }
0x225: {  	v8 =	vadd.f32 v62, v8  }
0x226: {  	v9 =	vadd.f32 v63, v9;
	[tilespmem:$0x1C00] =	vst v7  }
0x227: {  	[tilespmem:$0x1C10] =	vst v8  }
.Ltmp4:
0x228: {  	[tilespmem:$0x1C20] =	vst v9;
	(pc) =	sbr.rel .LBB2_5-.Ltmp4, $4  }
0x229: {  	[hbm4b:s5+s2] =	stream.linear.scatter [tilespmem:s11], [sflag:$0x1], $0x30, $0x38;
	[tilespmem:$0x1FB0] =	vst v63  }
0x22a: {  	_ =	swait.ge [sflag:s7], $0x30  }
0x22b: {  	[sflag:s7] =	ssyncset.done $0x0  }
0x22c: {  	[sflag:s7] =	ssyncadd.s32 $0xFFFFFFD0  }
.LBB2_6:
0x22d: {  	_ =	sfence.sel $0x180000  }
0x22e: {  	[bflag:$0x0] =	sbarrier.arrive $0xFFFF  }
0x22f: {  	_ =	strace $0x9000004A  }
0x230: {  	s0 =	sadd.s32 @!p0 $0x100000, s0;
	[bflag:$0x2] =	sbarrier.arrive $0xFFFF  }
0x231: {  	[sflag:s0] =	ssyncadd.tile.s32 @!p0 $0x1;
	_ =	shalt  }
.Lfunc_end2:
_tile_overlayer_lowered:
.L_overlay_start_2:
0x232: {  	(tag) =	ssettag $0x2  }
0x233: {  	s0 =	rddreg [dreg:$0x0];
	s2 =	stileid.u32  }
0x234: {  	s1 =	rddreg [dreg:$0x1];
	p0 =	sne.s32 s2, $0x0  }
0x235: {  	s3 =	rddreg [dreg:$0x2];
	[bflag:$0x3] =	sbarrier.arrive $0xFFFF;
	s2 =	simm.s32 @!p0 $0x1C01  }
0x236: {  	[timem:s3], [sflag:s2] =	dma.local @!p0 [hbm:s0], s1  }
0x237: {  	s0 =	simm.s32 @!p0 $0x1  }
0x238: {  	_ =	swait.ge @!p0 [sflag:s0], s1  }
0x239: {  	s1 =	ssub.s32 @!p0 $0x0, s1;
	[sflag:s0] =	ssyncset.done @!p0 $0x0  }
0x23a: {  	[sflag:s0] =	ssyncadd.s32 @!p0 s1  }
0x23b: {  	[bflag:$0x3] =	sbarrier.arrive $0xFFFF  }
0x23c: {  	_ =	shalt  }

</sc_bundles>
